<compile_context>
chip_gen: v7x
topology: tpu7x:2x2x1
jax: 0.10.2.dev20260603
libtpu: 0.0.44.dev20260713+nightly
codegen_flags: <defaults>
</compile_context>

<pallas_src>
import functools

import jax
import jax.numpy as jnp
from jax import lax
from jax.experimental import pallas as pl
from jax.experimental.pallas import tpu as pltpu
from jax.experimental.pallas import tpu_sc as plsc

_B = 16384
_D = 64
_V = 1000000
_NC = 2
_NS = 16
_NW = _NC * _NS
_BPW = _B // _NW
_L = 128
_W = 14
_K = _W - 2
_NSLAB = 8
_SLAB = _BPW // _NSLAB
_G = _BPW // 16
_CHUNK = 128
_NCH = _BPW // _CHUNK


@functools.partial(
    pl.kernel,
    out_type=jax.ShapeDtypeStruct((_B * _D,), jnp.float32),
    mesh=plsc.VectorSubcoreMesh(core_axis_name="c", subcore_axis_name="s"),
    scratch_types=[
        pltpu.VMEM((_BPW + 16,), jnp.int32),
        pltpu.VMEM((_W, _D, _L), jnp.float32),
        pltpu.VMEM((_SLAB * _D,), jnp.float32),
        pltpu.SemaphoreType.DMA,
    ],
    compiler_params=pltpu.CompilerParams(
        use_tc_tiling_on_sc=True,
        needs_layout_passes=False,
        disable_bounds_checks=True,
    ),
)
def _sc_gather_sorted(idx_hbm, tab_hbm, out_hbm, idx_v, blk_v, rows_v, sem):
    wid = lax.axis_index("s") * _NC + lax.axis_index("c")
    base = wid * _BPW
    pltpu.sync_copy(idx_hbm.at[pl.ds(base, _BPW)], idx_v.at[pl.ds(0, _BPW)])
    pltpu.sync_copy(idx_hbm.at[pl.ds(base, 16)], idx_v.at[pl.ds(_BPW, 16)])

    def _c0_of(c):
        return pl.multiple_of(c * _L, _L)

    def _fetch(c, slot):
        pltpu.async_copy(
            tab_hbm.at[:, pl.ds(_c0_of(c), _L)], blk_v.at[slot], sem
        )

    def _drain_one():
        pltpu.make_async_copy(
            tab_hbm.at[:, pl.ds(0, _L)], blk_v.at[0], sem
        ).wait()

    dvecs = [lax.iota(jnp.int32, 16) + (16 * h) for h in range(_D // 16)]

    def _extract(l, slot, j):
        lvec = jnp.full((16,), l, jnp.int32)
        blk = blk_v.at[slot]
        for h in range(_D // 16):
            rows_v[pl.ds(j * _D + 16 * h, 16)] = plsc.load_gather(
                blk, [dvecs[h], lvec]
            )

    neg1 = jnp.int32(-1)

    vec0 = idx_v[pl.ds(0, 16)]
    dc_f = jnp.int32(0)
    prev_c_f = neg1
    for t in range(_K):
        c_t = vec0[t] // _L
        is_new = c_t != prev_c_f

        @pl.when(is_new)
        def _(c_t=c_t, dc_f=dc_f):
            _fetch(c_t, dc_f % _W)

        dc_f = dc_f + is_new.astype(jnp.int32)
        prev_c_f = c_t

    def body(g, carry):
        dc_f, prev_c_f, dc_d, prev_c_d = carry
        cur = idx_v[pl.ds(g * 16, 16)]
        nxt = idx_v[pl.ds(g * 16 + 16, 16)]
        for t in range(16):
            r = cur[t]
            c_t = r // _L
            is_new_d = c_t != prev_c_d

            @pl.when(is_new_d)
            def _():
                _drain_one()

            dc_d = dc_d + is_new_d.astype(jnp.int32)
            prev_c_d = c_t
            _extract(r - c_t * _L, (dc_d - 1) % _W, (g % (_G // _NSLAB)) * 16 + t)
            r_a = cur[t + _K] if t + _K < 16 else nxt[t + _K - 16]
            c_a = r_a // _L
            is_new_f = c_a != prev_c_f

            @pl.when(is_new_f)
            def _(c_a=c_a, dc_f=dc_f):
                _fetch(c_a, dc_f % _W)

            dc_f = dc_f + is_new_f.astype(jnp.int32)
            prev_c_f = c_a

        @pl.when(g % (_G // _NSLAB) == _G // _NSLAB - 1)
        def _():
            slab = g // (_G // _NSLAB)
            pltpu.sync_copy(
                rows_v,
                out_hbm.at[pl.ds((base + slab * _SLAB) * _D, _SLAB * _D)],
            )

        return dc_f, prev_c_f, dc_d, prev_c_d

    dc_f, _, dc_d, _ = lax.fori_loop(
        0, _G, body, (dc_f, prev_c_f, jnp.int32(0), neg1)
    )

    lax.fori_loop(0, dc_f - dc_d, lambda i, c: (_drain_one(), c)[1], 0)


@functools.partial(
    pl.kernel,
    out_type=jax.ShapeDtypeStruct((_B, _D), jnp.float32),
    mesh=plsc.VectorSubcoreMesh(core_axis_name="c", subcore_axis_name="s"),
    scratch_types=[
        pltpu.VMEM((_NCH, _CHUNK), jnp.int32),
        pltpu.VMEM((_BPW, _D), jnp.float32),
        pltpu.SemaphoreType.DMA,
    ],
    compiler_params=pltpu.CompilerParams(use_tc_tiling_on_sc=False),
)
def _sc_scatter(pos_hbm, rows_hbm, out_hbm, pos_v, rows_v, sem):
    wid = lax.axis_index("s") * _NC + lax.axis_index("c")
    base = wid * _BPW
    for j in range(_NCH):
        pltpu.sync_copy(
            pos_hbm.at[pl.ds(base + j * _CHUNK, _CHUNK)], pos_v.at[j]
        )
    pltpu.sync_copy(rows_hbm.at[pl.ds(base, _BPW), :], rows_v)
    copies = []
    for j in range(_NCH):
        copies.append(
            pltpu.async_copy(
                rows_v.at[pl.ds(j * _CHUNK, _CHUNK), :],
                out_hbm.at[pos_v.at[j]],
                sem,
            )
        )
    for cp in copies:
        cp.wait()


def kernel(token_ids, embedding):
    ids = token_ids.astype(jnp.int32)
    packed = ((ids // _L) << 14) | lax.iota(jnp.int32, _B)
    packed_sorted = lax.sort(packed)
    order = packed_sorted & (_B - 1)
    ids_sorted = jnp.take(ids, order, axis=0)
    rows_sorted = _sc_gather_sorted(ids_sorted, embedding.T)
    return _sc_scatter(order, rows_sorted.reshape(_B, _D))

# --- scband reference (transcript-rebuilt; emitter-appended) ---
"""Pipeline reference for scband-wei-embedding-14671608283850 (READ-ONLY COPY).

The authoritative reference and input builder live on the scoring server;
editing this copy changes nothing except your own understanding.
"""

import jax, jax.numpy as jnp
import numpy as np

NUM_EMBEDDINGS = 1000000
EMBEDDING_DIM = 64

def setup_inputs(seed: int = 0) -> dict:
    key = jax.random.key(seed)
    k_idx, k_emb = jax.random.split(key)
    token_ids = jax.random.randint(k_idx, (16384,), 0, NUM_EMBEDDINGS, dtype=jnp.int64 if jax.config.jax_enable_x64 else jnp.int32)
    # trunc_normal_(mean=0, std=1, a=-3, b=3)
    embedding = jax.random.truncated_normal(k_emb, -3.0, 3.0, (NUM_EMBEDDINGS, EMBEDDING_DIM), dtype=jnp.float32)
    return {"token_ids": token_ids, "embedding": embedding}

def reference(token_ids, embedding):
    # torch.index_select(self.embedding, dim=0, index=token_ids)
    return jnp.take(embedding, token_ids, axis=0)

if __name__ == "__main__":
    import jax
    _d = setup_inputs()
    print(jax.jit(kernel)(*tuple(_d.values())))

</pallas_src>

<mosaic_0001>
#map = affine_map<(d0, d1) -> (0)>
#map1 = affine_map<(d0, d1) -> (0, 0)>
module attributes {stable_mosaic.version = 14 : i64} {
  func.func @_sc_gather_sorted(%arg0: i32, %arg1: i32, %arg2: memref<16384xi32, #tpu.memory_space<hbm>>, %arg3: memref<64x1000000xf32, #tpu.memory_space<hbm>>, %arg4: memref<1048576xf32, #tpu.memory_space<hbm>>, %arg5: memref<528xi32, #tpu.memory_space<vmem>>, %arg6: memref<14x64x128xf32, #tpu.memory_space<vmem>>, %arg7: memref<4096xf32, #tpu.memory_space<vmem>>, %arg8: memref<!tpu.dma_semaphore, #tpu.memory_space<semaphore_mem>>) attributes {dimension_semantics = [#tpu.dimension_semantics<core_parallel>, #tpu.dimension_semantics<subcore_parallel>], iteration_bounds = array<i64: 2, 16>, scalar_prefetch = 0 : i64, scratch_operands = 4 : i64, tpu.core_type = #tpu.core_type<sc_vector_subcore>, window_params = [{transform_indices = #map}, {transform_indices = #map1}, {transform_indices = #map}]} {
    %mul3A = arith.constant 2 : i32
    %mul3A_0 = arith.muli %arg1, %mul3A : i32
    %add3A = arith.addi %mul3A_0, %arg0 : i32
    %mul3A_1 = arith.constant 512 : i32
    %mul3A_2 = arith.muli %add3A, %mul3A_1 : i32
    "tpu.region"() ({
      %run_scoped3A = tpu.sem_alloc : memref<!tpu.dma_semaphore, #tpu.memory_space<semaphore_mem>>
      %dma_start3A = arith.constant 0 : i32
      %dma_start3A_411 = tpu.memref_slice %arg5[%dma_start3A] : memref<528xi32, #tpu.memory_space<vmem>> -> memref<512xi32, #tpu.memory_space<vmem>>
      %dma_start3A_412 = tpu.memref_slice %arg2[%mul3A_2] : memref<16384xi32, #tpu.memory_space<hbm>> -> memref<512xi32, #tpu.memory_space<hbm>>
      %dma_start3A_413 = arith.constant 0 : i32
      %dma_start3A_414 = tpu.memref_slice %arg5[%dma_start3A_413] : memref<528xi32, #tpu.memory_space<vmem>> -> memref<512xi32, #tpu.memory_space<vmem>>
      %dma_start3A_415 = tpu.memref_slice %arg2[%mul3A_2] : memref<16384xi32, #tpu.memory_space<hbm>> -> memref<512xi32, #tpu.memory_space<hbm>>
      tpu.enqueue_dma source(%dma_start3A_415 : memref<512xi32, #tpu.memory_space<hbm>>) target(%dma_start3A_414 : memref<512xi32, #tpu.memory_space<vmem>>) target_semaphore(%run_scoped3A : memref<!tpu.dma_semaphore, #tpu.memory_space<semaphore_mem>>)
      %dma_wait3A = arith.constant 0 : i32
      %dma_wait3A_416 = tpu.memref_slice %arg5[%dma_wait3A] : memref<528xi32, #tpu.memory_space<vmem>> -> memref<512xi32, #tpu.memory_space<vmem>>
      %dma_wait3A_417 = tpu.memref_slice %arg2[%mul3A_2] : memref<16384xi32, #tpu.memory_space<hbm>> -> memref<512xi32, #tpu.memory_space<hbm>>
      %dma_wait3A_418 = arith.constant 0 : i32
      %dma_wait3A_419 = tpu.memref_slice %arg5[%dma_wait3A_418] : memref<528xi32, #tpu.memory_space<vmem>> -> memref<512xi32, #tpu.memory_space<vmem>>
      %dma_wait3A_420 = tpu.memref_slice %arg2[%mul3A_2] : memref<16384xi32, #tpu.memory_space<hbm>> -> memref<512xi32, #tpu.memory_space<hbm>>
      tpu.wait_dma2 semaphore(%run_scoped3A : memref<!tpu.dma_semaphore, #tpu.memory_space<semaphore_mem>>) src(%dma_wait3A_420 : memref<512xi32, #tpu.memory_space<hbm>>) dst(%dma_wait3A_419 : memref<512xi32, #tpu.memory_space<vmem>>)
      tpu.yield
    }) : () -> ()
    "tpu.region"() ({
      %run_scoped3A = tpu.sem_alloc : memref<!tpu.dma_semaphore, #tpu.memory_space<semaphore_mem>>
      %dma_start3A = arith.constant 512 : i32
      %dma_start3A_411 = tpu.memref_slice %arg5[%dma_start3A] : memref<528xi32, #tpu.memory_space<vmem>> -> memref<16xi32, #tpu.memory_space<vmem>>
      %dma_start3A_412 = tpu.memref_slice %arg2[%mul3A_2] : memref<16384xi32, #tpu.memory_space<hbm>> -> memref<16xi32, #tpu.memory_space<hbm>>
      %dma_start3A_413 = arith.constant 512 : i32
      %dma_start3A_414 = tpu.memref_slice %arg5[%dma_start3A_413] : memref<528xi32, #tpu.memory_space<vmem>> -> memref<16xi32, #tpu.memory_space<vmem>>
      %dma_start3A_415 = tpu.memref_slice %arg2[%mul3A_2] : memref<16384xi32, #tpu.memory_space<hbm>> -> memref<16xi32, #tpu.memory_space<hbm>>
      tpu.enqueue_dma source(%dma_start3A_415 : memref<16xi32, #tpu.memory_space<hbm>>) target(%dma_start3A_414 : memref<16xi32, #tpu.memory_space<vmem>>) target_semaphore(%run_scoped3A : memref<!tpu.dma_semaphore, #tpu.memory_space<semaphore_mem>>)
      %dma_wait3A = arith.constant 512 : i32
      %dma_wait3A_416 = tpu.memref_slice %arg5[%dma_wait3A] : memref<528xi32, #tpu.memory_space<vmem>> -> memref<16xi32, #tpu.memory_space<vmem>>
      %dma_wait3A_417 = tpu.memref_slice %arg2[%mul3A_2] : memref<16384xi32, #tpu.memory_space<hbm>> -> memref<16xi32, #tpu.memory_space<hbm>>
      %dma_wait3A_418 = arith.constant 512 : i32
      %dma_wait3A_419 = tpu.memref_slice %arg5[%dma_wait3A_418] : memref<528xi32, #tpu.memory_space<vmem>> -> memref<16xi32, #tpu.memory_space<vmem>>
      %dma_wait3A_420 = tpu.memref_slice %arg2[%mul3A_2] : memref<16384xi32, #tpu.memory_space<hbm>> -> memref<16xi32, #tpu.memory_space<hbm>>
      tpu.wait_dma2 semaphore(%run_scoped3A : memref<!tpu.dma_semaphore, #tpu.memory_space<semaphore_mem>>) src(%dma_wait3A_420 : memref<16xi32, #tpu.memory_space<hbm>>) dst(%dma_wait3A_419 : memref<16xi32, #tpu.memory_space<vmem>>)
      tpu.yield
    }) : () -> ()
    %iota3A = tpu.iota {dimensions = array<i32: 0>} : vector<16xi32>
    %add3A_3 = arith.constant 0 : i32
    %add3A_4 = vector.broadcast %add3A_3 : i32 to vector<16xi32>
    %add3A_5 = arith.addi %iota3A, %add3A_4 : vector<16xi32>
    %iota3A_6 = tpu.iota {dimensions = array<i32: 0>} : vector<16xi32>
    %add3A_7 = arith.constant 16 : i32
    %add3A_8 = vector.broadcast %add3A_7 : i32 to vector<16xi32>
    %add3A_9 = arith.addi %iota3A_6, %add3A_8 : vector<16xi32>
    %iota3A_10 = tpu.iota {dimensions = array<i32: 0>} : vector<16xi32>
    %add3A_11 = arith.constant 32 : i32
    %add3A_12 = vector.broadcast %add3A_11 : i32 to vector<16xi32>
    %add3A_13 = arith.addi %iota3A_10, %add3A_12 : vector<16xi32>
    %iota3A_14 = tpu.iota {dimensions = array<i32: 0>} : vector<16xi32>
    %add3A_15 = arith.constant 48 : i32
    %add3A_16 = vector.broadcast %add3A_15 : i32 to vector<16xi32>
    %add3A_17 = arith.addi %iota3A_14, %add3A_16 : vector<16xi32>
    %get3A = arith.constant 0 : index
    %get3A_18 = tpu.vector_load %arg5[%get3A] {strides = array<i32>} : memref<528xi32, #tpu.memory_space<vmem>>, vector<16xi32>,
    %slice3A = vector.extract_strided_slice %get3A_18 {offsets = [0], sizes = [1], strides = [1]} : vector<16xi32> to vector<1xi32>
    %squeeze3A = vector.extract %slice3A[0] : i32 from vector<1xi32>
    %jit3A = arith.constant 128 : i32
    %div3A = arith.divsi %squeeze3A, %jit3A : i32
    %sign3A = arith.constant 0 : i32
    %sign3A_19 = arith.cmpi sgt, %squeeze3A, %sign3A : i32
    %sign3A_20 = arith.extui %sign3A_19 : i1 to i32
    %sign3A_21 = arith.constant 0 : i32
    %sign3A_22 = arith.cmpi slt, %squeeze3A, %sign3A_21 : i32
    %sign3A_23 = arith.extui %sign3A_22 : i1 to i32
    %sign3A_24 = arith.subi %sign3A_20, %sign3A_23 : i32
    %sign3A_25 = arith.constant 0 : i32
    %sign3A_26 = arith.cmpi sgt, %jit3A, %sign3A_25 : i32
    %sign3A_27 = arith.extui %sign3A_26 : i1 to i32
    %sign3A_28 = arith.constant 0 : i32
    %sign3A_29 = arith.cmpi slt, %jit3A, %sign3A_28 : i32
    %sign3A_30 = arith.extui %sign3A_29 : i1 to i32
    %sign3A_31 = arith.subi %sign3A_27, %sign3A_30 : i32
    %ne3A = arith.cmpi ne, %sign3A_24, %sign3A_31 : i32
    %rem3A = arith.remsi %squeeze3A, %jit3A : i32
    %ne3A_32 = arith.constant 0 : i32
    %ne3A_33 = arith.cmpi ne, %rem3A, %ne3A_32 : i32
    %and3A = arith.andi %ne3A, %ne3A_33 : i1
    %sub3A = arith.constant 1 : i32
    %sub3A_34 = arith.subi %div3A, %sub3A : i32
    %select_n3A = arith.select %and3A, %sub3A_34, %div3A : i32
    %ne3A_35 = arith.constant -1 : i32
    %ne3A_36 = arith.cmpi ne, %select_n3A, %ne3A_35 : i32
    %convert_element_type3A = arith.extui %ne3A_36 : i1 to i32
    %cond3A = arith.constant 0 : i32
    %cond3A_37 = arith.constant 0 : i32
    %cond3A_38 = arith.cmpi ne, %convert_element_type3A, %cond3A_37 : i32
    scf.if %cond3A_38 {
      %jit3A_411 = arith.constant 14 : i32
      %eq3A = arith.constant 0 : i32
      %eq3A_412 = arith.cmpi eq, %jit3A_411, %eq3A : i32
      %jit3A_413 = arith.constant 1 : i32
      %select_n3A_414 = arith.select %eq3A_412, %jit3A_413, %jit3A_411 : i32
      %rem3A_415 = arith.remsi %cond3A, %select_n3A_414 : i32
      %ne3A_416 = arith.constant 0 : i32
      %ne3A_417 = arith.cmpi ne, %rem3A_415, %ne3A_416 : i32
      %lt3A = arith.constant 0 : i32
      %lt3A_418 = arith.cmpi slt, %rem3A_415, %lt3A : i32
      %lt3A_419 = arith.constant 0 : i32
      %lt3A_420 = arith.cmpi slt, %select_n3A_414, %lt3A_419 : i32
      %ne3A_421 = arith.xori %lt3A_418, %lt3A_420 : i1
      %and3A_422 = arith.andi %ne3A_421, %ne3A_417 : i1
      %add3A_423 = arith.addi %rem3A_415, %select_n3A_414 : i32
      %select_n3A_424 = arith.select %and3A_422, %add3A_423, %rem3A_415 : i32
      %mul3A_425 = arith.constant 128 : i32
      %mul3A_426 = arith.muli %select_n3A, %mul3A_425 : i32
      %multiple_of3A = tpu.assume_multiple %mul3A_426, 128 : i32
      %dma_start3A = arith.constant 0 : i32
      %dma_start3A_427 = arith.constant 0 : i32
      %dma_start3A_428 = tpu.memref_slice %arg6[%select_n3A_424, %dma_start3A, %dma_start3A_427] : memref<14x64x128xf32, #tpu.memory_space<vmem>> -> memref<1x64x128xf32, #tpu.memory_space<vmem>>
      %dma_start3A_429 = tpu.memref_squeeze %dma_start3A_428 : memref<1x64x128xf32, #tpu.memory_space<vmem>> -> memref<64x128xf32, #tpu.memory_space<vmem>>
      %dma_start3A_430 = arith.constant 0 : i32
      %dma_start3A_431 = tpu.memref_slice %arg3[%dma_start3A_430, %multiple_of3A] : memref<64x1000000xf32, #tpu.memory_space<hbm>> -> memref<64x128xf32, #tpu.memory_space<hbm>>
      %dma_start3A_432 = arith.constant 0 : i32
      %dma_start3A_433 = arith.constant 0 : i32
      %dma_start3A_434 = tpu.memref_slice %arg6[%select_n3A_424, %dma_start3A_432, %dma_start3A_433] : memref<14x64x128xf32, #tpu.memory_space<vmem>> -> memref<1x64x128xf32, #tpu.memory_space<vmem>>
      %dma_start3A_435 = tpu.memref_squeeze %dma_start3A_434 : memref<1x64x128xf32, #tpu.memory_space<vmem>> -> memref<64x128xf32, #tpu.memory_space<vmem>>
      %dma_start3A_436 = arith.constant 0 : i32
      %dma_start3A_437 = tpu.memref_slice %arg3[%dma_start3A_436, %multiple_of3A] : memref<64x1000000xf32, #tpu.memory_space<hbm>> -> memref<64x128xf32, #tpu.memory_space<hbm>>
      tpu.enqueue_dma source(%dma_start3A_437 : memref<64x128xf32, #tpu.memory_space<hbm>>) target(%dma_start3A_435 : memref<64x128xf32, #tpu.memory_space<vmem>>) target_semaphore(%arg8 : memref<!tpu.dma_semaphore, #tpu.memory_space<semaphore_mem>>)
    } else {
    }
    %convert_element_type3A_39 = arith.extui %ne3A_36 : i1 to i32
    %add3A_40 = arith.constant 0 : i32
    %add3A_41 = arith.addi %add3A_40, %convert_element_type3A_39 : i32
    %slice3A_42 = vector.extract_strided_slice %get3A_18 {offsets = [1], sizes = [1], strides = [1]} : vector<16xi32> to vector<1xi32>
    %squeeze3A_43 = vector.extract %slice3A_42[0] : i32 from vector<1xi32>
    %jit3A_44 = arith.constant 128 : i32
    %div3A_45 = arith.divsi %squeeze3A_43, %jit3A_44 : i32
    %sign3A_46 = arith.constant 0 : i32
    %sign3A_47 = arith.cmpi sgt, %squeeze3A_43, %sign3A_46 : i32
    %sign3A_48 = arith.extui %sign3A_47 : i1 to i32
    %sign3A_49 = arith.constant 0 : i32
    %sign3A_50 = arith.cmpi slt, %squeeze3A_43, %sign3A_49 : i32
    %sign3A_51 = arith.extui %sign3A_50 : i1 to i32
    %sign3A_52 = arith.subi %sign3A_48, %sign3A_51 : i32
    %sign3A_53 = arith.constant 0 : i32
    %sign3A_54 = arith.cmpi sgt, %jit3A_44, %sign3A_53 : i32
    %sign3A_55 = arith.extui %sign3A_54 : i1 to i32
    %sign3A_56 = arith.constant 0 : i32
    %sign3A_57 = arith.cmpi slt, %jit3A_44, %sign3A_56 : i32
    %sign3A_58 = arith.extui %sign3A_57 : i1 to i32
    %sign3A_59 = arith.subi %sign3A_55, %sign3A_58 : i32
    %ne3A_60 = arith.cmpi ne, %sign3A_52, %sign3A_59 : i32
    %rem3A_61 = arith.remsi %squeeze3A_43, %jit3A_44 : i32
    %ne3A_62 = arith.constant 0 : i32
    %ne3A_63 = arith.cmpi ne, %rem3A_61, %ne3A_62 : i32
    %and3A_64 = arith.andi %ne3A_60, %ne3A_63 : i1
    %sub3A_65 = arith.constant 1 : i32
    %sub3A_66 = arith.subi %div3A_45, %sub3A_65 : i32
    %select_n3A_67 = arith.select %and3A_64, %sub3A_66, %div3A_45 : i32
    %ne3A_68 = arith.cmpi ne, %select_n3A_67, %select_n3A : i32
    %convert_element_type3A_69 = arith.extui %ne3A_68 : i1 to i32
    %cond3A_70 = arith.constant 0 : i32
    %cond3A_71 = arith.cmpi ne, %convert_element_type3A_69, %cond3A_70 : i32
    scf.if %cond3A_71 {
      %jit3A_411 = arith.constant 14 : i32
      %eq3A = arith.constant 0 : i32
      %eq3A_412 = arith.cmpi eq, %jit3A_411, %eq3A : i32
      %jit3A_413 = arith.constant 1 : i32
      %select_n3A_414 = arith.select %eq3A_412, %jit3A_413, %jit3A_411 : i32
      %rem3A_415 = arith.remsi %add3A_41, %select_n3A_414 : i32
      %ne3A_416 = arith.constant 0 : i32
      %ne3A_417 = arith.cmpi ne, %rem3A_415, %ne3A_416 : i32
      %lt3A = arith.constant 0 : i32
      %lt3A_418 = arith.cmpi slt, %rem3A_415, %lt3A : i32
      %lt3A_419 = arith.constant 0 : i32
      %lt3A_420 = arith.cmpi slt, %select_n3A_414, %lt3A_419 : i32
      %ne3A_421 = arith.xori %lt3A_418, %lt3A_420 : i1
      %and3A_422 = arith.andi %ne3A_421, %ne3A_417 : i1
      %add3A_423 = arith.addi %rem3A_415, %select_n3A_414 : i32
      %select_n3A_424 = arith.select %and3A_422, %add3A_423, %rem3A_415 : i32
      %mul3A_425 = arith.constant 128 : i32
      %mul3A_426 = arith.muli %select_n3A_67, %mul3A_425 : i32
      %multiple_of3A = tpu.assume_multiple %mul3A_426, 128 : i32
      %dma_start3A = arith.constant 0 : i32
      %dma_start3A_427 = arith.constant 0 : i32
      %dma_start3A_428 = tpu.memref_slice %arg6[%select_n3A_424, %dma_start3A, %dma_start3A_427] : memref<14x64x128xf32, #tpu.memory_space<vmem>> -> memref<1x64x128xf32, #tpu.memory_space<vmem>>
      %dma_start3A_429 = tpu.memref_squeeze %dma_start3A_428 : memref<1x64x128xf32, #tpu.memory_space<vmem>> -> memref<64x128xf32, #tpu.memory_space<vmem>>
      %dma_start3A_430 = arith.constant 0 : i32
      %dma_start3A_431 = tpu.memref_slice %arg3[%dma_start3A_430, %multiple_of3A] : memref<64x1000000xf32, #tpu.memory_space<hbm>> -> memref<64x128xf32, #tpu.memory_space<hbm>>
      %dma_start3A_432 = arith.constant 0 : i32
      %dma_start3A_433 = arith.constant 0 : i32
      %dma_start3A_434 = tpu.memref_slice %arg6[%select_n3A_424, %dma_start3A_432, %dma_start3A_433] : memref<14x64x128xf32, #tpu.memory_space<vmem>> -> memref<1x64x128xf32, #tpu.memory_space<vmem>>
      %dma_start3A_435 = tpu.memref_squeeze %dma_start3A_434 : memref<1x64x128xf32, #tpu.memory_space<vmem>> -> memref<64x128xf32, #tpu.memory_space<vmem>>
      %dma_start3A_436 = arith.constant 0 : i32
      %dma_start3A_437 = tpu.memref_slice %arg3[%dma_start3A_436, %multiple_of3A] : memref<64x1000000xf32, #tpu.memory_space<hbm>> -> memref<64x128xf32, #tpu.memory_space<hbm>>
      tpu.enqueue_dma source(%dma_start3A_437 : memref<64x128xf32, #tpu.memory_space<hbm>>) target(%dma_start3A_435 : memref<64x128xf32, #tpu.memory_space<vmem>>) target_semaphore(%arg8 : memref<!tpu.dma_semaphore, #tpu.memory_space<semaphore_mem>>)
    } else {
    }
    %convert_element_type3A_72 = arith.extui %ne3A_68 : i1 to i32
    %add3A_73 = arith.addi %add3A_41, %convert_element_type3A_72 : i32
    %slice3A_74 = vector.extract_strided_slice %get3A_18 {offsets = [2], sizes = [1], strides = [1]} : vector<16xi32> to vector<1xi32>
    %squeeze3A_75 = vector.extract %slice3A_74[0] : i32 from vector<1xi32>
    %jit3A_76 = arith.constant 128 : i32
    %div3A_77 = arith.divsi %squeeze3A_75, %jit3A_76 : i32
    %sign3A_78 = arith.constant 0 : i32
    %sign3A_79 = arith.cmpi sgt, %squeeze3A_75, %sign3A_78 : i32
    %sign3A_80 = arith.extui %sign3A_79 : i1 to i32
    %sign3A_81 = arith.constant 0 : i32
    %sign3A_82 = arith.cmpi slt, %squeeze3A_75, %sign3A_81 : i32
    %sign3A_83 = arith.extui %sign3A_82 : i1 to i32
    %sign3A_84 = arith.subi %sign3A_80, %sign3A_83 : i32
    %sign3A_85 = arith.constant 0 : i32
    %sign3A_86 = arith.cmpi sgt, %jit3A_76, %sign3A_85 : i32
    %sign3A_87 = arith.extui %sign3A_86 : i1 to i32
    %sign3A_88 = arith.constant 0 : i32
    %sign3A_89 = arith.cmpi slt, %jit3A_76, %sign3A_88 : i32
    %sign3A_90 = arith.extui %sign3A_89 : i1 to i32
    %sign3A_91 = arith.subi %sign3A_87, %sign3A_90 : i32
    %ne3A_92 = arith.cmpi ne, %sign3A_84, %sign3A_91 : i32
    %rem3A_93 = arith.remsi %squeeze3A_75, %jit3A_76 : i32
    %ne3A_94 = arith.constant 0 : i32
    %ne3A_95 = arith.cmpi ne, %rem3A_93, %ne3A_94 : i32
    %and3A_96 = arith.andi %ne3A_92, %ne3A_95 : i1
    %sub3A_97 = arith.constant 1 : i32
    %sub3A_98 = arith.subi %div3A_77, %sub3A_97 : i32
    %select_n3A_99 = arith.select %and3A_96, %sub3A_98, %div3A_77 : i32
    %ne3A_100 = arith.cmpi ne, %select_n3A_99, %select_n3A_67 : i32
    %convert_element_type3A_101 = arith.extui %ne3A_100 : i1 to i32
    %cond3A_102 = arith.constant 0 : i32
    %cond3A_103 = arith.cmpi ne, %convert_element_type3A_101, %cond3A_102 : i32
    scf.if %cond3A_103 {
      %jit3A_411 = arith.constant 14 : i32
      %eq3A = arith.constant 0 : i32
      %eq3A_412 = arith.cmpi eq, %jit3A_411, %eq3A : i32
      %jit3A_413 = arith.constant 1 : i32
      %select_n3A_414 = arith.select %eq3A_412, %jit3A_413, %jit3A_411 : i32
      %rem3A_415 = arith.remsi %add3A_73, %select_n3A_414 : i32
      %ne3A_416 = arith.constant 0 : i32
      %ne3A_417 = arith.cmpi ne, %rem3A_415, %ne3A_416 : i32
      %lt3A = arith.constant 0 : i32
      %lt3A_418 = arith.cmpi slt, %rem3A_415, %lt3A : i32
      %lt3A_419 = arith.constant 0 : i32
      %lt3A_420 = arith.cmpi slt, %select_n3A_414, %lt3A_419 : i32
      %ne3A_421 = arith.xori %lt3A_418, %lt3A_420 : i1
      %and3A_422 = arith.andi %ne3A_421, %ne3A_417 : i1
      %add3A_423 = arith.addi %rem3A_415, %select_n3A_414 : i32
      %select_n3A_424 = arith.select %and3A_422, %add3A_423, %rem3A_415 : i32
      %mul3A_425 = arith.constant 128 : i32
      %mul3A_426 = arith.muli %select_n3A_99, %mul3A_425 : i32
      %multiple_of3A = tpu.assume_multiple %mul3A_426, 128 : i32
      %dma_start3A = arith.constant 0 : i32
      %dma_start3A_427 = arith.constant 0 : i32
      %dma_start3A_428 = tpu.memref_slice %arg6[%select_n3A_424, %dma_start3A, %dma_start3A_427] : memref<14x64x128xf32, #tpu.memory_space<vmem>> -> memref<1x64x128xf32, #tpu.memory_space<vmem>>
      %dma_start3A_429 = tpu.memref_squeeze %dma_start3A_428 : memref<1x64x128xf32, #tpu.memory_space<vmem>> -> memref<64x128xf32, #tpu.memory_space<vmem>>
      %dma_start3A_430 = arith.constant 0 : i32
      %dma_start3A_431 = tpu.memref_slice %arg3[%dma_start3A_430, %multiple_of3A] : memref<64x1000000xf32, #tpu.memory_space<hbm>> -> memref<64x128xf32, #tpu.memory_space<hbm>>
      %dma_start3A_432 = arith.constant 0 : i32
      %dma_start3A_433 = arith.constant 0 : i32
      %dma_start3A_434 = tpu.memref_slice %arg6[%select_n3A_424, %dma_start3A_432, %dma_start3A_433] : memref<14x64x128xf32, #tpu.memory_space<vmem>> -> memref<1x64x128xf32, #tpu.memory_space<vmem>>
      %dma_start3A_435 = tpu.memref_squeeze %dma_start3A_434 : memref<1x64x128xf32, #tpu.memory_space<vmem>> -> memref<64x128xf32, #tpu.memory_space<vmem>>
      %dma_start3A_436 = arith.constant 0 : i32
      %dma_start3A_437 = tpu.memref_slice %arg3[%dma_start3A_436, %multiple_of3A] : memref<64x1000000xf32, #tpu.memory_space<hbm>> -> memref<64x128xf32, #tpu.memory_space<hbm>>
      tpu.enqueue_dma source(%dma_start3A_437 : memref<64x128xf32, #tpu.memory_space<hbm>>) target(%dma_start3A_435 : memref<64x128xf32, #tpu.memory_space<vmem>>) target_semaphore(%arg8 : memref<!tpu.dma_semaphore, #tpu.memory_space<semaphore_mem>>)
    } else {
    }
    %convert_element_type3A_104 = arith.extui %ne3A_100 : i1 to i32
    %add3A_105 = arith.addi %add3A_73, %convert_element_type3A_104 : i32
    %slice3A_106 = vector.extract_strided_slice %get3A_18 {offsets = [3], sizes = [1], strides = [1]} : vector<16xi32> to vector<1xi32>
    %squeeze3A_107 = vector.extract %slice3A_106[0] : i32 from vector<1xi32>
    %jit3A_108 = arith.constant 128 : i32
    %div3A_109 = arith.divsi %squeeze3A_107, %jit3A_108 : i32
    %sign3A_110 = arith.constant 0 : i32
    %sign3A_111 = arith.cmpi sgt, %squeeze3A_107, %sign3A_110 : i32
    %sign3A_112 = arith.extui %sign3A_111 : i1 to i32
    %sign3A_113 = arith.constant 0 : i32
    %sign3A_114 = arith.cmpi slt, %squeeze3A_107, %sign3A_113 : i32
    %sign3A_115 = arith.extui %sign3A_114 : i1 to i32
    %sign3A_116 = arith.subi %sign3A_112, %sign3A_115 : i32
    %sign3A_117 = arith.constant 0 : i32
    %sign3A_118 = arith.cmpi sgt, %jit3A_108, %sign3A_117 : i32
    %sign3A_119 = arith.extui %sign3A_118 : i1 to i32
    %sign3A_120 = arith.constant 0 : i32
    %sign3A_121 = arith.cmpi slt, %jit3A_108, %sign3A_120 : i32
    %sign3A_122 = arith.extui %sign3A_121 : i1 to i32
    %sign3A_123 = arith.subi %sign3A_119, %sign3A_122 : i32
    %ne3A_124 = arith.cmpi ne, %sign3A_116, %sign3A_123 : i32
    %rem3A_125 = arith.remsi %squeeze3A_107, %jit3A_108 : i32
    %ne3A_126 = arith.constant 0 : i32
    %ne3A_127 = arith.cmpi ne, %rem3A_125, %ne3A_126 : i32
    %and3A_128 = arith.andi %ne3A_124, %ne3A_127 : i1
    %sub3A_129 = arith.constant 1 : i32
    %sub3A_130 = arith.subi %div3A_109, %sub3A_129 : i32
    %select_n3A_131 = arith.select %and3A_128, %sub3A_130, %div3A_109 : i32
    %ne3A_132 = arith.cmpi ne, %select_n3A_131, %select_n3A_99 : i32
    %convert_element_type3A_133 = arith.extui %ne3A_132 : i1 to i32
    %cond3A_134 = arith.constant 0 : i32
    %cond3A_135 = arith.cmpi ne, %convert_element_type3A_133, %cond3A_134 : i32
    scf.if %cond3A_135 {
      %jit3A_411 = arith.constant 14 : i32
      %eq3A = arith.constant 0 : i32
      %eq3A_412 = arith.cmpi eq, %jit3A_411, %eq3A : i32
      %jit3A_413 = arith.constant 1 : i32
      %select_n3A_414 = arith.select %eq3A_412, %jit3A_413, %jit3A_411 : i32
      %rem3A_415 = arith.remsi %add3A_105, %select_n3A_414 : i32
      %ne3A_416 = arith.constant 0 : i32
      %ne3A_417 = arith.cmpi ne, %rem3A_415, %ne3A_416 : i32
      %lt3A = arith.constant 0 : i32
      %lt3A_418 = arith.cmpi slt, %rem3A_415, %lt3A : i32
      %lt3A_419 = arith.constant 0 : i32
      %lt3A_420 = arith.cmpi slt, %select_n3A_414, %lt3A_419 : i32
      %ne3A_421 = arith.xori %lt3A_418, %lt3A_420 : i1
      %and3A_422 = arith.andi %ne3A_421, %ne3A_417 : i1
      %add3A_423 = arith.addi %rem3A_415, %select_n3A_414 : i32
      %select_n3A_424 = arith.select %and3A_422, %add3A_423, %rem3A_415 : i32
      %mul3A_425 = arith.constant 128 : i32
      %mul3A_426 = arith.muli %select_n3A_131, %mul3A_425 : i32
      %multiple_of3A = tpu.assume_multiple %mul3A_426, 128 : i32
      %dma_start3A = arith.constant 0 : i32
      %dma_start3A_427 = arith.constant 0 : i32
      %dma_start3A_428 = tpu.memref_slice %arg6[%select_n3A_424, %dma_start3A, %dma_start3A_427] : memref<14x64x128xf32, #tpu.memory_space<vmem>> -> memref<1x64x128xf32, #tpu.memory_space<vmem>>
      %dma_start3A_429 = tpu.memref_squeeze %dma_start3A_428 : memref<1x64x128xf32, #tpu.memory_space<vmem>> -> memref<64x128xf32, #tpu.memory_space<vmem>>
      %dma_start3A_430 = arith.constant 0 : i32
      %dma_start3A_431 = tpu.memref_slice %arg3[%dma_start3A_430, %multiple_of3A] : memref<64x1000000xf32, #tpu.memory_space<hbm>> -> memref<64x128xf32, #tpu.memory_space<hbm>>
      %dma_start3A_432 = arith.constant 0 : i32
      %dma_start3A_433 = arith.constant 0 : i32
      %dma_start3A_434 = tpu.memref_slice %arg6[%select_n3A_424, %dma_start3A_432, %dma_start3A_433] : memref<14x64x128xf32, #tpu.memory_space<vmem>> -> memref<1x64x128xf32, #tpu.memory_space<vmem>>
      %dma_start3A_435 = tpu.memref_squeeze %dma_start3A_434 : memref<1x64x128xf32, #tpu.memory_space<vmem>> -> memref<64x128xf32, #tpu.memory_space<vmem>>
      %dma_start3A_436 = arith.constant 0 : i32
      %dma_start3A_437 = tpu.memref_slice %arg3[%dma_start3A_436, %multiple_of3A] : memref<64x1000000xf32, #tpu.memory_space<hbm>> -> memref<64x128xf32, #tpu.memory_space<hbm>>
      tpu.enqueue_dma source(%dma_start3A_437 : memref<64x128xf32, #tpu.memory_space<hbm>>) target(%dma_start3A_435 : memref<64x128xf32, #tpu.memory_space<vmem>>) target_semaphore(%arg8 : memref<!tpu.dma_semaphore, #tpu.memory_space<semaphore_mem>>)
    } else {
    }
    %convert_element_type3A_136 = arith.extui %ne3A_132 : i1 to i32
    %add3A_137 = arith.addi %add3A_105, %convert_element_type3A_136 : i32
    %slice3A_138 = vector.extract_strided_slice %get3A_18 {offsets = [4], sizes = [1], strides = [1]} : vector<16xi32> to vector<1xi32>
    %squeeze3A_139 = vector.extract %slice3A_138[0] : i32 from vector<1xi32>
    %jit3A_140 = arith.constant 128 : i32
    %div3A_141 = arith.divsi %squeeze3A_139, %jit3A_140 : i32
    %sign3A_142 = arith.constant 0 : i32
    %sign3A_143 = arith.cmpi sgt, %squeeze3A_139, %sign3A_142 : i32
    %sign3A_144 = arith.extui %sign3A_143 : i1 to i32
    %sign3A_145 = arith.constant 0 : i32
    %sign3A_146 = arith.cmpi slt, %squeeze3A_139, %sign3A_145 : i32
    %sign3A_147 = arith.extui %sign3A_146 : i1 to i32
    %sign3A_148 = arith.subi %sign3A_144, %sign3A_147 : i32
    %sign3A_149 = arith.constant 0 : i32
    %sign3A_150 = arith.cmpi sgt, %jit3A_140, %sign3A_149 : i32
    %sign3A_151 = arith.extui %sign3A_150 : i1 to i32
    %sign3A_152 = arith.constant 0 : i32
    %sign3A_153 = arith.cmpi slt, %jit3A_140, %sign3A_152 : i32
    %sign3A_154 = arith.extui %sign3A_153 : i1 to i32
    %sign3A_155 = arith.subi %sign3A_151, %sign3A_154 : i32
    %ne3A_156 = arith.cmpi ne, %sign3A_148, %sign3A_155 : i32
    %rem3A_157 = arith.remsi %squeeze3A_139, %jit3A_140 : i32
    %ne3A_158 = arith.constant 0 : i32
    %ne3A_159 = arith.cmpi ne, %rem3A_157, %ne3A_158 : i32
    %and3A_160 = arith.andi %ne3A_156, %ne3A_159 : i1
    %sub3A_161 = arith.constant 1 : i32
    %sub3A_162 = arith.subi %div3A_141, %sub3A_161 : i32
    %select_n3A_163 = arith.select %and3A_160, %sub3A_162, %div3A_141 : i32
    %ne3A_164 = arith.cmpi ne, %select_n3A_163, %select_n3A_131 : i32
    %convert_element_type3A_165 = arith.extui %ne3A_164 : i1 to i32
    %cond3A_166 = arith.constant 0 : i32
    %cond3A_167 = arith.cmpi ne, %convert_element_type3A_165, %cond3A_166 : i32
    scf.if %cond3A_167 {
      %jit3A_411 = arith.constant 14 : i32
      %eq3A = arith.constant 0 : i32
      %eq3A_412 = arith.cmpi eq, %jit3A_411, %eq3A : i32
      %jit3A_413 = arith.constant 1 : i32
      %select_n3A_414 = arith.select %eq3A_412, %jit3A_413, %jit3A_411 : i32
      %rem3A_415 = arith.remsi %add3A_137, %select_n3A_414 : i32
      %ne3A_416 = arith.constant 0 : i32
      %ne3A_417 = arith.cmpi ne, %rem3A_415, %ne3A_416 : i32
      %lt3A = arith.constant 0 : i32
      %lt3A_418 = arith.cmpi slt, %rem3A_415, %lt3A : i32
      %lt3A_419 = arith.constant 0 : i32
      %lt3A_420 = arith.cmpi slt, %select_n3A_414, %lt3A_419 : i32
      %ne3A_421 = arith.xori %lt3A_418, %lt3A_420 : i1
      %and3A_422 = arith.andi %ne3A_421, %ne3A_417 : i1
      %add3A_423 = arith.addi %rem3A_415, %select_n3A_414 : i32
      %select_n3A_424 = arith.select %and3A_422, %add3A_423, %rem3A_415 : i32
      %mul3A_425 = arith.constant 128 : i32
      %mul3A_426 = arith.muli %select_n3A_163, %mul3A_425 : i32
      %multiple_of3A = tpu.assume_multiple %mul3A_426, 128 : i32
      %dma_start3A = arith.constant 0 : i32
      %dma_start3A_427 = arith.constant 0 : i32
      %dma_start3A_428 = tpu.memref_slice %arg6[%select_n3A_424, %dma_start3A, %dma_start3A_427] : memref<14x64x128xf32, #tpu.memory_space<vmem>> -> memref<1x64x128xf32, #tpu.memory_space<vmem>>
      %dma_start3A_429 = tpu.memref_squeeze %dma_start3A_428 : memref<1x64x128xf32, #tpu.memory_space<vmem>> -> memref<64x128xf32, #tpu.memory_space<vmem>>
      %dma_start3A_430 = arith.constant 0 : i32
      %dma_start3A_431 = tpu.memref_slice %arg3[%dma_start3A_430, %multiple_of3A] : memref<64x1000000xf32, #tpu.memory_space<hbm>> -> memref<64x128xf32, #tpu.memory_space<hbm>>
      %dma_start3A_432 = arith.constant 0 : i32
      %dma_start3A_433 = arith.constant 0 : i32
      %dma_start3A_434 = tpu.memref_slice %arg6[%select_n3A_424, %dma_start3A_432, %dma_start3A_433] : memref<14x64x128xf32, #tpu.memory_space<vmem>> -> memref<1x64x128xf32, #tpu.memory_space<vmem>>
      %dma_start3A_435 = tpu.memref_squeeze %dma_start3A_434 : memref<1x64x128xf32, #tpu.memory_space<vmem>> -> memref<64x128xf32, #tpu.memory_space<vmem>>
      %dma_start3A_436 = arith.constant 0 : i32
      %dma_start3A_437 = tpu.memref_slice %arg3[%dma_start3A_436, %multiple_of3A] : memref<64x1000000xf32, #tpu.memory_space<hbm>> -> memref<64x128xf32, #tpu.memory_space<hbm>>
      tpu.enqueue_dma source(%dma_start3A_437 : memref<64x128xf32, #tpu.memory_space<hbm>>) target(%dma_start3A_435 : memref<64x128xf32, #tpu.memory_space<vmem>>) target_semaphore(%arg8 : memref<!tpu.dma_semaphore, #tpu.memory_space<semaphore_mem>>)
    } else {
    }
    %convert_element_type3A_168 = arith.extui %ne3A_164 : i1 to i32
    %add3A_169 = arith.addi %add3A_137, %convert_element_type3A_168 : i32
    %slice3A_170 = vector.extract_strided_slice %get3A_18 {offsets = [5], sizes = [1], strides = [1]} : vector<16xi32> to vector<1xi32>
    %squeeze3A_171 = vector.extract %slice3A_170[0] : i32 from vector<1xi32>
    %jit3A_172 = arith.constant 128 : i32
    %div3A_173 = arith.divsi %squeeze3A_171, %jit3A_172 : i32
    %sign3A_174 = arith.constant 0 : i32
    %sign3A_175 = arith.cmpi sgt, %squeeze3A_171, %sign3A_174 : i32
    %sign3A_176 = arith.extui %sign3A_175 : i1 to i32
    %sign3A_177 = arith.constant 0 : i32
    %sign3A_178 = arith.cmpi slt, %squeeze3A_171, %sign3A_177 : i32
    %sign3A_179 = arith.extui %sign3A_178 : i1 to i32
    %sign3A_180 = arith.subi %sign3A_176, %sign3A_179 : i32
    %sign3A_181 = arith.constant 0 : i32
    %sign3A_182 = arith.cmpi sgt, %jit3A_172, %sign3A_181 : i32
    %sign3A_183 = arith.extui %sign3A_182 : i1 to i32
    %sign3A_184 = arith.constant 0 : i32
    %sign3A_185 = arith.cmpi slt, %jit3A_172, %sign3A_184 : i32
    %sign3A_186 = arith.extui %sign3A_185 : i1 to i32
    %sign3A_187 = arith.subi %sign3A_183, %sign3A_186 : i32
    %ne3A_188 = arith.cmpi ne, %sign3A_180, %sign3A_187 : i32
    %rem3A_189 = arith.remsi %squeeze3A_171, %jit3A_172 : i32
    %ne3A_190 = arith.constant 0 : i32
    %ne3A_191 = arith.cmpi ne, %rem3A_189, %ne3A_190 : i32
    %and3A_192 = arith.andi %ne3A_188, %ne3A_191 : i1
    %sub3A_193 = arith.constant 1 : i32
    %sub3A_194 = arith.subi %div3A_173, %sub3A_193 : i32
    %select_n3A_195 = arith.select %and3A_192, %sub3A_194, %div3A_173 : i32
    %ne3A_196 = arith.cmpi ne, %select_n3A_195, %select_n3A_163 : i32
    %convert_element_type3A_197 = arith.extui %ne3A_196 : i1 to i32
    %cond3A_198 = arith.constant 0 : i32
    %cond3A_199 = arith.cmpi ne, %convert_element_type3A_197, %cond3A_198 : i32
    scf.if %cond3A_199 {
      %jit3A_411 = arith.constant 14 : i32
      %eq3A = arith.constant 0 : i32
      %eq3A_412 = arith.cmpi eq, %jit3A_411, %eq3A : i32
      %jit3A_413 = arith.constant 1 : i32
      %select_n3A_414 = arith.select %eq3A_412, %jit3A_413, %jit3A_411 : i32
      %rem3A_415 = arith.remsi %add3A_169, %select_n3A_414 : i32
      %ne3A_416 = arith.constant 0 : i32
      %ne3A_417 = arith.cmpi ne, %rem3A_415, %ne3A_416 : i32
      %lt3A = arith.constant 0 : i32
      %lt3A_418 = arith.cmpi slt, %rem3A_415, %lt3A : i32
      %lt3A_419 = arith.constant 0 : i32
      %lt3A_420 = arith.cmpi slt, %select_n3A_414, %lt3A_419 : i32
      %ne3A_421 = arith.xori %lt3A_418, %lt3A_420 : i1
      %and3A_422 = arith.andi %ne3A_421, %ne3A_417 : i1
      %add3A_423 = arith.addi %rem3A_415, %select_n3A_414 : i32
      %select_n3A_424 = arith.select %and3A_422, %add3A_423, %rem3A_415 : i32
      %mul3A_425 = arith.constant 128 : i32
      %mul3A_426 = arith.muli %select_n3A_195, %mul3A_425 : i32
      %multiple_of3A = tpu.assume_multiple %mul3A_426, 128 : i32
      %dma_start3A = arith.constant 0 : i32
      %dma_start3A_427 = arith.constant 0 : i32
      %dma_start3A_428 = tpu.memref_slice %arg6[%select_n3A_424, %dma_start3A, %dma_start3A_427] : memref<14x64x128xf32, #tpu.memory_space<vmem>> -> memref<1x64x128xf32, #tpu.memory_space<vmem>>
      %dma_start3A_429 = tpu.memref_squeeze %dma_start3A_428 : memref<1x64x128xf32, #tpu.memory_space<vmem>> -> memref<64x128xf32, #tpu.memory_space<vmem>>
      %dma_start3A_430 = arith.constant 0 : i32
      %dma_start3A_431 = tpu.memref_slice %arg3[%dma_start3A_430, %multiple_of3A] : memref<64x1000000xf32, #tpu.memory_space<hbm>> -> memref<64x128xf32, #tpu.memory_space<hbm>>
      %dma_start3A_432 = arith.constant 0 : i32
      %dma_start3A_433 = arith.constant 0 : i32
      %dma_start3A_434 = tpu.memref_slice %arg6[%select_n3A_424, %dma_start3A_432, %dma_start3A_433] : memref<14x64x128xf32, #tpu.memory_space<vmem>> -> memref<1x64x128xf32, #tpu.memory_space<vmem>>
      %dma_start3A_435 = tpu.memref_squeeze %dma_start3A_434 : memref<1x64x128xf32, #tpu.memory_space<vmem>> -> memref<64x128xf32, #tpu.memory_space<vmem>>
      %dma_start3A_436 = arith.constant 0 : i32
      %dma_start3A_437 = tpu.memref_slice %arg3[%dma_start3A_436, %multiple_of3A] : memref<64x1000000xf32, #tpu.memory_space<hbm>> -> memref<64x128xf32, #tpu.memory_space<hbm>>
      tpu.enqueue_dma source(%dma_start3A_437 : memref<64x128xf32, #tpu.memory_space<hbm>>) target(%dma_start3A_435 : memref<64x128xf32, #tpu.memory_space<vmem>>) target_semaphore(%arg8 : memref<!tpu.dma_semaphore, #tpu.memory_space<semaphore_mem>>)
    } else {
    }
    %convert_element_type3A_200 = arith.extui %ne3A_196 : i1 to i32
    %add3A_201 = arith.addi %add3A_169, %convert_element_type3A_200 : i32
    %slice3A_202 = vector.extract_strided_slice %get3A_18 {offsets = [6], sizes = [1], strides = [1]} : vector<16xi32> to vector<1xi32>
    %squeeze3A_203 = vector.extract %slice3A_202[0] : i32 from vector<1xi32>
    %jit3A_204 = arith.constant 128 : i32
    %div3A_205 = arith.divsi %squeeze3A_203, %jit3A_204 : i32
    %sign3A_206 = arith.constant 0 : i32
    %sign3A_207 = arith.cmpi sgt, %squeeze3A_203, %sign3A_206 : i32
    %sign3A_208 = arith.extui %sign3A_207 : i1 to i32
    %sign3A_209 = arith.constant 0 : i32
    %sign3A_210 = arith.cmpi slt, %squeeze3A_203, %sign3A_209 : i32
    %sign3A_211 = arith.extui %sign3A_210 : i1 to i32
    %sign3A_212 = arith.subi %sign3A_208, %sign3A_211 : i32
    %sign3A_213 = arith.constant 0 : i32
    %sign3A_214 = arith.cmpi sgt, %jit3A_204, %sign3A_213 : i32
    %sign3A_215 = arith.extui %sign3A_214 : i1 to i32
    %sign3A_216 = arith.constant 0 : i32
    %sign3A_217 = arith.cmpi slt, %jit3A_204, %sign3A_216 : i32
    %sign3A_218 = arith.extui %sign3A_217 : i1 to i32
    %sign3A_219 = arith.subi %sign3A_215, %sign3A_218 : i32
    %ne3A_220 = arith.cmpi ne, %sign3A_212, %sign3A_219 : i32
    %rem3A_221 = arith.remsi %squeeze3A_203, %jit3A_204 : i32
    %ne3A_222 = arith.constant 0 : i32
    %ne3A_223 = arith.cmpi ne, %rem3A_221, %ne3A_222 : i32
    %and3A_224 = arith.andi %ne3A_220, %ne3A_223 : i1
    %sub3A_225 = arith.constant 1 : i32
    %sub3A_226 = arith.subi %div3A_205, %sub3A_225 : i32
    %select_n3A_227 = arith.select %and3A_224, %sub3A_226, %div3A_205 : i32
    %ne3A_228 = arith.cmpi ne, %select_n3A_227, %select_n3A_195 : i32
    %convert_element_type3A_229 = arith.extui %ne3A_228 : i1 to i32
    %cond3A_230 = arith.constant 0 : i32
    %cond3A_231 = arith.cmpi ne, %convert_element_type3A_229, %cond3A_230 : i32
    scf.if %cond3A_231 {
      %jit3A_411 = arith.constant 14 : i32
      %eq3A = arith.constant 0 : i32
      %eq3A_412 = arith.cmpi eq, %jit3A_411, %eq3A : i32
      %jit3A_413 = arith.constant 1 : i32
      %select_n3A_414 = arith.select %eq3A_412, %jit3A_413, %jit3A_411 : i32
      %rem3A_415 = arith.remsi %add3A_201, %select_n3A_414 : i32
      %ne3A_416 = arith.constant 0 : i32
      %ne3A_417 = arith.cmpi ne, %rem3A_415, %ne3A_416 : i32
      %lt3A = arith.constant 0 : i32
      %lt3A_418 = arith.cmpi slt, %rem3A_415, %lt3A : i32
      %lt3A_419 = arith.constant 0 : i32
      %lt3A_420 = arith.cmpi slt, %select_n3A_414, %lt3A_419 : i32
      %ne3A_421 = arith.xori %lt3A_418, %lt3A_420 : i1
      %and3A_422 = arith.andi %ne3A_421, %ne3A_417 : i1
      %add3A_423 = arith.addi %rem3A_415, %select_n3A_414 : i32
      %select_n3A_424 = arith.select %and3A_422, %add3A_423, %rem3A_415 : i32
      %mul3A_425 = arith.constant 128 : i32
      %mul3A_426 = arith.muli %select_n3A_227, %mul3A_425 : i32
      %multiple_of3A = tpu.assume_multiple %mul3A_426, 128 : i32
      %dma_start3A = arith.constant 0 : i32
      %dma_start3A_427 = arith.constant 0 : i32
      %dma_start3A_428 = tpu.memref_slice %arg6[%select_n3A_424, %dma_start3A, %dma_start3A_427] : memref<14x64x128xf32, #tpu.memory_space<vmem>> -> memref<1x64x128xf32, #tpu.memory_space<vmem>>
      %dma_start3A_429 = tpu.memref_squeeze %dma_start3A_428 : memref<1x64x128xf32, #tpu.memory_space<vmem>> -> memref<64x128xf32, #tpu.memory_space<vmem>>
      %dma_start3A_430 = arith.constant 0 : i32
      %dma_start3A_431 = tpu.memref_slice %arg3[%dma_start3A_430, %multiple_of3A] : memref<64x1000000xf32, #tpu.memory_space<hbm>> -> memref<64x128xf32, #tpu.memory_space<hbm>>
      %dma_start3A_432 = arith.constant 0 : i32
      %dma_start3A_433 = arith.constant 0 : i32
      %dma_start3A_434 = tpu.memref_slice %arg6[%select_n3A_424, %dma_start3A_432, %dma_start3A_433] : memref<14x64x128xf32, #tpu.memory_space<vmem>> -> memref<1x64x128xf32, #tpu.memory_space<vmem>>
      %dma_start3A_435 = tpu.memref_squeeze %dma_start3A_434 : memref<1x64x128xf32, #tpu.memory_space<vmem>> -> memref<64x128xf32, #tpu.memory_space<vmem>>
      %dma_start3A_436 = arith.constant 0 : i32
      %dma_start3A_437 = tpu.memref_slice %arg3[%dma_start3A_436, %multiple_of3A] : memref<64x1000000xf32, #tpu.memory_space<hbm>> -> memref<64x128xf32, #tpu.memory_space<hbm>>
      tpu.enqueue_dma source(%dma_start3A_437 : memref<64x128xf32, #tpu.memory_space<hbm>>) target(%dma_start3A_435 : memref<64x128xf32, #tpu.memory_space<vmem>>) target_semaphore(%arg8 : memref<!tpu.dma_semaphore, #tpu.memory_space<semaphore_mem>>)
    } else {
    }
    %convert_element_type3A_232 = arith.extui %ne3A_228 : i1 to i32
    %add3A_233 = arith.addi %add3A_201, %convert_element_type3A_232 : i32
    %slice3A_234 = vector.extract_strided_slice %get3A_18 {offsets = [7], sizes = [1], strides = [1]} : vector<16xi32> to vector<1xi32>
    %squeeze3A_235 = vector.extract %slice3A_234[0] : i32 from vector<1xi32>
    %jit3A_236 = arith.constant 128 : i32
    %div3A_237 = arith.divsi %squeeze3A_235, %jit3A_236 : i32
    %sign3A_238 = arith.constant 0 : i32
    %sign3A_239 = arith.cmpi sgt, %squeeze3A_235, %sign3A_238 : i32
    %sign3A_240 = arith.extui %sign3A_239 : i1 to i32
    %sign3A_241 = arith.constant 0 : i32
    %sign3A_242 = arith.cmpi slt, %squeeze3A_235, %sign3A_241 : i32
    %sign3A_243 = arith.extui %sign3A_242 : i1 to i32
    %sign3A_244 = arith.subi %sign3A_240, %sign3A_243 : i32
    %sign3A_245 = arith.constant 0 : i32
    %sign3A_246 = arith.cmpi sgt, %jit3A_236, %sign3A_245 : i32
    %sign3A_247 = arith.extui %sign3A_246 : i1 to i32
    %sign3A_248 = arith.constant 0 : i32
    %sign3A_249 = arith.cmpi slt, %jit3A_236, %sign3A_248 : i32
    %sign3A_250 = arith.extui %sign3A_249 : i1 to i32
    %sign3A_251 = arith.subi %sign3A_247, %sign3A_250 : i32
    %ne3A_252 = arith.cmpi ne, %sign3A_244, %sign3A_251 : i32
    %rem3A_253 = arith.remsi %squeeze3A_235, %jit3A_236 : i32
    %ne3A_254 = arith.constant 0 : i32
    %ne3A_255 = arith.cmpi ne, %rem3A_253, %ne3A_254 : i32
    %and3A_256 = arith.andi %ne3A_252, %ne3A_255 : i1
    %sub3A_257 = arith.constant 1 : i32
    %sub3A_258 = arith.subi %div3A_237, %sub3A_257 : i32
    %select_n3A_259 = arith.select %and3A_256, %sub3A_258, %div3A_237 : i32
    %ne3A_260 = arith.cmpi ne, %select_n3A_259, %select_n3A_227 : i32
    %convert_element_type3A_261 = arith.extui %ne3A_260 : i1 to i32
    %cond3A_262 = arith.constant 0 : i32
    %cond3A_263 = arith.cmpi ne, %convert_element_type3A_261, %cond3A_262 : i32
    scf.if %cond3A_263 {
      %jit3A_411 = arith.constant 14 : i32
      %eq3A = arith.constant 0 : i32
      %eq3A_412 = arith.cmpi eq, %jit3A_411, %eq3A : i32
      %jit3A_413 = arith.constant 1 : i32
      %select_n3A_414 = arith.select %eq3A_412, %jit3A_413, %jit3A_411 : i32
      %rem3A_415 = arith.remsi %add3A_233, %select_n3A_414 : i32
      %ne3A_416 = arith.constant 0 : i32
      %ne3A_417 = arith.cmpi ne, %rem3A_415, %ne3A_416 : i32
      %lt3A = arith.constant 0 : i32
      %lt3A_418 = arith.cmpi slt, %rem3A_415, %lt3A : i32
      %lt3A_419 = arith.constant 0 : i32
      %lt3A_420 = arith.cmpi slt, %select_n3A_414, %lt3A_419 : i32
      %ne3A_421 = arith.xori %lt3A_418, %lt3A_420 : i1
      %and3A_422 = arith.andi %ne3A_421, %ne3A_417 : i1
      %add3A_423 = arith.addi %rem3A_415, %select_n3A_414 : i32
      %select_n3A_424 = arith.select %and3A_422, %add3A_423, %rem3A_415 : i32
      %mul3A_425 = arith.constant 128 : i32
      %mul3A_426 = arith.muli %select_n3A_259, %mul3A_425 : i32
      %multiple_of3A = tpu.assume_multiple %mul3A_426, 128 : i32
      %dma_start3A = arith.constant 0 : i32
      %dma_start3A_427 = arith.constant 0 : i32
      %dma_start3A_428 = tpu.memref_slice %arg6[%select_n3A_424, %dma_start3A, %dma_start3A_427] : memref<14x64x128xf32, #tpu.memory_space<vmem>> -> memref<1x64x128xf32, #tpu.memory_space<vmem>>
      %dma_start3A_429 = tpu.memref_squeeze %dma_start3A_428 : memref<1x64x128xf32, #tpu.memory_space<vmem>> -> memref<64x128xf32, #tpu.memory_space<vmem>>
      %dma_start3A_430 = arith.constant 0 : i32
      %dma_start3A_431 = tpu.memref_slice %arg3[%dma_start3A_430, %multiple_of3A] : memref<64x1000000xf32, #tpu.memory_space<hbm>> -> memref<64x128xf32, #tpu.memory_space<hbm>>
      %dma_start3A_432 = arith.constant 0 : i32
      %dma_start3A_433 = arith.constant 0 : i32
      %dma_start3A_434 = tpu.memref_slice %arg6[%select_n3A_424, %dma_start3A_432, %dma_start3A_433] : memref<14x64x128xf32, #tpu.memory_space<vmem>> -> memref<1x64x128xf32, #tpu.memory_space<vmem>>
      %dma_start3A_435 = tpu.memref_squeeze %dma_start3A_434 : memref<1x64x128xf32, #tpu.memory_space<vmem>> -> memref<64x128xf32, #tpu.memory_space<vmem>>
      %dma_start3A_436 = arith.constant 0 : i32
      %dma_start3A_437 = tpu.memref_slice %arg3[%dma_start3A_436, %multiple_of3A] : memref<64x1000000xf32, #tpu.memory_space<hbm>> -> memref<64x128xf32, #tpu.memory_space<hbm>>
      tpu.enqueue_dma source(%dma_start3A_437 : memref<64x128xf32, #tpu.memory_space<hbm>>) target(%dma_start3A_435 : memref<64x128xf32, #tpu.memory_space<vmem>>) target_semaphore(%arg8 : memref<!tpu.dma_semaphore, #tpu.memory_space<semaphore_mem>>)
    } else {
    }
    %convert_element_type3A_264 = arith.extui %ne3A_260 : i1 to i32
    %add3A_265 = arith.addi %add3A_233, %convert_element_type3A_264 : i32
    %slice3A_266 = vector.extract_strided_slice %get3A_18 {offsets = [8], sizes = [1], strides = [1]} : vector<16xi32> to vector<1xi32>
    %squeeze3A_267 = vector.extract %slice3A_266[0] : i32 from vector<1xi32>
    %jit3A_268 = arith.constant 128 : i32
    %div3A_269 = arith.divsi %squeeze3A_267, %jit3A_268 : i32
    %sign3A_270 = arith.constant 0 : i32
    %sign3A_271 = arith.cmpi sgt, %squeeze3A_267, %sign3A_270 : i32
    %sign3A_272 = arith.extui %sign3A_271 : i1 to i32
    %sign3A_273 = arith.constant 0 : i32
    %sign3A_274 = arith.cmpi slt, %squeeze3A_267, %sign3A_273 : i32
    %sign3A_275 = arith.extui %sign3A_274 : i1 to i32
    %sign3A_276 = arith.subi %sign3A_272, %sign3A_275 : i32
    %sign3A_277 = arith.constant 0 : i32
    %sign3A_278 = arith.cmpi sgt, %jit3A_268, %sign3A_277 : i32
    %sign3A_279 = arith.extui %sign3A_278 : i1 to i32
    %sign3A_280 = arith.constant 0 : i32
    %sign3A_281 = arith.cmpi slt, %jit3A_268, %sign3A_280 : i32
    %sign3A_282 = arith.extui %sign3A_281 : i1 to i32
    %sign3A_283 = arith.subi %sign3A_279, %sign3A_282 : i32
    %ne3A_284 = arith.cmpi ne, %sign3A_276, %sign3A_283 : i32
    %rem3A_285 = arith.remsi %squeeze3A_267, %jit3A_268 : i32
    %ne3A_286 = arith.constant 0 : i32
    %ne3A_287 = arith.cmpi ne, %rem3A_285, %ne3A_286 : i32
    %and3A_288 = arith.andi %ne3A_284, %ne3A_287 : i1
    %sub3A_289 = arith.constant 1 : i32
    %sub3A_290 = arith.subi %div3A_269, %sub3A_289 : i32
    %select_n3A_291 = arith.select %and3A_288, %sub3A_290, %div3A_269 : i32
    %ne3A_292 = arith.cmpi ne, %select_n3A_291, %select_n3A_259 : i32
    %convert_element_type3A_293 = arith.extui %ne3A_292 : i1 to i32
    %cond3A_294 = arith.constant 0 : i32
    %cond3A_295 = arith.cmpi ne, %convert_element_type3A_293, %cond3A_294 : i32
    scf.if %cond3A_295 {
      %jit3A_411 = arith.constant 14 : i32
      %eq3A = arith.constant 0 : i32
      %eq3A_412 = arith.cmpi eq, %jit3A_411, %eq3A : i32
      %jit3A_413 = arith.constant 1 : i32
      %select_n3A_414 = arith.select %eq3A_412, %jit3A_413, %jit3A_411 : i32
      %rem3A_415 = arith.remsi %add3A_265, %select_n3A_414 : i32
      %ne3A_416 = arith.constant 0 : i32
      %ne3A_417 = arith.cmpi ne, %rem3A_415, %ne3A_416 : i32
      %lt3A = arith.constant 0 : i32
      %lt3A_418 = arith.cmpi slt, %rem3A_415, %lt3A : i32
      %lt3A_419 = arith.constant 0 : i32
      %lt3A_420 = arith.cmpi slt, %select_n3A_414, %lt3A_419 : i32
      %ne3A_421 = arith.xori %lt3A_418, %lt3A_420 : i1
      %and3A_422 = arith.andi %ne3A_421, %ne3A_417 : i1
      %add3A_423 = arith.addi %rem3A_415, %select_n3A_414 : i32
      %select_n3A_424 = arith.select %and3A_422, %add3A_423, %rem3A_415 : i32
      %mul3A_425 = arith.constant 128 : i32
      %mul3A_426 = arith.muli %select_n3A_291, %mul3A_425 : i32
      %multiple_of3A = tpu.assume_multiple %mul3A_426, 128 : i32
      %dma_start3A = arith.constant 0 : i32
      %dma_start3A_427 = arith.constant 0 : i32
      %dma_start3A_428 = tpu.memref_slice %arg6[%select_n3A_424, %dma_start3A, %dma_start3A_427] : memref<14x64x128xf32, #tpu.memory_space<vmem>> -> memref<1x64x128xf32, #tpu.memory_space<vmem>>
      %dma_start3A_429 = tpu.memref_squeeze %dma_start3A_428 : memref<1x64x128xf32, #tpu.memory_space<vmem>> -> memref<64x128xf32, #tpu.memory_space<vmem>>
      %dma_start3A_430 = arith.constant 0 : i32
      %dma_start3A_431 = tpu.memref_slice %arg3[%dma_start3A_430, %multiple_of3A] : memref<64x1000000xf32, #tpu.memory_space<hbm>> -> memref<64x128xf32, #tpu.memory_space<hbm>>
      %dma_start3A_432 = arith.constant 0 : i32
      %dma_start3A_433 = arith.constant 0 : i32
      %dma_start3A_434 = tpu.memref_slice %arg6[%select_n3A_424, %dma_start3A_432, %dma_start3A_433] : memref<14x64x128xf32, #tpu.memory_space<vmem>> -> memref<1x64x128xf32, #tpu.memory_space<vmem>>
      %dma_start3A_435 = tpu.memref_squeeze %dma_start3A_434 : memref<1x64x128xf32, #tpu.memory_space<vmem>> -> memref<64x128xf32, #tpu.memory_space<vmem>>
      %dma_start3A_436 = arith.constant 0 : i32
      %dma_start3A_437 = tpu.memref_slice %arg3[%dma_start3A_436, %multiple_of3A] : memref<64x1000000xf32, #tpu.memory_space<hbm>> -> memref<64x128xf32, #tpu.memory_space<hbm>>
      tpu.enqueue_dma source(%dma_start3A_437 : memref<64x128xf32, #tpu.memory_space<hbm>>) target(%dma_start3A_435 : memref<64x128xf32, #tpu.memory_space<vmem>>) target_semaphore(%arg8 : memref<!tpu.dma_semaphore, #tpu.memory_space<semaphore_mem>>)
    } else {
    }
    %convert_element_type3A_296 = arith.extui %ne3A_292 : i1 to i32
    %add3A_297 = arith.addi %add3A_265, %convert_element_type3A_296 : i32
    %slice3A_298 = vector.extract_strided_slice %get3A_18 {offsets = [9], sizes = [1], strides = [1]} : vector<16xi32> to vector<1xi32>
    %squeeze3A_299 = vector.extract %slice3A_298[0] : i32 from vector<1xi32>
    %jit3A_300 = arith.constant 128 : i32
    %div3A_301 = arith.divsi %squeeze3A_299, %jit3A_300 : i32
    %sign3A_302 = arith.constant 0 : i32
    %sign3A_303 = arith.cmpi sgt, %squeeze3A_299, %sign3A_302 : i32
    %sign3A_304 = arith.extui %sign3A_303 : i1 to i32
    %sign3A_305 = arith.constant 0 : i32
    %sign3A_306 = arith.cmpi slt, %squeeze3A_299, %sign3A_305 : i32
    %sign3A_307 = arith.extui %sign3A_306 : i1 to i32
    %sign3A_308 = arith.subi %sign3A_304, %sign3A_307 : i32
    %sign3A_309 = arith.constant 0 : i32
    %sign3A_310 = arith.cmpi sgt, %jit3A_300, %sign3A_309 : i32
    %sign3A_311 = arith.extui %sign3A_310 : i1 to i32
    %sign3A_312 = arith.constant 0 : i32
    %sign3A_313 = arith.cmpi slt, %jit3A_300, %sign3A_312 : i32
    %sign3A_314 = arith.extui %sign3A_313 : i1 to i32
    %sign3A_315 = arith.subi %sign3A_311, %sign3A_314 : i32
    %ne3A_316 = arith.cmpi ne, %sign3A_308, %sign3A_315 : i32
    %rem3A_317 = arith.remsi %squeeze3A_299, %jit3A_300 : i32
    %ne3A_318 = arith.constant 0 : i32
    %ne3A_319 = arith.cmpi ne, %rem3A_317, %ne3A_318 : i32
    %and3A_320 = arith.andi %ne3A_316, %ne3A_319 : i1
    %sub3A_321 = arith.constant 1 : i32
    %sub3A_322 = arith.subi %div3A_301, %sub3A_321 : i32
    %select_n3A_323 = arith.select %and3A_320, %sub3A_322, %div3A_301 : i32
    %ne3A_324 = arith.cmpi ne, %select_n3A_323, %select_n3A_291 : i32
    %convert_element_type3A_325 = arith.extui %ne3A_324 : i1 to i32
    %cond3A_326 = arith.constant 0 : i32
    %cond3A_327 = arith.cmpi ne, %convert_element_type3A_325, %cond3A_326 : i32
    scf.if %cond3A_327 {
      %jit3A_411 = arith.constant 14 : i32
      %eq3A = arith.constant 0 : i32
      %eq3A_412 = arith.cmpi eq, %jit3A_411, %eq3A : i32
      %jit3A_413 = arith.constant 1 : i32
      %select_n3A_414 = arith.select %eq3A_412, %jit3A_413, %jit3A_411 : i32
      %rem3A_415 = arith.remsi %add3A_297, %select_n3A_414 : i32
      %ne3A_416 = arith.constant 0 : i32
      %ne3A_417 = arith.cmpi ne, %rem3A_415, %ne3A_416 : i32
      %lt3A = arith.constant 0 : i32
      %lt3A_418 = arith.cmpi slt, %rem3A_415, %lt3A : i32
      %lt3A_419 = arith.constant 0 : i32
      %lt3A_420 = arith.cmpi slt, %select_n3A_414, %lt3A_419 : i32
      %ne3A_421 = arith.xori %lt3A_418, %lt3A_420 : i1
      %and3A_422 = arith.andi %ne3A_421, %ne3A_417 : i1
      %add3A_423 = arith.addi %rem3A_415, %select_n3A_414 : i32
      %select_n3A_424 = arith.select %and3A_422, %add3A_423, %rem3A_415 : i32
      %mul3A_425 = arith.constant 128 : i32
      %mul3A_426 = arith.muli %select_n3A_323, %mul3A_425 : i32
      %multiple_of3A = tpu.assume_multiple %mul3A_426, 128 : i32
      %dma_start3A = arith.constant 0 : i32
      %dma_start3A_427 = arith.constant 0 : i32
      %dma_start3A_428 = tpu.memref_slice %arg6[%select_n3A_424, %dma_start3A, %dma_start3A_427] : memref<14x64x128xf32, #tpu.memory_space<vmem>> -> memref<1x64x128xf32, #tpu.memory_space<vmem>>
      %dma_start3A_429 = tpu.memref_squeeze %dma_start3A_428 : memref<1x64x128xf32, #tpu.memory_space<vmem>> -> memref<64x128xf32, #tpu.memory_space<vmem>>
      %dma_start3A_430 = arith.constant 0 : i32
      %dma_start3A_431 = tpu.memref_slice %arg3[%dma_start3A_430, %multiple_of3A] : memref<64x1000000xf32, #tpu.memory_space<hbm>> -> memref<64x128xf32, #tpu.memory_space<hbm>>
      %dma_start3A_432 = arith.constant 0 : i32
      %dma_start3A_433 = arith.constant 0 : i32
      %dma_start3A_434 = tpu.memref_slice %arg6[%select_n3A_424, %dma_start3A_432, %dma_start3A_433] : memref<14x64x128xf32, #tpu.memory_space<vmem>> -> memref<1x64x128xf32, #tpu.memory_space<vmem>>
      %dma_start3A_435 = tpu.memref_squeeze %dma_start3A_434 : memref<1x64x128xf32, #tpu.memory_space<vmem>> -> memref<64x128xf32, #tpu.memory_space<vmem>>
      %dma_start3A_436 = arith.constant 0 : i32
      %dma_start3A_437 = tpu.memref_slice %arg3[%dma_start3A_436, %multiple_of3A] : memref<64x1000000xf32, #tpu.memory_space<hbm>> -> memref<64x128xf32, #tpu.memory_space<hbm>>
      tpu.enqueue_dma source(%dma_start3A_437 : memref<64x128xf32, #tpu.memory_space<hbm>>) target(%dma_start3A_435 : memref<64x128xf32, #tpu.memory_space<vmem>>) target_semaphore(%arg8 : memref<!tpu.dma_semaphore, #tpu.memory_space<semaphore_mem>>)
    } else {
    }
    %convert_element_type3A_328 = arith.extui %ne3A_324 : i1 to i32
    %add3A_329 = arith.addi %add3A_297, %convert_element_type3A_328 : i32
    %slice3A_330 = vector.extract_strided_slice %get3A_18 {offsets = [10], sizes = [1], strides = [1]} : vector<16xi32> to vector<1xi32>
    %squeeze3A_331 = vector.extract %slice3A_330[0] : i32 from vector<1xi32>
    %jit3A_332 = arith.constant 128 : i32
    %div3A_333 = arith.divsi %squeeze3A_331, %jit3A_332 : i32
    %sign3A_334 = arith.constant 0 : i32
    %sign3A_335 = arith.cmpi sgt, %squeeze3A_331, %sign3A_334 : i32
    %sign3A_336 = arith.extui %sign3A_335 : i1 to i32
    %sign3A_337 = arith.constant 0 : i32
    %sign3A_338 = arith.cmpi slt, %squeeze3A_331, %sign3A_337 : i32
    %sign3A_339 = arith.extui %sign3A_338 : i1 to i32
    %sign3A_340 = arith.subi %sign3A_336, %sign3A_339 : i32
    %sign3A_341 = arith.constant 0 : i32
    %sign3A_342 = arith.cmpi sgt, %jit3A_332, %sign3A_341 : i32
    %sign3A_343 = arith.extui %sign3A_342 : i1 to i32
    %sign3A_344 = arith.constant 0 : i32
    %sign3A_345 = arith.cmpi slt, %jit3A_332, %sign3A_344 : i32
    %sign3A_346 = arith.extui %sign3A_345 : i1 to i32
    %sign3A_347 = arith.subi %sign3A_343, %sign3A_346 : i32
    %ne3A_348 = arith.cmpi ne, %sign3A_340, %sign3A_347 : i32
    %rem3A_349 = arith.remsi %squeeze3A_331, %jit3A_332 : i32
    %ne3A_350 = arith.constant 0 : i32
    %ne3A_351 = arith.cmpi ne, %rem3A_349, %ne3A_350 : i32
    %and3A_352 = arith.andi %ne3A_348, %ne3A_351 : i1
    %sub3A_353 = arith.constant 1 : i32
    %sub3A_354 = arith.subi %div3A_333, %sub3A_353 : i32
    %select_n3A_355 = arith.select %and3A_352, %sub3A_354, %div3A_333 : i32
    %ne3A_356 = arith.cmpi ne, %select_n3A_355, %select_n3A_323 : i32
    %convert_element_type3A_357 = arith.extui %ne3A_356 : i1 to i32
    %cond3A_358 = arith.constant 0 : i32
    %cond3A_359 = arith.cmpi ne, %convert_element_type3A_357, %cond3A_358 : i32
    scf.if %cond3A_359 {
      %jit3A_411 = arith.constant 14 : i32
      %eq3A = arith.constant 0 : i32
      %eq3A_412 = arith.cmpi eq, %jit3A_411, %eq3A : i32
      %jit3A_413 = arith.constant 1 : i32
      %select_n3A_414 = arith.select %eq3A_412, %jit3A_413, %jit3A_411 : i32
      %rem3A_415 = arith.remsi %add3A_329, %select_n3A_414 : i32
      %ne3A_416 = arith.constant 0 : i32
      %ne3A_417 = arith.cmpi ne, %rem3A_415, %ne3A_416 : i32
      %lt3A = arith.constant 0 : i32
      %lt3A_418 = arith.cmpi slt, %rem3A_415, %lt3A : i32
      %lt3A_419 = arith.constant 0 : i32
      %lt3A_420 = arith.cmpi slt, %select_n3A_414, %lt3A_419 : i32
      %ne3A_421 = arith.xori %lt3A_418, %lt3A_420 : i1
      %and3A_422 = arith.andi %ne3A_421, %ne3A_417 : i1
      %add3A_423 = arith.addi %rem3A_415, %select_n3A_414 : i32
      %select_n3A_424 = arith.select %and3A_422, %add3A_423, %rem3A_415 : i32
      %mul3A_425 = arith.constant 128 : i32
      %mul3A_426 = arith.muli %select_n3A_355, %mul3A_425 : i32
      %multiple_of3A = tpu.assume_multiple %mul3A_426, 128 : i32
      %dma_start3A = arith.constant 0 : i32
      %dma_start3A_427 = arith.constant 0 : i32
      %dma_start3A_428 = tpu.memref_slice %arg6[%select_n3A_424, %dma_start3A, %dma_start3A_427] : memref<14x64x128xf32, #tpu.memory_space<vmem>> -> memref<1x64x128xf32, #tpu.memory_space<vmem>>
      %dma_start3A_429 = tpu.memref_squeeze %dma_start3A_428 : memref<1x64x128xf32, #tpu.memory_space<vmem>> -> memref<64x128xf32, #tpu.memory_space<vmem>>
      %dma_start3A_430 = arith.constant 0 : i32
      %dma_start3A_431 = tpu.memref_slice %arg3[%dma_start3A_430, %multiple_of3A] : memref<64x1000000xf32, #tpu.memory_space<hbm>> -> memref<64x128xf32, #tpu.memory_space<hbm>>
      %dma_start3A_432 = arith.constant 0 : i32
      %dma_start3A_433 = arith.constant 0 : i32
      %dma_start3A_434 = tpu.memref_slice %arg6[%select_n3A_424, %dma_start3A_432, %dma_start3A_433] : memref<14x64x128xf32, #tpu.memory_space<vmem>> -> memref<1x64x128xf32, #tpu.memory_space<vmem>>
      %dma_start3A_435 = tpu.memref_squeeze %dma_start3A_434 : memref<1x64x128xf32, #tpu.memory_space<vmem>> -> memref<64x128xf32, #tpu.memory_space<vmem>>
      %dma_start3A_436 = arith.constant 0 : i32
      %dma_start3A_437 = tpu.memref_slice %arg3[%dma_start3A_436, %multiple_of3A] : memref<64x1000000xf32, #tpu.memory_space<hbm>> -> memref<64x128xf32, #tpu.memory_space<hbm>>
      tpu.enqueue_dma source(%dma_start3A_437 : memref<64x128xf32, #tpu.memory_space<hbm>>) target(%dma_start3A_435 : memref<64x128xf32, #tpu.memory_space<vmem>>) target_semaphore(%arg8 : memref<!tpu.dma_semaphore, #tpu.memory_space<semaphore_mem>>)
    } else {
    }
    %convert_element_type3A_360 = arith.extui %ne3A_356 : i1 to i32
    %add3A_361 = arith.addi %add3A_329, %convert_element_type3A_360 : i32
    %slice3A_362 = vector.extract_strided_slice %get3A_18 {offsets = [11], sizes = [1], strides = [1]} : vector<16xi32> to vector<1xi32>
    %squeeze3A_363 = vector.extract %slice3A_362[0] : i32 from vector<1xi32>
    %jit3A_364 = arith.constant 128 : i32
    %div3A_365 = arith.divsi %squeeze3A_363, %jit3A_364 : i32
    %sign3A_366 = arith.constant 0 : i32
    %sign3A_367 = arith.cmpi sgt, %squeeze3A_363, %sign3A_366 : i32
    %sign3A_368 = arith.extui %sign3A_367 : i1 to i32
    %sign3A_369 = arith.constant 0 : i32
    %sign3A_370 = arith.cmpi slt, %squeeze3A_363, %sign3A_369 : i32
    %sign3A_371 = arith.extui %sign3A_370 : i1 to i32
    %sign3A_372 = arith.subi %sign3A_368, %sign3A_371 : i32
    %sign3A_373 = arith.constant 0 : i32
    %sign3A_374 = arith.cmpi sgt, %jit3A_364, %sign3A_373 : i32
    %sign3A_375 = arith.extui %sign3A_374 : i1 to i32
    %sign3A_376 = arith.constant 0 : i32
    %sign3A_377 = arith.cmpi slt, %jit3A_364, %sign3A_376 : i32
    %sign3A_378 = arith.extui %sign3A_377 : i1 to i32
    %sign3A_379 = arith.subi %sign3A_375, %sign3A_378 : i32
    %ne3A_380 = arith.cmpi ne, %sign3A_372, %sign3A_379 : i32
    %rem3A_381 = arith.remsi %squeeze3A_363, %jit3A_364 : i32
    %ne3A_382 = arith.constant 0 : i32
    %ne3A_383 = arith.cmpi ne, %rem3A_381, %ne3A_382 : i32
    %and3A_384 = arith.andi %ne3A_380, %ne3A_383 : i1
    %sub3A_385 = arith.constant 1 : i32
    %sub3A_386 = arith.subi %div3A_365, %sub3A_385 : i32
    %select_n3A_387 = arith.select %and3A_384, %sub3A_386, %div3A_365 : i32
    %ne3A_388 = arith.cmpi ne, %select_n3A_387, %select_n3A_355 : i32
    %convert_element_type3A_389 = arith.extui %ne3A_388 : i1 to i32
    %cond3A_390 = arith.constant 0 : i32
    %cond3A_391 = arith.cmpi ne, %convert_element_type3A_389, %cond3A_390 : i32
    scf.if %cond3A_391 {
      %jit3A_411 = arith.constant 14 : i32
      %eq3A = arith.constant 0 : i32
      %eq3A_412 = arith.cmpi eq, %jit3A_411, %eq3A : i32
      %jit3A_413 = arith.constant 1 : i32
      %select_n3A_414 = arith.select %eq3A_412, %jit3A_413, %jit3A_411 : i32
      %rem3A_415 = arith.remsi %add3A_361, %select_n3A_414 : i32
      %ne3A_416 = arith.constant 0 : i32
      %ne3A_417 = arith.cmpi ne, %rem3A_415, %ne3A_416 : i32
      %lt3A = arith.constant 0 : i32
      %lt3A_418 = arith.cmpi slt, %rem3A_415, %lt3A : i32
      %lt3A_419 = arith.constant 0 : i32
      %lt3A_420 = arith.cmpi slt, %select_n3A_414, %lt3A_419 : i32
      %ne3A_421 = arith.xori %lt3A_418, %lt3A_420 : i1
      %and3A_422 = arith.andi %ne3A_421, %ne3A_417 : i1
      %add3A_423 = arith.addi %rem3A_415, %select_n3A_414 : i32
      %select_n3A_424 = arith.select %and3A_422, %add3A_423, %rem3A_415 : i32
      %mul3A_425 = arith.constant 128 : i32
      %mul3A_426 = arith.muli %select_n3A_387, %mul3A_425 : i32
      %multiple_of3A = tpu.assume_multiple %mul3A_426, 128 : i32
      %dma_start3A = arith.constant 0 : i32
      %dma_start3A_427 = arith.constant 0 : i32
      %dma_start3A_428 = tpu.memref_slice %arg6[%select_n3A_424, %dma_start3A, %dma_start3A_427] : memref<14x64x128xf32, #tpu.memory_space<vmem>> -> memref<1x64x128xf32, #tpu.memory_space<vmem>>
      %dma_start3A_429 = tpu.memref_squeeze %dma_start3A_428 : memref<1x64x128xf32, #tpu.memory_space<vmem>> -> memref<64x128xf32, #tpu.memory_space<vmem>>
      %dma_start3A_430 = arith.constant 0 : i32
      %dma_start3A_431 = tpu.memref_slice %arg3[%dma_start3A_430, %multiple_of3A] : memref<64x1000000xf32, #tpu.memory_space<hbm>> -> memref<64x128xf32, #tpu.memory_space<hbm>>
      %dma_start3A_432 = arith.constant 0 : i32
      %dma_start3A_433 = arith.constant 0 : i32
      %dma_start3A_434 = tpu.memref_slice %arg6[%select_n3A_424, %dma_start3A_432, %dma_start3A_433] : memref<14x64x128xf32, #tpu.memory_space<vmem>> -> memref<1x64x128xf32, #tpu.memory_space<vmem>>
      %dma_start3A_435 = tpu.memref_squeeze %dma_start3A_434 : memref<1x64x128xf32, #tpu.memory_space<vmem>> -> memref<64x128xf32, #tpu.memory_space<vmem>>
      %dma_start3A_436 = arith.constant 0 : i32
      %dma_start3A_437 = tpu.memref_slice %arg3[%dma_start3A_436, %multiple_of3A] : memref<64x1000000xf32, #tpu.memory_space<hbm>> -> memref<64x128xf32, #tpu.memory_space<hbm>>
      tpu.enqueue_dma source(%dma_start3A_437 : memref<64x128xf32, #tpu.memory_space<hbm>>) target(%dma_start3A_435 : memref<64x128xf32, #tpu.memory_space<vmem>>) target_semaphore(%arg8 : memref<!tpu.dma_semaphore, #tpu.memory_space<semaphore_mem>>)
    } else {
    }
    %convert_element_type3A_392 = arith.extui %ne3A_388 : i1 to i32
    %add3A_393 = arith.addi %add3A_361, %convert_element_type3A_392 : i32
    %scan3A = arith.constant 0 : i32
    %scan3A_394 = arith.constant -1 : i32
    %scan3A_395 = arith.constant 0 : i32
    %scan3A_396 = arith.constant 32 : i32
    %scan3A_397 = arith.addi %scan3A_395, %scan3A_396 : i32
    %scan3A_398 = arith.constant 1 : i32
    %scan3A_399:4 = scf.for %scan3A_411 = %scan3A_395 to %scan3A_397 step %scan3A_398 iter_args(%scan3A_412 = %add3A_393, %scan3A_413 = %select_n3A_387, %scan3A_414 = %scan3A, %scan3A_415 = %scan3A_394) -> (i32, i32, i32, i32)  : i32 {
      %mul3A_416 = arith.constant 16 : i32
      %mul3A_417 = arith.muli %scan3A_411, %mul3A_416 : i32
      %get3A_418 = arith.index_cast %mul3A_417 : i32 to index
      %get3A_419 = tpu.vector_load %arg5[%get3A_418] {strides = array<i32>} : memref<528xi32, #tpu.memory_space<vmem>>, vector<16xi32>,
      %mul3A_420 = arith.constant 16 : i32
      %mul3A_421 = arith.muli %scan3A_411, %mul3A_420 : i32
      %add3A_422 = arith.constant 16 : i32
      %add3A_423 = arith.addi %mul3A_421, %add3A_422 : i32
      %get3A_424 = arith.index_cast %add3A_423 : i32 to index
      %get3A_425 = tpu.vector_load %arg5[%get3A_424] {strides = array<i32>} : memref<528xi32, #tpu.memory_space<vmem>>, vector<16xi32>,
      %slice3A_426 = vector.extract_strided_slice %get3A_419 {offsets = [0], sizes = [1], strides = [1]} : vector<16xi32> to vector<1xi32>
      %squeeze3A_427 = vector.extract %slice3A_426[0] : i32 from vector<1xi32>
      %jit3A_428 = arith.constant 128 : i32
      %div3A_429 = arith.divsi %squeeze3A_427, %jit3A_428 : i32
      %sign3A_430 = arith.constant 0 : i32
      %sign3A_431 = arith.cmpi sgt, %squeeze3A_427, %sign3A_430 : i32
      %sign3A_432 = arith.extui %sign3A_431 : i1 to i32
      %sign3A_433 = arith.constant 0 : i32
      %sign3A_434 = arith.cmpi slt, %squeeze3A_427, %sign3A_433 : i32
      %sign3A_435 = arith.extui %sign3A_434 : i1 to i32
      %sign3A_436 = arith.subi %sign3A_432, %sign3A_435 : i32
      %sign3A_437 = arith.constant 0 : i32
      %sign3A_438 = arith.cmpi sgt, %jit3A_428, %sign3A_437 : i32
      %sign3A_439 = arith.extui %sign3A_438 : i1 to i32
      %sign3A_440 = arith.constant 0 : i32
      %sign3A_441 = arith.cmpi slt, %jit3A_428, %sign3A_440 : i32
      %sign3A_442 = arith.extui %sign3A_441 : i1 to i32
      %sign3A_443 = arith.subi %sign3A_439, %sign3A_442 : i32
      %ne3A_444 = arith.cmpi ne, %sign3A_436, %sign3A_443 : i32
      %rem3A_445 = arith.remsi %squeeze3A_427, %jit3A_428 : i32
      %ne3A_446 = arith.constant 0 : i32
      %ne3A_447 = arith.cmpi ne, %rem3A_445, %ne3A_446 : i32
      %and3A_448 = arith.andi %ne3A_444, %ne3A_447 : i1
      %sub3A_449 = arith.constant 1 : i32
      %sub3A_450 = arith.subi %div3A_429, %sub3A_449 : i32
      %select_n3A_451 = arith.select %and3A_448, %sub3A_450, %div3A_429 : i32
      %ne3A_452 = arith.cmpi ne, %select_n3A_451, %scan3A_415 : i32
      %convert_element_type3A_453 = arith.extui %ne3A_452 : i1 to i32
      %cond3A_454 = arith.constant 0 : i32
      %cond3A_455 = arith.cmpi ne, %convert_element_type3A_453, %cond3A_454 : i32
      scf.if %cond3A_455 {
        %dma_wait3A = arith.constant 0 : i32
        %dma_wait3A_2842 = arith.constant 0 : i32
        %dma_wait3A_2843 = arith.constant 0 : i32
        %dma_wait3A_2844 = tpu.memref_slice %arg6[%dma_wait3A, %dma_wait3A_2842, %dma_wait3A_2843] : memref<14x64x128xf32, #tpu.memory_space<vmem>> -> memref<1x64x128xf32, #tpu.memory_space<vmem>>
        %dma_wait3A_2845 = tpu.memref_squeeze %dma_wait3A_2844 : memref<1x64x128xf32, #tpu.memory_space<vmem>> -> memref<64x128xf32, #tpu.memory_space<vmem>>
        %dma_wait3A_2846 = arith.constant 0 : i32
        %dma_wait3A_2847 = arith.constant 0 : i32
        %dma_wait3A_2848 = tpu.memref_slice %arg3[%dma_wait3A_2846, %dma_wait3A_2847] : memref<64x1000000xf32, #tpu.memory_space<hbm>> -> memref<64x128xf32, #tpu.memory_space<hbm>>
        %dma_wait3A_2849 = arith.constant 0 : i32
        %dma_wait3A_2850 = arith.constant 0 : i32
        %dma_wait3A_2851 = tpu.memref_slice %arg6[%dma_wait3A, %dma_wait3A_2849, %dma_wait3A_2850] : memref<14x64x128xf32, #tpu.memory_space<vmem>> -> memref<1x64x128xf32, #tpu.memory_space<vmem>>
        %dma_wait3A_2852 = tpu.memref_squeeze %dma_wait3A_2851 : memref<1x64x128xf32, #tpu.memory_space<vmem>> -> memref<64x128xf32, #tpu.memory_space<vmem>>
        %dma_wait3A_2853 = arith.constant 0 : i32
        %dma_wait3A_2854 = arith.constant 0 : i32
        %dma_wait3A_2855 = tpu.memref_slice %arg3[%dma_wait3A_2853, %dma_wait3A_2854] : memref<64x1000000xf32, #tpu.memory_space<hbm>> -> memref<64x128xf32, #tpu.memory_space<hbm>>
        tpu.wait_dma2 semaphore(%arg8 : memref<!tpu.dma_semaphore, #tpu.memory_space<semaphore_mem>>) src(%dma_wait3A_2855 : memref<64x128xf32, #tpu.memory_space<hbm>>) dst(%dma_wait3A_2852 : memref<64x128xf32, #tpu.memory_space<vmem>>)
      } else {
      }
      %convert_element_type3A_456 = arith.extui %ne3A_452 : i1 to i32
      %add3A_457 = arith.addi %scan3A_414, %convert_element_type3A_456 : i32
      %mul3A_458 = arith.constant 128 : i32
      %mul3A_459 = arith.muli %select_n3A_451, %mul3A_458 : i32
      %sub3A_460 = arith.subi %squeeze3A_427, %mul3A_459 : i32
      %sub3A_461 = arith.constant 1 : i32
      %sub3A_462 = arith.subi %add3A_457, %sub3A_461 : i32
      %jit3A_463 = arith.constant 14 : i32
      %eq3A = arith.constant 0 : i32
      %eq3A_464 = arith.cmpi eq, %jit3A_463, %eq3A : i32
      %jit3A_465 = arith.constant 1 : i32
      %select_n3A_466 = arith.select %eq3A_464, %jit3A_465, %jit3A_463 : i32
      %rem3A_467 = arith.remsi %sub3A_462, %select_n3A_466 : i32
      %ne3A_468 = arith.constant 0 : i32
      %ne3A_469 = arith.cmpi ne, %rem3A_467, %ne3A_468 : i32
      %lt3A = arith.constant 0 : i32
      %lt3A_470 = arith.cmpi slt, %rem3A_467, %lt3A : i32
      %lt3A_471 = arith.constant 0 : i32
      %lt3A_472 = arith.cmpi slt, %select_n3A_466, %lt3A_471 : i32
      %ne3A_473 = arith.xori %lt3A_470, %lt3A_472 : i1
      %and3A_474 = arith.andi %ne3A_473, %ne3A_469 : i1
      %add3A_475 = arith.addi %rem3A_467, %select_n3A_466 : i32
      %select_n3A_476 = arith.select %and3A_474, %add3A_475, %rem3A_467 : i32
      %jit3A_477 = arith.constant 4 : i32
      %eq3A_478 = arith.constant 0 : i32
      %eq3A_479 = arith.cmpi eq, %jit3A_477, %eq3A_478 : i32
      %jit3A_480 = arith.constant 1 : i32
      %select_n3A_481 = arith.select %eq3A_479, %jit3A_480, %jit3A_477 : i32
      %rem3A_482 = arith.remsi %scan3A_411, %select_n3A_481 : i32
      %ne3A_483 = arith.constant 0 : i32
      %ne3A_484 = arith.cmpi ne, %rem3A_482, %ne3A_483 : i32
      %lt3A_485 = arith.constant 0 : i32
      %lt3A_486 = arith.cmpi slt, %rem3A_482, %lt3A_485 : i32
      %lt3A_487 = arith.constant 0 : i32
      %lt3A_488 = arith.cmpi slt, %select_n3A_481, %lt3A_487 : i32
      %ne3A_489 = arith.xori %lt3A_486, %lt3A_488 : i1
      %and3A_490 = arith.andi %ne3A_489, %ne3A_484 : i1
      %add3A_491 = arith.addi %rem3A_482, %select_n3A_481 : i32
      %select_n3A_492 = arith.select %and3A_490, %add3A_491, %rem3A_482 : i32
      %mul3A_493 = arith.constant 16 : i32
      %mul3A_494 = arith.muli %select_n3A_492, %mul3A_493 : i32
      %add3A_495 = arith.constant 0 : i32
      %add3A_496 = arith.addi %mul3A_494, %add3A_495 : i32
      %broadcast_in_dim3A = vector.broadcast %sub3A_460 : i32 to vector<16xi32>
      %gather3A = arith.constant 0 : i32
      %gather3A_497 = arith.constant 0 : i32
      %gather3A_498 = tpu.memref_slice %arg6[%select_n3A_476, %gather3A, %gather3A_497] : memref<14x64x128xf32, #tpu.memory_space<vmem>> -> memref<1x64x128xf32, #tpu.memory_space<vmem>>
      %gather3A_499 = tpu.memref_squeeze %gather3A_498 : memref<1x64x128xf32, #tpu.memory_space<vmem>> -> memref<64x128xf32, #tpu.memory_space<vmem>>
      %gather3A_500 = tpu.vector_load_idx %gather3A_499[%add3A_5, %broadcast_in_dim3A] : memref<64x128xf32, #tpu.memory_space<vmem>>[vector<16xi32>, vector<16xi32>], vector<16xf32>,
      %mul3A_501 = arith.constant 64 : i32
      %mul3A_502 = arith.muli %add3A_496, %mul3A_501 : i32
      %add3A_503 = arith.constant 0 : i32
      %add3A_504 = arith.addi %mul3A_502, %add3A_503 : i32
      %swap3A = arith.index_cast %add3A_504 : i32 to index
      %swap3A_505 = tpu.vector_load %arg7[%swap3A] {strides = array<i32>} : memref<4096xf32, #tpu.memory_space<vmem>>, vector<16xf32>,
      tpu.vector_store %arg7[%swap3A], %gather3A_500 {strides = array<i32>} : memref<4096xf32, #tpu.memory_space<vmem>>, vector<16xf32>,
      %gather3A_506 = arith.constant 0 : i32
      %gather3A_507 = arith.constant 0 : i32
      %gather3A_508 = tpu.memref_slice %arg6[%select_n3A_476, %gather3A_506, %gather3A_507] : memref<14x64x128xf32, #tpu.memory_space<vmem>> -> memref<1x64x128xf32, #tpu.memory_space<vmem>>
      %gather3A_509 = tpu.memref_squeeze %gather3A_508 : memref<1x64x128xf32, #tpu.memory_space<vmem>> -> memref<64x128xf32, #tpu.memory_space<vmem>>
      %gather3A_510 = tpu.vector_load_idx %gather3A_509[%add3A_9, %broadcast_in_dim3A] : memref<64x128xf32, #tpu.memory_space<vmem>>[vector<16xi32>, vector<16xi32>], vector<16xf32>,
      %mul3A_511 = arith.constant 64 : i32
      %mul3A_512 = arith.muli %add3A_496, %mul3A_511 : i32
      %add3A_513 = arith.constant 16 : i32
      %add3A_514 = arith.addi %mul3A_512, %add3A_513 : i32
      %swap3A_515 = arith.index_cast %add3A_514 : i32 to index
      %swap3A_516 = tpu.vector_load %arg7[%swap3A_515] {strides = array<i32>} : memref<4096xf32, #tpu.memory_space<vmem>>, vector<16xf32>,
      tpu.vector_store %arg7[%swap3A_515], %gather3A_510 {strides = array<i32>} : memref<4096xf32, #tpu.memory_space<vmem>>, vector<16xf32>,
      %gather3A_517 = arith.constant 0 : i32
      %gather3A_518 = arith.constant 0 : i32
      %gather3A_519 = tpu.memref_slice %arg6[%select_n3A_476, %gather3A_517, %gather3A_518] : memref<14x64x128xf32, #tpu.memory_space<vmem>> -> memref<1x64x128xf32, #tpu.memory_space<vmem>>
      %gather3A_520 = tpu.memref_squeeze %gather3A_519 : memref<1x64x128xf32, #tpu.memory_space<vmem>> -> memref<64x128xf32, #tpu.memory_space<vmem>>
      %gather3A_521 = tpu.vector_load_idx %gather3A_520[%add3A_13, %broadcast_in_dim3A] : memref<64x128xf32, #tpu.memory_space<vmem>>[vector<16xi32>, vector<16xi32>], vector<16xf32>,
      %mul3A_522 = arith.constant 64 : i32
      %mul3A_523 = arith.muli %add3A_496, %mul3A_522 : i32
      %add3A_524 = arith.constant 32 : i32
      %add3A_525 = arith.addi %mul3A_523, %add3A_524 : i32
      %swap3A_526 = arith.index_cast %add3A_525 : i32 to index
      %swap3A_527 = tpu.vector_load %arg7[%swap3A_526] {strides = array<i32>} : memref<4096xf32, #tpu.memory_space<vmem>>, vector<16xf32>,
      tpu.vector_store %arg7[%swap3A_526], %gather3A_521 {strides = array<i32>} : memref<4096xf32, #tpu.memory_space<vmem>>, vector<16xf32>,
      %gather3A_528 = arith.constant 0 : i32
      %gather3A_529 = arith.constant 0 : i32
      %gather3A_530 = tpu.memref_slice %arg6[%select_n3A_476, %gather3A_528, %gather3A_529] : memref<14x64x128xf32, #tpu.memory_space<vmem>> -> memref<1x64x128xf32, #tpu.memory_space<vmem>>
      %gather3A_531 = tpu.memref_squeeze %gather3A_530 : memref<1x64x128xf32, #tpu.memory_space<vmem>> -> memref<64x128xf32, #tpu.memory_space<vmem>>
      %gather3A_532 = tpu.vector_load_idx %gather3A_531[%add3A_17, %broadcast_in_dim3A] : memref<64x128xf32, #tpu.memory_space<vmem>>[vector<16xi32>, vector<16xi32>], vector<16xf32>,
      %mul3A_533 = arith.constant 64 : i32
      %mul3A_534 = arith.muli %add3A_496, %mul3A_533 : i32
      %add3A_535 = arith.constant 48 : i32
      %add3A_536 = arith.addi %mul3A_534, %add3A_535 : i32
      %swap3A_537 = arith.index_cast %add3A_536 : i32 to index
      %swap3A_538 = tpu.vector_load %arg7[%swap3A_537] {strides = array<i32>} : memref<4096xf32, #tpu.memory_space<vmem>>, vector<16xf32>,
      tpu.vector_store %arg7[%swap3A_537], %gather3A_532 {strides = array<i32>} : memref<4096xf32, #tpu.memory_space<vmem>>, vector<16xf32>,
      %slice3A_539 = vector.extract_strided_slice %get3A_419 {offsets = [12], sizes = [1], strides = [1]} : vector<16xi32> to vector<1xi32>
      %squeeze3A_540 = vector.extract %slice3A_539[0] : i32 from vector<1xi32>
      %jit3A_541 = arith.constant 128 : i32
      %div3A_542 = arith.divsi %squeeze3A_540, %jit3A_541 : i32
      %sign3A_543 = arith.constant 0 : i32
      %sign3A_544 = arith.cmpi sgt, %squeeze3A_540, %sign3A_543 : i32
      %sign3A_545 = arith.extui %sign3A_544 : i1 to i32
      %sign3A_546 = arith.constant 0 : i32
      %sign3A_547 = arith.cmpi slt, %squeeze3A_540, %sign3A_546 : i32
      %sign3A_548 = arith.extui %sign3A_547 : i1 to i32
      %sign3A_549 = arith.subi %sign3A_545, %sign3A_548 : i32
      %sign3A_550 = arith.constant 0 : i32
      %sign3A_551 = arith.cmpi sgt, %jit3A_541, %sign3A_550 : i32
      %sign3A_552 = arith.extui %sign3A_551 : i1 to i32
      %sign3A_553 = arith.constant 0 : i32
      %sign3A_554 = arith.cmpi slt, %jit3A_541, %sign3A_553 : i32
      %sign3A_555 = arith.extui %sign3A_554 : i1 to i32
      %sign3A_556 = arith.subi %sign3A_552, %sign3A_555 : i32
      %ne3A_557 = arith.cmpi ne, %sign3A_549, %sign3A_556 : i32
      %rem3A_558 = arith.remsi %squeeze3A_540, %jit3A_541 : i32
      %ne3A_559 = arith.constant 0 : i32
      %ne3A_560 = arith.cmpi ne, %rem3A_558, %ne3A_559 : i32
      %and3A_561 = arith.andi %ne3A_557, %ne3A_560 : i1
      %sub3A_562 = arith.constant 1 : i32
      %sub3A_563 = arith.subi %div3A_542, %sub3A_562 : i32
      %select_n3A_564 = arith.select %and3A_561, %sub3A_563, %div3A_542 : i32
      %ne3A_565 = arith.cmpi ne, %select_n3A_564, %scan3A_413 : i32
      %convert_element_type3A_566 = arith.extui %ne3A_565 : i1 to i32
      %cond3A_567 = arith.constant 0 : i32
      %cond3A_568 = arith.cmpi ne, %convert_element_type3A_566, %cond3A_567 : i32
      scf.if %cond3A_568 {
        %jit3A_2842 = arith.constant 14 : i32
        %eq3A_2843 = arith.constant 0 : i32
        %eq3A_2844 = arith.cmpi eq, %jit3A_2842, %eq3A_2843 : i32
        %jit3A_2845 = arith.constant 1 : i32
        %select_n3A_2846 = arith.select %eq3A_2844, %jit3A_2845, %jit3A_2842 : i32
        %rem3A_2847 = arith.remsi %scan3A_412, %select_n3A_2846 : i32
        %ne3A_2848 = arith.constant 0 : i32
        %ne3A_2849 = arith.cmpi ne, %rem3A_2847, %ne3A_2848 : i32
        %lt3A_2850 = arith.constant 0 : i32
        %lt3A_2851 = arith.cmpi slt, %rem3A_2847, %lt3A_2850 : i32
        %lt3A_2852 = arith.constant 0 : i32
        %lt3A_2853 = arith.cmpi slt, %select_n3A_2846, %lt3A_2852 : i32
        %ne3A_2854 = arith.xori %lt3A_2851, %lt3A_2853 : i1
        %and3A_2855 = arith.andi %ne3A_2854, %ne3A_2849 : i1
        %add3A_2856 = arith.addi %rem3A_2847, %select_n3A_2846 : i32
        %select_n3A_2857 = arith.select %and3A_2855, %add3A_2856, %rem3A_2847 : i32
        %mul3A_2858 = arith.constant 128 : i32
        %mul3A_2859 = arith.muli %select_n3A_564, %mul3A_2858 : i32
        %multiple_of3A = tpu.assume_multiple %mul3A_2859, 128 : i32
        %dma_start3A = arith.constant 0 : i32
        %dma_start3A_2860 = arith.constant 0 : i32
        %dma_start3A_2861 = tpu.memref_slice %arg6[%select_n3A_2857, %dma_start3A, %dma_start3A_2860] : memref<14x64x128xf32, #tpu.memory_space<vmem>> -> memref<1x64x128xf32, #tpu.memory_space<vmem>>
        %dma_start3A_2862 = tpu.memref_squeeze %dma_start3A_2861 : memref<1x64x128xf32, #tpu.memory_space<vmem>> -> memref<64x128xf32, #tpu.memory_space<vmem>>
        %dma_start3A_2863 = arith.constant 0 : i32
        %dma_start3A_2864 = tpu.memref_slice %arg3[%dma_start3A_2863, %multiple_of3A] : memref<64x1000000xf32, #tpu.memory_space<hbm>> -> memref<64x128xf32, #tpu.memory_space<hbm>>
        %dma_start3A_2865 = arith.constant 0 : i32
        %dma_start3A_2866 = arith.constant 0 : i32
        %dma_start3A_2867 = tpu.memref_slice %arg6[%select_n3A_2857, %dma_start3A_2865, %dma_start3A_2866] : memref<14x64x128xf32, #tpu.memory_space<vmem>> -> memref<1x64x128xf32, #tpu.memory_space<vmem>>
        %dma_start3A_2868 = tpu.memref_squeeze %dma_start3A_2867 : memref<1x64x128xf32, #tpu.memory_space<vmem>> -> memref<64x128xf32, #tpu.memory_space<vmem>>
        %dma_start3A_2869 = arith.constant 0 : i32
        %dma_start3A_2870 = tpu.memref_slice %arg3[%dma_start3A_2869, %multiple_of3A] : memref<64x1000000xf32, #tpu.memory_space<hbm>> -> memref<64x128xf32, #tpu.memory_space<hbm>>
        tpu.enqueue_dma source(%dma_start3A_2870 : memref<64x128xf32, #tpu.memory_space<hbm>>) target(%dma_start3A_2868 : memref<64x128xf32, #tpu.memory_space<vmem>>) target_semaphore(%arg8 : memref<!tpu.dma_semaphore, #tpu.memory_space<semaphore_mem>>)
      } else {
      }
      %convert_element_type3A_569 = arith.extui %ne3A_565 : i1 to i32
      %add3A_570 = arith.addi %scan3A_412, %convert_element_type3A_569 : i32
      %slice3A_571 = vector.extract_strided_slice %get3A_419 {offsets = [1], sizes = [1], strides = [1]} : vector<16xi32> to vector<1xi32>
      %squeeze3A_572 = vector.extract %slice3A_571[0] : i32 from vector<1xi32>
      %jit3A_573 = arith.constant 128 : i32
      %div3A_574 = arith.divsi %squeeze3A_572, %jit3A_573 : i32
      %sign3A_575 = arith.constant 0 : i32
      %sign3A_576 = arith.cmpi sgt, %squeeze3A_572, %sign3A_575 : i32
      %sign3A_577 = arith.extui %sign3A_576 : i1 to i32
      %sign3A_578 = arith.constant 0 : i32
      %sign3A_579 = arith.cmpi slt, %squeeze3A_572, %sign3A_578 : i32
      %sign3A_580 = arith.extui %sign3A_579 : i1 to i32
      %sign3A_581 = arith.subi %sign3A_577, %sign3A_580 : i32
      %sign3A_582 = arith.constant 0 : i32
      %sign3A_583 = arith.cmpi sgt, %jit3A_573, %sign3A_582 : i32
      %sign3A_584 = arith.extui %sign3A_583 : i1 to i32
      %sign3A_585 = arith.constant 0 : i32
      %sign3A_586 = arith.cmpi slt, %jit3A_573, %sign3A_585 : i32
      %sign3A_587 = arith.extui %sign3A_586 : i1 to i32
      %sign3A_588 = arith.subi %sign3A_584, %sign3A_587 : i32
      %ne3A_589 = arith.cmpi ne, %sign3A_581, %sign3A_588 : i32
      %rem3A_590 = arith.remsi %squeeze3A_572, %jit3A_573 : i32
      %ne3A_591 = arith.constant 0 : i32
      %ne3A_592 = arith.cmpi ne, %rem3A_590, %ne3A_591 : i32
      %and3A_593 = arith.andi %ne3A_589, %ne3A_592 : i1
      %sub3A_594 = arith.constant 1 : i32
      %sub3A_595 = arith.subi %div3A_574, %sub3A_594 : i32
      %select_n3A_596 = arith.select %and3A_593, %sub3A_595, %div3A_574 : i32
      %ne3A_597 = arith.cmpi ne, %select_n3A_596, %select_n3A_451 : i32
      %convert_element_type3A_598 = arith.extui %ne3A_597 : i1 to i32
      %cond3A_599 = arith.constant 0 : i32
      %cond3A_600 = arith.cmpi ne, %convert_element_type3A_598, %cond3A_599 : i32
      scf.if %cond3A_600 {
        %dma_wait3A = arith.constant 0 : i32
        %dma_wait3A_2842 = arith.constant 0 : i32
        %dma_wait3A_2843 = arith.constant 0 : i32
        %dma_wait3A_2844 = tpu.memref_slice %arg6[%dma_wait3A, %dma_wait3A_2842, %dma_wait3A_2843] : memref<14x64x128xf32, #tpu.memory_space<vmem>> -> memref<1x64x128xf32, #tpu.memory_space<vmem>>
        %dma_wait3A_2845 = tpu.memref_squeeze %dma_wait3A_2844 : memref<1x64x128xf32, #tpu.memory_space<vmem>> -> memref<64x128xf32, #tpu.memory_space<vmem>>
        %dma_wait3A_2846 = arith.constant 0 : i32
        %dma_wait3A_2847 = arith.constant 0 : i32
        %dma_wait3A_2848 = tpu.memref_slice %arg3[%dma_wait3A_2846, %dma_wait3A_2847] : memref<64x1000000xf32, #tpu.memory_space<hbm>> -> memref<64x128xf32, #tpu.memory_space<hbm>>
        %dma_wait3A_2849 = arith.constant 0 : i32
        %dma_wait3A_2850 = arith.constant 0 : i32
        %dma_wait3A_2851 = tpu.memref_slice %arg6[%dma_wait3A, %dma_wait3A_2849, %dma_wait3A_2850] : memref<14x64x128xf32, #tpu.memory_space<vmem>> -> memref<1x64x128xf32, #tpu.memory_space<vmem>>
        %dma_wait3A_2852 = tpu.memref_squeeze %dma_wait3A_2851 : memref<1x64x128xf32, #tpu.memory_space<vmem>> -> memref<64x128xf32, #tpu.memory_space<vmem>>
        %dma_wait3A_2853 = arith.constant 0 : i32
        %dma_wait3A_2854 = arith.constant 0 : i32
        %dma_wait3A_2855 = tpu.memref_slice %arg3[%dma_wait3A_2853, %dma_wait3A_2854] : memref<64x1000000xf32, #tpu.memory_space<hbm>> -> memref<64x128xf32, #tpu.memory_space<hbm>>
        tpu.wait_dma2 semaphore(%arg8 : memref<!tpu.dma_semaphore, #tpu.memory_space<semaphore_mem>>) src(%dma_wait3A_2855 : memref<64x128xf32, #tpu.memory_space<hbm>>) dst(%dma_wait3A_2852 : memref<64x128xf32, #tpu.memory_space<vmem>>)
      } else {
      }
      %convert_element_type3A_601 = arith.extui %ne3A_597 : i1 to i32
      %add3A_602 = arith.addi %add3A_457, %convert_element_type3A_601 : i32
      %mul3A_603 = arith.constant 128 : i32
      %mul3A_604 = arith.muli %select_n3A_596, %mul3A_603 : i32
      %sub3A_605 = arith.subi %squeeze3A_572, %mul3A_604 : i32
      %sub3A_606 = arith.constant 1 : i32
      %sub3A_607 = arith.subi %add3A_602, %sub3A_606 : i32
      %jit3A_608 = arith.constant 14 : i32
      %eq3A_609 = arith.constant 0 : i32
      %eq3A_610 = arith.cmpi eq, %jit3A_608, %eq3A_609 : i32
      %jit3A_611 = arith.constant 1 : i32
      %select_n3A_612 = arith.select %eq3A_610, %jit3A_611, %jit3A_608 : i32
      %rem3A_613 = arith.remsi %sub3A_607, %select_n3A_612 : i32
      %ne3A_614 = arith.constant 0 : i32
      %ne3A_615 = arith.cmpi ne, %rem3A_613, %ne3A_614 : i32
      %lt3A_616 = arith.constant 0 : i32
      %lt3A_617 = arith.cmpi slt, %rem3A_613, %lt3A_616 : i32
      %lt3A_618 = arith.constant 0 : i32
      %lt3A_619 = arith.cmpi slt, %select_n3A_612, %lt3A_618 : i32
      %ne3A_620 = arith.xori %lt3A_617, %lt3A_619 : i1
      %and3A_621 = arith.andi %ne3A_620, %ne3A_615 : i1
      %add3A_622 = arith.addi %rem3A_613, %select_n3A_612 : i32
      %select_n3A_623 = arith.select %and3A_621, %add3A_622, %rem3A_613 : i32
      %jit3A_624 = arith.constant 4 : i32
      %eq3A_625 = arith.constant 0 : i32
      %eq3A_626 = arith.cmpi eq, %jit3A_624, %eq3A_625 : i32
      %jit3A_627 = arith.constant 1 : i32
      %select_n3A_628 = arith.select %eq3A_626, %jit3A_627, %jit3A_624 : i32
      %rem3A_629 = arith.remsi %scan3A_411, %select_n3A_628 : i32
      %ne3A_630 = arith.constant 0 : i32
      %ne3A_631 = arith.cmpi ne, %rem3A_629, %ne3A_630 : i32
      %lt3A_632 = arith.constant 0 : i32
      %lt3A_633 = arith.cmpi slt, %rem3A_629, %lt3A_632 : i32
      %lt3A_634 = arith.constant 0 : i32
      %lt3A_635 = arith.cmpi slt, %select_n3A_628, %lt3A_634 : i32
      %ne3A_636 = arith.xori %lt3A_633, %lt3A_635 : i1
      %and3A_637 = arith.andi %ne3A_636, %ne3A_631 : i1
      %add3A_638 = arith.addi %rem3A_629, %select_n3A_628 : i32
      %select_n3A_639 = arith.select %and3A_637, %add3A_638, %rem3A_629 : i32
      %mul3A_640 = arith.constant 16 : i32
      %mul3A_641 = arith.muli %select_n3A_639, %mul3A_640 : i32
      %add3A_642 = arith.constant 1 : i32
      %add3A_643 = arith.addi %mul3A_641, %add3A_642 : i32
      %broadcast_in_dim3A_644 = vector.broadcast %sub3A_605 : i32 to vector<16xi32>
      %gather3A_645 = arith.constant 0 : i32
      %gather3A_646 = arith.constant 0 : i32
      %gather3A_647 = tpu.memref_slice %arg6[%select_n3A_623, %gather3A_645, %gather3A_646] : memref<14x64x128xf32, #tpu.memory_space<vmem>> -> memref<1x64x128xf32, #tpu.memory_space<vmem>>
      %gather3A_648 = tpu.memref_squeeze %gather3A_647 : memref<1x64x128xf32, #tpu.memory_space<vmem>> -> memref<64x128xf32, #tpu.memory_space<vmem>>
      %gather3A_649 = tpu.vector_load_idx %gather3A_648[%add3A_5, %broadcast_in_dim3A_644] : memref<64x128xf32, #tpu.memory_space<vmem>>[vector<16xi32>, vector<16xi32>], vector<16xf32>,
      %mul3A_650 = arith.constant 64 : i32
      %mul3A_651 = arith.muli %add3A_643, %mul3A_650 : i32
      %add3A_652 = arith.constant 0 : i32
      %add3A_653 = arith.addi %mul3A_651, %add3A_652 : i32
      %swap3A_654 = arith.index_cast %add3A_653 : i32 to index
      %swap3A_655 = tpu.vector_load %arg7[%swap3A_654] {strides = array<i32>} : memref<4096xf32, #tpu.memory_space<vmem>>, vector<16xf32>,
      tpu.vector_store %arg7[%swap3A_654], %gather3A_649 {strides = array<i32>} : memref<4096xf32, #tpu.memory_space<vmem>>, vector<16xf32>,
      %gather3A_656 = arith.constant 0 : i32
      %gather3A_657 = arith.constant 0 : i32
      %gather3A_658 = tpu.memref_slice %arg6[%select_n3A_623, %gather3A_656, %gather3A_657] : memref<14x64x128xf32, #tpu.memory_space<vmem>> -> memref<1x64x128xf32, #tpu.memory_space<vmem>>
      %gather3A_659 = tpu.memref_squeeze %gather3A_658 : memref<1x64x128xf32, #tpu.memory_space<vmem>> -> memref<64x128xf32, #tpu.memory_space<vmem>>
      %gather3A_660 = tpu.vector_load_idx %gather3A_659[%add3A_9, %broadcast_in_dim3A_644] : memref<64x128xf32, #tpu.memory_space<vmem>>[vector<16xi32>, vector<16xi32>], vector<16xf32>,
      %mul3A_661 = arith.constant 64 : i32
      %mul3A_662 = arith.muli %add3A_643, %mul3A_661 : i32
      %add3A_663 = arith.constant 16 : i32
      %add3A_664 = arith.addi %mul3A_662, %add3A_663 : i32
      %swap3A_665 = arith.index_cast %add3A_664 : i32 to index
      %swap3A_666 = tpu.vector_load %arg7[%swap3A_665] {strides = array<i32>} : memref<4096xf32, #tpu.memory_space<vmem>>, vector<16xf32>,
      tpu.vector_store %arg7[%swap3A_665], %gather3A_660 {strides = array<i32>} : memref<4096xf32, #tpu.memory_space<vmem>>, vector<16xf32>,
      %gather3A_667 = arith.constant 0 : i32
      %gather3A_668 = arith.constant 0 : i32
      %gather3A_669 = tpu.memref_slice %arg6[%select_n3A_623, %gather3A_667, %gather3A_668] : memref<14x64x128xf32, #tpu.memory_space<vmem>> -> memref<1x64x128xf32, #tpu.memory_space<vmem>>
      %gather3A_670 = tpu.memref_squeeze %gather3A_669 : memref<1x64x128xf32, #tpu.memory_space<vmem>> -> memref<64x128xf32, #tpu.memory_space<vmem>>
      %gather3A_671 = tpu.vector_load_idx %gather3A_670[%add3A_13, %broadcast_in_dim3A_644] : memref<64x128xf32, #tpu.memory_space<vmem>>[vector<16xi32>, vector<16xi32>], vector<16xf32>,
      %mul3A_672 = arith.constant 64 : i32
      %mul3A_673 = arith.muli %add3A_643, %mul3A_672 : i32
      %add3A_674 = arith.constant 32 : i32
      %add3A_675 = arith.addi %mul3A_673, %add3A_674 : i32
      %swap3A_676 = arith.index_cast %add3A_675 : i32 to index
      %swap3A_677 = tpu.vector_load %arg7[%swap3A_676] {strides = array<i32>} : memref<4096xf32, #tpu.memory_space<vmem>>, vector<16xf32>,
      tpu.vector_store %arg7[%swap3A_676], %gather3A_671 {strides = array<i32>} : memref<4096xf32, #tpu.memory_space<vmem>>, vector<16xf32>,
      %gather3A_678 = arith.constant 0 : i32
      %gather3A_679 = arith.constant 0 : i32
      %gather3A_680 = tpu.memref_slice %arg6[%select_n3A_623, %gather3A_678, %gather3A_679] : memref<14x64x128xf32, #tpu.memory_space<vmem>> -> memref<1x64x128xf32, #tpu.memory_space<vmem>>
      %gather3A_681 = tpu.memref_squeeze %gather3A_680 : memref<1x64x128xf32, #tpu.memory_space<vmem>> -> memref<64x128xf32, #tpu.memory_space<vmem>>
      %gather3A_682 = tpu.vector_load_idx %gather3A_681[%add3A_17, %broadcast_in_dim3A_644] : memref<64x128xf32, #tpu.memory_space<vmem>>[vector<16xi32>, vector<16xi32>], vector<16xf32>,
      %mul3A_683 = arith.constant 64 : i32
      %mul3A_684 = arith.muli %add3A_643, %mul3A_683 : i32
      %add3A_685 = arith.constant 48 : i32
      %add3A_686 = arith.addi %mul3A_684, %add3A_685 : i32
      %swap3A_687 = arith.index_cast %add3A_686 : i32 to index
      %swap3A_688 = tpu.vector_load %arg7[%swap3A_687] {strides = array<i32>} : memref<4096xf32, #tpu.memory_space<vmem>>, vector<16xf32>,
      tpu.vector_store %arg7[%swap3A_687], %gather3A_682 {strides = array<i32>} : memref<4096xf32, #tpu.memory_space<vmem>>, vector<16xf32>,
      %slice3A_689 = vector.extract_strided_slice %get3A_419 {offsets = [13], sizes = [1], strides = [1]} : vector<16xi32> to vector<1xi32>
      %squeeze3A_690 = vector.extract %slice3A_689[0] : i32 from vector<1xi32>
      %jit3A_691 = arith.constant 128 : i32
      %div3A_692 = arith.divsi %squeeze3A_690, %jit3A_691 : i32
      %sign3A_693 = arith.constant 0 : i32
      %sign3A_694 = arith.cmpi sgt, %squeeze3A_690, %sign3A_693 : i32
      %sign3A_695 = arith.extui %sign3A_694 : i1 to i32
      %sign3A_696 = arith.constant 0 : i32
      %sign3A_697 = arith.cmpi slt, %squeeze3A_690, %sign3A_696 : i32
      %sign3A_698 = arith.extui %sign3A_697 : i1 to i32
      %sign3A_699 = arith.subi %sign3A_695, %sign3A_698 : i32
      %sign3A_700 = arith.constant 0 : i32
      %sign3A_701 = arith.cmpi sgt, %jit3A_691, %sign3A_700 : i32
      %sign3A_702 = arith.extui %sign3A_701 : i1 to i32
      %sign3A_703 = arith.constant 0 : i32
      %sign3A_704 = arith.cmpi slt, %jit3A_691, %sign3A_703 : i32
      %sign3A_705 = arith.extui %sign3A_704 : i1 to i32
      %sign3A_706 = arith.subi %sign3A_702, %sign3A_705 : i32
      %ne3A_707 = arith.cmpi ne, %sign3A_699, %sign3A_706 : i32
      %rem3A_708 = arith.remsi %squeeze3A_690, %jit3A_691 : i32
      %ne3A_709 = arith.constant 0 : i32
      %ne3A_710 = arith.cmpi ne, %rem3A_708, %ne3A_709 : i32
      %and3A_711 = arith.andi %ne3A_707, %ne3A_710 : i1
      %sub3A_712 = arith.constant 1 : i32
      %sub3A_713 = arith.subi %div3A_692, %sub3A_712 : i32
      %select_n3A_714 = arith.select %and3A_711, %sub3A_713, %div3A_692 : i32
      %ne3A_715 = arith.cmpi ne, %select_n3A_714, %select_n3A_564 : i32
      %convert_element_type3A_716 = arith.extui %ne3A_715 : i1 to i32
      %cond3A_717 = arith.constant 0 : i32
      %cond3A_718 = arith.cmpi ne, %convert_element_type3A_716, %cond3A_717 : i32
      scf.if %cond3A_718 {
        %jit3A_2842 = arith.constant 14 : i32
        %eq3A_2843 = arith.constant 0 : i32
        %eq3A_2844 = arith.cmpi eq, %jit3A_2842, %eq3A_2843 : i32
        %jit3A_2845 = arith.constant 1 : i32
        %select_n3A_2846 = arith.select %eq3A_2844, %jit3A_2845, %jit3A_2842 : i32
        %rem3A_2847 = arith.remsi %add3A_570, %select_n3A_2846 : i32
        %ne3A_2848 = arith.constant 0 : i32
        %ne3A_2849 = arith.cmpi ne, %rem3A_2847, %ne3A_2848 : i32
        %lt3A_2850 = arith.constant 0 : i32
        %lt3A_2851 = arith.cmpi slt, %rem3A_2847, %lt3A_2850 : i32
        %lt3A_2852 = arith.constant 0 : i32
        %lt3A_2853 = arith.cmpi slt, %select_n3A_2846, %lt3A_2852 : i32
        %ne3A_2854 = arith.xori %lt3A_2851, %lt3A_2853 : i1
        %and3A_2855 = arith.andi %ne3A_2854, %ne3A_2849 : i1
        %add3A_2856 = arith.addi %rem3A_2847, %select_n3A_2846 : i32
        %select_n3A_2857 = arith.select %and3A_2855, %add3A_2856, %rem3A_2847 : i32
        %mul3A_2858 = arith.constant 128 : i32
        %mul3A_2859 = arith.muli %select_n3A_714, %mul3A_2858 : i32
        %multiple_of3A = tpu.assume_multiple %mul3A_2859, 128 : i32
        %dma_start3A = arith.constant 0 : i32
        %dma_start3A_2860 = arith.constant 0 : i32
        %dma_start3A_2861 = tpu.memref_slice %arg6[%select_n3A_2857, %dma_start3A, %dma_start3A_2860] : memref<14x64x128xf32, #tpu.memory_space<vmem>> -> memref<1x64x128xf32, #tpu.memory_space<vmem>>
        %dma_start3A_2862 = tpu.memref_squeeze %dma_start3A_2861 : memref<1x64x128xf32, #tpu.memory_space<vmem>> -> memref<64x128xf32, #tpu.memory_space<vmem>>
        %dma_start3A_2863 = arith.constant 0 : i32
        %dma_start3A_2864 = tpu.memref_slice %arg3[%dma_start3A_2863, %multiple_of3A] : memref<64x1000000xf32, #tpu.memory_space<hbm>> -> memref<64x128xf32, #tpu.memory_space<hbm>>
        %dma_start3A_2865 = arith.constant 0 : i32
        %dma_start3A_2866 = arith.constant 0 : i32
        %dma_start3A_2867 = tpu.memref_slice %arg6[%select_n3A_2857, %dma_start3A_2865, %dma_start3A_2866] : memref<14x64x128xf32, #tpu.memory_space<vmem>> -> memref<1x64x128xf32, #tpu.memory_space<vmem>>
        %dma_start3A_2868 = tpu.memref_squeeze %dma_start3A_2867 : memref<1x64x128xf32, #tpu.memory_space<vmem>> -> memref<64x128xf32, #tpu.memory_space<vmem>>
        %dma_start3A_2869 = arith.constant 0 : i32
        %dma_start3A_2870 = tpu.memref_slice %arg3[%dma_start3A_2869, %multiple_of3A] : memref<64x1000000xf32, #tpu.memory_space<hbm>> -> memref<64x128xf32, #tpu.memory_space<hbm>>
        tpu.enqueue_dma source(%dma_start3A_2870 : memref<64x128xf32, #tpu.memory_space<hbm>>) target(%dma_start3A_2868 : memref<64x128xf32, #tpu.memory_space<vmem>>) target_semaphore(%arg8 : memref<!tpu.dma_semaphore, #tpu.memory_space<semaphore_mem>>)
      } else {
      }
      %convert_element_type3A_719 = arith.extui %ne3A_715 : i1 to i32
      %add3A_720 = arith.addi %add3A_570, %convert_element_type3A_719 : i32
      %slice3A_721 = vector.extract_strided_slice %get3A_419 {offsets = [2], sizes = [1], strides = [1]} : vector<16xi32> to vector<1xi32>
      %squeeze3A_722 = vector.extract %slice3A_721[0] : i32 from vector<1xi32>
      %jit3A_723 = arith.constant 128 : i32
      %div3A_724 = arith.divsi %squeeze3A_722, %jit3A_723 : i32
      %sign3A_725 = arith.constant 0 : i32
      %sign3A_726 = arith.cmpi sgt, %squeeze3A_722, %sign3A_725 : i32
      %sign3A_727 = arith.extui %sign3A_726 : i1 to i32
      %sign3A_728 = arith.constant 0 : i32
      %sign3A_729 = arith.cmpi slt, %squeeze3A_722, %sign3A_728 : i32
      %sign3A_730 = arith.extui %sign3A_729 : i1 to i32
      %sign3A_731 = arith.subi %sign3A_727, %sign3A_730 : i32
      %sign3A_732 = arith.constant 0 : i32
      %sign3A_733 = arith.cmpi sgt, %jit3A_723, %sign3A_732 : i32
      %sign3A_734 = arith.extui %sign3A_733 : i1 to i32
      %sign3A_735 = arith.constant 0 : i32
      %sign3A_736 = arith.cmpi slt, %jit3A_723, %sign3A_735 : i32
      %sign3A_737 = arith.extui %sign3A_736 : i1 to i32
      %sign3A_738 = arith.subi %sign3A_734, %sign3A_737 : i32
      %ne3A_739 = arith.cmpi ne, %sign3A_731, %sign3A_738 : i32
      %rem3A_740 = arith.remsi %squeeze3A_722, %jit3A_723 : i32
      %ne3A_741 = arith.constant 0 : i32
      %ne3A_742 = arith.cmpi ne, %rem3A_740, %ne3A_741 : i32
      %and3A_743 = arith.andi %ne3A_739, %ne3A_742 : i1
      %sub3A_744 = arith.constant 1 : i32
      %sub3A_745 = arith.subi %div3A_724, %sub3A_744 : i32
      %select_n3A_746 = arith.select %and3A_743, %sub3A_745, %div3A_724 : i32
      %ne3A_747 = arith.cmpi ne, %select_n3A_746, %select_n3A_596 : i32
      %convert_element_type3A_748 = arith.extui %ne3A_747 : i1 to i32
      %cond3A_749 = arith.constant 0 : i32
      %cond3A_750 = arith.cmpi ne, %convert_element_type3A_748, %cond3A_749 : i32
      scf.if %cond3A_750 {
        %dma_wait3A = arith.constant 0 : i32
        %dma_wait3A_2842 = arith.constant 0 : i32
        %dma_wait3A_2843 = arith.constant 0 : i32
        %dma_wait3A_2844 = tpu.memref_slice %arg6[%dma_wait3A, %dma_wait3A_2842, %dma_wait3A_2843] : memref<14x64x128xf32, #tpu.memory_space<vmem>> -> memref<1x64x128xf32, #tpu.memory_space<vmem>>
        %dma_wait3A_2845 = tpu.memref_squeeze %dma_wait3A_2844 : memref<1x64x128xf32, #tpu.memory_space<vmem>> -> memref<64x128xf32, #tpu.memory_space<vmem>>
        %dma_wait3A_2846 = arith.constant 0 : i32
        %dma_wait3A_2847 = arith.constant 0 : i32
        %dma_wait3A_2848 = tpu.memref_slice %arg3[%dma_wait3A_2846, %dma_wait3A_2847] : memref<64x1000000xf32, #tpu.memory_space<hbm>> -> memref<64x128xf32, #tpu.memory_space<hbm>>
        %dma_wait3A_2849 = arith.constant 0 : i32
        %dma_wait3A_2850 = arith.constant 0 : i32
        %dma_wait3A_2851 = tpu.memref_slice %arg6[%dma_wait3A, %dma_wait3A_2849, %dma_wait3A_2850] : memref<14x64x128xf32, #tpu.memory_space<vmem>> -> memref<1x64x128xf32, #tpu.memory_space<vmem>>
        %dma_wait3A_2852 = tpu.memref_squeeze %dma_wait3A_2851 : memref<1x64x128xf32, #tpu.memory_space<vmem>> -> memref<64x128xf32, #tpu.memory_space<vmem>>
        %dma_wait3A_2853 = arith.constant 0 : i32
        %dma_wait3A_2854 = arith.constant 0 : i32
        %dma_wait3A_2855 = tpu.memref_slice %arg3[%dma_wait3A_2853, %dma_wait3A_2854] : memref<64x1000000xf32, #tpu.memory_space<hbm>> -> memref<64x128xf32, #tpu.memory_space<hbm>>
        tpu.wait_dma2 semaphore(%arg8 : memref<!tpu.dma_semaphore, #tpu.memory_space<semaphore_mem>>) src(%dma_wait3A_2855 : memref<64x128xf32, #tpu.memory_space<hbm>>) dst(%dma_wait3A_2852 : memref<64x128xf32, #tpu.memory_space<vmem>>)
      } else {
      }
      %convert_element_type3A_751 = arith.extui %ne3A_747 : i1 to i32
      %add3A_752 = arith.addi %add3A_602, %convert_element_type3A_751 : i32
      %mul3A_753 = arith.constant 128 : i32
      %mul3A_754 = arith.muli %select_n3A_746, %mul3A_753 : i32
      %sub3A_755 = arith.subi %squeeze3A_722, %mul3A_754 : i32
      %sub3A_756 = arith.constant 1 : i32
      %sub3A_757 = arith.subi %add3A_752, %sub3A_756 : i32
      %jit3A_758 = arith.constant 14 : i32
      %eq3A_759 = arith.constant 0 : i32
      %eq3A_760 = arith.cmpi eq, %jit3A_758, %eq3A_759 : i32
      %jit3A_761 = arith.constant 1 : i32
      %select_n3A_762 = arith.select %eq3A_760, %jit3A_761, %jit3A_758 : i32
      %rem3A_763 = arith.remsi %sub3A_757, %select_n3A_762 : i32
      %ne3A_764 = arith.constant 0 : i32
      %ne3A_765 = arith.cmpi ne, %rem3A_763, %ne3A_764 : i32
      %lt3A_766 = arith.constant 0 : i32
      %lt3A_767 = arith.cmpi slt, %rem3A_763, %lt3A_766 : i32
      %lt3A_768 = arith.constant 0 : i32
      %lt3A_769 = arith.cmpi slt, %select_n3A_762, %lt3A_768 : i32
      %ne3A_770 = arith.xori %lt3A_767, %lt3A_769 : i1
      %and3A_771 = arith.andi %ne3A_770, %ne3A_765 : i1
      %add3A_772 = arith.addi %rem3A_763, %select_n3A_762 : i32
      %select_n3A_773 = arith.select %and3A_771, %add3A_772, %rem3A_763 : i32
      %jit3A_774 = arith.constant 4 : i32
      %eq3A_775 = arith.constant 0 : i32
      %eq3A_776 = arith.cmpi eq, %jit3A_774, %eq3A_775 : i32
      %jit3A_777 = arith.constant 1 : i32
      %select_n3A_778 = arith.select %eq3A_776, %jit3A_777, %jit3A_774 : i32
      %rem3A_779 = arith.remsi %scan3A_411, %select_n3A_778 : i32
      %ne3A_780 = arith.constant 0 : i32
      %ne3A_781 = arith.cmpi ne, %rem3A_779, %ne3A_780 : i32
      %lt3A_782 = arith.constant 0 : i32
      %lt3A_783 = arith.cmpi slt, %rem3A_779, %lt3A_782 : i32
      %lt3A_784 = arith.constant 0 : i32
      %lt3A_785 = arith.cmpi slt, %select_n3A_778, %lt3A_784 : i32
      %ne3A_786 = arith.xori %lt3A_783, %lt3A_785 : i1
      %and3A_787 = arith.andi %ne3A_786, %ne3A_781 : i1
      %add3A_788 = arith.addi %rem3A_779, %select_n3A_778 : i32
      %select_n3A_789 = arith.select %and3A_787, %add3A_788, %rem3A_779 : i32
      %mul3A_790 = arith.constant 16 : i32
      %mul3A_791 = arith.muli %select_n3A_789, %mul3A_790 : i32
      %add3A_792 = arith.constant 2 : i32
      %add3A_793 = arith.addi %mul3A_791, %add3A_792 : i32
      %broadcast_in_dim3A_794 = vector.broadcast %sub3A_755 : i32 to vector<16xi32>
      %gather3A_795 = arith.constant 0 : i32
      %gather3A_796 = arith.constant 0 : i32
      %gather3A_797 = tpu.memref_slice %arg6[%select_n3A_773, %gather3A_795, %gather3A_796] : memref<14x64x128xf32, #tpu.memory_space<vmem>> -> memref<1x64x128xf32, #tpu.memory_space<vmem>>
      %gather3A_798 = tpu.memref_squeeze %gather3A_797 : memref<1x64x128xf32, #tpu.memory_space<vmem>> -> memref<64x128xf32, #tpu.memory_space<vmem>>
      %gather3A_799 = tpu.vector_load_idx %gather3A_798[%add3A_5, %broadcast_in_dim3A_794] : memref<64x128xf32, #tpu.memory_space<vmem>>[vector<16xi32>, vector<16xi32>], vector<16xf32>,
      %mul3A_800 = arith.constant 64 : i32
      %mul3A_801 = arith.muli %add3A_793, %mul3A_800 : i32
      %add3A_802 = arith.constant 0 : i32
      %add3A_803 = arith.addi %mul3A_801, %add3A_802 : i32
      %swap3A_804 = arith.index_cast %add3A_803 : i32 to index
      %swap3A_805 = tpu.vector_load %arg7[%swap3A_804] {strides = array<i32>} : memref<4096xf32, #tpu.memory_space<vmem>>, vector<16xf32>,
      tpu.vector_store %arg7[%swap3A_804], %gather3A_799 {strides = array<i32>} : memref<4096xf32, #tpu.memory_space<vmem>>, vector<16xf32>,
      %gather3A_806 = arith.constant 0 : i32
      %gather3A_807 = arith.constant 0 : i32
      %gather3A_808 = tpu.memref_slice %arg6[%select_n3A_773, %gather3A_806, %gather3A_807] : memref<14x64x128xf32, #tpu.memory_space<vmem>> -> memref<1x64x128xf32, #tpu.memory_space<vmem>>
      %gather3A_809 = tpu.memref_squeeze %gather3A_808 : memref<1x64x128xf32, #tpu.memory_space<vmem>> -> memref<64x128xf32, #tpu.memory_space<vmem>>
      %gather3A_810 = tpu.vector_load_idx %gather3A_809[%add3A_9, %broadcast_in_dim3A_794] : memref<64x128xf32, #tpu.memory_space<vmem>>[vector<16xi32>, vector<16xi32>], vector<16xf32>,
      %mul3A_811 = arith.constant 64 : i32
      %mul3A_812 = arith.muli %add3A_793, %mul3A_811 : i32
      %add3A_813 = arith.constant 16 : i32
      %add3A_814 = arith.addi %mul3A_812, %add3A_813 : i32
      %swap3A_815 = arith.index_cast %add3A_814 : i32 to index
      %swap3A_816 = tpu.vector_load %arg7[%swap3A_815] {strides = array<i32>} : memref<4096xf32, #tpu.memory_space<vmem>>, vector<16xf32>,
      tpu.vector_store %arg7[%swap3A_815], %gather3A_810 {strides = array<i32>} : memref<4096xf32, #tpu.memory_space<vmem>>, vector<16xf32>,
      %gather3A_817 = arith.constant 0 : i32
      %gather3A_818 = arith.constant 0 : i32
      %gather3A_819 = tpu.memref_slice %arg6[%select_n3A_773, %gather3A_817, %gather3A_818] : memref<14x64x128xf32, #tpu.memory_space<vmem>> -> memref<1x64x128xf32, #tpu.memory_space<vmem>>
      %gather3A_820 = tpu.memref_squeeze %gather3A_819 : memref<1x64x128xf32, #tpu.memory_space<vmem>> -> memref<64x128xf32, #tpu.memory_space<vmem>>
      %gather3A_821 = tpu.vector_load_idx %gather3A_820[%add3A_13, %broadcast_in_dim3A_794] : memref<64x128xf32, #tpu.memory_space<vmem>>[vector<16xi32>, vector<16xi32>], vector<16xf32>,
      %mul3A_822 = arith.constant 64 : i32
      %mul3A_823 = arith.muli %add3A_793, %mul3A_822 : i32
      %add3A_824 = arith.constant 32 : i32
      %add3A_825 = arith.addi %mul3A_823, %add3A_824 : i32
      %swap3A_826 = arith.index_cast %add3A_825 : i32 to index
      %swap3A_827 = tpu.vector_load %arg7[%swap3A_826] {strides = array<i32>} : memref<4096xf32, #tpu.memory_space<vmem>>, vector<16xf32>,
      tpu.vector_store %arg7[%swap3A_826], %gather3A_821 {strides = array<i32>} : memref<4096xf32, #tpu.memory_space<vmem>>, vector<16xf32>,
      %gather3A_828 = arith.constant 0 : i32
      %gather3A_829 = arith.constant 0 : i32
      %gather3A_830 = tpu.memref_slice %arg6[%select_n3A_773, %gather3A_828, %gather3A_829] : memref<14x64x128xf32, #tpu.memory_space<vmem>> -> memref<1x64x128xf32, #tpu.memory_space<vmem>>
      %gather3A_831 = tpu.memref_squeeze %gather3A_830 : memref<1x64x128xf32, #tpu.memory_space<vmem>> -> memref<64x128xf32, #tpu.memory_space<vmem>>
      %gather3A_832 = tpu.vector_load_idx %gather3A_831[%add3A_17, %broadcast_in_dim3A_794] : memref<64x128xf32, #tpu.memory_space<vmem>>[vector<16xi32>, vector<16xi32>], vector<16xf32>,
      %mul3A_833 = arith.constant 64 : i32
      %mul3A_834 = arith.muli %add3A_793, %mul3A_833 : i32
      %add3A_835 = arith.constant 48 : i32
      %add3A_836 = arith.addi %mul3A_834, %add3A_835 : i32
      %swap3A_837 = arith.index_cast %add3A_836 : i32 to index
      %swap3A_838 = tpu.vector_load %arg7[%swap3A_837] {strides = array<i32>} : memref<4096xf32, #tpu.memory_space<vmem>>, vector<16xf32>,
      tpu.vector_store %arg7[%swap3A_837], %gather3A_832 {strides = array<i32>} : memref<4096xf32, #tpu.memory_space<vmem>>, vector<16xf32>,
      %slice3A_839 = vector.extract_strided_slice %get3A_419 {offsets = [14], sizes = [1], strides = [1]} : vector<16xi32> to vector<1xi32>
      %squeeze3A_840 = vector.extract %slice3A_839[0] : i32 from vector<1xi32>
      %jit3A_841 = arith.constant 128 : i32
      %div3A_842 = arith.divsi %squeeze3A_840, %jit3A_841 : i32
      %sign3A_843 = arith.constant 0 : i32
      %sign3A_844 = arith.cmpi sgt, %squeeze3A_840, %sign3A_843 : i32
      %sign3A_845 = arith.extui %sign3A_844 : i1 to i32
      %sign3A_846 = arith.constant 0 : i32
      %sign3A_847 = arith.cmpi slt, %squeeze3A_840, %sign3A_846 : i32
      %sign3A_848 = arith.extui %sign3A_847 : i1 to i32
      %sign3A_849 = arith.subi %sign3A_845, %sign3A_848 : i32
      %sign3A_850 = arith.constant 0 : i32
      %sign3A_851 = arith.cmpi sgt, %jit3A_841, %sign3A_850 : i32
      %sign3A_852 = arith.extui %sign3A_851 : i1 to i32
      %sign3A_853 = arith.constant 0 : i32
      %sign3A_854 = arith.cmpi slt, %jit3A_841, %sign3A_853 : i32
      %sign3A_855 = arith.extui %sign3A_854 : i1 to i32
      %sign3A_856 = arith.subi %sign3A_852, %sign3A_855 : i32
      %ne3A_857 = arith.cmpi ne, %sign3A_849, %sign3A_856 : i32
      %rem3A_858 = arith.remsi %squeeze3A_840, %jit3A_841 : i32
      %ne3A_859 = arith.constant 0 : i32
      %ne3A_860 = arith.cmpi ne, %rem3A_858, %ne3A_859 : i32
      %and3A_861 = arith.andi %ne3A_857, %ne3A_860 : i1
      %sub3A_862 = arith.constant 1 : i32
      %sub3A_863 = arith.subi %div3A_842, %sub3A_862 : i32
      %select_n3A_864 = arith.select %and3A_861, %sub3A_863, %div3A_842 : i32
      %ne3A_865 = arith.cmpi ne, %select_n3A_864, %select_n3A_714 : i32
      %convert_element_type3A_866 = arith.extui %ne3A_865 : i1 to i32
      %cond3A_867 = arith.constant 0 : i32
      %cond3A_868 = arith.cmpi ne, %convert_element_type3A_866, %cond3A_867 : i32
      scf.if %cond3A_868 {
        %jit3A_2842 = arith.constant 14 : i32
        %eq3A_2843 = arith.constant 0 : i32
        %eq3A_2844 = arith.cmpi eq, %jit3A_2842, %eq3A_2843 : i32
        %jit3A_2845 = arith.constant 1 : i32
        %select_n3A_2846 = arith.select %eq3A_2844, %jit3A_2845, %jit3A_2842 : i32
        %rem3A_2847 = arith.remsi %add3A_720, %select_n3A_2846 : i32
        %ne3A_2848 = arith.constant 0 : i32
        %ne3A_2849 = arith.cmpi ne, %rem3A_2847, %ne3A_2848 : i32
        %lt3A_2850 = arith.constant 0 : i32
        %lt3A_2851 = arith.cmpi slt, %rem3A_2847, %lt3A_2850 : i32
        %lt3A_2852 = arith.constant 0 : i32
        %lt3A_2853 = arith.cmpi slt, %select_n3A_2846, %lt3A_2852 : i32
        %ne3A_2854 = arith.xori %lt3A_2851, %lt3A_2853 : i1
        %and3A_2855 = arith.andi %ne3A_2854, %ne3A_2849 : i1
        %add3A_2856 = arith.addi %rem3A_2847, %select_n3A_2846 : i32
        %select_n3A_2857 = arith.select %and3A_2855, %add3A_2856, %rem3A_2847 : i32
        %mul3A_2858 = arith.constant 128 : i32
        %mul3A_2859 = arith.muli %select_n3A_864, %mul3A_2858 : i32
        %multiple_of3A = tpu.assume_multiple %mul3A_2859, 128 : i32
        %dma_start3A = arith.constant 0 : i32
        %dma_start3A_2860 = arith.constant 0 : i32
        %dma_start3A_2861 = tpu.memref_slice %arg6[%select_n3A_2857, %dma_start3A, %dma_start3A_2860] : memref<14x64x128xf32, #tpu.memory_space<vmem>> -> memref<1x64x128xf32, #tpu.memory_space<vmem>>
        %dma_start3A_2862 = tpu.memref_squeeze %dma_start3A_2861 : memref<1x64x128xf32, #tpu.memory_space<vmem>> -> memref<64x128xf32, #tpu.memory_space<vmem>>
        %dma_start3A_2863 = arith.constant 0 : i32
        %dma_start3A_2864 = tpu.memref_slice %arg3[%dma_start3A_2863, %multiple_of3A] : memref<64x1000000xf32, #tpu.memory_space<hbm>> -> memref<64x128xf32, #tpu.memory_space<hbm>>
        %dma_start3A_2865 = arith.constant 0 : i32
        %dma_start3A_2866 = arith.constant 0 : i32
        %dma_start3A_2867 = tpu.memref_slice %arg6[%select_n3A_2857, %dma_start3A_2865, %dma_start3A_2866] : memref<14x64x128xf32, #tpu.memory_space<vmem>> -> memref<1x64x128xf32, #tpu.memory_space<vmem>>
        %dma_start3A_2868 = tpu.memref_squeeze %dma_start3A_2867 : memref<1x64x128xf32, #tpu.memory_space<vmem>> -> memref<64x128xf32, #tpu.memory_space<vmem>>
        %dma_start3A_2869 = arith.constant 0 : i32
        %dma_start3A_2870 = tpu.memref_slice %arg3[%dma_start3A_2869, %multiple_of3A] : memref<64x1000000xf32, #tpu.memory_space<hbm>> -> memref<64x128xf32, #tpu.memory_space<hbm>>
        tpu.enqueue_dma source(%dma_start3A_2870 : memref<64x128xf32, #tpu.memory_space<hbm>>) target(%dma_start3A_2868 : memref<64x128xf32, #tpu.memory_space<vmem>>) target_semaphore(%arg8 : memref<!tpu.dma_semaphore, #tpu.memory_space<semaphore_mem>>)
      } else {
      }
      %convert_element_type3A_869 = arith.extui %ne3A_865 : i1 to i32
      %add3A_870 = arith.addi %add3A_720, %convert_element_type3A_869 : i32
      %slice3A_871 = vector.extract_strided_slice %get3A_419 {offsets = [3], sizes = [1], strides = [1]} : vector<16xi32> to vector<1xi32>
      %squeeze3A_872 = vector.extract %slice3A_871[0] : i32 from vector<1xi32>
      %jit3A_873 = arith.constant 128 : i32
      %div3A_874 = arith.divsi %squeeze3A_872, %jit3A_873 : i32
      %sign3A_875 = arith.constant 0 : i32
      %sign3A_876 = arith.cmpi sgt, %squeeze3A_872, %sign3A_875 : i32
      %sign3A_877 = arith.extui %sign3A_876 : i1 to i32
      %sign3A_878 = arith.constant 0 : i32
      %sign3A_879 = arith.cmpi slt, %squeeze3A_872, %sign3A_878 : i32
      %sign3A_880 = arith.extui %sign3A_879 : i1 to i32
      %sign3A_881 = arith.subi %sign3A_877, %sign3A_880 : i32
      %sign3A_882 = arith.constant 0 : i32
      %sign3A_883 = arith.cmpi sgt, %jit3A_873, %sign3A_882 : i32
      %sign3A_884 = arith.extui %sign3A_883 : i1 to i32
      %sign3A_885 = arith.constant 0 : i32
      %sign3A_886 = arith.cmpi slt, %jit3A_873, %sign3A_885 : i32
      %sign3A_887 = arith.extui %sign3A_886 : i1 to i32
      %sign3A_888 = arith.subi %sign3A_884, %sign3A_887 : i32
      %ne3A_889 = arith.cmpi ne, %sign3A_881, %sign3A_888 : i32
      %rem3A_890 = arith.remsi %squeeze3A_872, %jit3A_873 : i32
      %ne3A_891 = arith.constant 0 : i32
      %ne3A_892 = arith.cmpi ne, %rem3A_890, %ne3A_891 : i32
      %and3A_893 = arith.andi %ne3A_889, %ne3A_892 : i1
      %sub3A_894 = arith.constant 1 : i32
      %sub3A_895 = arith.subi %div3A_874, %sub3A_894 : i32
      %select_n3A_896 = arith.select %and3A_893, %sub3A_895, %div3A_874 : i32
      %ne3A_897 = arith.cmpi ne, %select_n3A_896, %select_n3A_746 : i32
      %convert_element_type3A_898 = arith.extui %ne3A_897 : i1 to i32
      %cond3A_899 = arith.constant 0 : i32
      %cond3A_900 = arith.cmpi ne, %convert_element_type3A_898, %cond3A_899 : i32
      scf.if %cond3A_900 {
        %dma_wait3A = arith.constant 0 : i32
        %dma_wait3A_2842 = arith.constant 0 : i32
        %dma_wait3A_2843 = arith.constant 0 : i32
        %dma_wait3A_2844 = tpu.memref_slice %arg6[%dma_wait3A, %dma_wait3A_2842, %dma_wait3A_2843] : memref<14x64x128xf32, #tpu.memory_space<vmem>> -> memref<1x64x128xf32, #tpu.memory_space<vmem>>
        %dma_wait3A_2845 = tpu.memref_squeeze %dma_wait3A_2844 : memref<1x64x128xf32, #tpu.memory_space<vmem>> -> memref<64x128xf32, #tpu.memory_space<vmem>>
        %dma_wait3A_2846 = arith.constant 0 : i32
        %dma_wait3A_2847 = arith.constant 0 : i32
        %dma_wait3A_2848 = tpu.memref_slice %arg3[%dma_wait3A_2846, %dma_wait3A_2847] : memref<64x1000000xf32, #tpu.memory_space<hbm>> -> memref<64x128xf32, #tpu.memory_space<hbm>>
        %dma_wait3A_2849 = arith.constant 0 : i32
        %dma_wait3A_2850 = arith.constant 0 : i32
        %dma_wait3A_2851 = tpu.memref_slice %arg6[%dma_wait3A, %dma_wait3A_2849, %dma_wait3A_2850] : memref<14x64x128xf32, #tpu.memory_space<vmem>> -> memref<1x64x128xf32, #tpu.memory_space<vmem>>
        %dma_wait3A_2852 = tpu.memref_squeeze %dma_wait3A_2851 : memref<1x64x128xf32, #tpu.memory_space<vmem>> -> memref<64x128xf32, #tpu.memory_space<vmem>>
        %dma_wait3A_2853 = arith.constant 0 : i32
        %dma_wait3A_2854 = arith.constant 0 : i32
        %dma_wait3A_2855 = tpu.memref_slice %arg3[%dma_wait3A_2853, %dma_wait3A_2854] : memref<64x1000000xf32, #tpu.memory_space<hbm>> -> memref<64x128xf32, #tpu.memory_space<hbm>>
        tpu.wait_dma2 semaphore(%arg8 : memref<!tpu.dma_semaphore, #tpu.memory_space<semaphore_mem>>) src(%dma_wait3A_2855 : memref<64x128xf32, #tpu.memory_space<hbm>>) dst(%dma_wait3A_2852 : memref<64x128xf32, #tpu.memory_space<vmem>>)
      } else {
      }
      %convert_element_type3A_901 = arith.extui %ne3A_897 : i1 to i32
      %add3A_902 = arith.addi %add3A_752, %convert_element_type3A_901 : i32
      %mul3A_903 = arith.constant 128 : i32
      %mul3A_904 = arith.muli %select_n3A_896, %mul3A_903 : i32
      %sub3A_905 = arith.subi %squeeze3A_872, %mul3A_904 : i32
      %sub3A_906 = arith.constant 1 : i32
      %sub3A_907 = arith.subi %add3A_902, %sub3A_906 : i32
      %jit3A_908 = arith.constant 14 : i32
      %eq3A_909 = arith.constant 0 : i32
      %eq3A_910 = arith.cmpi eq, %jit3A_908, %eq3A_909 : i32
      %jit3A_911 = arith.constant 1 : i32
      %select_n3A_912 = arith.select %eq3A_910, %jit3A_911, %jit3A_908 : i32
      %rem3A_913 = arith.remsi %sub3A_907, %select_n3A_912 : i32
      %ne3A_914 = arith.constant 0 : i32
      %ne3A_915 = arith.cmpi ne, %rem3A_913, %ne3A_914 : i32
      %lt3A_916 = arith.constant 0 : i32
      %lt3A_917 = arith.cmpi slt, %rem3A_913, %lt3A_916 : i32
      %lt3A_918 = arith.constant 0 : i32
      %lt3A_919 = arith.cmpi slt, %select_n3A_912, %lt3A_918 : i32
      %ne3A_920 = arith.xori %lt3A_917, %lt3A_919 : i1
      %and3A_921 = arith.andi %ne3A_920, %ne3A_915 : i1
      %add3A_922 = arith.addi %rem3A_913, %select_n3A_912 : i32
      %select_n3A_923 = arith.select %and3A_921, %add3A_922, %rem3A_913 : i32
      %jit3A_924 = arith.constant 4 : i32
      %eq3A_925 = arith.constant 0 : i32
      %eq3A_926 = arith.cmpi eq, %jit3A_924, %eq3A_925 : i32
      %jit3A_927 = arith.constant 1 : i32
      %select_n3A_928 = arith.select %eq3A_926, %jit3A_927, %jit3A_924 : i32
      %rem3A_929 = arith.remsi %scan3A_411, %select_n3A_928 : i32
      %ne3A_930 = arith.constant 0 : i32
      %ne3A_931 = arith.cmpi ne, %rem3A_929, %ne3A_930 : i32
      %lt3A_932 = arith.constant 0 : i32
      %lt3A_933 = arith.cmpi slt, %rem3A_929, %lt3A_932 : i32
      %lt3A_934 = arith.constant 0 : i32
      %lt3A_935 = arith.cmpi slt, %select_n3A_928, %lt3A_934 : i32
      %ne3A_936 = arith.xori %lt3A_933, %lt3A_935 : i1
      %and3A_937 = arith.andi %ne3A_936, %ne3A_931 : i1
      %add3A_938 = arith.addi %rem3A_929, %select_n3A_928 : i32
      %select_n3A_939 = arith.select %and3A_937, %add3A_938, %rem3A_929 : i32
      %mul3A_940 = arith.constant 16 : i32
      %mul3A_941 = arith.muli %select_n3A_939, %mul3A_940 : i32
      %add3A_942 = arith.constant 3 : i32
      %add3A_943 = arith.addi %mul3A_941, %add3A_942 : i32
      %broadcast_in_dim3A_944 = vector.broadcast %sub3A_905 : i32 to vector<16xi32>
      %gather3A_945 = arith.constant 0 : i32
      %gather3A_946 = arith.constant 0 : i32
      %gather3A_947 = tpu.memref_slice %arg6[%select_n3A_923, %gather3A_945, %gather3A_946] : memref<14x64x128xf32, #tpu.memory_space<vmem>> -> memref<1x64x128xf32, #tpu.memory_space<vmem>>
      %gather3A_948 = tpu.memref_squeeze %gather3A_947 : memref<1x64x128xf32, #tpu.memory_space<vmem>> -> memref<64x128xf32, #tpu.memory_space<vmem>>
      %gather3A_949 = tpu.vector_load_idx %gather3A_948[%add3A_5, %broadcast_in_dim3A_944] : memref<64x128xf32, #tpu.memory_space<vmem>>[vector<16xi32>, vector<16xi32>], vector<16xf32>,
      %mul3A_950 = arith.constant 64 : i32
      %mul3A_951 = arith.muli %add3A_943, %mul3A_950 : i32
      %add3A_952 = arith.constant 0 : i32
      %add3A_953 = arith.addi %mul3A_951, %add3A_952 : i32
      %swap3A_954 = arith.index_cast %add3A_953 : i32 to index
      %swap3A_955 = tpu.vector_load %arg7[%swap3A_954] {strides = array<i32>} : memref<4096xf32, #tpu.memory_space<vmem>>, vector<16xf32>,
      tpu.vector_store %arg7[%swap3A_954], %gather3A_949 {strides = array<i32>} : memref<4096xf32, #tpu.memory_space<vmem>>, vector<16xf32>,
      %gather3A_956 = arith.constant 0 : i32
      %gather3A_957 = arith.constant 0 : i32
      %gather3A_958 = tpu.memref_slice %arg6[%select_n3A_923, %gather3A_956, %gather3A_957] : memref<14x64x128xf32, #tpu.memory_space<vmem>> -> memref<1x64x128xf32, #tpu.memory_space<vmem>>
      %gather3A_959 = tpu.memref_squeeze %gather3A_958 : memref<1x64x128xf32, #tpu.memory_space<vmem>> -> memref<64x128xf32, #tpu.memory_space<vmem>>
      %gather3A_960 = tpu.vector_load_idx %gather3A_959[%add3A_9, %broadcast_in_dim3A_944] : memref<64x128xf32, #tpu.memory_space<vmem>>[vector<16xi32>, vector<16xi32>], vector<16xf32>,
      %mul3A_961 = arith.constant 64 : i32
      %mul3A_962 = arith.muli %add3A_943, %mul3A_961 : i32
      %add3A_963 = arith.constant 16 : i32
      %add3A_964 = arith.addi %mul3A_962, %add3A_963 : i32
      %swap3A_965 = arith.index_cast %add3A_964 : i32 to index
      %swap3A_966 = tpu.vector_load %arg7[%swap3A_965] {strides = array<i32>} : memref<4096xf32, #tpu.memory_space<vmem>>, vector<16xf32>,
      tpu.vector_store %arg7[%swap3A_965], %gather3A_960 {strides = array<i32>} : memref<4096xf32, #tpu.memory_space<vmem>>, vector<16xf32>,
      %gather3A_967 = arith.constant 0 : i32
      %gather3A_968 = arith.constant 0 : i32
      %gather3A_969 = tpu.memref_slice %arg6[%select_n3A_923, %gather3A_967, %gather3A_968] : memref<14x64x128xf32, #tpu.memory_space<vmem>> -> memref<1x64x128xf32, #tpu.memory_space<vmem>>
      %gather3A_970 = tpu.memref_squeeze %gather3A_969 : memref<1x64x128xf32, #tpu.memory_space<vmem>> -> memref<64x128xf32, #tpu.memory_space<vmem>>
      %gather3A_971 = tpu.vector_load_idx %gather3A_970[%add3A_13, %broadcast_in_dim3A_944] : memref<64x128xf32, #tpu.memory_space<vmem>>[vector<16xi32>, vector<16xi32>], vector<16xf32>,
      %mul3A_972 = arith.constant 64 : i32
      %mul3A_973 = arith.muli %add3A_943, %mul3A_972 : i32
      %add3A_974 = arith.constant 32 : i32
      %add3A_975 = arith.addi %mul3A_973, %add3A_974 : i32
      %swap3A_976 = arith.index_cast %add3A_975 : i32 to index
      %swap3A_977 = tpu.vector_load %arg7[%swap3A_976] {strides = array<i32>} : memref<4096xf32, #tpu.memory_space<vmem>>, vector<16xf32>,
      tpu.vector_store %arg7[%swap3A_976], %gather3A_971 {strides = array<i32>} : memref<4096xf32, #tpu.memory_space<vmem>>, vector<16xf32>,
      %gather3A_978 = arith.constant 0 : i32
      %gather3A_979 = arith.constant 0 : i32
      %gather3A_980 = tpu.memref_slice %arg6[%select_n3A_923, %gather3A_978, %gather3A_979] : memref<14x64x128xf32, #tpu.memory_space<vmem>> -> memref<1x64x128xf32, #tpu.memory_space<vmem>>
      %gather3A_981 = tpu.memref_squeeze %gather3A_980 : memref<1x64x128xf32, #tpu.memory_space<vmem>> -> memref<64x128xf32, #tpu.memory_space<vmem>>
      %gather3A_982 = tpu.vector_load_idx %gather3A_981[%add3A_17, %broadcast_in_dim3A_944] : memref<64x128xf32, #tpu.memory_space<vmem>>[vector<16xi32>, vector<16xi32>], vector<16xf32>,
      %mul3A_983 = arith.constant 64 : i32
      %mul3A_984 = arith.muli %add3A_943, %mul3A_983 : i32
      %add3A_985 = arith.constant 48 : i32
      %add3A_986 = arith.addi %mul3A_984, %add3A_985 : i32
      %swap3A_987 = arith.index_cast %add3A_986 : i32 to index
      %swap3A_988 = tpu.vector_load %arg7[%swap3A_987] {strides = array<i32>} : memref<4096xf32, #tpu.memory_space<vmem>>, vector<16xf32>,
      tpu.vector_store %arg7[%swap3A_987], %gather3A_982 {strides = array<i32>} : memref<4096xf32, #tpu.memory_space<vmem>>, vector<16xf32>,
      %slice3A_989 = vector.extract_strided_slice %get3A_419 {offsets = [15], sizes = [1], strides = [1]} : vector<16xi32> to vector<1xi32>
      %squeeze3A_990 = vector.extract %slice3A_989[0] : i32 from vector<1xi32>
      %jit3A_991 = arith.constant 128 : i32
      %div3A_992 = arith.divsi %squeeze3A_990, %jit3A_991 : i32
      %sign3A_993 = arith.constant 0 : i32
      %sign3A_994 = arith.cmpi sgt, %squeeze3A_990, %sign3A_993 : i32
      %sign3A_995 = arith.extui %sign3A_994 : i1 to i32
      %sign3A_996 = arith.constant 0 : i32
      %sign3A_997 = arith.cmpi slt, %squeeze3A_990, %sign3A_996 : i32
      %sign3A_998 = arith.extui %sign3A_997 : i1 to i32
      %sign3A_999 = arith.subi %sign3A_995, %sign3A_998 : i32
      %sign3A_1000 = arith.constant 0 : i32
      %sign3A_1001 = arith.cmpi sgt, %jit3A_991, %sign3A_1000 : i32
      %sign3A_1002 = arith.extui %sign3A_1001 : i1 to i32
      %sign3A_1003 = arith.constant 0 : i32
      %sign3A_1004 = arith.cmpi slt, %jit3A_991, %sign3A_1003 : i32
      %sign3A_1005 = arith.extui %sign3A_1004 : i1 to i32
      %sign3A_1006 = arith.subi %sign3A_1002, %sign3A_1005 : i32
      %ne3A_1007 = arith.cmpi ne, %sign3A_999, %sign3A_1006 : i32
      %rem3A_1008 = arith.remsi %squeeze3A_990, %jit3A_991 : i32
      %ne3A_1009 = arith.constant 0 : i32
      %ne3A_1010 = arith.cmpi ne, %rem3A_1008, %ne3A_1009 : i32
      %and3A_1011 = arith.andi %ne3A_1007, %ne3A_1010 : i1
      %sub3A_1012 = arith.constant 1 : i32
      %sub3A_1013 = arith.subi %div3A_992, %sub3A_1012 : i32
      %select_n3A_1014 = arith.select %and3A_1011, %sub3A_1013, %div3A_992 : i32
      %ne3A_1015 = arith.cmpi ne, %select_n3A_1014, %select_n3A_864 : i32
      %convert_element_type3A_1016 = arith.extui %ne3A_1015 : i1 to i32
      %cond3A_1017 = arith.constant 0 : i32
      %cond3A_1018 = arith.cmpi ne, %convert_element_type3A_1016, %cond3A_1017 : i32
      scf.if %cond3A_1018 {
        %jit3A_2842 = arith.constant 14 : i32
        %eq3A_2843 = arith.constant 0 : i32
        %eq3A_2844 = arith.cmpi eq, %jit3A_2842, %eq3A_2843 : i32
        %jit3A_2845 = arith.constant 1 : i32
        %select_n3A_2846 = arith.select %eq3A_2844, %jit3A_2845, %jit3A_2842 : i32
        %rem3A_2847 = arith.remsi %add3A_870, %select_n3A_2846 : i32
        %ne3A_2848 = arith.constant 0 : i32
        %ne3A_2849 = arith.cmpi ne, %rem3A_2847, %ne3A_2848 : i32
        %lt3A_2850 = arith.constant 0 : i32
        %lt3A_2851 = arith.cmpi slt, %rem3A_2847, %lt3A_2850 : i32
        %lt3A_2852 = arith.constant 0 : i32
        %lt3A_2853 = arith.cmpi slt, %select_n3A_2846, %lt3A_2852 : i32
        %ne3A_2854 = arith.xori %lt3A_2851, %lt3A_2853 : i1
        %and3A_2855 = arith.andi %ne3A_2854, %ne3A_2849 : i1
        %add3A_2856 = arith.addi %rem3A_2847, %select_n3A_2846 : i32
        %select_n3A_2857 = arith.select %and3A_2855, %add3A_2856, %rem3A_2847 : i32
        %mul3A_2858 = arith.constant 128 : i32
        %mul3A_2859 = arith.muli %select_n3A_1014, %mul3A_2858 : i32
        %multiple_of3A = tpu.assume_multiple %mul3A_2859, 128 : i32
        %dma_start3A = arith.constant 0 : i32
        %dma_start3A_2860 = arith.constant 0 : i32
        %dma_start3A_2861 = tpu.memref_slice %arg6[%select_n3A_2857, %dma_start3A, %dma_start3A_2860] : memref<14x64x128xf32, #tpu.memory_space<vmem>> -> memref<1x64x128xf32, #tpu.memory_space<vmem>>
        %dma_start3A_2862 = tpu.memref_squeeze %dma_start3A_2861 : memref<1x64x128xf32, #tpu.memory_space<vmem>> -> memref<64x128xf32, #tpu.memory_space<vmem>>
        %dma_start3A_2863 = arith.constant 0 : i32
        %dma_start3A_2864 = tpu.memref_slice %arg3[%dma_start3A_2863, %multiple_of3A] : memref<64x1000000xf32, #tpu.memory_space<hbm>> -> memref<64x128xf32, #tpu.memory_space<hbm>>
        %dma_start3A_2865 = arith.constant 0 : i32
        %dma_start3A_2866 = arith.constant 0 : i32
        %dma_start3A_2867 = tpu.memref_slice %arg6[%select_n3A_2857, %dma_start3A_2865, %dma_start3A_2866] : memref<14x64x128xf32, #tpu.memory_space<vmem>> -> memref<1x64x128xf32, #tpu.memory_space<vmem>>
        %dma_start3A_2868 = tpu.memref_squeeze %dma_start3A_2867 : memref<1x64x128xf32, #tpu.memory_space<vmem>> -> memref<64x128xf32, #tpu.memory_space<vmem>>
        %dma_start3A_2869 = arith.constant 0 : i32
        %dma_start3A_2870 = tpu.memref_slice %arg3[%dma_start3A_2869, %multiple_of3A] : memref<64x1000000xf32, #tpu.memory_space<hbm>> -> memref<64x128xf32, #tpu.memory_space<hbm>>
        tpu.enqueue_dma source(%dma_start3A_2870 : memref<64x128xf32, #tpu.memory_space<hbm>>) target(%dma_start3A_2868 : memref<64x128xf32, #tpu.memory_space<vmem>>) target_semaphore(%arg8 : memref<!tpu.dma_semaphore, #tpu.memory_space<semaphore_mem>>)
      } else {
      }
      %convert_element_type3A_1019 = arith.extui %ne3A_1015 : i1 to i32
      %add3A_1020 = arith.addi %add3A_870, %convert_element_type3A_1019 : i32
      %slice3A_1021 = vector.extract_strided_slice %get3A_419 {offsets = [4], sizes = [1], strides = [1]} : vector<16xi32> to vector<1xi32>
      %squeeze3A_1022 = vector.extract %slice3A_1021[0] : i32 from vector<1xi32>
      %jit3A_1023 = arith.constant 128 : i32
      %div3A_1024 = arith.divsi %squeeze3A_1022, %jit3A_1023 : i32
      %sign3A_1025 = arith.constant 0 : i32
      %sign3A_1026 = arith.cmpi sgt, %squeeze3A_1022, %sign3A_1025 : i32
      %sign3A_1027 = arith.extui %sign3A_1026 : i1 to i32
      %sign3A_1028 = arith.constant 0 : i32
      %sign3A_1029 = arith.cmpi slt, %squeeze3A_1022, %sign3A_1028 : i32
      %sign3A_1030 = arith.extui %sign3A_1029 : i1 to i32
      %sign3A_1031 = arith.subi %sign3A_1027, %sign3A_1030 : i32
      %sign3A_1032 = arith.constant 0 : i32
      %sign3A_1033 = arith.cmpi sgt, %jit3A_1023, %sign3A_1032 : i32
      %sign3A_1034 = arith.extui %sign3A_1033 : i1 to i32
      %sign3A_1035 = arith.constant 0 : i32
      %sign3A_1036 = arith.cmpi slt, %jit3A_1023, %sign3A_1035 : i32
      %sign3A_1037 = arith.extui %sign3A_1036 : i1 to i32
      %sign3A_1038 = arith.subi %sign3A_1034, %sign3A_1037 : i32
      %ne3A_1039 = arith.cmpi ne, %sign3A_1031, %sign3A_1038 : i32
      %rem3A_1040 = arith.remsi %squeeze3A_1022, %jit3A_1023 : i32
      %ne3A_1041 = arith.constant 0 : i32
      %ne3A_1042 = arith.cmpi ne, %rem3A_1040, %ne3A_1041 : i32
      %and3A_1043 = arith.andi %ne3A_1039, %ne3A_1042 : i1
      %sub3A_1044 = arith.constant 1 : i32
      %sub3A_1045 = arith.subi %div3A_1024, %sub3A_1044 : i32
      %select_n3A_1046 = arith.select %and3A_1043, %sub3A_1045, %div3A_1024 : i32
      %ne3A_1047 = arith.cmpi ne, %select_n3A_1046, %select_n3A_896 : i32
      %convert_element_type3A_1048 = arith.extui %ne3A_1047 : i1 to i32
      %cond3A_1049 = arith.constant 0 : i32
      %cond3A_1050 = arith.cmpi ne, %convert_element_type3A_1048, %cond3A_1049 : i32
      scf.if %cond3A_1050 {
        %dma_wait3A = arith.constant 0 : i32
        %dma_wait3A_2842 = arith.constant 0 : i32
        %dma_wait3A_2843 = arith.constant 0 : i32
        %dma_wait3A_2844 = tpu.memref_slice %arg6[%dma_wait3A, %dma_wait3A_2842, %dma_wait3A_2843] : memref<14x64x128xf32, #tpu.memory_space<vmem>> -> memref<1x64x128xf32, #tpu.memory_space<vmem>>
        %dma_wait3A_2845 = tpu.memref_squeeze %dma_wait3A_2844 : memref<1x64x128xf32, #tpu.memory_space<vmem>> -> memref<64x128xf32, #tpu.memory_space<vmem>>
        %dma_wait3A_2846 = arith.constant 0 : i32
        %dma_wait3A_2847 = arith.constant 0 : i32
        %dma_wait3A_2848 = tpu.memref_slice %arg3[%dma_wait3A_2846, %dma_wait3A_2847] : memref<64x1000000xf32, #tpu.memory_space<hbm>> -> memref<64x128xf32, #tpu.memory_space<hbm>>
        %dma_wait3A_2849 = arith.constant 0 : i32
        %dma_wait3A_2850 = arith.constant 0 : i32
        %dma_wait3A_2851 = tpu.memref_slice %arg6[%dma_wait3A, %dma_wait3A_2849, %dma_wait3A_2850] : memref<14x64x128xf32, #tpu.memory_space<vmem>> -> memref<1x64x128xf32, #tpu.memory_space<vmem>>
        %dma_wait3A_2852 = tpu.memref_squeeze %dma_wait3A_2851 : memref<1x64x128xf32, #tpu.memory_space<vmem>> -> memref<64x128xf32, #tpu.memory_space<vmem>>
        %dma_wait3A_2853 = arith.constant 0 : i32
        %dma_wait3A_2854 = arith.constant 0 : i32
        %dma_wait3A_2855 = tpu.memref_slice %arg3[%dma_wait3A_2853, %dma_wait3A_2854] : memref<64x1000000xf32, #tpu.memory_space<hbm>> -> memref<64x128xf32, #tpu.memory_space<hbm>>
        tpu.wait_dma2 semaphore(%arg8 : memref<!tpu.dma_semaphore, #tpu.memory_space<semaphore_mem>>) src(%dma_wait3A_2855 : memref<64x128xf32, #tpu.memory_space<hbm>>) dst(%dma_wait3A_2852 : memref<64x128xf32, #tpu.memory_space<vmem>>)
      } else {
      }
      %convert_element_type3A_1051 = arith.extui %ne3A_1047 : i1 to i32
      %add3A_1052 = arith.addi %add3A_902, %convert_element_type3A_1051 : i32
      %mul3A_1053 = arith.constant 128 : i32
      %mul3A_1054 = arith.muli %select_n3A_1046, %mul3A_1053 : i32
      %sub3A_1055 = arith.subi %squeeze3A_1022, %mul3A_1054 : i32
      %sub3A_1056 = arith.constant 1 : i32
      %sub3A_1057 = arith.subi %add3A_1052, %sub3A_1056 : i32
      %jit3A_1058 = arith.constant 14 : i32
      %eq3A_1059 = arith.constant 0 : i32
      %eq3A_1060 = arith.cmpi eq, %jit3A_1058, %eq3A_1059 : i32
      %jit3A_1061 = arith.constant 1 : i32
      %select_n3A_1062 = arith.select %eq3A_1060, %jit3A_1061, %jit3A_1058 : i32
      %rem3A_1063 = arith.remsi %sub3A_1057, %select_n3A_1062 : i32
      %ne3A_1064 = arith.constant 0 : i32
      %ne3A_1065 = arith.cmpi ne, %rem3A_1063, %ne3A_1064 : i32
      %lt3A_1066 = arith.constant 0 : i32
      %lt3A_1067 = arith.cmpi slt, %rem3A_1063, %lt3A_1066 : i32
      %lt3A_1068 = arith.constant 0 : i32
      %lt3A_1069 = arith.cmpi slt, %select_n3A_1062, %lt3A_1068 : i32
      %ne3A_1070 = arith.xori %lt3A_1067, %lt3A_1069 : i1
      %and3A_1071 = arith.andi %ne3A_1070, %ne3A_1065 : i1
      %add3A_1072 = arith.addi %rem3A_1063, %select_n3A_1062 : i32
      %select_n3A_1073 = arith.select %and3A_1071, %add3A_1072, %rem3A_1063 : i32
      %jit3A_1074 = arith.constant 4 : i32
      %eq3A_1075 = arith.constant 0 : i32
      %eq3A_1076 = arith.cmpi eq, %jit3A_1074, %eq3A_1075 : i32
      %jit3A_1077 = arith.constant 1 : i32
      %select_n3A_1078 = arith.select %eq3A_1076, %jit3A_1077, %jit3A_1074 : i32
      %rem3A_1079 = arith.remsi %scan3A_411, %select_n3A_1078 : i32
      %ne3A_1080 = arith.constant 0 : i32
      %ne3A_1081 = arith.cmpi ne, %rem3A_1079, %ne3A_1080 : i32
      %lt3A_1082 = arith.constant 0 : i32
      %lt3A_1083 = arith.cmpi slt, %rem3A_1079, %lt3A_1082 : i32
      %lt3A_1084 = arith.constant 0 : i32
      %lt3A_1085 = arith.cmpi slt, %select_n3A_1078, %lt3A_1084 : i32
      %ne3A_1086 = arith.xori %lt3A_1083, %lt3A_1085 : i1
      %and3A_1087 = arith.andi %ne3A_1086, %ne3A_1081 : i1
      %add3A_1088 = arith.addi %rem3A_1079, %select_n3A_1078 : i32
      %select_n3A_1089 = arith.select %and3A_1087, %add3A_1088, %rem3A_1079 : i32
      %mul3A_1090 = arith.constant 16 : i32
      %mul3A_1091 = arith.muli %select_n3A_1089, %mul3A_1090 : i32
      %add3A_1092 = arith.constant 4 : i32
      %add3A_1093 = arith.addi %mul3A_1091, %add3A_1092 : i32
      %broadcast_in_dim3A_1094 = vector.broadcast %sub3A_1055 : i32 to vector<16xi32>
      %gather3A_1095 = arith.constant 0 : i32
      %gather3A_1096 = arith.constant 0 : i32
      %gather3A_1097 = tpu.memref_slice %arg6[%select_n3A_1073, %gather3A_1095, %gather3A_1096] : memref<14x64x128xf32, #tpu.memory_space<vmem>> -> memref<1x64x128xf32, #tpu.memory_space<vmem>>
      %gather3A_1098 = tpu.memref_squeeze %gather3A_1097 : memref<1x64x128xf32, #tpu.memory_space<vmem>> -> memref<64x128xf32, #tpu.memory_space<vmem>>
      %gather3A_1099 = tpu.vector_load_idx %gather3A_1098[%add3A_5, %broadcast_in_dim3A_1094] : memref<64x128xf32, #tpu.memory_space<vmem>>[vector<16xi32>, vector<16xi32>], vector<16xf32>,
      %mul3A_1100 = arith.constant 64 : i32
      %mul3A_1101 = arith.muli %add3A_1093, %mul3A_1100 : i32
      %add3A_1102 = arith.constant 0 : i32
      %add3A_1103 = arith.addi %mul3A_1101, %add3A_1102 : i32
      %swap3A_1104 = arith.index_cast %add3A_1103 : i32 to index
      %swap3A_1105 = tpu.vector_load %arg7[%swap3A_1104] {strides = array<i32>} : memref<4096xf32, #tpu.memory_space<vmem>>, vector<16xf32>,
      tpu.vector_store %arg7[%swap3A_1104], %gather3A_1099 {strides = array<i32>} : memref<4096xf32, #tpu.memory_space<vmem>>, vector<16xf32>,
      %gather3A_1106 = arith.constant 0 : i32
      %gather3A_1107 = arith.constant 0 : i32
      %gather3A_1108 = tpu.memref_slice %arg6[%select_n3A_1073, %gather3A_1106, %gather3A_1107] : memref<14x64x128xf32, #tpu.memory_space<vmem>> -> memref<1x64x128xf32, #tpu.memory_space<vmem>>
      %gather3A_1109 = tpu.memref_squeeze %gather3A_1108 : memref<1x64x128xf32, #tpu.memory_space<vmem>> -> memref<64x128xf32, #tpu.memory_space<vmem>>
      %gather3A_1110 = tpu.vector_load_idx %gather3A_1109[%add3A_9, %broadcast_in_dim3A_1094] : memref<64x128xf32, #tpu.memory_space<vmem>>[vector<16xi32>, vector<16xi32>], vector<16xf32>,
      %mul3A_1111 = arith.constant 64 : i32
      %mul3A_1112 = arith.muli %add3A_1093, %mul3A_1111 : i32
      %add3A_1113 = arith.constant 16 : i32
      %add3A_1114 = arith.addi %mul3A_1112, %add3A_1113 : i32
      %swap3A_1115 = arith.index_cast %add3A_1114 : i32 to index
      %swap3A_1116 = tpu.vector_load %arg7[%swap3A_1115] {strides = array<i32>} : memref<4096xf32, #tpu.memory_space<vmem>>, vector<16xf32>,
      tpu.vector_store %arg7[%swap3A_1115], %gather3A_1110 {strides = array<i32>} : memref<4096xf32, #tpu.memory_space<vmem>>, vector<16xf32>,
      %gather3A_1117 = arith.constant 0 : i32
      %gather3A_1118 = arith.constant 0 : i32
      %gather3A_1119 = tpu.memref_slice %arg6[%select_n3A_1073, %gather3A_1117, %gather3A_1118] : memref<14x64x128xf32, #tpu.memory_space<vmem>> -> memref<1x64x128xf32, #tpu.memory_space<vmem>>
      %gather3A_1120 = tpu.memref_squeeze %gather3A_1119 : memref<1x64x128xf32, #tpu.memory_space<vmem>> -> memref<64x128xf32, #tpu.memory_space<vmem>>
      %gather3A_1121 = tpu.vector_load_idx %gather3A_1120[%add3A_13, %broadcast_in_dim3A_1094] : memref<64x128xf32, #tpu.memory_space<vmem>>[vector<16xi32>, vector<16xi32>], vector<16xf32>,
      %mul3A_1122 = arith.constant 64 : i32
      %mul3A_1123 = arith.muli %add3A_1093, %mul3A_1122 : i32
      %add3A_1124 = arith.constant 32 : i32
      %add3A_1125 = arith.addi %mul3A_1123, %add3A_1124 : i32
      %swap3A_1126 = arith.index_cast %add3A_1125 : i32 to index
      %swap3A_1127 = tpu.vector_load %arg7[%swap3A_1126] {strides = array<i32>} : memref<4096xf32, #tpu.memory_space<vmem>>, vector<16xf32>,
      tpu.vector_store %arg7[%swap3A_1126], %gather3A_1121 {strides = array<i32>} : memref<4096xf32, #tpu.memory_space<vmem>>, vector<16xf32>,
      %gather3A_1128 = arith.constant 0 : i32
      %gather3A_1129 = arith.constant 0 : i32
      %gather3A_1130 = tpu.memref_slice %arg6[%select_n3A_1073, %gather3A_1128, %gather3A_1129] : memref<14x64x128xf32, #tpu.memory_space<vmem>> -> memref<1x64x128xf32, #tpu.memory_space<vmem>>
      %gather3A_1131 = tpu.memref_squeeze %gather3A_1130 : memref<1x64x128xf32, #tpu.memory_space<vmem>> -> memref<64x128xf32, #tpu.memory_space<vmem>>
      %gather3A_1132 = tpu.vector_load_idx %gather3A_1131[%add3A_17, %broadcast_in_dim3A_1094] : memref<64x128xf32, #tpu.memory_space<vmem>>[vector<16xi32>, vector<16xi32>], vector<16xf32>,
      %mul3A_1133 = arith.constant 64 : i32
      %mul3A_1134 = arith.muli %add3A_1093, %mul3A_1133 : i32
      %add3A_1135 = arith.constant 48 : i32
      %add3A_1136 = arith.addi %mul3A_1134, %add3A_1135 : i32
      %swap3A_1137 = arith.index_cast %add3A_1136 : i32 to index
      %swap3A_1138 = tpu.vector_load %arg7[%swap3A_1137] {strides = array<i32>} : memref<4096xf32, #tpu.memory_space<vmem>>, vector<16xf32>,
      tpu.vector_store %arg7[%swap3A_1137], %gather3A_1132 {strides = array<i32>} : memref<4096xf32, #tpu.memory_space<vmem>>, vector<16xf32>,
      %slice3A_1139 = vector.extract_strided_slice %get3A_425 {offsets = [0], sizes = [1], strides = [1]} : vector<16xi32> to vector<1xi32>
      %squeeze3A_1140 = vector.extract %slice3A_1139[0] : i32 from vector<1xi32>
      %jit3A_1141 = arith.constant 128 : i32
      %div3A_1142 = arith.divsi %squeeze3A_1140, %jit3A_1141 : i32
      %sign3A_1143 = arith.constant 0 : i32
      %sign3A_1144 = arith.cmpi sgt, %squeeze3A_1140, %sign3A_1143 : i32
      %sign3A_1145 = arith.extui %sign3A_1144 : i1 to i32
      %sign3A_1146 = arith.constant 0 : i32
      %sign3A_1147 = arith.cmpi slt, %squeeze3A_1140, %sign3A_1146 : i32
      %sign3A_1148 = arith.extui %sign3A_1147 : i1 to i32
      %sign3A_1149 = arith.subi %sign3A_1145, %sign3A_1148 : i32
      %sign3A_1150 = arith.constant 0 : i32
      %sign3A_1151 = arith.cmpi sgt, %jit3A_1141, %sign3A_1150 : i32
      %sign3A_1152 = arith.extui %sign3A_1151 : i1 to i32
      %sign3A_1153 = arith.constant 0 : i32
      %sign3A_1154 = arith.cmpi slt, %jit3A_1141, %sign3A_1153 : i32
      %sign3A_1155 = arith.extui %sign3A_1154 : i1 to i32
      %sign3A_1156 = arith.subi %sign3A_1152, %sign3A_1155 : i32
      %ne3A_1157 = arith.cmpi ne, %sign3A_1149, %sign3A_1156 : i32
      %rem3A_1158 = arith.remsi %squeeze3A_1140, %jit3A_1141 : i32
      %ne3A_1159 = arith.constant 0 : i32
      %ne3A_1160 = arith.cmpi ne, %rem3A_1158, %ne3A_1159 : i32
      %and3A_1161 = arith.andi %ne3A_1157, %ne3A_1160 : i1
      %sub3A_1162 = arith.constant 1 : i32
      %sub3A_1163 = arith.subi %div3A_1142, %sub3A_1162 : i32
      %select_n3A_1164 = arith.select %and3A_1161, %sub3A_1163, %div3A_1142 : i32
      %ne3A_1165 = arith.cmpi ne, %select_n3A_1164, %select_n3A_1014 : i32
      %convert_element_type3A_1166 = arith.extui %ne3A_1165 : i1 to i32
      %cond3A_1167 = arith.constant 0 : i32
      %cond3A_1168 = arith.cmpi ne, %convert_element_type3A_1166, %cond3A_1167 : i32
      scf.if %cond3A_1168 {
        %jit3A_2842 = arith.constant 14 : i32
        %eq3A_2843 = arith.constant 0 : i32
        %eq3A_2844 = arith.cmpi eq, %jit3A_2842, %eq3A_2843 : i32
        %jit3A_2845 = arith.constant 1 : i32
        %select_n3A_2846 = arith.select %eq3A_2844, %jit3A_2845, %jit3A_2842 : i32
        %rem3A_2847 = arith.remsi %add3A_1020, %select_n3A_2846 : i32
        %ne3A_2848 = arith.constant 0 : i32
        %ne3A_2849 = arith.cmpi ne, %rem3A_2847, %ne3A_2848 : i32
        %lt3A_2850 = arith.constant 0 : i32
        %lt3A_2851 = arith.cmpi slt, %rem3A_2847, %lt3A_2850 : i32
        %lt3A_2852 = arith.constant 0 : i32
        %lt3A_2853 = arith.cmpi slt, %select_n3A_2846, %lt3A_2852 : i32
        %ne3A_2854 = arith.xori %lt3A_2851, %lt3A_2853 : i1
        %and3A_2855 = arith.andi %ne3A_2854, %ne3A_2849 : i1
        %add3A_2856 = arith.addi %rem3A_2847, %select_n3A_2846 : i32
        %select_n3A_2857 = arith.select %and3A_2855, %add3A_2856, %rem3A_2847 : i32
        %mul3A_2858 = arith.constant 128 : i32
        %mul3A_2859 = arith.muli %select_n3A_1164, %mul3A_2858 : i32
        %multiple_of3A = tpu.assume_multiple %mul3A_2859, 128 : i32
        %dma_start3A = arith.constant 0 : i32
        %dma_start3A_2860 = arith.constant 0 : i32
        %dma_start3A_2861 = tpu.memref_slice %arg6[%select_n3A_2857, %dma_start3A, %dma_start3A_2860] : memref<14x64x128xf32, #tpu.memory_space<vmem>> -> memref<1x64x128xf32, #tpu.memory_space<vmem>>
        %dma_start3A_2862 = tpu.memref_squeeze %dma_start3A_2861 : memref<1x64x128xf32, #tpu.memory_space<vmem>> -> memref<64x128xf32, #tpu.memory_space<vmem>>
        %dma_start3A_2863 = arith.constant 0 : i32
        %dma_start3A_2864 = tpu.memref_slice %arg3[%dma_start3A_2863, %multiple_of3A] : memref<64x1000000xf32, #tpu.memory_space<hbm>> -> memref<64x128xf32, #tpu.memory_space<hbm>>
        %dma_start3A_2865 = arith.constant 0 : i32
        %dma_start3A_2866 = arith.constant 0 : i32
        %dma_start3A_2867 = tpu.memref_slice %arg6[%select_n3A_2857, %dma_start3A_2865, %dma_start3A_2866] : memref<14x64x128xf32, #tpu.memory_space<vmem>> -> memref<1x64x128xf32, #tpu.memory_space<vmem>>
        %dma_start3A_2868 = tpu.memref_squeeze %dma_start3A_2867 : memref<1x64x128xf32, #tpu.memory_space<vmem>> -> memref<64x128xf32, #tpu.memory_space<vmem>>
        %dma_start3A_2869 = arith.constant 0 : i32
        %dma_start3A_2870 = tpu.memref_slice %arg3[%dma_start3A_2869, %multiple_of3A] : memref<64x1000000xf32, #tpu.memory_space<hbm>> -> memref<64x128xf32, #tpu.memory_space<hbm>>
        tpu.enqueue_dma source(%dma_start3A_2870 : memref<64x128xf32, #tpu.memory_space<hbm>>) target(%dma_start3A_2868 : memref<64x128xf32, #tpu.memory_space<vmem>>) target_semaphore(%arg8 : memref<!tpu.dma_semaphore, #tpu.memory_space<semaphore_mem>>)
      } else {
      }
      %convert_element_type3A_1169 = arith.extui %ne3A_1165 : i1 to i32
      %add3A_1170 = arith.addi %add3A_1020, %convert_element_type3A_1169 : i32
      %slice3A_1171 = vector.extract_strided_slice %get3A_419 {offsets = [5], sizes = [1], strides = [1]} : vector<16xi32> to vector<1xi32>
      %squeeze3A_1172 = vector.extract %slice3A_1171[0] : i32 from vector<1xi32>
      %jit3A_1173 = arith.constant 128 : i32
      %div3A_1174 = arith.divsi %squeeze3A_1172, %jit3A_1173 : i32
      %sign3A_1175 = arith.constant 0 : i32
      %sign3A_1176 = arith.cmpi sgt, %squeeze3A_1172, %sign3A_1175 : i32
      %sign3A_1177 = arith.extui %sign3A_1176 : i1 to i32
      %sign3A_1178 = arith.constant 0 : i32
      %sign3A_1179 = arith.cmpi slt, %squeeze3A_1172, %sign3A_1178 : i32
      %sign3A_1180 = arith.extui %sign3A_1179 : i1 to i32
      %sign3A_1181 = arith.subi %sign3A_1177, %sign3A_1180 : i32
      %sign3A_1182 = arith.constant 0 : i32
      %sign3A_1183 = arith.cmpi sgt, %jit3A_1173, %sign3A_1182 : i32
      %sign3A_1184 = arith.extui %sign3A_1183 : i1 to i32
      %sign3A_1185 = arith.constant 0 : i32
      %sign3A_1186 = arith.cmpi slt, %jit3A_1173, %sign3A_1185 : i32
      %sign3A_1187 = arith.extui %sign3A_1186 : i1 to i32
      %sign3A_1188 = arith.subi %sign3A_1184, %sign3A_1187 : i32
      %ne3A_1189 = arith.cmpi ne, %sign3A_1181, %sign3A_1188 : i32
      %rem3A_1190 = arith.remsi %squeeze3A_1172, %jit3A_1173 : i32
      %ne3A_1191 = arith.constant 0 : i32
      %ne3A_1192 = arith.cmpi ne, %rem3A_1190, %ne3A_1191 : i32
      %and3A_1193 = arith.andi %ne3A_1189, %ne3A_1192 : i1
      %sub3A_1194 = arith.constant 1 : i32
      %sub3A_1195 = arith.subi %div3A_1174, %sub3A_1194 : i32
      %select_n3A_1196 = arith.select %and3A_1193, %sub3A_1195, %div3A_1174 : i32
      %ne3A_1197 = arith.cmpi ne, %select_n3A_1196, %select_n3A_1046 : i32
      %convert_element_type3A_1198 = arith.extui %ne3A_1197 : i1 to i32
      %cond3A_1199 = arith.constant 0 : i32
      %cond3A_1200 = arith.cmpi ne, %convert_element_type3A_1198, %cond3A_1199 : i32
      scf.if %cond3A_1200 {
        %dma_wait3A = arith.constant 0 : i32
        %dma_wait3A_2842 = arith.constant 0 : i32
        %dma_wait3A_2843 = arith.constant 0 : i32
        %dma_wait3A_2844 = tpu.memref_slice %arg6[%dma_wait3A, %dma_wait3A_2842, %dma_wait3A_2843] : memref<14x64x128xf32, #tpu.memory_space<vmem>> -> memref<1x64x128xf32, #tpu.memory_space<vmem>>
        %dma_wait3A_2845 = tpu.memref_squeeze %dma_wait3A_2844 : memref<1x64x128xf32, #tpu.memory_space<vmem>> -> memref<64x128xf32, #tpu.memory_space<vmem>>
        %dma_wait3A_2846 = arith.constant 0 : i32
        %dma_wait3A_2847 = arith.constant 0 : i32
        %dma_wait3A_2848 = tpu.memref_slice %arg3[%dma_wait3A_2846, %dma_wait3A_2847] : memref<64x1000000xf32, #tpu.memory_space<hbm>> -> memref<64x128xf32, #tpu.memory_space<hbm>>
        %dma_wait3A_2849 = arith.constant 0 : i32
        %dma_wait3A_2850 = arith.constant 0 : i32
        %dma_wait3A_2851 = tpu.memref_slice %arg6[%dma_wait3A, %dma_wait3A_2849, %dma_wait3A_2850] : memref<14x64x128xf32, #tpu.memory_space<vmem>> -> memref<1x64x128xf32, #tpu.memory_space<vmem>>
        %dma_wait3A_2852 = tpu.memref_squeeze %dma_wait3A_2851 : memref<1x64x128xf32, #tpu.memory_space<vmem>> -> memref<64x128xf32, #tpu.memory_space<vmem>>
        %dma_wait3A_2853 = arith.constant 0 : i32
        %dma_wait3A_2854 = arith.constant 0 : i32
        %dma_wait3A_2855 = tpu.memref_slice %arg3[%dma_wait3A_2853, %dma_wait3A_2854] : memref<64x1000000xf32, #tpu.memory_space<hbm>> -> memref<64x128xf32, #tpu.memory_space<hbm>>
        tpu.wait_dma2 semaphore(%arg8 : memref<!tpu.dma_semaphore, #tpu.memory_space<semaphore_mem>>) src(%dma_wait3A_2855 : memref<64x128xf32, #tpu.memory_space<hbm>>) dst(%dma_wait3A_2852 : memref<64x128xf32, #tpu.memory_space<vmem>>)
      } else {
      }
      %convert_element_type3A_1201 = arith.extui %ne3A_1197 : i1 to i32
      %add3A_1202 = arith.addi %add3A_1052, %convert_element_type3A_1201 : i32
      %mul3A_1203 = arith.constant 128 : i32
      %mul3A_1204 = arith.muli %select_n3A_1196, %mul3A_1203 : i32
      %sub3A_1205 = arith.subi %squeeze3A_1172, %mul3A_1204 : i32
      %sub3A_1206 = arith.constant 1 : i32
      %sub3A_1207 = arith.subi %add3A_1202, %sub3A_1206 : i32
      %jit3A_1208 = arith.constant 14 : i32
      %eq3A_1209 = arith.constant 0 : i32
      %eq3A_1210 = arith.cmpi eq, %jit3A_1208, %eq3A_1209 : i32
      %jit3A_1211 = arith.constant 1 : i32
      %select_n3A_1212 = arith.select %eq3A_1210, %jit3A_1211, %jit3A_1208 : i32
      %rem3A_1213 = arith.remsi %sub3A_1207, %select_n3A_1212 : i32
      %ne3A_1214 = arith.constant 0 : i32
      %ne3A_1215 = arith.cmpi ne, %rem3A_1213, %ne3A_1214 : i32
      %lt3A_1216 = arith.constant 0 : i32
      %lt3A_1217 = arith.cmpi slt, %rem3A_1213, %lt3A_1216 : i32
      %lt3A_1218 = arith.constant 0 : i32
      %lt3A_1219 = arith.cmpi slt, %select_n3A_1212, %lt3A_1218 : i32
      %ne3A_1220 = arith.xori %lt3A_1217, %lt3A_1219 : i1
      %and3A_1221 = arith.andi %ne3A_1220, %ne3A_1215 : i1
      %add3A_1222 = arith.addi %rem3A_1213, %select_n3A_1212 : i32
      %select_n3A_1223 = arith.select %and3A_1221, %add3A_1222, %rem3A_1213 : i32
      %jit3A_1224 = arith.constant 4 : i32
      %eq3A_1225 = arith.constant 0 : i32
      %eq3A_1226 = arith.cmpi eq, %jit3A_1224, %eq3A_1225 : i32
      %jit3A_1227 = arith.constant 1 : i32
      %select_n3A_1228 = arith.select %eq3A_1226, %jit3A_1227, %jit3A_1224 : i32
      %rem3A_1229 = arith.remsi %scan3A_411, %select_n3A_1228 : i32
      %ne3A_1230 = arith.constant 0 : i32
      %ne3A_1231 = arith.cmpi ne, %rem3A_1229, %ne3A_1230 : i32
      %lt3A_1232 = arith.constant 0 : i32
      %lt3A_1233 = arith.cmpi slt, %rem3A_1229, %lt3A_1232 : i32
      %lt3A_1234 = arith.constant 0 : i32
      %lt3A_1235 = arith.cmpi slt, %select_n3A_1228, %lt3A_1234 : i32
      %ne3A_1236 = arith.xori %lt3A_1233, %lt3A_1235 : i1
      %and3A_1237 = arith.andi %ne3A_1236, %ne3A_1231 : i1
      %add3A_1238 = arith.addi %rem3A_1229, %select_n3A_1228 : i32
      %select_n3A_1239 = arith.select %and3A_1237, %add3A_1238, %rem3A_1229 : i32
      %mul3A_1240 = arith.constant 16 : i32
      %mul3A_1241 = arith.muli %select_n3A_1239, %mul3A_1240 : i32
      %add3A_1242 = arith.constant 5 : i32
      %add3A_1243 = arith.addi %mul3A_1241, %add3A_1242 : i32
      %broadcast_in_dim3A_1244 = vector.broadcast %sub3A_1205 : i32 to vector<16xi32>
      %gather3A_1245 = arith.constant 0 : i32
      %gather3A_1246 = arith.constant 0 : i32
      %gather3A_1247 = tpu.memref_slice %arg6[%select_n3A_1223, %gather3A_1245, %gather3A_1246] : memref<14x64x128xf32, #tpu.memory_space<vmem>> -> memref<1x64x128xf32, #tpu.memory_space<vmem>>
      %gather3A_1248 = tpu.memref_squeeze %gather3A_1247 : memref<1x64x128xf32, #tpu.memory_space<vmem>> -> memref<64x128xf32, #tpu.memory_space<vmem>>
      %gather3A_1249 = tpu.vector_load_idx %gather3A_1248[%add3A_5, %broadcast_in_dim3A_1244] : memref<64x128xf32, #tpu.memory_space<vmem>>[vector<16xi32>, vector<16xi32>], vector<16xf32>,
      %mul3A_1250 = arith.constant 64 : i32
      %mul3A_1251 = arith.muli %add3A_1243, %mul3A_1250 : i32
      %add3A_1252 = arith.constant 0 : i32
      %add3A_1253 = arith.addi %mul3A_1251, %add3A_1252 : i32
      %swap3A_1254 = arith.index_cast %add3A_1253 : i32 to index
      %swap3A_1255 = tpu.vector_load %arg7[%swap3A_1254] {strides = array<i32>} : memref<4096xf32, #tpu.memory_space<vmem>>, vector<16xf32>,
      tpu.vector_store %arg7[%swap3A_1254], %gather3A_1249 {strides = array<i32>} : memref<4096xf32, #tpu.memory_space<vmem>>, vector<16xf32>,
      %gather3A_1256 = arith.constant 0 : i32
      %gather3A_1257 = arith.constant 0 : i32
      %gather3A_1258 = tpu.memref_slice %arg6[%select_n3A_1223, %gather3A_1256, %gather3A_1257] : memref<14x64x128xf32, #tpu.memory_space<vmem>> -> memref<1x64x128xf32, #tpu.memory_space<vmem>>
      %gather3A_1259 = tpu.memref_squeeze %gather3A_1258 : memref<1x64x128xf32, #tpu.memory_space<vmem>> -> memref<64x128xf32, #tpu.memory_space<vmem>>
      %gather3A_1260 = tpu.vector_load_idx %gather3A_1259[%add3A_9, %broadcast_in_dim3A_1244] : memref<64x128xf32, #tpu.memory_space<vmem>>[vector<16xi32>, vector<16xi32>], vector<16xf32>,
      %mul3A_1261 = arith.constant 64 : i32
      %mul3A_1262 = arith.muli %add3A_1243, %mul3A_1261 : i32
      %add3A_1263 = arith.constant 16 : i32
      %add3A_1264 = arith.addi %mul3A_1262, %add3A_1263 : i32
      %swap3A_1265 = arith.index_cast %add3A_1264 : i32 to index
      %swap3A_1266 = tpu.vector_load %arg7[%swap3A_1265] {strides = array<i32>} : memref<4096xf32, #tpu.memory_space<vmem>>, vector<16xf32>,
      tpu.vector_store %arg7[%swap3A_1265], %gather3A_1260 {strides = array<i32>} : memref<4096xf32, #tpu.memory_space<vmem>>, vector<16xf32>,
      %gather3A_1267 = arith.constant 0 : i32
      %gather3A_1268 = arith.constant 0 : i32
      %gather3A_1269 = tpu.memref_slice %arg6[%select_n3A_1223, %gather3A_1267, %gather3A_1268] : memref<14x64x128xf32, #tpu.memory_space<vmem>> -> memref<1x64x128xf32, #tpu.memory_space<vmem>>
      %gather3A_1270 = tpu.memref_squeeze %gather3A_1269 : memref<1x64x128xf32, #tpu.memory_space<vmem>> -> memref<64x128xf32, #tpu.memory_space<vmem>>
      %gather3A_1271 = tpu.vector_load_idx %gather3A_1270[%add3A_13, %broadcast_in_dim3A_1244] : memref<64x128xf32, #tpu.memory_space<vmem>>[vector<16xi32>, vector<16xi32>], vector<16xf32>,
      %mul3A_1272 = arith.constant 64 : i32
      %mul3A_1273 = arith.muli %add3A_1243, %mul3A_1272 : i32
      %add3A_1274 = arith.constant 32 : i32
      %add3A_1275 = arith.addi %mul3A_1273, %add3A_1274 : i32
      %swap3A_1276 = arith.index_cast %add3A_1275 : i32 to index
      %swap3A_1277 = tpu.vector_load %arg7[%swap3A_1276] {strides = array<i32>} : memref<4096xf32, #tpu.memory_space<vmem>>, vector<16xf32>,
      tpu.vector_store %arg7[%swap3A_1276], %gather3A_1271 {strides = array<i32>} : memref<4096xf32, #tpu.memory_space<vmem>>, vector<16xf32>,
      %gather3A_1278 = arith.constant 0 : i32
      %gather3A_1279 = arith.constant 0 : i32
      %gather3A_1280 = tpu.memref_slice %arg6[%select_n3A_1223, %gather3A_1278, %gather3A_1279] : memref<14x64x128xf32, #tpu.memory_space<vmem>> -> memref<1x64x128xf32, #tpu.memory_space<vmem>>
      %gather3A_1281 = tpu.memref_squeeze %gather3A_1280 : memref<1x64x128xf32, #tpu.memory_space<vmem>> -> memref<64x128xf32, #tpu.memory_space<vmem>>
      %gather3A_1282 = tpu.vector_load_idx %gather3A_1281[%add3A_17, %broadcast_in_dim3A_1244] : memref<64x128xf32, #tpu.memory_space<vmem>>[vector<16xi32>, vector<16xi32>], vector<16xf32>,
      %mul3A_1283 = arith.constant 64 : i32
      %mul3A_1284 = arith.muli %add3A_1243, %mul3A_1283 : i32
      %add3A_1285 = arith.constant 48 : i32
      %add3A_1286 = arith.addi %mul3A_1284, %add3A_1285 : i32
      %swap3A_1287 = arith.index_cast %add3A_1286 : i32 to index
      %swap3A_1288 = tpu.vector_load %arg7[%swap3A_1287] {strides = array<i32>} : memref<4096xf32, #tpu.memory_space<vmem>>, vector<16xf32>,
      tpu.vector_store %arg7[%swap3A_1287], %gather3A_1282 {strides = array<i32>} : memref<4096xf32, #tpu.memory_space<vmem>>, vector<16xf32>,
      %slice3A_1289 = vector.extract_strided_slice %get3A_425 {offsets = [1], sizes = [1], strides = [1]} : vector<16xi32> to vector<1xi32>
      %squeeze3A_1290 = vector.extract %slice3A_1289[0] : i32 from vector<1xi32>
      %jit3A_1291 = arith.constant 128 : i32
      %div3A_1292 = arith.divsi %squeeze3A_1290, %jit3A_1291 : i32
      %sign3A_1293 = arith.constant 0 : i32
      %sign3A_1294 = arith.cmpi sgt, %squeeze3A_1290, %sign3A_1293 : i32
      %sign3A_1295 = arith.extui %sign3A_1294 : i1 to i32
      %sign3A_1296 = arith.constant 0 : i32
      %sign3A_1297 = arith.cmpi slt, %squeeze3A_1290, %sign3A_1296 : i32
      %sign3A_1298 = arith.extui %sign3A_1297 : i1 to i32
      %sign3A_1299 = arith.subi %sign3A_1295, %sign3A_1298 : i32
      %sign3A_1300 = arith.constant 0 : i32
      %sign3A_1301 = arith.cmpi sgt, %jit3A_1291, %sign3A_1300 : i32
      %sign3A_1302 = arith.extui %sign3A_1301 : i1 to i32
      %sign3A_1303 = arith.constant 0 : i32
      %sign3A_1304 = arith.cmpi slt, %jit3A_1291, %sign3A_1303 : i32
      %sign3A_1305 = arith.extui %sign3A_1304 : i1 to i32
      %sign3A_1306 = arith.subi %sign3A_1302, %sign3A_1305 : i32
      %ne3A_1307 = arith.cmpi ne, %sign3A_1299, %sign3A_1306 : i32
      %rem3A_1308 = arith.remsi %squeeze3A_1290, %jit3A_1291 : i32
      %ne3A_1309 = arith.constant 0 : i32
      %ne3A_1310 = arith.cmpi ne, %rem3A_1308, %ne3A_1309 : i32
      %and3A_1311 = arith.andi %ne3A_1307, %ne3A_1310 : i1
      %sub3A_1312 = arith.constant 1 : i32
      %sub3A_1313 = arith.subi %div3A_1292, %sub3A_1312 : i32
      %select_n3A_1314 = arith.select %and3A_1311, %sub3A_1313, %div3A_1292 : i32
      %ne3A_1315 = arith.cmpi ne, %select_n3A_1314, %select_n3A_1164 : i32
      %convert_element_type3A_1316 = arith.extui %ne3A_1315 : i1 to i32
      %cond3A_1317 = arith.constant 0 : i32
      %cond3A_1318 = arith.cmpi ne, %convert_element_type3A_1316, %cond3A_1317 : i32
      scf.if %cond3A_1318 {
        %jit3A_2842 = arith.constant 14 : i32
        %eq3A_2843 = arith.constant 0 : i32
        %eq3A_2844 = arith.cmpi eq, %jit3A_2842, %eq3A_2843 : i32
        %jit3A_2845 = arith.constant 1 : i32
        %select_n3A_2846 = arith.select %eq3A_2844, %jit3A_2845, %jit3A_2842 : i32
        %rem3A_2847 = arith.remsi %add3A_1170, %select_n3A_2846 : i32
        %ne3A_2848 = arith.constant 0 : i32
        %ne3A_2849 = arith.cmpi ne, %rem3A_2847, %ne3A_2848 : i32
        %lt3A_2850 = arith.constant 0 : i32
        %lt3A_2851 = arith.cmpi slt, %rem3A_2847, %lt3A_2850 : i32
        %lt3A_2852 = arith.constant 0 : i32
        %lt3A_2853 = arith.cmpi slt, %select_n3A_2846, %lt3A_2852 : i32
        %ne3A_2854 = arith.xori %lt3A_2851, %lt3A_2853 : i1
        %and3A_2855 = arith.andi %ne3A_2854, %ne3A_2849 : i1
        %add3A_2856 = arith.addi %rem3A_2847, %select_n3A_2846 : i32
        %select_n3A_2857 = arith.select %and3A_2855, %add3A_2856, %rem3A_2847 : i32
        %mul3A_2858 = arith.constant 128 : i32
        %mul3A_2859 = arith.muli %select_n3A_1314, %mul3A_2858 : i32
        %multiple_of3A = tpu.assume_multiple %mul3A_2859, 128 : i32
        %dma_start3A = arith.constant 0 : i32
        %dma_start3A_2860 = arith.constant 0 : i32
        %dma_start3A_2861 = tpu.memref_slice %arg6[%select_n3A_2857, %dma_start3A, %dma_start3A_2860] : memref<14x64x128xf32, #tpu.memory_space<vmem>> -> memref<1x64x128xf32, #tpu.memory_space<vmem>>
        %dma_start3A_2862 = tpu.memref_squeeze %dma_start3A_2861 : memref<1x64x128xf32, #tpu.memory_space<vmem>> -> memref<64x128xf32, #tpu.memory_space<vmem>>
        %dma_start3A_2863 = arith.constant 0 : i32
        %dma_start3A_2864 = tpu.memref_slice %arg3[%dma_start3A_2863, %multiple_of3A] : memref<64x1000000xf32, #tpu.memory_space<hbm>> -> memref<64x128xf32, #tpu.memory_space<hbm>>
        %dma_start3A_2865 = arith.constant 0 : i32
        %dma_start3A_2866 = arith.constant 0 : i32
        %dma_start3A_2867 = tpu.memref_slice %arg6[%select_n3A_2857, %dma_start3A_2865, %dma_start3A_2866] : memref<14x64x128xf32, #tpu.memory_space<vmem>> -> memref<1x64x128xf32, #tpu.memory_space<vmem>>
        %dma_start3A_2868 = tpu.memref_squeeze %dma_start3A_2867 : memref<1x64x128xf32, #tpu.memory_space<vmem>> -> memref<64x128xf32, #tpu.memory_space<vmem>>
        %dma_start3A_2869 = arith.constant 0 : i32
        %dma_start3A_2870 = tpu.memref_slice %arg3[%dma_start3A_2869, %multiple_of3A] : memref<64x1000000xf32, #tpu.memory_space<hbm>> -> memref<64x128xf32, #tpu.memory_space<hbm>>
        tpu.enqueue_dma source(%dma_start3A_2870 : memref<64x128xf32, #tpu.memory_space<hbm>>) target(%dma_start3A_2868 : memref<64x128xf32, #tpu.memory_space<vmem>>) target_semaphore(%arg8 : memref<!tpu.dma_semaphore, #tpu.memory_space<semaphore_mem>>)
      } else {
      }
      %convert_element_type3A_1319 = arith.extui %ne3A_1315 : i1 to i32
      %add3A_1320 = arith.addi %add3A_1170, %convert_element_type3A_1319 : i32
      %slice3A_1321 = vector.extract_strided_slice %get3A_419 {offsets = [6], sizes = [1], strides = [1]} : vector<16xi32> to vector<1xi32>
      %squeeze3A_1322 = vector.extract %slice3A_1321[0] : i32 from vector<1xi32>
      %jit3A_1323 = arith.constant 128 : i32
      %div3A_1324 = arith.divsi %squeeze3A_1322, %jit3A_1323 : i32
      %sign3A_1325 = arith.constant 0 : i32
      %sign3A_1326 = arith.cmpi sgt, %squeeze3A_1322, %sign3A_1325 : i32
      %sign3A_1327 = arith.extui %sign3A_1326 : i1 to i32
      %sign3A_1328 = arith.constant 0 : i32
      %sign3A_1329 = arith.cmpi slt, %squeeze3A_1322, %sign3A_1328 : i32
      %sign3A_1330 = arith.extui %sign3A_1329 : i1 to i32
      %sign3A_1331 = arith.subi %sign3A_1327, %sign3A_1330 : i32
      %sign3A_1332 = arith.constant 0 : i32
      %sign3A_1333 = arith.cmpi sgt, %jit3A_1323, %sign3A_1332 : i32
      %sign3A_1334 = arith.extui %sign3A_1333 : i1 to i32
      %sign3A_1335 = arith.constant 0 : i32
      %sign3A_1336 = arith.cmpi slt, %jit3A_1323, %sign3A_1335 : i32
      %sign3A_1337 = arith.extui %sign3A_1336 : i1 to i32
      %sign3A_1338 = arith.subi %sign3A_1334, %sign3A_1337 : i32
      %ne3A_1339 = arith.cmpi ne, %sign3A_1331, %sign3A_1338 : i32
      %rem3A_1340 = arith.remsi %squeeze3A_1322, %jit3A_1323 : i32
      %ne3A_1341 = arith.constant 0 : i32
      %ne3A_1342 = arith.cmpi ne, %rem3A_1340, %ne3A_1341 : i32
      %and3A_1343 = arith.andi %ne3A_1339, %ne3A_1342 : i1
      %sub3A_1344 = arith.constant 1 : i32
      %sub3A_1345 = arith.subi %div3A_1324, %sub3A_1344 : i32
      %select_n3A_1346 = arith.select %and3A_1343, %sub3A_1345, %div3A_1324 : i32
      %ne3A_1347 = arith.cmpi ne, %select_n3A_1346, %select_n3A_1196 : i32
      %convert_element_type3A_1348 = arith.extui %ne3A_1347 : i1 to i32
      %cond3A_1349 = arith.constant 0 : i32
      %cond3A_1350 = arith.cmpi ne, %convert_element_type3A_1348, %cond3A_1349 : i32
      scf.if %cond3A_1350 {
        %dma_wait3A = arith.constant 0 : i32
        %dma_wait3A_2842 = arith.constant 0 : i32
        %dma_wait3A_2843 = arith.constant 0 : i32
        %dma_wait3A_2844 = tpu.memref_slice %arg6[%dma_wait3A, %dma_wait3A_2842, %dma_wait3A_2843] : memref<14x64x128xf32, #tpu.memory_space<vmem>> -> memref<1x64x128xf32, #tpu.memory_space<vmem>>
        %dma_wait3A_2845 = tpu.memref_squeeze %dma_wait3A_2844 : memref<1x64x128xf32, #tpu.memory_space<vmem>> -> memref<64x128xf32, #tpu.memory_space<vmem>>
        %dma_wait3A_2846 = arith.constant 0 : i32
        %dma_wait3A_2847 = arith.constant 0 : i32
        %dma_wait3A_2848 = tpu.memref_slice %arg3[%dma_wait3A_2846, %dma_wait3A_2847] : memref<64x1000000xf32, #tpu.memory_space<hbm>> -> memref<64x128xf32, #tpu.memory_space<hbm>>
        %dma_wait3A_2849 = arith.constant 0 : i32
        %dma_wait3A_2850 = arith.constant 0 : i32
        %dma_wait3A_2851 = tpu.memref_slice %arg6[%dma_wait3A, %dma_wait3A_2849, %dma_wait3A_2850] : memref<14x64x128xf32, #tpu.memory_space<vmem>> -> memref<1x64x128xf32, #tpu.memory_space<vmem>>
        %dma_wait3A_2852 = tpu.memref_squeeze %dma_wait3A_2851 : memref<1x64x128xf32, #tpu.memory_space<vmem>> -> memref<64x128xf32, #tpu.memory_space<vmem>>
        %dma_wait3A_2853 = arith.constant 0 : i32
        %dma_wait3A_2854 = arith.constant 0 : i32
        %dma_wait3A_2855 = tpu.memref_slice %arg3[%dma_wait3A_2853, %dma_wait3A_2854] : memref<64x1000000xf32, #tpu.memory_space<hbm>> -> memref<64x128xf32, #tpu.memory_space<hbm>>
        tpu.wait_dma2 semaphore(%arg8 : memref<!tpu.dma_semaphore, #tpu.memory_space<semaphore_mem>>) src(%dma_wait3A_2855 : memref<64x128xf32, #tpu.memory_space<hbm>>) dst(%dma_wait3A_2852 : memref<64x128xf32, #tpu.memory_space<vmem>>)
      } else {
      }
      %convert_element_type3A_1351 = arith.extui %ne3A_1347 : i1 to i32
      %add3A_1352 = arith.addi %add3A_1202, %convert_element_type3A_1351 : i32
      %mul3A_1353 = arith.constant 128 : i32
      %mul3A_1354 = arith.muli %select_n3A_1346, %mul3A_1353 : i32
      %sub3A_1355 = arith.subi %squeeze3A_1322, %mul3A_1354 : i32
      %sub3A_1356 = arith.constant 1 : i32
      %sub3A_1357 = arith.subi %add3A_1352, %sub3A_1356 : i32
      %jit3A_1358 = arith.constant 14 : i32
      %eq3A_1359 = arith.constant 0 : i32
      %eq3A_1360 = arith.cmpi eq, %jit3A_1358, %eq3A_1359 : i32
      %jit3A_1361 = arith.constant 1 : i32
      %select_n3A_1362 = arith.select %eq3A_1360, %jit3A_1361, %jit3A_1358 : i32
      %rem3A_1363 = arith.remsi %sub3A_1357, %select_n3A_1362 : i32
      %ne3A_1364 = arith.constant 0 : i32
      %ne3A_1365 = arith.cmpi ne, %rem3A_1363, %ne3A_1364 : i32
      %lt3A_1366 = arith.constant 0 : i32
      %lt3A_1367 = arith.cmpi slt, %rem3A_1363, %lt3A_1366 : i32
      %lt3A_1368 = arith.constant 0 : i32
      %lt3A_1369 = arith.cmpi slt, %select_n3A_1362, %lt3A_1368 : i32
      %ne3A_1370 = arith.xori %lt3A_1367, %lt3A_1369 : i1
      %and3A_1371 = arith.andi %ne3A_1370, %ne3A_1365 : i1
      %add3A_1372 = arith.addi %rem3A_1363, %select_n3A_1362 : i32
      %select_n3A_1373 = arith.select %and3A_1371, %add3A_1372, %rem3A_1363 : i32
      %jit3A_1374 = arith.constant 4 : i32
      %eq3A_1375 = arith.constant 0 : i32
      %eq3A_1376 = arith.cmpi eq, %jit3A_1374, %eq3A_1375 : i32
      %jit3A_1377 = arith.constant 1 : i32
      %select_n3A_1378 = arith.select %eq3A_1376, %jit3A_1377, %jit3A_1374 : i32
      %rem3A_1379 = arith.remsi %scan3A_411, %select_n3A_1378 : i32
      %ne3A_1380 = arith.constant 0 : i32
      %ne3A_1381 = arith.cmpi ne, %rem3A_1379, %ne3A_1380 : i32
      %lt3A_1382 = arith.constant 0 : i32
      %lt3A_1383 = arith.cmpi slt, %rem3A_1379, %lt3A_1382 : i32
      %lt3A_1384 = arith.constant 0 : i32
      %lt3A_1385 = arith.cmpi slt, %select_n3A_1378, %lt3A_1384 : i32
      %ne3A_1386 = arith.xori %lt3A_1383, %lt3A_1385 : i1
      %and3A_1387 = arith.andi %ne3A_1386, %ne3A_1381 : i1
      %add3A_1388 = arith.addi %rem3A_1379, %select_n3A_1378 : i32
      %select_n3A_1389 = arith.select %and3A_1387, %add3A_1388, %rem3A_1379 : i32
      %mul3A_1390 = arith.constant 16 : i32
      %mul3A_1391 = arith.muli %select_n3A_1389, %mul3A_1390 : i32
      %add3A_1392 = arith.constant 6 : i32
      %add3A_1393 = arith.addi %mul3A_1391, %add3A_1392 : i32
      %broadcast_in_dim3A_1394 = vector.broadcast %sub3A_1355 : i32 to vector<16xi32>
      %gather3A_1395 = arith.constant 0 : i32
      %gather3A_1396 = arith.constant 0 : i32
      %gather3A_1397 = tpu.memref_slice %arg6[%select_n3A_1373, %gather3A_1395, %gather3A_1396] : memref<14x64x128xf32, #tpu.memory_space<vmem>> -> memref<1x64x128xf32, #tpu.memory_space<vmem>>
      %gather3A_1398 = tpu.memref_squeeze %gather3A_1397 : memref<1x64x128xf32, #tpu.memory_space<vmem>> -> memref<64x128xf32, #tpu.memory_space<vmem>>
      %gather3A_1399 = tpu.vector_load_idx %gather3A_1398[%add3A_5, %broadcast_in_dim3A_1394] : memref<64x128xf32, #tpu.memory_space<vmem>>[vector<16xi32>, vector<16xi32>], vector<16xf32>,
      %mul3A_1400 = arith.constant 64 : i32
      %mul3A_1401 = arith.muli %add3A_1393, %mul3A_1400 : i32
      %add3A_1402 = arith.constant 0 : i32
      %add3A_1403 = arith.addi %mul3A_1401, %add3A_1402 : i32
      %swap3A_1404 = arith.index_cast %add3A_1403 : i32 to index
      %swap3A_1405 = tpu.vector_load %arg7[%swap3A_1404] {strides = array<i32>} : memref<4096xf32, #tpu.memory_space<vmem>>, vector<16xf32>,
      tpu.vector_store %arg7[%swap3A_1404], %gather3A_1399 {strides = array<i32>} : memref<4096xf32, #tpu.memory_space<vmem>>, vector<16xf32>,
      %gather3A_1406 = arith.constant 0 : i32
      %gather3A_1407 = arith.constant 0 : i32
      %gather3A_1408 = tpu.memref_slice %arg6[%select_n3A_1373, %gather3A_1406, %gather3A_1407] : memref<14x64x128xf32, #tpu.memory_space<vmem>> -> memref<1x64x128xf32, #tpu.memory_space<vmem>>
      %gather3A_1409 = tpu.memref_squeeze %gather3A_1408 : memref<1x64x128xf32, #tpu.memory_space<vmem>> -> memref<64x128xf32, #tpu.memory_space<vmem>>
      %gather3A_1410 = tpu.vector_load_idx %gather3A_1409[%add3A_9, %broadcast_in_dim3A_1394] : memref<64x128xf32, #tpu.memory_space<vmem>>[vector<16xi32>, vector<16xi32>], vector<16xf32>,
      %mul3A_1411 = arith.constant 64 : i32
      %mul3A_1412 = arith.muli %add3A_1393, %mul3A_1411 : i32
      %add3A_1413 = arith.constant 16 : i32
      %add3A_1414 = arith.addi %mul3A_1412, %add3A_1413 : i32
      %swap3A_1415 = arith.index_cast %add3A_1414 : i32 to index
      %swap3A_1416 = tpu.vector_load %arg7[%swap3A_1415] {strides = array<i32>} : memref<4096xf32, #tpu.memory_space<vmem>>, vector<16xf32>,
      tpu.vector_store %arg7[%swap3A_1415], %gather3A_1410 {strides = array<i32>} : memref<4096xf32, #tpu.memory_space<vmem>>, vector<16xf32>,
      %gather3A_1417 = arith.constant 0 : i32
      %gather3A_1418 = arith.constant 0 : i32
      %gather3A_1419 = tpu.memref_slice %arg6[%select_n3A_1373, %gather3A_1417, %gather3A_1418] : memref<14x64x128xf32, #tpu.memory_space<vmem>> -> memref<1x64x128xf32, #tpu.memory_space<vmem>>
      %gather3A_1420 = tpu.memref_squeeze %gather3A_1419 : memref<1x64x128xf32, #tpu.memory_space<vmem>> -> memref<64x128xf32, #tpu.memory_space<vmem>>
      %gather3A_1421 = tpu.vector_load_idx %gather3A_1420[%add3A_13, %broadcast_in_dim3A_1394] : memref<64x128xf32, #tpu.memory_space<vmem>>[vector<16xi32>, vector<16xi32>], vector<16xf32>,
      %mul3A_1422 = arith.constant 64 : i32
      %mul3A_1423 = arith.muli %add3A_1393, %mul3A_1422 : i32
      %add3A_1424 = arith.constant 32 : i32
      %add3A_1425 = arith.addi %mul3A_1423, %add3A_1424 : i32
      %swap3A_1426 = arith.index_cast %add3A_1425 : i32 to index
      %swap3A_1427 = tpu.vector_load %arg7[%swap3A_1426] {strides = array<i32>} : memref<4096xf32, #tpu.memory_space<vmem>>, vector<16xf32>,
      tpu.vector_store %arg7[%swap3A_1426], %gather3A_1421 {strides = array<i32>} : memref<4096xf32, #tpu.memory_space<vmem>>, vector<16xf32>,
      %gather3A_1428 = arith.constant 0 : i32
      %gather3A_1429 = arith.constant 0 : i32
      %gather3A_1430 = tpu.memref_slice %arg6[%select_n3A_1373, %gather3A_1428, %gather3A_1429] : memref<14x64x128xf32, #tpu.memory_space<vmem>> -> memref<1x64x128xf32, #tpu.memory_space<vmem>>
      %gather3A_1431 = tpu.memref_squeeze %gather3A_1430 : memref<1x64x128xf32, #tpu.memory_space<vmem>> -> memref<64x128xf32, #tpu.memory_space<vmem>>
      %gather3A_1432 = tpu.vector_load_idx %gather3A_1431[%add3A_17, %broadcast_in_dim3A_1394] : memref<64x128xf32, #tpu.memory_space<vmem>>[vector<16xi32>, vector<16xi32>], vector<16xf32>,
      %mul3A_1433 = arith.constant 64 : i32
      %mul3A_1434 = arith.muli %add3A_1393, %mul3A_1433 : i32
      %add3A_1435 = arith.constant 48 : i32
      %add3A_1436 = arith.addi %mul3A_1434, %add3A_1435 : i32
      %swap3A_1437 = arith.index_cast %add3A_1436 : i32 to index
      %swap3A_1438 = tpu.vector_load %arg7[%swap3A_1437] {strides = array<i32>} : memref<4096xf32, #tpu.memory_space<vmem>>, vector<16xf32>,
      tpu.vector_store %arg7[%swap3A_1437], %gather3A_1432 {strides = array<i32>} : memref<4096xf32, #tpu.memory_space<vmem>>, vector<16xf32>,
      %slice3A_1439 = vector.extract_strided_slice %get3A_425 {offsets = [2], sizes = [1], strides = [1]} : vector<16xi32> to vector<1xi32>
      %squeeze3A_1440 = vector.extract %slice3A_1439[0] : i32 from vector<1xi32>
      %jit3A_1441 = arith.constant 128 : i32
      %div3A_1442 = arith.divsi %squeeze3A_1440, %jit3A_1441 : i32
      %sign3A_1443 = arith.constant 0 : i32
      %sign3A_1444 = arith.cmpi sgt, %squeeze3A_1440, %sign3A_1443 : i32
      %sign3A_1445 = arith.extui %sign3A_1444 : i1 to i32
      %sign3A_1446 = arith.constant 0 : i32
      %sign3A_1447 = arith.cmpi slt, %squeeze3A_1440, %sign3A_1446 : i32
      %sign3A_1448 = arith.extui %sign3A_1447 : i1 to i32
      %sign3A_1449 = arith.subi %sign3A_1445, %sign3A_1448 : i32
      %sign3A_1450 = arith.constant 0 : i32
      %sign3A_1451 = arith.cmpi sgt, %jit3A_1441, %sign3A_1450 : i32
      %sign3A_1452 = arith.extui %sign3A_1451 : i1 to i32
      %sign3A_1453 = arith.constant 0 : i32
      %sign3A_1454 = arith.cmpi slt, %jit3A_1441, %sign3A_1453 : i32
      %sign3A_1455 = arith.extui %sign3A_1454 : i1 to i32
      %sign3A_1456 = arith.subi %sign3A_1452, %sign3A_1455 : i32
      %ne3A_1457 = arith.cmpi ne, %sign3A_1449, %sign3A_1456 : i32
      %rem3A_1458 = arith.remsi %squeeze3A_1440, %jit3A_1441 : i32
      %ne3A_1459 = arith.constant 0 : i32
      %ne3A_1460 = arith.cmpi ne, %rem3A_1458, %ne3A_1459 : i32
      %and3A_1461 = arith.andi %ne3A_1457, %ne3A_1460 : i1
      %sub3A_1462 = arith.constant 1 : i32
      %sub3A_1463 = arith.subi %div3A_1442, %sub3A_1462 : i32
      %select_n3A_1464 = arith.select %and3A_1461, %sub3A_1463, %div3A_1442 : i32
      %ne3A_1465 = arith.cmpi ne, %select_n3A_1464, %select_n3A_1314 : i32
      %convert_element_type3A_1466 = arith.extui %ne3A_1465 : i1 to i32
      %cond3A_1467 = arith.constant 0 : i32
      %cond3A_1468 = arith.cmpi ne, %convert_element_type3A_1466, %cond3A_1467 : i32
      scf.if %cond3A_1468 {
        %jit3A_2842 = arith.constant 14 : i32
        %eq3A_2843 = arith.constant 0 : i32
        %eq3A_2844 = arith.cmpi eq, %jit3A_2842, %eq3A_2843 : i32
        %jit3A_2845 = arith.constant 1 : i32
        %select_n3A_2846 = arith.select %eq3A_2844, %jit3A_2845, %jit3A_2842 : i32
        %rem3A_2847 = arith.remsi %add3A_1320, %select_n3A_2846 : i32
        %ne3A_2848 = arith.constant 0 : i32
        %ne3A_2849 = arith.cmpi ne, %rem3A_2847, %ne3A_2848 : i32
        %lt3A_2850 = arith.constant 0 : i32
        %lt3A_2851 = arith.cmpi slt, %rem3A_2847, %lt3A_2850 : i32
        %lt3A_2852 = arith.constant 0 : i32
        %lt3A_2853 = arith.cmpi slt, %select_n3A_2846, %lt3A_2852 : i32
        %ne3A_2854 = arith.xori %lt3A_2851, %lt3A_2853 : i1
        %and3A_2855 = arith.andi %ne3A_2854, %ne3A_2849 : i1
        %add3A_2856 = arith.addi %rem3A_2847, %select_n3A_2846 : i32
        %select_n3A_2857 = arith.select %and3A_2855, %add3A_2856, %rem3A_2847 : i32
        %mul3A_2858 = arith.constant 128 : i32
        %mul3A_2859 = arith.muli %select_n3A_1464, %mul3A_2858 : i32
        %multiple_of3A = tpu.assume_multiple %mul3A_2859, 128 : i32
        %dma_start3A = arith.constant 0 : i32
        %dma_start3A_2860 = arith.constant 0 : i32
        %dma_start3A_2861 = tpu.memref_slice %arg6[%select_n3A_2857, %dma_start3A, %dma_start3A_2860] : memref<14x64x128xf32, #tpu.memory_space<vmem>> -> memref<1x64x128xf32, #tpu.memory_space<vmem>>
        %dma_start3A_2862 = tpu.memref_squeeze %dma_start3A_2861 : memref<1x64x128xf32, #tpu.memory_space<vmem>> -> memref<64x128xf32, #tpu.memory_space<vmem>>
        %dma_start3A_2863 = arith.constant 0 : i32
        %dma_start3A_2864 = tpu.memref_slice %arg3[%dma_start3A_2863, %multiple_of3A] : memref<64x1000000xf32, #tpu.memory_space<hbm>> -> memref<64x128xf32, #tpu.memory_space<hbm>>
        %dma_start3A_2865 = arith.constant 0 : i32
        %dma_start3A_2866 = arith.constant 0 : i32
        %dma_start3A_2867 = tpu.memref_slice %arg6[%select_n3A_2857, %dma_start3A_2865, %dma_start3A_2866] : memref<14x64x128xf32, #tpu.memory_space<vmem>> -> memref<1x64x128xf32, #tpu.memory_space<vmem>>
        %dma_start3A_2868 = tpu.memref_squeeze %dma_start3A_2867 : memref<1x64x128xf32, #tpu.memory_space<vmem>> -> memref<64x128xf32, #tpu.memory_space<vmem>>
        %dma_start3A_2869 = arith.constant 0 : i32
        %dma_start3A_2870 = tpu.memref_slice %arg3[%dma_start3A_2869, %multiple_of3A] : memref<64x1000000xf32, #tpu.memory_space<hbm>> -> memref<64x128xf32, #tpu.memory_space<hbm>>
        tpu.enqueue_dma source(%dma_start3A_2870 : memref<64x128xf32, #tpu.memory_space<hbm>>) target(%dma_start3A_2868 : memref<64x128xf32, #tpu.memory_space<vmem>>) target_semaphore(%arg8 : memref<!tpu.dma_semaphore, #tpu.memory_space<semaphore_mem>>)
      } else {
      }
      %convert_element_type3A_1469 = arith.extui %ne3A_1465 : i1 to i32
      %add3A_1470 = arith.addi %add3A_1320, %convert_element_type3A_1469 : i32
      %slice3A_1471 = vector.extract_strided_slice %get3A_419 {offsets = [7], sizes = [1], strides = [1]} : vector<16xi32> to vector<1xi32>
      %squeeze3A_1472 = vector.extract %slice3A_1471[0] : i32 from vector<1xi32>
      %jit3A_1473 = arith.constant 128 : i32
      %div3A_1474 = arith.divsi %squeeze3A_1472, %jit3A_1473 : i32
      %sign3A_1475 = arith.constant 0 : i32
      %sign3A_1476 = arith.cmpi sgt, %squeeze3A_1472, %sign3A_1475 : i32
      %sign3A_1477 = arith.extui %sign3A_1476 : i1 to i32
      %sign3A_1478 = arith.constant 0 : i32
      %sign3A_1479 = arith.cmpi slt, %squeeze3A_1472, %sign3A_1478 : i32
      %sign3A_1480 = arith.extui %sign3A_1479 : i1 to i32
      %sign3A_1481 = arith.subi %sign3A_1477, %sign3A_1480 : i32
      %sign3A_1482 = arith.constant 0 : i32
      %sign3A_1483 = arith.cmpi sgt, %jit3A_1473, %sign3A_1482 : i32
      %sign3A_1484 = arith.extui %sign3A_1483 : i1 to i32
      %sign3A_1485 = arith.constant 0 : i32
      %sign3A_1486 = arith.cmpi slt, %jit3A_1473, %sign3A_1485 : i32
      %sign3A_1487 = arith.extui %sign3A_1486 : i1 to i32
      %sign3A_1488 = arith.subi %sign3A_1484, %sign3A_1487 : i32
      %ne3A_1489 = arith.cmpi ne, %sign3A_1481, %sign3A_1488 : i32
      %rem3A_1490 = arith.remsi %squeeze3A_1472, %jit3A_1473 : i32
      %ne3A_1491 = arith.constant 0 : i32
      %ne3A_1492 = arith.cmpi ne, %rem3A_1490, %ne3A_1491 : i32
      %and3A_1493 = arith.andi %ne3A_1489, %ne3A_1492 : i1
      %sub3A_1494 = arith.constant 1 : i32
      %sub3A_1495 = arith.subi %div3A_1474, %sub3A_1494 : i32
      %select_n3A_1496 = arith.select %and3A_1493, %sub3A_1495, %div3A_1474 : i32
      %ne3A_1497 = arith.cmpi ne, %select_n3A_1496, %select_n3A_1346 : i32
      %convert_element_type3A_1498 = arith.extui %ne3A_1497 : i1 to i32
      %cond3A_1499 = arith.constant 0 : i32
      %cond3A_1500 = arith.cmpi ne, %convert_element_type3A_1498, %cond3A_1499 : i32
      scf.if %cond3A_1500 {
        %dma_wait3A = arith.constant 0 : i32
        %dma_wait3A_2842 = arith.constant 0 : i32
        %dma_wait3A_2843 = arith.constant 0 : i32
        %dma_wait3A_2844 = tpu.memref_slice %arg6[%dma_wait3A, %dma_wait3A_2842, %dma_wait3A_2843] : memref<14x64x128xf32, #tpu.memory_space<vmem>> -> memref<1x64x128xf32, #tpu.memory_space<vmem>>
        %dma_wait3A_2845 = tpu.memref_squeeze %dma_wait3A_2844 : memref<1x64x128xf32, #tpu.memory_space<vmem>> -> memref<64x128xf32, #tpu.memory_space<vmem>>
        %dma_wait3A_2846 = arith.constant 0 : i32
        %dma_wait3A_2847 = arith.constant 0 : i32
        %dma_wait3A_2848 = tpu.memref_slice %arg3[%dma_wait3A_2846, %dma_wait3A_2847] : memref<64x1000000xf32, #tpu.memory_space<hbm>> -> memref<64x128xf32, #tpu.memory_space<hbm>>
        %dma_wait3A_2849 = arith.constant 0 : i32
        %dma_wait3A_2850 = arith.constant 0 : i32
        %dma_wait3A_2851 = tpu.memref_slice %arg6[%dma_wait3A, %dma_wait3A_2849, %dma_wait3A_2850] : memref<14x64x128xf32, #tpu.memory_space<vmem>> -> memref<1x64x128xf32, #tpu.memory_space<vmem>>
        %dma_wait3A_2852 = tpu.memref_squeeze %dma_wait3A_2851 : memref<1x64x128xf32, #tpu.memory_space<vmem>> -> memref<64x128xf32, #tpu.memory_space<vmem>>
        %dma_wait3A_2853 = arith.constant 0 : i32
        %dma_wait3A_2854 = arith.constant 0 : i32
        %dma_wait3A_2855 = tpu.memref_slice %arg3[%dma_wait3A_2853, %dma_wait3A_2854] : memref<64x1000000xf32, #tpu.memory_space<hbm>> -> memref<64x128xf32, #tpu.memory_space<hbm>>
        tpu.wait_dma2 semaphore(%arg8 : memref<!tpu.dma_semaphore, #tpu.memory_space<semaphore_mem>>) src(%dma_wait3A_2855 : memref<64x128xf32, #tpu.memory_space<hbm>>) dst(%dma_wait3A_2852 : memref<64x128xf32, #tpu.memory_space<vmem>>)
      } else {
      }
      %convert_element_type3A_1501 = arith.extui %ne3A_1497 : i1 to i32
      %add3A_1502 = arith.addi %add3A_1352, %convert_element_type3A_1501 : i32
      %mul3A_1503 = arith.constant 128 : i32
      %mul3A_1504 = arith.muli %select_n3A_1496, %mul3A_1503 : i32
      %sub3A_1505 = arith.subi %squeeze3A_1472, %mul3A_1504 : i32
      %sub3A_1506 = arith.constant 1 : i32
      %sub3A_1507 = arith.subi %add3A_1502, %sub3A_1506 : i32
      %jit3A_1508 = arith.constant 14 : i32
      %eq3A_1509 = arith.constant 0 : i32
      %eq3A_1510 = arith.cmpi eq, %jit3A_1508, %eq3A_1509 : i32
      %jit3A_1511 = arith.constant 1 : i32
      %select_n3A_1512 = arith.select %eq3A_1510, %jit3A_1511, %jit3A_1508 : i32
      %rem3A_1513 = arith.remsi %sub3A_1507, %select_n3A_1512 : i32
      %ne3A_1514 = arith.constant 0 : i32
      %ne3A_1515 = arith.cmpi ne, %rem3A_1513, %ne3A_1514 : i32
      %lt3A_1516 = arith.constant 0 : i32
      %lt3A_1517 = arith.cmpi slt, %rem3A_1513, %lt3A_1516 : i32
      %lt3A_1518 = arith.constant 0 : i32
      %lt3A_1519 = arith.cmpi slt, %select_n3A_1512, %lt3A_1518 : i32
      %ne3A_1520 = arith.xori %lt3A_1517, %lt3A_1519 : i1
      %and3A_1521 = arith.andi %ne3A_1520, %ne3A_1515 : i1
      %add3A_1522 = arith.addi %rem3A_1513, %select_n3A_1512 : i32
      %select_n3A_1523 = arith.select %and3A_1521, %add3A_1522, %rem3A_1513 : i32
      %jit3A_1524 = arith.constant 4 : i32
      %eq3A_1525 = arith.constant 0 : i32
      %eq3A_1526 = arith.cmpi eq, %jit3A_1524, %eq3A_1525 : i32
      %jit3A_1527 = arith.constant 1 : i32
      %select_n3A_1528 = arith.select %eq3A_1526, %jit3A_1527, %jit3A_1524 : i32
      %rem3A_1529 = arith.remsi %scan3A_411, %select_n3A_1528 : i32
      %ne3A_1530 = arith.constant 0 : i32
      %ne3A_1531 = arith.cmpi ne, %rem3A_1529, %ne3A_1530 : i32
      %lt3A_1532 = arith.constant 0 : i32
      %lt3A_1533 = arith.cmpi slt, %rem3A_1529, %lt3A_1532 : i32
      %lt3A_1534 = arith.constant 0 : i32
      %lt3A_1535 = arith.cmpi slt, %select_n3A_1528, %lt3A_1534 : i32
      %ne3A_1536 = arith.xori %lt3A_1533, %lt3A_1535 : i1
      %and3A_1537 = arith.andi %ne3A_1536, %ne3A_1531 : i1
      %add3A_1538 = arith.addi %rem3A_1529, %select_n3A_1528 : i32
      %select_n3A_1539 = arith.select %and3A_1537, %add3A_1538, %rem3A_1529 : i32
      %mul3A_1540 = arith.constant 16 : i32
      %mul3A_1541 = arith.muli %select_n3A_1539, %mul3A_1540 : i32
      %add3A_1542 = arith.constant 7 : i32
      %add3A_1543 = arith.addi %mul3A_1541, %add3A_1542 : i32
      %broadcast_in_dim3A_1544 = vector.broadcast %sub3A_1505 : i32 to vector<16xi32>
      %gather3A_1545 = arith.constant 0 : i32
      %gather3A_1546 = arith.constant 0 : i32
      %gather3A_1547 = tpu.memref_slice %arg6[%select_n3A_1523, %gather3A_1545, %gather3A_1546] : memref<14x64x128xf32, #tpu.memory_space<vmem>> -> memref<1x64x128xf32, #tpu.memory_space<vmem>>
      %gather3A_1548 = tpu.memref_squeeze %gather3A_1547 : memref<1x64x128xf32, #tpu.memory_space<vmem>> -> memref<64x128xf32, #tpu.memory_space<vmem>>
      %gather3A_1549 = tpu.vector_load_idx %gather3A_1548[%add3A_5, %broadcast_in_dim3A_1544] : memref<64x128xf32, #tpu.memory_space<vmem>>[vector<16xi32>, vector<16xi32>], vector<16xf32>,
      %mul3A_1550 = arith.constant 64 : i32
      %mul3A_1551 = arith.muli %add3A_1543, %mul3A_1550 : i32
      %add3A_1552 = arith.constant 0 : i32
      %add3A_1553 = arith.addi %mul3A_1551, %add3A_1552 : i32
      %swap3A_1554 = arith.index_cast %add3A_1553 : i32 to index
      %swap3A_1555 = tpu.vector_load %arg7[%swap3A_1554] {strides = array<i32>} : memref<4096xf32, #tpu.memory_space<vmem>>, vector<16xf32>,
      tpu.vector_store %arg7[%swap3A_1554], %gather3A_1549 {strides = array<i32>} : memref<4096xf32, #tpu.memory_space<vmem>>, vector<16xf32>,
      %gather3A_1556 = arith.constant 0 : i32
      %gather3A_1557 = arith.constant 0 : i32
      %gather3A_1558 = tpu.memref_slice %arg6[%select_n3A_1523, %gather3A_1556, %gather3A_1557] : memref<14x64x128xf32, #tpu.memory_space<vmem>> -> memref<1x64x128xf32, #tpu.memory_space<vmem>>
      %gather3A_1559 = tpu.memref_squeeze %gather3A_1558 : memref<1x64x128xf32, #tpu.memory_space<vmem>> -> memref<64x128xf32, #tpu.memory_space<vmem>>
      %gather3A_1560 = tpu.vector_load_idx %gather3A_1559[%add3A_9, %broadcast_in_dim3A_1544] : memref<64x128xf32, #tpu.memory_space<vmem>>[vector<16xi32>, vector<16xi32>], vector<16xf32>,
      %mul3A_1561 = arith.constant 64 : i32
      %mul3A_1562 = arith.muli %add3A_1543, %mul3A_1561 : i32
      %add3A_1563 = arith.constant 16 : i32
      %add3A_1564 = arith.addi %mul3A_1562, %add3A_1563 : i32
      %swap3A_1565 = arith.index_cast %add3A_1564 : i32 to index
      %swap3A_1566 = tpu.vector_load %arg7[%swap3A_1565] {strides = array<i32>} : memref<4096xf32, #tpu.memory_space<vmem>>, vector<16xf32>,
      tpu.vector_store %arg7[%swap3A_1565], %gather3A_1560 {strides = array<i32>} : memref<4096xf32, #tpu.memory_space<vmem>>, vector<16xf32>,
      %gather3A_1567 = arith.constant 0 : i32
      %gather3A_1568 = arith.constant 0 : i32
      %gather3A_1569 = tpu.memref_slice %arg6[%select_n3A_1523, %gather3A_1567, %gather3A_1568] : memref<14x64x128xf32, #tpu.memory_space<vmem>> -> memref<1x64x128xf32, #tpu.memory_space<vmem>>
      %gather3A_1570 = tpu.memref_squeeze %gather3A_1569 : memref<1x64x128xf32, #tpu.memory_space<vmem>> -> memref<64x128xf32, #tpu.memory_space<vmem>>
      %gather3A_1571 = tpu.vector_load_idx %gather3A_1570[%add3A_13, %broadcast_in_dim3A_1544] : memref<64x128xf32, #tpu.memory_space<vmem>>[vector<16xi32>, vector<16xi32>], vector<16xf32>,
      %mul3A_1572 = arith.constant 64 : i32
      %mul3A_1573 = arith.muli %add3A_1543, %mul3A_1572 : i32
      %add3A_1574 = arith.constant 32 : i32
      %add3A_1575 = arith.addi %mul3A_1573, %add3A_1574 : i32
      %swap3A_1576 = arith.index_cast %add3A_1575 : i32 to index
      %swap3A_1577 = tpu.vector_load %arg7[%swap3A_1576] {strides = array<i32>} : memref<4096xf32, #tpu.memory_space<vmem>>, vector<16xf32>,
      tpu.vector_store %arg7[%swap3A_1576], %gather3A_1571 {strides = array<i32>} : memref<4096xf32, #tpu.memory_space<vmem>>, vector<16xf32>,
      %gather3A_1578 = arith.constant 0 : i32
      %gather3A_1579 = arith.constant 0 : i32
      %gather3A_1580 = tpu.memref_slice %arg6[%select_n3A_1523, %gather3A_1578, %gather3A_1579] : memref<14x64x128xf32, #tpu.memory_space<vmem>> -> memref<1x64x128xf32, #tpu.memory_space<vmem>>
      %gather3A_1581 = tpu.memref_squeeze %gather3A_1580 : memref<1x64x128xf32, #tpu.memory_space<vmem>> -> memref<64x128xf32, #tpu.memory_space<vmem>>
      %gather3A_1582 = tpu.vector_load_idx %gather3A_1581[%add3A_17, %broadcast_in_dim3A_1544] : memref<64x128xf32, #tpu.memory_space<vmem>>[vector<16xi32>, vector<16xi32>], vector<16xf32>,
      %mul3A_1583 = arith.constant 64 : i32
      %mul3A_1584 = arith.muli %add3A_1543, %mul3A_1583 : i32
      %add3A_1585 = arith.constant 48 : i32
      %add3A_1586 = arith.addi %mul3A_1584, %add3A_1585 : i32
      %swap3A_1587 = arith.index_cast %add3A_1586 : i32 to index
      %swap3A_1588 = tpu.vector_load %arg7[%swap3A_1587] {strides = array<i32>} : memref<4096xf32, #tpu.memory_space<vmem>>, vector<16xf32>,
      tpu.vector_store %arg7[%swap3A_1587], %gather3A_1582 {strides = array<i32>} : memref<4096xf32, #tpu.memory_space<vmem>>, vector<16xf32>,
      %slice3A_1589 = vector.extract_strided_slice %get3A_425 {offsets = [3], sizes = [1], strides = [1]} : vector<16xi32> to vector<1xi32>
      %squeeze3A_1590 = vector.extract %slice3A_1589[0] : i32 from vector<1xi32>
      %jit3A_1591 = arith.constant 128 : i32
      %div3A_1592 = arith.divsi %squeeze3A_1590, %jit3A_1591 : i32
      %sign3A_1593 = arith.constant 0 : i32
      %sign3A_1594 = arith.cmpi sgt, %squeeze3A_1590, %sign3A_1593 : i32
      %sign3A_1595 = arith.extui %sign3A_1594 : i1 to i32
      %sign3A_1596 = arith.constant 0 : i32
      %sign3A_1597 = arith.cmpi slt, %squeeze3A_1590, %sign3A_1596 : i32
      %sign3A_1598 = arith.extui %sign3A_1597 : i1 to i32
      %sign3A_1599 = arith.subi %sign3A_1595, %sign3A_1598 : i32
      %sign3A_1600 = arith.constant 0 : i32
      %sign3A_1601 = arith.cmpi sgt, %jit3A_1591, %sign3A_1600 : i32
      %sign3A_1602 = arith.extui %sign3A_1601 : i1 to i32
      %sign3A_1603 = arith.constant 0 : i32
      %sign3A_1604 = arith.cmpi slt, %jit3A_1591, %sign3A_1603 : i32
      %sign3A_1605 = arith.extui %sign3A_1604 : i1 to i32
      %sign3A_1606 = arith.subi %sign3A_1602, %sign3A_1605 : i32
      %ne3A_1607 = arith.cmpi ne, %sign3A_1599, %sign3A_1606 : i32
      %rem3A_1608 = arith.remsi %squeeze3A_1590, %jit3A_1591 : i32
      %ne3A_1609 = arith.constant 0 : i32
      %ne3A_1610 = arith.cmpi ne, %rem3A_1608, %ne3A_1609 : i32
      %and3A_1611 = arith.andi %ne3A_1607, %ne3A_1610 : i1
      %sub3A_1612 = arith.constant 1 : i32
      %sub3A_1613 = arith.subi %div3A_1592, %sub3A_1612 : i32
      %select_n3A_1614 = arith.select %and3A_1611, %sub3A_1613, %div3A_1592 : i32
      %ne3A_1615 = arith.cmpi ne, %select_n3A_1614, %select_n3A_1464 : i32
      %convert_element_type3A_1616 = arith.extui %ne3A_1615 : i1 to i32
      %cond3A_1617 = arith.constant 0 : i32
      %cond3A_1618 = arith.cmpi ne, %convert_element_type3A_1616, %cond3A_1617 : i32
      scf.if %cond3A_1618 {
        %jit3A_2842 = arith.constant 14 : i32
        %eq3A_2843 = arith.constant 0 : i32
        %eq3A_2844 = arith.cmpi eq, %jit3A_2842, %eq3A_2843 : i32
        %jit3A_2845 = arith.constant 1 : i32
        %select_n3A_2846 = arith.select %eq3A_2844, %jit3A_2845, %jit3A_2842 : i32
        %rem3A_2847 = arith.remsi %add3A_1470, %select_n3A_2846 : i32
        %ne3A_2848 = arith.constant 0 : i32
        %ne3A_2849 = arith.cmpi ne, %rem3A_2847, %ne3A_2848 : i32
        %lt3A_2850 = arith.constant 0 : i32
        %lt3A_2851 = arith.cmpi slt, %rem3A_2847, %lt3A_2850 : i32
        %lt3A_2852 = arith.constant 0 : i32
        %lt3A_2853 = arith.cmpi slt, %select_n3A_2846, %lt3A_2852 : i32
        %ne3A_2854 = arith.xori %lt3A_2851, %lt3A_2853 : i1
        %and3A_2855 = arith.andi %ne3A_2854, %ne3A_2849 : i1
        %add3A_2856 = arith.addi %rem3A_2847, %select_n3A_2846 : i32
        %select_n3A_2857 = arith.select %and3A_2855, %add3A_2856, %rem3A_2847 : i32
        %mul3A_2858 = arith.constant 128 : i32
        %mul3A_2859 = arith.muli %select_n3A_1614, %mul3A_2858 : i32
        %multiple_of3A = tpu.assume_multiple %mul3A_2859, 128 : i32
        %dma_start3A = arith.constant 0 : i32
        %dma_start3A_2860 = arith.constant 0 : i32
        %dma_start3A_2861 = tpu.memref_slice %arg6[%select_n3A_2857, %dma_start3A, %dma_start3A_2860] : memref<14x64x128xf32, #tpu.memory_space<vmem>> -> memref<1x64x128xf32, #tpu.memory_space<vmem>>
        %dma_start3A_2862 = tpu.memref_squeeze %dma_start3A_2861 : memref<1x64x128xf32, #tpu.memory_space<vmem>> -> memref<64x128xf32, #tpu.memory_space<vmem>>
        %dma_start3A_2863 = arith.constant 0 : i32
        %dma_start3A_2864 = tpu.memref_slice %arg3[%dma_start3A_2863, %multiple_of3A] : memref<64x1000000xf32, #tpu.memory_space<hbm>> -> memref<64x128xf32, #tpu.memory_space<hbm>>
        %dma_start3A_2865 = arith.constant 0 : i32
        %dma_start3A_2866 = arith.constant 0 : i32
        %dma_start3A_2867 = tpu.memref_slice %arg6[%select_n3A_2857, %dma_start3A_2865, %dma_start3A_2866] : memref<14x64x128xf32, #tpu.memory_space<vmem>> -> memref<1x64x128xf32, #tpu.memory_space<vmem>>
        %dma_start3A_2868 = tpu.memref_squeeze %dma_start3A_2867 : memref<1x64x128xf32, #tpu.memory_space<vmem>> -> memref<64x128xf32, #tpu.memory_space<vmem>>
        %dma_start3A_2869 = arith.constant 0 : i32
        %dma_start3A_2870 = tpu.memref_slice %arg3[%dma_start3A_2869, %multiple_of3A] : memref<64x1000000xf32, #tpu.memory_space<hbm>> -> memref<64x128xf32, #tpu.memory_space<hbm>>
        tpu.enqueue_dma source(%dma_start3A_2870 : memref<64x128xf32, #tpu.memory_space<hbm>>) target(%dma_start3A_2868 : memref<64x128xf32, #tpu.memory_space<vmem>>) target_semaphore(%arg8 : memref<!tpu.dma_semaphore, #tpu.memory_space<semaphore_mem>>)
      } else {
      }
      %convert_element_type3A_1619 = arith.extui %ne3A_1615 : i1 to i32
      %add3A_1620 = arith.addi %add3A_1470, %convert_element_type3A_1619 : i32
      %slice3A_1621 = vector.extract_strided_slice %get3A_419 {offsets = [8], sizes = [1], strides = [1]} : vector<16xi32> to vector<1xi32>
      %squeeze3A_1622 = vector.extract %slice3A_1621[0] : i32 from vector<1xi32>
      %jit3A_1623 = arith.constant 128 : i32
      %div3A_1624 = arith.divsi %squeeze3A_1622, %jit3A_1623 : i32
      %sign3A_1625 = arith.constant 0 : i32
      %sign3A_1626 = arith.cmpi sgt, %squeeze3A_1622, %sign3A_1625 : i32
      %sign3A_1627 = arith.extui %sign3A_1626 : i1 to i32
      %sign3A_1628 = arith.constant 0 : i32
      %sign3A_1629 = arith.cmpi slt, %squeeze3A_1622, %sign3A_1628 : i32
      %sign3A_1630 = arith.extui %sign3A_1629 : i1 to i32
      %sign3A_1631 = arith.subi %sign3A_1627, %sign3A_1630 : i32
      %sign3A_1632 = arith.constant 0 : i32
      %sign3A_1633 = arith.cmpi sgt, %jit3A_1623, %sign3A_1632 : i32
      %sign3A_1634 = arith.extui %sign3A_1633 : i1 to i32
      %sign3A_1635 = arith.constant 0 : i32
      %sign3A_1636 = arith.cmpi slt, %jit3A_1623, %sign3A_1635 : i32
      %sign3A_1637 = arith.extui %sign3A_1636 : i1 to i32
      %sign3A_1638 = arith.subi %sign3A_1634, %sign3A_1637 : i32
      %ne3A_1639 = arith.cmpi ne, %sign3A_1631, %sign3A_1638 : i32
      %rem3A_1640 = arith.remsi %squeeze3A_1622, %jit3A_1623 : i32
      %ne3A_1641 = arith.constant 0 : i32
      %ne3A_1642 = arith.cmpi ne, %rem3A_1640, %ne3A_1641 : i32
      %and3A_1643 = arith.andi %ne3A_1639, %ne3A_1642 : i1
      %sub3A_1644 = arith.constant 1 : i32
      %sub3A_1645 = arith.subi %div3A_1624, %sub3A_1644 : i32
      %select_n3A_1646 = arith.select %and3A_1643, %sub3A_1645, %div3A_1624 : i32
      %ne3A_1647 = arith.cmpi ne, %select_n3A_1646, %select_n3A_1496 : i32
      %convert_element_type3A_1648 = arith.extui %ne3A_1647 : i1 to i32
      %cond3A_1649 = arith.constant 0 : i32
      %cond3A_1650 = arith.cmpi ne, %convert_element_type3A_1648, %cond3A_1649 : i32
      scf.if %cond3A_1650 {
        %dma_wait3A = arith.constant 0 : i32
        %dma_wait3A_2842 = arith.constant 0 : i32
        %dma_wait3A_2843 = arith.constant 0 : i32
        %dma_wait3A_2844 = tpu.memref_slice %arg6[%dma_wait3A, %dma_wait3A_2842, %dma_wait3A_2843] : memref<14x64x128xf32, #tpu.memory_space<vmem>> -> memref<1x64x128xf32, #tpu.memory_space<vmem>>
        %dma_wait3A_2845 = tpu.memref_squeeze %dma_wait3A_2844 : memref<1x64x128xf32, #tpu.memory_space<vmem>> -> memref<64x128xf32, #tpu.memory_space<vmem>>
        %dma_wait3A_2846 = arith.constant 0 : i32
        %dma_wait3A_2847 = arith.constant 0 : i32
        %dma_wait3A_2848 = tpu.memref_slice %arg3[%dma_wait3A_2846, %dma_wait3A_2847] : memref<64x1000000xf32, #tpu.memory_space<hbm>> -> memref<64x128xf32, #tpu.memory_space<hbm>>
        %dma_wait3A_2849 = arith.constant 0 : i32
        %dma_wait3A_2850 = arith.constant 0 : i32
        %dma_wait3A_2851 = tpu.memref_slice %arg6[%dma_wait3A, %dma_wait3A_2849, %dma_wait3A_2850] : memref<14x64x128xf32, #tpu.memory_space<vmem>> -> memref<1x64x128xf32, #tpu.memory_space<vmem>>
        %dma_wait3A_2852 = tpu.memref_squeeze %dma_wait3A_2851 : memref<1x64x128xf32, #tpu.memory_space<vmem>> -> memref<64x128xf32, #tpu.memory_space<vmem>>
        %dma_wait3A_2853 = arith.constant 0 : i32
        %dma_wait3A_2854 = arith.constant 0 : i32
        %dma_wait3A_2855 = tpu.memref_slice %arg3[%dma_wait3A_2853, %dma_wait3A_2854] : memref<64x1000000xf32, #tpu.memory_space<hbm>> -> memref<64x128xf32, #tpu.memory_space<hbm>>
        tpu.wait_dma2 semaphore(%arg8 : memref<!tpu.dma_semaphore, #tpu.memory_space<semaphore_mem>>) src(%dma_wait3A_2855 : memref<64x128xf32, #tpu.memory_space<hbm>>) dst(%dma_wait3A_2852 : memref<64x128xf32, #tpu.memory_space<vmem>>)
      } else {
      }
      %convert_element_type3A_1651 = arith.extui %ne3A_1647 : i1 to i32
      %add3A_1652 = arith.addi %add3A_1502, %convert_element_type3A_1651 : i32
      %mul3A_1653 = arith.constant 128 : i32
      %mul3A_1654 = arith.muli %select_n3A_1646, %mul3A_1653 : i32
      %sub3A_1655 = arith.subi %squeeze3A_1622, %mul3A_1654 : i32
      %sub3A_1656 = arith.constant 1 : i32
      %sub3A_1657 = arith.subi %add3A_1652, %sub3A_1656 : i32
      %jit3A_1658 = arith.constant 14 : i32
      %eq3A_1659 = arith.constant 0 : i32
      %eq3A_1660 = arith.cmpi eq, %jit3A_1658, %eq3A_1659 : i32
      %jit3A_1661 = arith.constant 1 : i32
      %select_n3A_1662 = arith.select %eq3A_1660, %jit3A_1661, %jit3A_1658 : i32
      %rem3A_1663 = arith.remsi %sub3A_1657, %select_n3A_1662 : i32
      %ne3A_1664 = arith.constant 0 : i32
      %ne3A_1665 = arith.cmpi ne, %rem3A_1663, %ne3A_1664 : i32
      %lt3A_1666 = arith.constant 0 : i32
      %lt3A_1667 = arith.cmpi slt, %rem3A_1663, %lt3A_1666 : i32
      %lt3A_1668 = arith.constant 0 : i32
      %lt3A_1669 = arith.cmpi slt, %select_n3A_1662, %lt3A_1668 : i32
      %ne3A_1670 = arith.xori %lt3A_1667, %lt3A_1669 : i1
      %and3A_1671 = arith.andi %ne3A_1670, %ne3A_1665 : i1
      %add3A_1672 = arith.addi %rem3A_1663, %select_n3A_1662 : i32
      %select_n3A_1673 = arith.select %and3A_1671, %add3A_1672, %rem3A_1663 : i32
      %jit3A_1674 = arith.constant 4 : i32
      %eq3A_1675 = arith.constant 0 : i32
      %eq3A_1676 = arith.cmpi eq, %jit3A_1674, %eq3A_1675 : i32
      %jit3A_1677 = arith.constant 1 : i32
      %select_n3A_1678 = arith.select %eq3A_1676, %jit3A_1677, %jit3A_1674 : i32
      %rem3A_1679 = arith.remsi %scan3A_411, %select_n3A_1678 : i32
      %ne3A_1680 = arith.constant 0 : i32
      %ne3A_1681 = arith.cmpi ne, %rem3A_1679, %ne3A_1680 : i32
      %lt3A_1682 = arith.constant 0 : i32
      %lt3A_1683 = arith.cmpi slt, %rem3A_1679, %lt3A_1682 : i32
      %lt3A_1684 = arith.constant 0 : i32
      %lt3A_1685 = arith.cmpi slt, %select_n3A_1678, %lt3A_1684 : i32
      %ne3A_1686 = arith.xori %lt3A_1683, %lt3A_1685 : i1
      %and3A_1687 = arith.andi %ne3A_1686, %ne3A_1681 : i1
      %add3A_1688 = arith.addi %rem3A_1679, %select_n3A_1678 : i32
      %select_n3A_1689 = arith.select %and3A_1687, %add3A_1688, %rem3A_1679 : i32
      %mul3A_1690 = arith.constant 16 : i32
      %mul3A_1691 = arith.muli %select_n3A_1689, %mul3A_1690 : i32
      %add3A_1692 = arith.constant 8 : i32
      %add3A_1693 = arith.addi %mul3A_1691, %add3A_1692 : i32
      %broadcast_in_dim3A_1694 = vector.broadcast %sub3A_1655 : i32 to vector<16xi32>
      %gather3A_1695 = arith.constant 0 : i32
      %gather3A_1696 = arith.constant 0 : i32
      %gather3A_1697 = tpu.memref_slice %arg6[%select_n3A_1673, %gather3A_1695, %gather3A_1696] : memref<14x64x128xf32, #tpu.memory_space<vmem>> -> memref<1x64x128xf32, #tpu.memory_space<vmem>>
      %gather3A_1698 = tpu.memref_squeeze %gather3A_1697 : memref<1x64x128xf32, #tpu.memory_space<vmem>> -> memref<64x128xf32, #tpu.memory_space<vmem>>
      %gather3A_1699 = tpu.vector_load_idx %gather3A_1698[%add3A_5, %broadcast_in_dim3A_1694] : memref<64x128xf32, #tpu.memory_space<vmem>>[vector<16xi32>, vector<16xi32>], vector<16xf32>,
      %mul3A_1700 = arith.constant 64 : i32
      %mul3A_1701 = arith.muli %add3A_1693, %mul3A_1700 : i32
      %add3A_1702 = arith.constant 0 : i32
      %add3A_1703 = arith.addi %mul3A_1701, %add3A_1702 : i32
      %swap3A_1704 = arith.index_cast %add3A_1703 : i32 to index
      %swap3A_1705 = tpu.vector_load %arg7[%swap3A_1704] {strides = array<i32>} : memref<4096xf32, #tpu.memory_space<vmem>>, vector<16xf32>,
      tpu.vector_store %arg7[%swap3A_1704], %gather3A_1699 {strides = array<i32>} : memref<4096xf32, #tpu.memory_space<vmem>>, vector<16xf32>,
      %gather3A_1706 = arith.constant 0 : i32
      %gather3A_1707 = arith.constant 0 : i32
      %gather3A_1708 = tpu.memref_slice %arg6[%select_n3A_1673, %gather3A_1706, %gather3A_1707] : memref<14x64x128xf32, #tpu.memory_space<vmem>> -> memref<1x64x128xf32, #tpu.memory_space<vmem>>
      %gather3A_1709 = tpu.memref_squeeze %gather3A_1708 : memref<1x64x128xf32, #tpu.memory_space<vmem>> -> memref<64x128xf32, #tpu.memory_space<vmem>>
      %gather3A_1710 = tpu.vector_load_idx %gather3A_1709[%add3A_9, %broadcast_in_dim3A_1694] : memref<64x128xf32, #tpu.memory_space<vmem>>[vector<16xi32>, vector<16xi32>], vector<16xf32>,
      %mul3A_1711 = arith.constant 64 : i32
      %mul3A_1712 = arith.muli %add3A_1693, %mul3A_1711 : i32
      %add3A_1713 = arith.constant 16 : i32
      %add3A_1714 = arith.addi %mul3A_1712, %add3A_1713 : i32
      %swap3A_1715 = arith.index_cast %add3A_1714 : i32 to index
      %swap3A_1716 = tpu.vector_load %arg7[%swap3A_1715] {strides = array<i32>} : memref<4096xf32, #tpu.memory_space<vmem>>, vector<16xf32>,
      tpu.vector_store %arg7[%swap3A_1715], %gather3A_1710 {strides = array<i32>} : memref<4096xf32, #tpu.memory_space<vmem>>, vector<16xf32>,
      %gather3A_1717 = arith.constant 0 : i32
      %gather3A_1718 = arith.constant 0 : i32
      %gather3A_1719 = tpu.memref_slice %arg6[%select_n3A_1673, %gather3A_1717, %gather3A_1718] : memref<14x64x128xf32, #tpu.memory_space<vmem>> -> memref<1x64x128xf32, #tpu.memory_space<vmem>>
      %gather3A_1720 = tpu.memref_squeeze %gather3A_1719 : memref<1x64x128xf32, #tpu.memory_space<vmem>> -> memref<64x128xf32, #tpu.memory_space<vmem>>
      %gather3A_1721 = tpu.vector_load_idx %gather3A_1720[%add3A_13, %broadcast_in_dim3A_1694] : memref<64x128xf32, #tpu.memory_space<vmem>>[vector<16xi32>, vector<16xi32>], vector<16xf32>,
      %mul3A_1722 = arith.constant 64 : i32
      %mul3A_1723 = arith.muli %add3A_1693, %mul3A_1722 : i32
      %add3A_1724 = arith.constant 32 : i32
      %add3A_1725 = arith.addi %mul3A_1723, %add3A_1724 : i32
      %swap3A_1726 = arith.index_cast %add3A_1725 : i32 to index
      %swap3A_1727 = tpu.vector_load %arg7[%swap3A_1726] {strides = array<i32>} : memref<4096xf32, #tpu.memory_space<vmem>>, vector<16xf32>,
      tpu.vector_store %arg7[%swap3A_1726], %gather3A_1721 {strides = array<i32>} : memref<4096xf32, #tpu.memory_space<vmem>>, vector<16xf32>,
      %gather3A_1728 = arith.constant 0 : i32
      %gather3A_1729 = arith.constant 0 : i32
      %gather3A_1730 = tpu.memref_slice %arg6[%select_n3A_1673, %gather3A_1728, %gather3A_1729] : memref<14x64x128xf32, #tpu.memory_space<vmem>> -> memref<1x64x128xf32, #tpu.memory_space<vmem>>
      %gather3A_1731 = tpu.memref_squeeze %gather3A_1730 : memref<1x64x128xf32, #tpu.memory_space<vmem>> -> memref<64x128xf32, #tpu.memory_space<vmem>>
      %gather3A_1732 = tpu.vector_load_idx %gather3A_1731[%add3A_17, %broadcast_in_dim3A_1694] : memref<64x128xf32, #tpu.memory_space<vmem>>[vector<16xi32>, vector<16xi32>], vector<16xf32>,
      %mul3A_1733 = arith.constant 64 : i32
      %mul3A_1734 = arith.muli %add3A_1693, %mul3A_1733 : i32
      %add3A_1735 = arith.constant 48 : i32
      %add3A_1736 = arith.addi %mul3A_1734, %add3A_1735 : i32
      %swap3A_1737 = arith.index_cast %add3A_1736 : i32 to index
      %swap3A_1738 = tpu.vector_load %arg7[%swap3A_1737] {strides = array<i32>} : memref<4096xf32, #tpu.memory_space<vmem>>, vector<16xf32>,
      tpu.vector_store %arg7[%swap3A_1737], %gather3A_1732 {strides = array<i32>} : memref<4096xf32, #tpu.memory_space<vmem>>, vector<16xf32>,
      %slice3A_1739 = vector.extract_strided_slice %get3A_425 {offsets = [4], sizes = [1], strides = [1]} : vector<16xi32> to vector<1xi32>
      %squeeze3A_1740 = vector.extract %slice3A_1739[0] : i32 from vector<1xi32>
      %jit3A_1741 = arith.constant 128 : i32
      %div3A_1742 = arith.divsi %squeeze3A_1740, %jit3A_1741 : i32
      %sign3A_1743 = arith.constant 0 : i32
      %sign3A_1744 = arith.cmpi sgt, %squeeze3A_1740, %sign3A_1743 : i32
      %sign3A_1745 = arith.extui %sign3A_1744 : i1 to i32
      %sign3A_1746 = arith.constant 0 : i32
      %sign3A_1747 = arith.cmpi slt, %squeeze3A_1740, %sign3A_1746 : i32
      %sign3A_1748 = arith.extui %sign3A_1747 : i1 to i32
      %sign3A_1749 = arith.subi %sign3A_1745, %sign3A_1748 : i32
      %sign3A_1750 = arith.constant 0 : i32
      %sign3A_1751 = arith.cmpi sgt, %jit3A_1741, %sign3A_1750 : i32
      %sign3A_1752 = arith.extui %sign3A_1751 : i1 to i32
      %sign3A_1753 = arith.constant 0 : i32
      %sign3A_1754 = arith.cmpi slt, %jit3A_1741, %sign3A_1753 : i32
      %sign3A_1755 = arith.extui %sign3A_1754 : i1 to i32
      %sign3A_1756 = arith.subi %sign3A_1752, %sign3A_1755 : i32
      %ne3A_1757 = arith.cmpi ne, %sign3A_1749, %sign3A_1756 : i32
      %rem3A_1758 = arith.remsi %squeeze3A_1740, %jit3A_1741 : i32
      %ne3A_1759 = arith.constant 0 : i32
      %ne3A_1760 = arith.cmpi ne, %rem3A_1758, %ne3A_1759 : i32
      %and3A_1761 = arith.andi %ne3A_1757, %ne3A_1760 : i1
      %sub3A_1762 = arith.constant 1 : i32
      %sub3A_1763 = arith.subi %div3A_1742, %sub3A_1762 : i32
      %select_n3A_1764 = arith.select %and3A_1761, %sub3A_1763, %div3A_1742 : i32
      %ne3A_1765 = arith.cmpi ne, %select_n3A_1764, %select_n3A_1614 : i32
      %convert_element_type3A_1766 = arith.extui %ne3A_1765 : i1 to i32
      %cond3A_1767 = arith.constant 0 : i32
      %cond3A_1768 = arith.cmpi ne, %convert_element_type3A_1766, %cond3A_1767 : i32
      scf.if %cond3A_1768 {
        %jit3A_2842 = arith.constant 14 : i32
        %eq3A_2843 = arith.constant 0 : i32
        %eq3A_2844 = arith.cmpi eq, %jit3A_2842, %eq3A_2843 : i32
        %jit3A_2845 = arith.constant 1 : i32
        %select_n3A_2846 = arith.select %eq3A_2844, %jit3A_2845, %jit3A_2842 : i32
        %rem3A_2847 = arith.remsi %add3A_1620, %select_n3A_2846 : i32
        %ne3A_2848 = arith.constant 0 : i32
        %ne3A_2849 = arith.cmpi ne, %rem3A_2847, %ne3A_2848 : i32
        %lt3A_2850 = arith.constant 0 : i32
        %lt3A_2851 = arith.cmpi slt, %rem3A_2847, %lt3A_2850 : i32
        %lt3A_2852 = arith.constant 0 : i32
        %lt3A_2853 = arith.cmpi slt, %select_n3A_2846, %lt3A_2852 : i32
        %ne3A_2854 = arith.xori %lt3A_2851, %lt3A_2853 : i1
        %and3A_2855 = arith.andi %ne3A_2854, %ne3A_2849 : i1
        %add3A_2856 = arith.addi %rem3A_2847, %select_n3A_2846 : i32
        %select_n3A_2857 = arith.select %and3A_2855, %add3A_2856, %rem3A_2847 : i32
        %mul3A_2858 = arith.constant 128 : i32
        %mul3A_2859 = arith.muli %select_n3A_1764, %mul3A_2858 : i32
        %multiple_of3A = tpu.assume_multiple %mul3A_2859, 128 : i32
        %dma_start3A = arith.constant 0 : i32
        %dma_start3A_2860 = arith.constant 0 : i32
        %dma_start3A_2861 = tpu.memref_slice %arg6[%select_n3A_2857, %dma_start3A, %dma_start3A_2860] : memref<14x64x128xf32, #tpu.memory_space<vmem>> -> memref<1x64x128xf32, #tpu.memory_space<vmem>>
        %dma_start3A_2862 = tpu.memref_squeeze %dma_start3A_2861 : memref<1x64x128xf32, #tpu.memory_space<vmem>> -> memref<64x128xf32, #tpu.memory_space<vmem>>
        %dma_start3A_2863 = arith.constant 0 : i32
        %dma_start3A_2864 = tpu.memref_slice %arg3[%dma_start3A_2863, %multiple_of3A] : memref<64x1000000xf32, #tpu.memory_space<hbm>> -> memref<64x128xf32, #tpu.memory_space<hbm>>
        %dma_start3A_2865 = arith.constant 0 : i32
        %dma_start3A_2866 = arith.constant 0 : i32
        %dma_start3A_2867 = tpu.memref_slice %arg6[%select_n3A_2857, %dma_start3A_2865, %dma_start3A_2866] : memref<14x64x128xf32, #tpu.memory_space<vmem>> -> memref<1x64x128xf32, #tpu.memory_space<vmem>>
        %dma_start3A_2868 = tpu.memref_squeeze %dma_start3A_2867 : memref<1x64x128xf32, #tpu.memory_space<vmem>> -> memref<64x128xf32, #tpu.memory_space<vmem>>
        %dma_start3A_2869 = arith.constant 0 : i32
        %dma_start3A_2870 = tpu.memref_slice %arg3[%dma_start3A_2869, %multiple_of3A] : memref<64x1000000xf32, #tpu.memory_space<hbm>> -> memref<64x128xf32, #tpu.memory_space<hbm>>
        tpu.enqueue_dma source(%dma_start3A_2870 : memref<64x128xf32, #tpu.memory_space<hbm>>) target(%dma_start3A_2868 : memref<64x128xf32, #tpu.memory_space<vmem>>) target_semaphore(%arg8 : memref<!tpu.dma_semaphore, #tpu.memory_space<semaphore_mem>>)
      } else {
      }
      %convert_element_type3A_1769 = arith.extui %ne3A_1765 : i1 to i32
      %add3A_1770 = arith.addi %add3A_1620, %convert_element_type3A_1769 : i32
      %slice3A_1771 = vector.extract_strided_slice %get3A_419 {offsets = [9], sizes = [1], strides = [1]} : vector<16xi32> to vector<1xi32>
      %squeeze3A_1772 = vector.extract %slice3A_1771[0] : i32 from vector<1xi32>
      %jit3A_1773 = arith.constant 128 : i32
      %div3A_1774 = arith.divsi %squeeze3A_1772, %jit3A_1773 : i32
      %sign3A_1775 = arith.constant 0 : i32
      %sign3A_1776 = arith.cmpi sgt, %squeeze3A_1772, %sign3A_1775 : i32
      %sign3A_1777 = arith.extui %sign3A_1776 : i1 to i32
      %sign3A_1778 = arith.constant 0 : i32
      %sign3A_1779 = arith.cmpi slt, %squeeze3A_1772, %sign3A_1778 : i32
      %sign3A_1780 = arith.extui %sign3A_1779 : i1 to i32
      %sign3A_1781 = arith.subi %sign3A_1777, %sign3A_1780 : i32
      %sign3A_1782 = arith.constant 0 : i32
      %sign3A_1783 = arith.cmpi sgt, %jit3A_1773, %sign3A_1782 : i32
      %sign3A_1784 = arith.extui %sign3A_1783 : i1 to i32
      %sign3A_1785 = arith.constant 0 : i32
      %sign3A_1786 = arith.cmpi slt, %jit3A_1773, %sign3A_1785 : i32
      %sign3A_1787 = arith.extui %sign3A_1786 : i1 to i32
      %sign3A_1788 = arith.subi %sign3A_1784, %sign3A_1787 : i32
      %ne3A_1789 = arith.cmpi ne, %sign3A_1781, %sign3A_1788 : i32
      %rem3A_1790 = arith.remsi %squeeze3A_1772, %jit3A_1773 : i32
      %ne3A_1791 = arith.constant 0 : i32
      %ne3A_1792 = arith.cmpi ne, %rem3A_1790, %ne3A_1791 : i32
      %and3A_1793 = arith.andi %ne3A_1789, %ne3A_1792 : i1
      %sub3A_1794 = arith.constant 1 : i32
      %sub3A_1795 = arith.subi %div3A_1774, %sub3A_1794 : i32
      %select_n3A_1796 = arith.select %and3A_1793, %sub3A_1795, %div3A_1774 : i32
      %ne3A_1797 = arith.cmpi ne, %select_n3A_1796, %select_n3A_1646 : i32
      %convert_element_type3A_1798 = arith.extui %ne3A_1797 : i1 to i32
      %cond3A_1799 = arith.constant 0 : i32
      %cond3A_1800 = arith.cmpi ne, %convert_element_type3A_1798, %cond3A_1799 : i32
      scf.if %cond3A_1800 {
        %dma_wait3A = arith.constant 0 : i32
        %dma_wait3A_2842 = arith.constant 0 : i32
        %dma_wait3A_2843 = arith.constant 0 : i32
        %dma_wait3A_2844 = tpu.memref_slice %arg6[%dma_wait3A, %dma_wait3A_2842, %dma_wait3A_2843] : memref<14x64x128xf32, #tpu.memory_space<vmem>> -> memref<1x64x128xf32, #tpu.memory_space<vmem>>
        %dma_wait3A_2845 = tpu.memref_squeeze %dma_wait3A_2844 : memref<1x64x128xf32, #tpu.memory_space<vmem>> -> memref<64x128xf32, #tpu.memory_space<vmem>>
        %dma_wait3A_2846 = arith.constant 0 : i32
        %dma_wait3A_2847 = arith.constant 0 : i32
        %dma_wait3A_2848 = tpu.memref_slice %arg3[%dma_wait3A_2846, %dma_wait3A_2847] : memref<64x1000000xf32, #tpu.memory_space<hbm>> -> memref<64x128xf32, #tpu.memory_space<hbm>>
        %dma_wait3A_2849 = arith.constant 0 : i32
        %dma_wait3A_2850 = arith.constant 0 : i32
        %dma_wait3A_2851 = tpu.memref_slice %arg6[%dma_wait3A, %dma_wait3A_2849, %dma_wait3A_2850] : memref<14x64x128xf32, #tpu.memory_space<vmem>> -> memref<1x64x128xf32, #tpu.memory_space<vmem>>
        %dma_wait3A_2852 = tpu.memref_squeeze %dma_wait3A_2851 : memref<1x64x128xf32, #tpu.memory_space<vmem>> -> memref<64x128xf32, #tpu.memory_space<vmem>>
        %dma_wait3A_2853 = arith.constant 0 : i32
        %dma_wait3A_2854 = arith.constant 0 : i32
        %dma_wait3A_2855 = tpu.memref_slice %arg3[%dma_wait3A_2853, %dma_wait3A_2854] : memref<64x1000000xf32, #tpu.memory_space<hbm>> -> memref<64x128xf32, #tpu.memory_space<hbm>>
        tpu.wait_dma2 semaphore(%arg8 : memref<!tpu.dma_semaphore, #tpu.memory_space<semaphore_mem>>) src(%dma_wait3A_2855 : memref<64x128xf32, #tpu.memory_space<hbm>>) dst(%dma_wait3A_2852 : memref<64x128xf32, #tpu.memory_space<vmem>>)
      } else {
      }
      %convert_element_type3A_1801 = arith.extui %ne3A_1797 : i1 to i32
      %add3A_1802 = arith.addi %add3A_1652, %convert_element_type3A_1801 : i32
      %mul3A_1803 = arith.constant 128 : i32
      %mul3A_1804 = arith.muli %select_n3A_1796, %mul3A_1803 : i32
      %sub3A_1805 = arith.subi %squeeze3A_1772, %mul3A_1804 : i32
      %sub3A_1806 = arith.constant 1 : i32
      %sub3A_1807 = arith.subi %add3A_1802, %sub3A_1806 : i32
      %jit3A_1808 = arith.constant 14 : i32
      %eq3A_1809 = arith.constant 0 : i32
      %eq3A_1810 = arith.cmpi eq, %jit3A_1808, %eq3A_1809 : i32
      %jit3A_1811 = arith.constant 1 : i32
      %select_n3A_1812 = arith.select %eq3A_1810, %jit3A_1811, %jit3A_1808 : i32
      %rem3A_1813 = arith.remsi %sub3A_1807, %select_n3A_1812 : i32
      %ne3A_1814 = arith.constant 0 : i32
      %ne3A_1815 = arith.cmpi ne, %rem3A_1813, %ne3A_1814 : i32
      %lt3A_1816 = arith.constant 0 : i32
      %lt3A_1817 = arith.cmpi slt, %rem3A_1813, %lt3A_1816 : i32
      %lt3A_1818 = arith.constant 0 : i32
      %lt3A_1819 = arith.cmpi slt, %select_n3A_1812, %lt3A_1818 : i32
      %ne3A_1820 = arith.xori %lt3A_1817, %lt3A_1819 : i1
      %and3A_1821 = arith.andi %ne3A_1820, %ne3A_1815 : i1
      %add3A_1822 = arith.addi %rem3A_1813, %select_n3A_1812 : i32
      %select_n3A_1823 = arith.select %and3A_1821, %add3A_1822, %rem3A_1813 : i32
      %jit3A_1824 = arith.constant 4 : i32
      %eq3A_1825 = arith.constant 0 : i32
      %eq3A_1826 = arith.cmpi eq, %jit3A_1824, %eq3A_1825 : i32
      %jit3A_1827 = arith.constant 1 : i32
      %select_n3A_1828 = arith.select %eq3A_1826, %jit3A_1827, %jit3A_1824 : i32
      %rem3A_1829 = arith.remsi %scan3A_411, %select_n3A_1828 : i32
      %ne3A_1830 = arith.constant 0 : i32
      %ne3A_1831 = arith.cmpi ne, %rem3A_1829, %ne3A_1830 : i32
      %lt3A_1832 = arith.constant 0 : i32
      %lt3A_1833 = arith.cmpi slt, %rem3A_1829, %lt3A_1832 : i32
      %lt3A_1834 = arith.constant 0 : i32
      %lt3A_1835 = arith.cmpi slt, %select_n3A_1828, %lt3A_1834 : i32
      %ne3A_1836 = arith.xori %lt3A_1833, %lt3A_1835 : i1
      %and3A_1837 = arith.andi %ne3A_1836, %ne3A_1831 : i1
      %add3A_1838 = arith.addi %rem3A_1829, %select_n3A_1828 : i32
      %select_n3A_1839 = arith.select %and3A_1837, %add3A_1838, %rem3A_1829 : i32
      %mul3A_1840 = arith.constant 16 : i32
      %mul3A_1841 = arith.muli %select_n3A_1839, %mul3A_1840 : i32
      %add3A_1842 = arith.constant 9 : i32
      %add3A_1843 = arith.addi %mul3A_1841, %add3A_1842 : i32
      %broadcast_in_dim3A_1844 = vector.broadcast %sub3A_1805 : i32 to vector<16xi32>
      %gather3A_1845 = arith.constant 0 : i32
      %gather3A_1846 = arith.constant 0 : i32
      %gather3A_1847 = tpu.memref_slice %arg6[%select_n3A_1823, %gather3A_1845, %gather3A_1846] : memref<14x64x128xf32, #tpu.memory_space<vmem>> -> memref<1x64x128xf32, #tpu.memory_space<vmem>>
      %gather3A_1848 = tpu.memref_squeeze %gather3A_1847 : memref<1x64x128xf32, #tpu.memory_space<vmem>> -> memref<64x128xf32, #tpu.memory_space<vmem>>
      %gather3A_1849 = tpu.vector_load_idx %gather3A_1848[%add3A_5, %broadcast_in_dim3A_1844] : memref<64x128xf32, #tpu.memory_space<vmem>>[vector<16xi32>, vector<16xi32>], vector<16xf32>,
      %mul3A_1850 = arith.constant 64 : i32
      %mul3A_1851 = arith.muli %add3A_1843, %mul3A_1850 : i32
      %add3A_1852 = arith.constant 0 : i32
      %add3A_1853 = arith.addi %mul3A_1851, %add3A_1852 : i32
      %swap3A_1854 = arith.index_cast %add3A_1853 : i32 to index
      %swap3A_1855 = tpu.vector_load %arg7[%swap3A_1854] {strides = array<i32>} : memref<4096xf32, #tpu.memory_space<vmem>>, vector<16xf32>,
      tpu.vector_store %arg7[%swap3A_1854], %gather3A_1849 {strides = array<i32>} : memref<4096xf32, #tpu.memory_space<vmem>>, vector<16xf32>,
      %gather3A_1856 = arith.constant 0 : i32
      %gather3A_1857 = arith.constant 0 : i32
      %gather3A_1858 = tpu.memref_slice %arg6[%select_n3A_1823, %gather3A_1856, %gather3A_1857] : memref<14x64x128xf32, #tpu.memory_space<vmem>> -> memref<1x64x128xf32, #tpu.memory_space<vmem>>
      %gather3A_1859 = tpu.memref_squeeze %gather3A_1858 : memref<1x64x128xf32, #tpu.memory_space<vmem>> -> memref<64x128xf32, #tpu.memory_space<vmem>>
      %gather3A_1860 = tpu.vector_load_idx %gather3A_1859[%add3A_9, %broadcast_in_dim3A_1844] : memref<64x128xf32, #tpu.memory_space<vmem>>[vector<16xi32>, vector<16xi32>], vector<16xf32>,
      %mul3A_1861 = arith.constant 64 : i32
      %mul3A_1862 = arith.muli %add3A_1843, %mul3A_1861 : i32
      %add3A_1863 = arith.constant 16 : i32
      %add3A_1864 = arith.addi %mul3A_1862, %add3A_1863 : i32
      %swap3A_1865 = arith.index_cast %add3A_1864 : i32 to index
      %swap3A_1866 = tpu.vector_load %arg7[%swap3A_1865] {strides = array<i32>} : memref<4096xf32, #tpu.memory_space<vmem>>, vector<16xf32>,
      tpu.vector_store %arg7[%swap3A_1865], %gather3A_1860 {strides = array<i32>} : memref<4096xf32, #tpu.memory_space<vmem>>, vector<16xf32>,
      %gather3A_1867 = arith.constant 0 : i32
      %gather3A_1868 = arith.constant 0 : i32
      %gather3A_1869 = tpu.memref_slice %arg6[%select_n3A_1823, %gather3A_1867, %gather3A_1868] : memref<14x64x128xf32, #tpu.memory_space<vmem>> -> memref<1x64x128xf32, #tpu.memory_space<vmem>>
      %gather3A_1870 = tpu.memref_squeeze %gather3A_1869 : memref<1x64x128xf32, #tpu.memory_space<vmem>> -> memref<64x128xf32, #tpu.memory_space<vmem>>
      %gather3A_1871 = tpu.vector_load_idx %gather3A_1870[%add3A_13, %broadcast_in_dim3A_1844] : memref<64x128xf32, #tpu.memory_space<vmem>>[vector<16xi32>, vector<16xi32>], vector<16xf32>,
      %mul3A_1872 = arith.constant 64 : i32
      %mul3A_1873 = arith.muli %add3A_1843, %mul3A_1872 : i32
      %add3A_1874 = arith.constant 32 : i32
      %add3A_1875 = arith.addi %mul3A_1873, %add3A_1874 : i32
      %swap3A_1876 = arith.index_cast %add3A_1875 : i32 to index
      %swap3A_1877 = tpu.vector_load %arg7[%swap3A_1876] {strides = array<i32>} : memref<4096xf32, #tpu.memory_space<vmem>>, vector<16xf32>,
      tpu.vector_store %arg7[%swap3A_1876], %gather3A_1871 {strides = array<i32>} : memref<4096xf32, #tpu.memory_space<vmem>>, vector<16xf32>,
      %gather3A_1878 = arith.constant 0 : i32
      %gather3A_1879 = arith.constant 0 : i32
      %gather3A_1880 = tpu.memref_slice %arg6[%select_n3A_1823, %gather3A_1878, %gather3A_1879] : memref<14x64x128xf32, #tpu.memory_space<vmem>> -> memref<1x64x128xf32, #tpu.memory_space<vmem>>
      %gather3A_1881 = tpu.memref_squeeze %gather3A_1880 : memref<1x64x128xf32, #tpu.memory_space<vmem>> -> memref<64x128xf32, #tpu.memory_space<vmem>>
      %gather3A_1882 = tpu.vector_load_idx %gather3A_1881[%add3A_17, %broadcast_in_dim3A_1844] : memref<64x128xf32, #tpu.memory_space<vmem>>[vector<16xi32>, vector<16xi32>], vector<16xf32>,
      %mul3A_1883 = arith.constant 64 : i32
      %mul3A_1884 = arith.muli %add3A_1843, %mul3A_1883 : i32
      %add3A_1885 = arith.constant 48 : i32
      %add3A_1886 = arith.addi %mul3A_1884, %add3A_1885 : i32
      %swap3A_1887 = arith.index_cast %add3A_1886 : i32 to index
      %swap3A_1888 = tpu.vector_load %arg7[%swap3A_1887] {strides = array<i32>} : memref<4096xf32, #tpu.memory_space<vmem>>, vector<16xf32>,
      tpu.vector_store %arg7[%swap3A_1887], %gather3A_1882 {strides = array<i32>} : memref<4096xf32, #tpu.memory_space<vmem>>, vector<16xf32>,
      %slice3A_1889 = vector.extract_strided_slice %get3A_425 {offsets = [5], sizes = [1], strides = [1]} : vector<16xi32> to vector<1xi32>
      %squeeze3A_1890 = vector.extract %slice3A_1889[0] : i32 from vector<1xi32>
      %jit3A_1891 = arith.constant 128 : i32
      %div3A_1892 = arith.divsi %squeeze3A_1890, %jit3A_1891 : i32
      %sign3A_1893 = arith.constant 0 : i32
      %sign3A_1894 = arith.cmpi sgt, %squeeze3A_1890, %sign3A_1893 : i32
      %sign3A_1895 = arith.extui %sign3A_1894 : i1 to i32
      %sign3A_1896 = arith.constant 0 : i32
      %sign3A_1897 = arith.cmpi slt, %squeeze3A_1890, %sign3A_1896 : i32
      %sign3A_1898 = arith.extui %sign3A_1897 : i1 to i32
      %sign3A_1899 = arith.subi %sign3A_1895, %sign3A_1898 : i32
      %sign3A_1900 = arith.constant 0 : i32
      %sign3A_1901 = arith.cmpi sgt, %jit3A_1891, %sign3A_1900 : i32
      %sign3A_1902 = arith.extui %sign3A_1901 : i1 to i32
      %sign3A_1903 = arith.constant 0 : i32
      %sign3A_1904 = arith.cmpi slt, %jit3A_1891, %sign3A_1903 : i32
      %sign3A_1905 = arith.extui %sign3A_1904 : i1 to i32
      %sign3A_1906 = arith.subi %sign3A_1902, %sign3A_1905 : i32
      %ne3A_1907 = arith.cmpi ne, %sign3A_1899, %sign3A_1906 : i32
      %rem3A_1908 = arith.remsi %squeeze3A_1890, %jit3A_1891 : i32
      %ne3A_1909 = arith.constant 0 : i32
      %ne3A_1910 = arith.cmpi ne, %rem3A_1908, %ne3A_1909 : i32
      %and3A_1911 = arith.andi %ne3A_1907, %ne3A_1910 : i1
      %sub3A_1912 = arith.constant 1 : i32
      %sub3A_1913 = arith.subi %div3A_1892, %sub3A_1912 : i32
      %select_n3A_1914 = arith.select %and3A_1911, %sub3A_1913, %div3A_1892 : i32
      %ne3A_1915 = arith.cmpi ne, %select_n3A_1914, %select_n3A_1764 : i32
      %convert_element_type3A_1916 = arith.extui %ne3A_1915 : i1 to i32
      %cond3A_1917 = arith.constant 0 : i32
      %cond3A_1918 = arith.cmpi ne, %convert_element_type3A_1916, %cond3A_1917 : i32
      scf.if %cond3A_1918 {
        %jit3A_2842 = arith.constant 14 : i32
        %eq3A_2843 = arith.constant 0 : i32
        %eq3A_2844 = arith.cmpi eq, %jit3A_2842, %eq3A_2843 : i32
        %jit3A_2845 = arith.constant 1 : i32
        %select_n3A_2846 = arith.select %eq3A_2844, %jit3A_2845, %jit3A_2842 : i32
        %rem3A_2847 = arith.remsi %add3A_1770, %select_n3A_2846 : i32
        %ne3A_2848 = arith.constant 0 : i32
        %ne3A_2849 = arith.cmpi ne, %rem3A_2847, %ne3A_2848 : i32
        %lt3A_2850 = arith.constant 0 : i32
        %lt3A_2851 = arith.cmpi slt, %rem3A_2847, %lt3A_2850 : i32
        %lt3A_2852 = arith.constant 0 : i32
        %lt3A_2853 = arith.cmpi slt, %select_n3A_2846, %lt3A_2852 : i32
        %ne3A_2854 = arith.xori %lt3A_2851, %lt3A_2853 : i1
        %and3A_2855 = arith.andi %ne3A_2854, %ne3A_2849 : i1
        %add3A_2856 = arith.addi %rem3A_2847, %select_n3A_2846 : i32
        %select_n3A_2857 = arith.select %and3A_2855, %add3A_2856, %rem3A_2847 : i32
        %mul3A_2858 = arith.constant 128 : i32
        %mul3A_2859 = arith.muli %select_n3A_1914, %mul3A_2858 : i32
        %multiple_of3A = tpu.assume_multiple %mul3A_2859, 128 : i32
        %dma_start3A = arith.constant 0 : i32
        %dma_start3A_2860 = arith.constant 0 : i32
        %dma_start3A_2861 = tpu.memref_slice %arg6[%select_n3A_2857, %dma_start3A, %dma_start3A_2860] : memref<14x64x128xf32, #tpu.memory_space<vmem>> -> memref<1x64x128xf32, #tpu.memory_space<vmem>>
        %dma_start3A_2862 = tpu.memref_squeeze %dma_start3A_2861 : memref<1x64x128xf32, #tpu.memory_space<vmem>> -> memref<64x128xf32, #tpu.memory_space<vmem>>
        %dma_start3A_2863 = arith.constant 0 : i32
        %dma_start3A_2864 = tpu.memref_slice %arg3[%dma_start3A_2863, %multiple_of3A] : memref<64x1000000xf32, #tpu.memory_space<hbm>> -> memref<64x128xf32, #tpu.memory_space<hbm>>
        %dma_start3A_2865 = arith.constant 0 : i32
        %dma_start3A_2866 = arith.constant 0 : i32
        %dma_start3A_2867 = tpu.memref_slice %arg6[%select_n3A_2857, %dma_start3A_2865, %dma_start3A_2866] : memref<14x64x128xf32, #tpu.memory_space<vmem>> -> memref<1x64x128xf32, #tpu.memory_space<vmem>>
        %dma_start3A_2868 = tpu.memref_squeeze %dma_start3A_2867 : memref<1x64x128xf32, #tpu.memory_space<vmem>> -> memref<64x128xf32, #tpu.memory_space<vmem>>
        %dma_start3A_2869 = arith.constant 0 : i32
        %dma_start3A_2870 = tpu.memref_slice %arg3[%dma_start3A_2869, %multiple_of3A] : memref<64x1000000xf32, #tpu.memory_space<hbm>> -> memref<64x128xf32, #tpu.memory_space<hbm>>
        tpu.enqueue_dma source(%dma_start3A_2870 : memref<64x128xf32, #tpu.memory_space<hbm>>) target(%dma_start3A_2868 : memref<64x128xf32, #tpu.memory_space<vmem>>) target_semaphore(%arg8 : memref<!tpu.dma_semaphore, #tpu.memory_space<semaphore_mem>>)
      } else {
      }
      %convert_element_type3A_1919 = arith.extui %ne3A_1915 : i1 to i32
      %add3A_1920 = arith.addi %add3A_1770, %convert_element_type3A_1919 : i32
      %slice3A_1921 = vector.extract_strided_slice %get3A_419 {offsets = [10], sizes = [1], strides = [1]} : vector<16xi32> to vector<1xi32>
      %squeeze3A_1922 = vector.extract %slice3A_1921[0] : i32 from vector<1xi32>
      %jit3A_1923 = arith.constant 128 : i32
      %div3A_1924 = arith.divsi %squeeze3A_1922, %jit3A_1923 : i32
      %sign3A_1925 = arith.constant 0 : i32
      %sign3A_1926 = arith.cmpi sgt, %squeeze3A_1922, %sign3A_1925 : i32
      %sign3A_1927 = arith.extui %sign3A_1926 : i1 to i32
      %sign3A_1928 = arith.constant 0 : i32
      %sign3A_1929 = arith.cmpi slt, %squeeze3A_1922, %sign3A_1928 : i32
      %sign3A_1930 = arith.extui %sign3A_1929 : i1 to i32
      %sign3A_1931 = arith.subi %sign3A_1927, %sign3A_1930 : i32
      %sign3A_1932 = arith.constant 0 : i32
      %sign3A_1933 = arith.cmpi sgt, %jit3A_1923, %sign3A_1932 : i32
      %sign3A_1934 = arith.extui %sign3A_1933 : i1 to i32
      %sign3A_1935 = arith.constant 0 : i32
      %sign3A_1936 = arith.cmpi slt, %jit3A_1923, %sign3A_1935 : i32
      %sign3A_1937 = arith.extui %sign3A_1936 : i1 to i32
      %sign3A_1938 = arith.subi %sign3A_1934, %sign3A_1937 : i32
      %ne3A_1939 = arith.cmpi ne, %sign3A_1931, %sign3A_1938 : i32
      %rem3A_1940 = arith.remsi %squeeze3A_1922, %jit3A_1923 : i32
      %ne3A_1941 = arith.constant 0 : i32
      %ne3A_1942 = arith.cmpi ne, %rem3A_1940, %ne3A_1941 : i32
      %and3A_1943 = arith.andi %ne3A_1939, %ne3A_1942 : i1
      %sub3A_1944 = arith.constant 1 : i32
      %sub3A_1945 = arith.subi %div3A_1924, %sub3A_1944 : i32
      %select_n3A_1946 = arith.select %and3A_1943, %sub3A_1945, %div3A_1924 : i32
      %ne3A_1947 = arith.cmpi ne, %select_n3A_1946, %select_n3A_1796 : i32
      %convert_element_type3A_1948 = arith.extui %ne3A_1947 : i1 to i32
      %cond3A_1949 = arith.constant 0 : i32
      %cond3A_1950 = arith.cmpi ne, %convert_element_type3A_1948, %cond3A_1949 : i32
      scf.if %cond3A_1950 {
        %dma_wait3A = arith.constant 0 : i32
        %dma_wait3A_2842 = arith.constant 0 : i32
        %dma_wait3A_2843 = arith.constant 0 : i32
        %dma_wait3A_2844 = tpu.memref_slice %arg6[%dma_wait3A, %dma_wait3A_2842, %dma_wait3A_2843] : memref<14x64x128xf32, #tpu.memory_space<vmem>> -> memref<1x64x128xf32, #tpu.memory_space<vmem>>
        %dma_wait3A_2845 = tpu.memref_squeeze %dma_wait3A_2844 : memref<1x64x128xf32, #tpu.memory_space<vmem>> -> memref<64x128xf32, #tpu.memory_space<vmem>>
        %dma_wait3A_2846 = arith.constant 0 : i32
        %dma_wait3A_2847 = arith.constant 0 : i32
        %dma_wait3A_2848 = tpu.memref_slice %arg3[%dma_wait3A_2846, %dma_wait3A_2847] : memref<64x1000000xf32, #tpu.memory_space<hbm>> -> memref<64x128xf32, #tpu.memory_space<hbm>>
        %dma_wait3A_2849 = arith.constant 0 : i32
        %dma_wait3A_2850 = arith.constant 0 : i32
        %dma_wait3A_2851 = tpu.memref_slice %arg6[%dma_wait3A, %dma_wait3A_2849, %dma_wait3A_2850] : memref<14x64x128xf32, #tpu.memory_space<vmem>> -> memref<1x64x128xf32, #tpu.memory_space<vmem>>
        %dma_wait3A_2852 = tpu.memref_squeeze %dma_wait3A_2851 : memref<1x64x128xf32, #tpu.memory_space<vmem>> -> memref<64x128xf32, #tpu.memory_space<vmem>>
        %dma_wait3A_2853 = arith.constant 0 : i32
        %dma_wait3A_2854 = arith.constant 0 : i32
        %dma_wait3A_2855 = tpu.memref_slice %arg3[%dma_wait3A_2853, %dma_wait3A_2854] : memref<64x1000000xf32, #tpu.memory_space<hbm>> -> memref<64x128xf32, #tpu.memory_space<hbm>>
        tpu.wait_dma2 semaphore(%arg8 : memref<!tpu.dma_semaphore, #tpu.memory_space<semaphore_mem>>) src(%dma_wait3A_2855 : memref<64x128xf32, #tpu.memory_space<hbm>>) dst(%dma_wait3A_2852 : memref<64x128xf32, #tpu.memory_space<vmem>>)
      } else {
      }
      %convert_element_type3A_1951 = arith.extui %ne3A_1947 : i1 to i32
      %add3A_1952 = arith.addi %add3A_1802, %convert_element_type3A_1951 : i32
      %mul3A_1953 = arith.constant 128 : i32
      %mul3A_1954 = arith.muli %select_n3A_1946, %mul3A_1953 : i32
      %sub3A_1955 = arith.subi %squeeze3A_1922, %mul3A_1954 : i32
      %sub3A_1956 = arith.constant 1 : i32
      %sub3A_1957 = arith.subi %add3A_1952, %sub3A_1956 : i32
      %jit3A_1958 = arith.constant 14 : i32
      %eq3A_1959 = arith.constant 0 : i32
      %eq3A_1960 = arith.cmpi eq, %jit3A_1958, %eq3A_1959 : i32
      %jit3A_1961 = arith.constant 1 : i32
      %select_n3A_1962 = arith.select %eq3A_1960, %jit3A_1961, %jit3A_1958 : i32
      %rem3A_1963 = arith.remsi %sub3A_1957, %select_n3A_1962 : i32
      %ne3A_1964 = arith.constant 0 : i32
      %ne3A_1965 = arith.cmpi ne, %rem3A_1963, %ne3A_1964 : i32
      %lt3A_1966 = arith.constant 0 : i32
      %lt3A_1967 = arith.cmpi slt, %rem3A_1963, %lt3A_1966 : i32
      %lt3A_1968 = arith.constant 0 : i32
      %lt3A_1969 = arith.cmpi slt, %select_n3A_1962, %lt3A_1968 : i32
      %ne3A_1970 = arith.xori %lt3A_1967, %lt3A_1969 : i1
      %and3A_1971 = arith.andi %ne3A_1970, %ne3A_1965 : i1
      %add3A_1972 = arith.addi %rem3A_1963, %select_n3A_1962 : i32
      %select_n3A_1973 = arith.select %and3A_1971, %add3A_1972, %rem3A_1963 : i32
      %jit3A_1974 = arith.constant 4 : i32
      %eq3A_1975 = arith.constant 0 : i32
      %eq3A_1976 = arith.cmpi eq, %jit3A_1974, %eq3A_1975 : i32
      %jit3A_1977 = arith.constant 1 : i32
      %select_n3A_1978 = arith.select %eq3A_1976, %jit3A_1977, %jit3A_1974 : i32
      %rem3A_1979 = arith.remsi %scan3A_411, %select_n3A_1978 : i32
      %ne3A_1980 = arith.constant 0 : i32
      %ne3A_1981 = arith.cmpi ne, %rem3A_1979, %ne3A_1980 : i32
      %lt3A_1982 = arith.constant 0 : i32
      %lt3A_1983 = arith.cmpi slt, %rem3A_1979, %lt3A_1982 : i32
      %lt3A_1984 = arith.constant 0 : i32
      %lt3A_1985 = arith.cmpi slt, %select_n3A_1978, %lt3A_1984 : i32
      %ne3A_1986 = arith.xori %lt3A_1983, %lt3A_1985 : i1
      %and3A_1987 = arith.andi %ne3A_1986, %ne3A_1981 : i1
      %add3A_1988 = arith.addi %rem3A_1979, %select_n3A_1978 : i32
      %select_n3A_1989 = arith.select %and3A_1987, %add3A_1988, %rem3A_1979 : i32
      %mul3A_1990 = arith.constant 16 : i32
      %mul3A_1991 = arith.muli %select_n3A_1989, %mul3A_1990 : i32
      %add3A_1992 = arith.constant 10 : i32
      %add3A_1993 = arith.addi %mul3A_1991, %add3A_1992 : i32
      %broadcast_in_dim3A_1994 = vector.broadcast %sub3A_1955 : i32 to vector<16xi32>
      %gather3A_1995 = arith.constant 0 : i32
      %gather3A_1996 = arith.constant 0 : i32
      %gather3A_1997 = tpu.memref_slice %arg6[%select_n3A_1973, %gather3A_1995, %gather3A_1996] : memref<14x64x128xf32, #tpu.memory_space<vmem>> -> memref<1x64x128xf32, #tpu.memory_space<vmem>>
      %gather3A_1998 = tpu.memref_squeeze %gather3A_1997 : memref<1x64x128xf32, #tpu.memory_space<vmem>> -> memref<64x128xf32, #tpu.memory_space<vmem>>
      %gather3A_1999 = tpu.vector_load_idx %gather3A_1998[%add3A_5, %broadcast_in_dim3A_1994] : memref<64x128xf32, #tpu.memory_space<vmem>>[vector<16xi32>, vector<16xi32>], vector<16xf32>,
      %mul3A_2000 = arith.constant 64 : i32
      %mul3A_2001 = arith.muli %add3A_1993, %mul3A_2000 : i32
      %add3A_2002 = arith.constant 0 : i32
      %add3A_2003 = arith.addi %mul3A_2001, %add3A_2002 : i32
      %swap3A_2004 = arith.index_cast %add3A_2003 : i32 to index
      %swap3A_2005 = tpu.vector_load %arg7[%swap3A_2004] {strides = array<i32>} : memref<4096xf32, #tpu.memory_space<vmem>>, vector<16xf32>,
      tpu.vector_store %arg7[%swap3A_2004], %gather3A_1999 {strides = array<i32>} : memref<4096xf32, #tpu.memory_space<vmem>>, vector<16xf32>,
      %gather3A_2006 = arith.constant 0 : i32
      %gather3A_2007 = arith.constant 0 : i32
      %gather3A_2008 = tpu.memref_slice %arg6[%select_n3A_1973, %gather3A_2006, %gather3A_2007] : memref<14x64x128xf32, #tpu.memory_space<vmem>> -> memref<1x64x128xf32, #tpu.memory_space<vmem>>
      %gather3A_2009 = tpu.memref_squeeze %gather3A_2008 : memref<1x64x128xf32, #tpu.memory_space<vmem>> -> memref<64x128xf32, #tpu.memory_space<vmem>>
      %gather3A_2010 = tpu.vector_load_idx %gather3A_2009[%add3A_9, %broadcast_in_dim3A_1994] : memref<64x128xf32, #tpu.memory_space<vmem>>[vector<16xi32>, vector<16xi32>], vector<16xf32>,
      %mul3A_2011 = arith.constant 64 : i32
      %mul3A_2012 = arith.muli %add3A_1993, %mul3A_2011 : i32
      %add3A_2013 = arith.constant 16 : i32
      %add3A_2014 = arith.addi %mul3A_2012, %add3A_2013 : i32
      %swap3A_2015 = arith.index_cast %add3A_2014 : i32 to index
      %swap3A_2016 = tpu.vector_load %arg7[%swap3A_2015] {strides = array<i32>} : memref<4096xf32, #tpu.memory_space<vmem>>, vector<16xf32>,
      tpu.vector_store %arg7[%swap3A_2015], %gather3A_2010 {strides = array<i32>} : memref<4096xf32, #tpu.memory_space<vmem>>, vector<16xf32>,
      %gather3A_2017 = arith.constant 0 : i32
      %gather3A_2018 = arith.constant 0 : i32
      %gather3A_2019 = tpu.memref_slice %arg6[%select_n3A_1973, %gather3A_2017, %gather3A_2018] : memref<14x64x128xf32, #tpu.memory_space<vmem>> -> memref<1x64x128xf32, #tpu.memory_space<vmem>>
      %gather3A_2020 = tpu.memref_squeeze %gather3A_2019 : memref<1x64x128xf32, #tpu.memory_space<vmem>> -> memref<64x128xf32, #tpu.memory_space<vmem>>
      %gather3A_2021 = tpu.vector_load_idx %gather3A_2020[%add3A_13, %broadcast_in_dim3A_1994] : memref<64x128xf32, #tpu.memory_space<vmem>>[vector<16xi32>, vector<16xi32>], vector<16xf32>,
      %mul3A_2022 = arith.constant 64 : i32
      %mul3A_2023 = arith.muli %add3A_1993, %mul3A_2022 : i32
      %add3A_2024 = arith.constant 32 : i32
      %add3A_2025 = arith.addi %mul3A_2023, %add3A_2024 : i32
      %swap3A_2026 = arith.index_cast %add3A_2025 : i32 to index
      %swap3A_2027 = tpu.vector_load %arg7[%swap3A_2026] {strides = array<i32>} : memref<4096xf32, #tpu.memory_space<vmem>>, vector<16xf32>,
      tpu.vector_store %arg7[%swap3A_2026], %gather3A_2021 {strides = array<i32>} : memref<4096xf32, #tpu.memory_space<vmem>>, vector<16xf32>,
      %gather3A_2028 = arith.constant 0 : i32
      %gather3A_2029 = arith.constant 0 : i32
      %gather3A_2030 = tpu.memref_slice %arg6[%select_n3A_1973, %gather3A_2028, %gather3A_2029] : memref<14x64x128xf32, #tpu.memory_space<vmem>> -> memref<1x64x128xf32, #tpu.memory_space<vmem>>
      %gather3A_2031 = tpu.memref_squeeze %gather3A_2030 : memref<1x64x128xf32, #tpu.memory_space<vmem>> -> memref<64x128xf32, #tpu.memory_space<vmem>>
      %gather3A_2032 = tpu.vector_load_idx %gather3A_2031[%add3A_17, %broadcast_in_dim3A_1994] : memref<64x128xf32, #tpu.memory_space<vmem>>[vector<16xi32>, vector<16xi32>], vector<16xf32>,
      %mul3A_2033 = arith.constant 64 : i32
      %mul3A_2034 = arith.muli %add3A_1993, %mul3A_2033 : i32
      %add3A_2035 = arith.constant 48 : i32
      %add3A_2036 = arith.addi %mul3A_2034, %add3A_2035 : i32
      %swap3A_2037 = arith.index_cast %add3A_2036 : i32 to index
      %swap3A_2038 = tpu.vector_load %arg7[%swap3A_2037] {strides = array<i32>} : memref<4096xf32, #tpu.memory_space<vmem>>, vector<16xf32>,
      tpu.vector_store %arg7[%swap3A_2037], %gather3A_2032 {strides = array<i32>} : memref<4096xf32, #tpu.memory_space<vmem>>, vector<16xf32>,
      %slice3A_2039 = vector.extract_strided_slice %get3A_425 {offsets = [6], sizes = [1], strides = [1]} : vector<16xi32> to vector<1xi32>
      %squeeze3A_2040 = vector.extract %slice3A_2039[0] : i32 from vector<1xi32>
      %jit3A_2041 = arith.constant 128 : i32
      %div3A_2042 = arith.divsi %squeeze3A_2040, %jit3A_2041 : i32
      %sign3A_2043 = arith.constant 0 : i32
      %sign3A_2044 = arith.cmpi sgt, %squeeze3A_2040, %sign3A_2043 : i32
      %sign3A_2045 = arith.extui %sign3A_2044 : i1 to i32
      %sign3A_2046 = arith.constant 0 : i32
      %sign3A_2047 = arith.cmpi slt, %squeeze3A_2040, %sign3A_2046 : i32
      %sign3A_2048 = arith.extui %sign3A_2047 : i1 to i32
      %sign3A_2049 = arith.subi %sign3A_2045, %sign3A_2048 : i32
      %sign3A_2050 = arith.constant 0 : i32
      %sign3A_2051 = arith.cmpi sgt, %jit3A_2041, %sign3A_2050 : i32
      %sign3A_2052 = arith.extui %sign3A_2051 : i1 to i32
      %sign3A_2053 = arith.constant 0 : i32
      %sign3A_2054 = arith.cmpi slt, %jit3A_2041, %sign3A_2053 : i32
      %sign3A_2055 = arith.extui %sign3A_2054 : i1 to i32
      %sign3A_2056 = arith.subi %sign3A_2052, %sign3A_2055 : i32
      %ne3A_2057 = arith.cmpi ne, %sign3A_2049, %sign3A_2056 : i32
      %rem3A_2058 = arith.remsi %squeeze3A_2040, %jit3A_2041 : i32
      %ne3A_2059 = arith.constant 0 : i32
      %ne3A_2060 = arith.cmpi ne, %rem3A_2058, %ne3A_2059 : i32
      %and3A_2061 = arith.andi %ne3A_2057, %ne3A_2060 : i1
      %sub3A_2062 = arith.constant 1 : i32
      %sub3A_2063 = arith.subi %div3A_2042, %sub3A_2062 : i32
      %select_n3A_2064 = arith.select %and3A_2061, %sub3A_2063, %div3A_2042 : i32
      %ne3A_2065 = arith.cmpi ne, %select_n3A_2064, %select_n3A_1914 : i32
      %convert_element_type3A_2066 = arith.extui %ne3A_2065 : i1 to i32
      %cond3A_2067 = arith.constant 0 : i32
      %cond3A_2068 = arith.cmpi ne, %convert_element_type3A_2066, %cond3A_2067 : i32
      scf.if %cond3A_2068 {
        %jit3A_2842 = arith.constant 14 : i32
        %eq3A_2843 = arith.constant 0 : i32
        %eq3A_2844 = arith.cmpi eq, %jit3A_2842, %eq3A_2843 : i32
        %jit3A_2845 = arith.constant 1 : i32
        %select_n3A_2846 = arith.select %eq3A_2844, %jit3A_2845, %jit3A_2842 : i32
        %rem3A_2847 = arith.remsi %add3A_1920, %select_n3A_2846 : i32
        %ne3A_2848 = arith.constant 0 : i32
        %ne3A_2849 = arith.cmpi ne, %rem3A_2847, %ne3A_2848 : i32
        %lt3A_2850 = arith.constant 0 : i32
        %lt3A_2851 = arith.cmpi slt, %rem3A_2847, %lt3A_2850 : i32
        %lt3A_2852 = arith.constant 0 : i32
        %lt3A_2853 = arith.cmpi slt, %select_n3A_2846, %lt3A_2852 : i32
        %ne3A_2854 = arith.xori %lt3A_2851, %lt3A_2853 : i1
        %and3A_2855 = arith.andi %ne3A_2854, %ne3A_2849 : i1
        %add3A_2856 = arith.addi %rem3A_2847, %select_n3A_2846 : i32
        %select_n3A_2857 = arith.select %and3A_2855, %add3A_2856, %rem3A_2847 : i32
        %mul3A_2858 = arith.constant 128 : i32
        %mul3A_2859 = arith.muli %select_n3A_2064, %mul3A_2858 : i32
        %multiple_of3A = tpu.assume_multiple %mul3A_2859, 128 : i32
        %dma_start3A = arith.constant 0 : i32
        %dma_start3A_2860 = arith.constant 0 : i32
        %dma_start3A_2861 = tpu.memref_slice %arg6[%select_n3A_2857, %dma_start3A, %dma_start3A_2860] : memref<14x64x128xf32, #tpu.memory_space<vmem>> -> memref<1x64x128xf32, #tpu.memory_space<vmem>>
        %dma_start3A_2862 = tpu.memref_squeeze %dma_start3A_2861 : memref<1x64x128xf32, #tpu.memory_space<vmem>> -> memref<64x128xf32, #tpu.memory_space<vmem>>
        %dma_start3A_2863 = arith.constant 0 : i32
        %dma_start3A_2864 = tpu.memref_slice %arg3[%dma_start3A_2863, %multiple_of3A] : memref<64x1000000xf32, #tpu.memory_space<hbm>> -> memref<64x128xf32, #tpu.memory_space<hbm>>
        %dma_start3A_2865 = arith.constant 0 : i32
        %dma_start3A_2866 = arith.constant 0 : i32
        %dma_start3A_2867 = tpu.memref_slice %arg6[%select_n3A_2857, %dma_start3A_2865, %dma_start3A_2866] : memref<14x64x128xf32, #tpu.memory_space<vmem>> -> memref<1x64x128xf32, #tpu.memory_space<vmem>>
        %dma_start3A_2868 = tpu.memref_squeeze %dma_start3A_2867 : memref<1x64x128xf32, #tpu.memory_space<vmem>> -> memref<64x128xf32, #tpu.memory_space<vmem>>
        %dma_start3A_2869 = arith.constant 0 : i32
        %dma_start3A_2870 = tpu.memref_slice %arg3[%dma_start3A_2869, %multiple_of3A] : memref<64x1000000xf32, #tpu.memory_space<hbm>> -> memref<64x128xf32, #tpu.memory_space<hbm>>
        tpu.enqueue_dma source(%dma_start3A_2870 : memref<64x128xf32, #tpu.memory_space<hbm>>) target(%dma_start3A_2868 : memref<64x128xf32, #tpu.memory_space<vmem>>) target_semaphore(%arg8 : memref<!tpu.dma_semaphore, #tpu.memory_space<semaphore_mem>>)
      } else {
      }
      %convert_element_type3A_2069 = arith.extui %ne3A_2065 : i1 to i32
      %add3A_2070 = arith.addi %add3A_1920, %convert_element_type3A_2069 : i32
      %slice3A_2071 = vector.extract_strided_slice %get3A_419 {offsets = [11], sizes = [1], strides = [1]} : vector<16xi32> to vector<1xi32>
      %squeeze3A_2072 = vector.extract %slice3A_2071[0] : i32 from vector<1xi32>
      %jit3A_2073 = arith.constant 128 : i32
      %div3A_2074 = arith.divsi %squeeze3A_2072, %jit3A_2073 : i32
      %sign3A_2075 = arith.constant 0 : i32
      %sign3A_2076 = arith.cmpi sgt, %squeeze3A_2072, %sign3A_2075 : i32
      %sign3A_2077 = arith.extui %sign3A_2076 : i1 to i32
      %sign3A_2078 = arith.constant 0 : i32
      %sign3A_2079 = arith.cmpi slt, %squeeze3A_2072, %sign3A_2078 : i32
      %sign3A_2080 = arith.extui %sign3A_2079 : i1 to i32
      %sign3A_2081 = arith.subi %sign3A_2077, %sign3A_2080 : i32
      %sign3A_2082 = arith.constant 0 : i32
      %sign3A_2083 = arith.cmpi sgt, %jit3A_2073, %sign3A_2082 : i32
      %sign3A_2084 = arith.extui %sign3A_2083 : i1 to i32
      %sign3A_2085 = arith.constant 0 : i32
      %sign3A_2086 = arith.cmpi slt, %jit3A_2073, %sign3A_2085 : i32
      %sign3A_2087 = arith.extui %sign3A_2086 : i1 to i32
      %sign3A_2088 = arith.subi %sign3A_2084, %sign3A_2087 : i32
      %ne3A_2089 = arith.cmpi ne, %sign3A_2081, %sign3A_2088 : i32
      %rem3A_2090 = arith.remsi %squeeze3A_2072, %jit3A_2073 : i32
      %ne3A_2091 = arith.constant 0 : i32
      %ne3A_2092 = arith.cmpi ne, %rem3A_2090, %ne3A_2091 : i32
      %and3A_2093 = arith.andi %ne3A_2089, %ne3A_2092 : i1
      %sub3A_2094 = arith.constant 1 : i32
      %sub3A_2095 = arith.subi %div3A_2074, %sub3A_2094 : i32
      %select_n3A_2096 = arith.select %and3A_2093, %sub3A_2095, %div3A_2074 : i32
      %ne3A_2097 = arith.cmpi ne, %select_n3A_2096, %select_n3A_1946 : i32
      %convert_element_type3A_2098 = arith.extui %ne3A_2097 : i1 to i32
      %cond3A_2099 = arith.constant 0 : i32
      %cond3A_2100 = arith.cmpi ne, %convert_element_type3A_2098, %cond3A_2099 : i32
      scf.if %cond3A_2100 {
        %dma_wait3A = arith.constant 0 : i32
        %dma_wait3A_2842 = arith.constant 0 : i32
        %dma_wait3A_2843 = arith.constant 0 : i32
        %dma_wait3A_2844 = tpu.memref_slice %arg6[%dma_wait3A, %dma_wait3A_2842, %dma_wait3A_2843] : memref<14x64x128xf32, #tpu.memory_space<vmem>> -> memref<1x64x128xf32, #tpu.memory_space<vmem>>
        %dma_wait3A_2845 = tpu.memref_squeeze %dma_wait3A_2844 : memref<1x64x128xf32, #tpu.memory_space<vmem>> -> memref<64x128xf32, #tpu.memory_space<vmem>>
        %dma_wait3A_2846 = arith.constant 0 : i32
        %dma_wait3A_2847 = arith.constant 0 : i32
        %dma_wait3A_2848 = tpu.memref_slice %arg3[%dma_wait3A_2846, %dma_wait3A_2847] : memref<64x1000000xf32, #tpu.memory_space<hbm>> -> memref<64x128xf32, #tpu.memory_space<hbm>>
        %dma_wait3A_2849 = arith.constant 0 : i32
        %dma_wait3A_2850 = arith.constant 0 : i32
        %dma_wait3A_2851 = tpu.memref_slice %arg6[%dma_wait3A, %dma_wait3A_2849, %dma_wait3A_2850] : memref<14x64x128xf32, #tpu.memory_space<vmem>> -> memref<1x64x128xf32, #tpu.memory_space<vmem>>
        %dma_wait3A_2852 = tpu.memref_squeeze %dma_wait3A_2851 : memref<1x64x128xf32, #tpu.memory_space<vmem>> -> memref<64x128xf32, #tpu.memory_space<vmem>>
        %dma_wait3A_2853 = arith.constant 0 : i32
        %dma_wait3A_2854 = arith.constant 0 : i32
        %dma_wait3A_2855 = tpu.memref_slice %arg3[%dma_wait3A_2853, %dma_wait3A_2854] : memref<64x1000000xf32, #tpu.memory_space<hbm>> -> memref<64x128xf32, #tpu.memory_space<hbm>>
        tpu.wait_dma2 semaphore(%arg8 : memref<!tpu.dma_semaphore, #tpu.memory_space<semaphore_mem>>) src(%dma_wait3A_2855 : memref<64x128xf32, #tpu.memory_space<hbm>>) dst(%dma_wait3A_2852 : memref<64x128xf32, #tpu.memory_space<vmem>>)
      } else {
      }
      %convert_element_type3A_2101 = arith.extui %ne3A_2097 : i1 to i32
      %add3A_2102 = arith.addi %add3A_1952, %convert_element_type3A_2101 : i32
      %mul3A_2103 = arith.constant 128 : i32
      %mul3A_2104 = arith.muli %select_n3A_2096, %mul3A_2103 : i32
      %sub3A_2105 = arith.subi %squeeze3A_2072, %mul3A_2104 : i32
      %sub3A_2106 = arith.constant 1 : i32
      %sub3A_2107 = arith.subi %add3A_2102, %sub3A_2106 : i32
      %jit3A_2108 = arith.constant 14 : i32
      %eq3A_2109 = arith.constant 0 : i32
      %eq3A_2110 = arith.cmpi eq, %jit3A_2108, %eq3A_2109 : i32
      %jit3A_2111 = arith.constant 1 : i32
      %select_n3A_2112 = arith.select %eq3A_2110, %jit3A_2111, %jit3A_2108 : i32
      %rem3A_2113 = arith.remsi %sub3A_2107, %select_n3A_2112 : i32
      %ne3A_2114 = arith.constant 0 : i32
      %ne3A_2115 = arith.cmpi ne, %rem3A_2113, %ne3A_2114 : i32
      %lt3A_2116 = arith.constant 0 : i32
      %lt3A_2117 = arith.cmpi slt, %rem3A_2113, %lt3A_2116 : i32
      %lt3A_2118 = arith.constant 0 : i32
      %lt3A_2119 = arith.cmpi slt, %select_n3A_2112, %lt3A_2118 : i32
      %ne3A_2120 = arith.xori %lt3A_2117, %lt3A_2119 : i1
      %and3A_2121 = arith.andi %ne3A_2120, %ne3A_2115 : i1
      %add3A_2122 = arith.addi %rem3A_2113, %select_n3A_2112 : i32
      %select_n3A_2123 = arith.select %and3A_2121, %add3A_2122, %rem3A_2113 : i32
      %jit3A_2124 = arith.constant 4 : i32
      %eq3A_2125 = arith.constant 0 : i32
      %eq3A_2126 = arith.cmpi eq, %jit3A_2124, %eq3A_2125 : i32
      %jit3A_2127 = arith.constant 1 : i32
      %select_n3A_2128 = arith.select %eq3A_2126, %jit3A_2127, %jit3A_2124 : i32
      %rem3A_2129 = arith.remsi %scan3A_411, %select_n3A_2128 : i32
      %ne3A_2130 = arith.constant 0 : i32
      %ne3A_2131 = arith.cmpi ne, %rem3A_2129, %ne3A_2130 : i32
      %lt3A_2132 = arith.constant 0 : i32
      %lt3A_2133 = arith.cmpi slt, %rem3A_2129, %lt3A_2132 : i32
      %lt3A_2134 = arith.constant 0 : i32
      %lt3A_2135 = arith.cmpi slt, %select_n3A_2128, %lt3A_2134 : i32
      %ne3A_2136 = arith.xori %lt3A_2133, %lt3A_2135 : i1
      %and3A_2137 = arith.andi %ne3A_2136, %ne3A_2131 : i1
      %add3A_2138 = arith.addi %rem3A_2129, %select_n3A_2128 : i32
      %select_n3A_2139 = arith.select %and3A_2137, %add3A_2138, %rem3A_2129 : i32
      %mul3A_2140 = arith.constant 16 : i32
      %mul3A_2141 = arith.muli %select_n3A_2139, %mul3A_2140 : i32
      %add3A_2142 = arith.constant 11 : i32
      %add3A_2143 = arith.addi %mul3A_2141, %add3A_2142 : i32
      %broadcast_in_dim3A_2144 = vector.broadcast %sub3A_2105 : i32 to vector<16xi32>
      %gather3A_2145 = arith.constant 0 : i32
      %gather3A_2146 = arith.constant 0 : i32
      %gather3A_2147 = tpu.memref_slice %arg6[%select_n3A_2123, %gather3A_2145, %gather3A_2146] : memref<14x64x128xf32, #tpu.memory_space<vmem>> -> memref<1x64x128xf32, #tpu.memory_space<vmem>>
      %gather3A_2148 = tpu.memref_squeeze %gather3A_2147 : memref<1x64x128xf32, #tpu.memory_space<vmem>> -> memref<64x128xf32, #tpu.memory_space<vmem>>
      %gather3A_2149 = tpu.vector_load_idx %gather3A_2148[%add3A_5, %broadcast_in_dim3A_2144] : memref<64x128xf32, #tpu.memory_space<vmem>>[vector<16xi32>, vector<16xi32>], vector<16xf32>,
      %mul3A_2150 = arith.constant 64 : i32
      %mul3A_2151 = arith.muli %add3A_2143, %mul3A_2150 : i32
      %add3A_2152 = arith.constant 0 : i32
      %add3A_2153 = arith.addi %mul3A_2151, %add3A_2152 : i32
      %swap3A_2154 = arith.index_cast %add3A_2153 : i32 to index
      %swap3A_2155 = tpu.vector_load %arg7[%swap3A_2154] {strides = array<i32>} : memref<4096xf32, #tpu.memory_space<vmem>>, vector<16xf32>,
      tpu.vector_store %arg7[%swap3A_2154], %gather3A_2149 {strides = array<i32>} : memref<4096xf32, #tpu.memory_space<vmem>>, vector<16xf32>,
      %gather3A_2156 = arith.constant 0 : i32
      %gather3A_2157 = arith.constant 0 : i32
      %gather3A_2158 = tpu.memref_slice %arg6[%select_n3A_2123, %gather3A_2156, %gather3A_2157] : memref<14x64x128xf32, #tpu.memory_space<vmem>> -> memref<1x64x128xf32, #tpu.memory_space<vmem>>
      %gather3A_2159 = tpu.memref_squeeze %gather3A_2158 : memref<1x64x128xf32, #tpu.memory_space<vmem>> -> memref<64x128xf32, #tpu.memory_space<vmem>>
      %gather3A_2160 = tpu.vector_load_idx %gather3A_2159[%add3A_9, %broadcast_in_dim3A_2144] : memref<64x128xf32, #tpu.memory_space<vmem>>[vector<16xi32>, vector<16xi32>], vector<16xf32>,
      %mul3A_2161 = arith.constant 64 : i32
      %mul3A_2162 = arith.muli %add3A_2143, %mul3A_2161 : i32
      %add3A_2163 = arith.constant 16 : i32
      %add3A_2164 = arith.addi %mul3A_2162, %add3A_2163 : i32
      %swap3A_2165 = arith.index_cast %add3A_2164 : i32 to index
      %swap3A_2166 = tpu.vector_load %arg7[%swap3A_2165] {strides = array<i32>} : memref<4096xf32, #tpu.memory_space<vmem>>, vector<16xf32>,
      tpu.vector_store %arg7[%swap3A_2165], %gather3A_2160 {strides = array<i32>} : memref<4096xf32, #tpu.memory_space<vmem>>, vector<16xf32>,
      %gather3A_2167 = arith.constant 0 : i32
      %gather3A_2168 = arith.constant 0 : i32
      %gather3A_2169 = tpu.memref_slice %arg6[%select_n3A_2123, %gather3A_2167, %gather3A_2168] : memref<14x64x128xf32, #tpu.memory_space<vmem>> -> memref<1x64x128xf32, #tpu.memory_space<vmem>>
      %gather3A_2170 = tpu.memref_squeeze %gather3A_2169 : memref<1x64x128xf32, #tpu.memory_space<vmem>> -> memref<64x128xf32, #tpu.memory_space<vmem>>
      %gather3A_2171 = tpu.vector_load_idx %gather3A_2170[%add3A_13, %broadcast_in_dim3A_2144] : memref<64x128xf32, #tpu.memory_space<vmem>>[vector<16xi32>, vector<16xi32>], vector<16xf32>,
      %mul3A_2172 = arith.constant 64 : i32
      %mul3A_2173 = arith.muli %add3A_2143, %mul3A_2172 : i32
      %add3A_2174 = arith.constant 32 : i32
      %add3A_2175 = arith.addi %mul3A_2173, %add3A_2174 : i32
      %swap3A_2176 = arith.index_cast %add3A_2175 : i32 to index
      %swap3A_2177 = tpu.vector_load %arg7[%swap3A_2176] {strides = array<i32>} : memref<4096xf32, #tpu.memory_space<vmem>>, vector<16xf32>,
      tpu.vector_store %arg7[%swap3A_2176], %gather3A_2171 {strides = array<i32>} : memref<4096xf32, #tpu.memory_space<vmem>>, vector<16xf32>,
      %gather3A_2178 = arith.constant 0 : i32
      %gather3A_2179 = arith.constant 0 : i32
      %gather3A_2180 = tpu.memref_slice %arg6[%select_n3A_2123, %gather3A_2178, %gather3A_2179] : memref<14x64x128xf32, #tpu.memory_space<vmem>> -> memref<1x64x128xf32, #tpu.memory_space<vmem>>
      %gather3A_2181 = tpu.memref_squeeze %gather3A_2180 : memref<1x64x128xf32, #tpu.memory_space<vmem>> -> memref<64x128xf32, #tpu.memory_space<vmem>>
      %gather3A_2182 = tpu.vector_load_idx %gather3A_2181[%add3A_17, %broadcast_in_dim3A_2144] : memref<64x128xf32, #tpu.memory_space<vmem>>[vector<16xi32>, vector<16xi32>], vector<16xf32>,
      %mul3A_2183 = arith.constant 64 : i32
      %mul3A_2184 = arith.muli %add3A_2143, %mul3A_2183 : i32
      %add3A_2185 = arith.constant 48 : i32
      %add3A_2186 = arith.addi %mul3A_2184, %add3A_2185 : i32
      %swap3A_2187 = arith.index_cast %add3A_2186 : i32 to index
      %swap3A_2188 = tpu.vector_load %arg7[%swap3A_2187] {strides = array<i32>} : memref<4096xf32, #tpu.memory_space<vmem>>, vector<16xf32>,
      tpu.vector_store %arg7[%swap3A_2187], %gather3A_2182 {strides = array<i32>} : memref<4096xf32, #tpu.memory_space<vmem>>, vector<16xf32>,
      %slice3A_2189 = vector.extract_strided_slice %get3A_425 {offsets = [7], sizes = [1], strides = [1]} : vector<16xi32> to vector<1xi32>
      %squeeze3A_2190 = vector.extract %slice3A_2189[0] : i32 from vector<1xi32>
      %jit3A_2191 = arith.constant 128 : i32
      %div3A_2192 = arith.divsi %squeeze3A_2190, %jit3A_2191 : i32
      %sign3A_2193 = arith.constant 0 : i32
      %sign3A_2194 = arith.cmpi sgt, %squeeze3A_2190, %sign3A_2193 : i32
      %sign3A_2195 = arith.extui %sign3A_2194 : i1 to i32
      %sign3A_2196 = arith.constant 0 : i32
      %sign3A_2197 = arith.cmpi slt, %squeeze3A_2190, %sign3A_2196 : i32
      %sign3A_2198 = arith.extui %sign3A_2197 : i1 to i32
      %sign3A_2199 = arith.subi %sign3A_2195, %sign3A_2198 : i32
      %sign3A_2200 = arith.constant 0 : i32
      %sign3A_2201 = arith.cmpi sgt, %jit3A_2191, %sign3A_2200 : i32
      %sign3A_2202 = arith.extui %sign3A_2201 : i1 to i32
      %sign3A_2203 = arith.constant 0 : i32
      %sign3A_2204 = arith.cmpi slt, %jit3A_2191, %sign3A_2203 : i32
      %sign3A_2205 = arith.extui %sign3A_2204 : i1 to i32
      %sign3A_2206 = arith.subi %sign3A_2202, %sign3A_2205 : i32
      %ne3A_2207 = arith.cmpi ne, %sign3A_2199, %sign3A_2206 : i32
      %rem3A_2208 = arith.remsi %squeeze3A_2190, %jit3A_2191 : i32
      %ne3A_2209 = arith.constant 0 : i32
      %ne3A_2210 = arith.cmpi ne, %rem3A_2208, %ne3A_2209 : i32
      %and3A_2211 = arith.andi %ne3A_2207, %ne3A_2210 : i1
      %sub3A_2212 = arith.constant 1 : i32
      %sub3A_2213 = arith.subi %div3A_2192, %sub3A_2212 : i32
      %select_n3A_2214 = arith.select %and3A_2211, %sub3A_2213, %div3A_2192 : i32
      %ne3A_2215 = arith.cmpi ne, %select_n3A_2214, %select_n3A_2064 : i32
      %convert_element_type3A_2216 = arith.extui %ne3A_2215 : i1 to i32
      %cond3A_2217 = arith.constant 0 : i32
      %cond3A_2218 = arith.cmpi ne, %convert_element_type3A_2216, %cond3A_2217 : i32
      scf.if %cond3A_2218 {
        %jit3A_2842 = arith.constant 14 : i32
        %eq3A_2843 = arith.constant 0 : i32
        %eq3A_2844 = arith.cmpi eq, %jit3A_2842, %eq3A_2843 : i32
        %jit3A_2845 = arith.constant 1 : i32
        %select_n3A_2846 = arith.select %eq3A_2844, %jit3A_2845, %jit3A_2842 : i32
        %rem3A_2847 = arith.remsi %add3A_2070, %select_n3A_2846 : i32
        %ne3A_2848 = arith.constant 0 : i32
        %ne3A_2849 = arith.cmpi ne, %rem3A_2847, %ne3A_2848 : i32
        %lt3A_2850 = arith.constant 0 : i32
        %lt3A_2851 = arith.cmpi slt, %rem3A_2847, %lt3A_2850 : i32
        %lt3A_2852 = arith.constant 0 : i32
        %lt3A_2853 = arith.cmpi slt, %select_n3A_2846, %lt3A_2852 : i32
        %ne3A_2854 = arith.xori %lt3A_2851, %lt3A_2853 : i1
        %and3A_2855 = arith.andi %ne3A_2854, %ne3A_2849 : i1
        %add3A_2856 = arith.addi %rem3A_2847, %select_n3A_2846 : i32
        %select_n3A_2857 = arith.select %and3A_2855, %add3A_2856, %rem3A_2847 : i32
        %mul3A_2858 = arith.constant 128 : i32
        %mul3A_2859 = arith.muli %select_n3A_2214, %mul3A_2858 : i32
        %multiple_of3A = tpu.assume_multiple %mul3A_2859, 128 : i32
        %dma_start3A = arith.constant 0 : i32
        %dma_start3A_2860 = arith.constant 0 : i32
        %dma_start3A_2861 = tpu.memref_slice %arg6[%select_n3A_2857, %dma_start3A, %dma_start3A_2860] : memref<14x64x128xf32, #tpu.memory_space<vmem>> -> memref<1x64x128xf32, #tpu.memory_space<vmem>>
        %dma_start3A_2862 = tpu.memref_squeeze %dma_start3A_2861 : memref<1x64x128xf32, #tpu.memory_space<vmem>> -> memref<64x128xf32, #tpu.memory_space<vmem>>
        %dma_start3A_2863 = arith.constant 0 : i32
        %dma_start3A_2864 = tpu.memref_slice %arg3[%dma_start3A_2863, %multiple_of3A] : memref<64x1000000xf32, #tpu.memory_space<hbm>> -> memref<64x128xf32, #tpu.memory_space<hbm>>
        %dma_start3A_2865 = arith.constant 0 : i32
        %dma_start3A_2866 = arith.constant 0 : i32
        %dma_start3A_2867 = tpu.memref_slice %arg6[%select_n3A_2857, %dma_start3A_2865, %dma_start3A_2866] : memref<14x64x128xf32, #tpu.memory_space<vmem>> -> memref<1x64x128xf32, #tpu.memory_space<vmem>>
        %dma_start3A_2868 = tpu.memref_squeeze %dma_start3A_2867 : memref<1x64x128xf32, #tpu.memory_space<vmem>> -> memref<64x128xf32, #tpu.memory_space<vmem>>
        %dma_start3A_2869 = arith.constant 0 : i32
        %dma_start3A_2870 = tpu.memref_slice %arg3[%dma_start3A_2869, %multiple_of3A] : memref<64x1000000xf32, #tpu.memory_space<hbm>> -> memref<64x128xf32, #tpu.memory_space<hbm>>
        tpu.enqueue_dma source(%dma_start3A_2870 : memref<64x128xf32, #tpu.memory_space<hbm>>) target(%dma_start3A_2868 : memref<64x128xf32, #tpu.memory_space<vmem>>) target_semaphore(%arg8 : memref<!tpu.dma_semaphore, #tpu.memory_space<semaphore_mem>>)
      } else {
      }
      %convert_element_type3A_2219 = arith.extui %ne3A_2215 : i1 to i32
      %add3A_2220 = arith.addi %add3A_2070, %convert_element_type3A_2219 : i32
      %slice3A_2221 = vector.extract_strided_slice %get3A_419 {offsets = [12], sizes = [1], strides = [1]} : vector<16xi32> to vector<1xi32>
      %squeeze3A_2222 = vector.extract %slice3A_2221[0] : i32 from vector<1xi32>
      %jit3A_2223 = arith.constant 128 : i32
      %div3A_2224 = arith.divsi %squeeze3A_2222, %jit3A_2223 : i32
      %sign3A_2225 = arith.constant 0 : i32
      %sign3A_2226 = arith.cmpi sgt, %squeeze3A_2222, %sign3A_2225 : i32
      %sign3A_2227 = arith.extui %sign3A_2226 : i1 to i32
      %sign3A_2228 = arith.constant 0 : i32
      %sign3A_2229 = arith.cmpi slt, %squeeze3A_2222, %sign3A_2228 : i32
      %sign3A_2230 = arith.extui %sign3A_2229 : i1 to i32
      %sign3A_2231 = arith.subi %sign3A_2227, %sign3A_2230 : i32
      %sign3A_2232 = arith.constant 0 : i32
      %sign3A_2233 = arith.cmpi sgt, %jit3A_2223, %sign3A_2232 : i32
      %sign3A_2234 = arith.extui %sign3A_2233 : i1 to i32
      %sign3A_2235 = arith.constant 0 : i32
      %sign3A_2236 = arith.cmpi slt, %jit3A_2223, %sign3A_2235 : i32
      %sign3A_2237 = arith.extui %sign3A_2236 : i1 to i32
      %sign3A_2238 = arith.subi %sign3A_2234, %sign3A_2237 : i32
      %ne3A_2239 = arith.cmpi ne, %sign3A_2231, %sign3A_2238 : i32
      %rem3A_2240 = arith.remsi %squeeze3A_2222, %jit3A_2223 : i32
      %ne3A_2241 = arith.constant 0 : i32
      %ne3A_2242 = arith.cmpi ne, %rem3A_2240, %ne3A_2241 : i32
      %and3A_2243 = arith.andi %ne3A_2239, %ne3A_2242 : i1
      %sub3A_2244 = arith.constant 1 : i32
      %sub3A_2245 = arith.subi %div3A_2224, %sub3A_2244 : i32
      %select_n3A_2246 = arith.select %and3A_2243, %sub3A_2245, %div3A_2224 : i32
      %ne3A_2247 = arith.cmpi ne, %select_n3A_2246, %select_n3A_2096 : i32
      %convert_element_type3A_2248 = arith.extui %ne3A_2247 : i1 to i32
      %cond3A_2249 = arith.constant 0 : i32
      %cond3A_2250 = arith.cmpi ne, %convert_element_type3A_2248, %cond3A_2249 : i32
      scf.if %cond3A_2250 {
        %dma_wait3A = arith.constant 0 : i32
        %dma_wait3A_2842 = arith.constant 0 : i32
        %dma_wait3A_2843 = arith.constant 0 : i32
        %dma_wait3A_2844 = tpu.memref_slice %arg6[%dma_wait3A, %dma_wait3A_2842, %dma_wait3A_2843] : memref<14x64x128xf32, #tpu.memory_space<vmem>> -> memref<1x64x128xf32, #tpu.memory_space<vmem>>
        %dma_wait3A_2845 = tpu.memref_squeeze %dma_wait3A_2844 : memref<1x64x128xf32, #tpu.memory_space<vmem>> -> memref<64x128xf32, #tpu.memory_space<vmem>>
        %dma_wait3A_2846 = arith.constant 0 : i32
        %dma_wait3A_2847 = arith.constant 0 : i32
        %dma_wait3A_2848 = tpu.memref_slice %arg3[%dma_wait3A_2846, %dma_wait3A_2847] : memref<64x1000000xf32, #tpu.memory_space<hbm>> -> memref<64x128xf32, #tpu.memory_space<hbm>>
        %dma_wait3A_2849 = arith.constant 0 : i32
        %dma_wait3A_2850 = arith.constant 0 : i32
        %dma_wait3A_2851 = tpu.memref_slice %arg6[%dma_wait3A, %dma_wait3A_2849, %dma_wait3A_2850] : memref<14x64x128xf32, #tpu.memory_space<vmem>> -> memref<1x64x128xf32, #tpu.memory_space<vmem>>
        %dma_wait3A_2852 = tpu.memref_squeeze %dma_wait3A_2851 : memref<1x64x128xf32, #tpu.memory_space<vmem>> -> memref<64x128xf32, #tpu.memory_space<vmem>>
        %dma_wait3A_2853 = arith.constant 0 : i32
        %dma_wait3A_2854 = arith.constant 0 : i32
        %dma_wait3A_2855 = tpu.memref_slice %arg3[%dma_wait3A_2853, %dma_wait3A_2854] : memref<64x1000000xf32, #tpu.memory_space<hbm>> -> memref<64x128xf32, #tpu.memory_space<hbm>>
        tpu.wait_dma2 semaphore(%arg8 : memref<!tpu.dma_semaphore, #tpu.memory_space<semaphore_mem>>) src(%dma_wait3A_2855 : memref<64x128xf32, #tpu.memory_space<hbm>>) dst(%dma_wait3A_2852 : memref<64x128xf32, #tpu.memory_space<vmem>>)
      } else {
      }
      %convert_element_type3A_2251 = arith.extui %ne3A_2247 : i1 to i32
      %add3A_2252 = arith.addi %add3A_2102, %convert_element_type3A_2251 : i32
      %mul3A_2253 = arith.constant 128 : i32
      %mul3A_2254 = arith.muli %select_n3A_2246, %mul3A_2253 : i32
      %sub3A_2255 = arith.subi %squeeze3A_2222, %mul3A_2254 : i32
      %sub3A_2256 = arith.constant 1 : i32
      %sub3A_2257 = arith.subi %add3A_2252, %sub3A_2256 : i32
      %jit3A_2258 = arith.constant 14 : i32
      %eq3A_2259 = arith.constant 0 : i32
      %eq3A_2260 = arith.cmpi eq, %jit3A_2258, %eq3A_2259 : i32
      %jit3A_2261 = arith.constant 1 : i32
      %select_n3A_2262 = arith.select %eq3A_2260, %jit3A_2261, %jit3A_2258 : i32
      %rem3A_2263 = arith.remsi %sub3A_2257, %select_n3A_2262 : i32
      %ne3A_2264 = arith.constant 0 : i32
      %ne3A_2265 = arith.cmpi ne, %rem3A_2263, %ne3A_2264 : i32
      %lt3A_2266 = arith.constant 0 : i32
      %lt3A_2267 = arith.cmpi slt, %rem3A_2263, %lt3A_2266 : i32
      %lt3A_2268 = arith.constant 0 : i32
      %lt3A_2269 = arith.cmpi slt, %select_n3A_2262, %lt3A_2268 : i32
      %ne3A_2270 = arith.xori %lt3A_2267, %lt3A_2269 : i1
      %and3A_2271 = arith.andi %ne3A_2270, %ne3A_2265 : i1
      %add3A_2272 = arith.addi %rem3A_2263, %select_n3A_2262 : i32
      %select_n3A_2273 = arith.select %and3A_2271, %add3A_2272, %rem3A_2263 : i32
      %jit3A_2274 = arith.constant 4 : i32
      %eq3A_2275 = arith.constant 0 : i32
      %eq3A_2276 = arith.cmpi eq, %jit3A_2274, %eq3A_2275 : i32
      %jit3A_2277 = arith.constant 1 : i32
      %select_n3A_2278 = arith.select %eq3A_2276, %jit3A_2277, %jit3A_2274 : i32
      %rem3A_2279 = arith.remsi %scan3A_411, %select_n3A_2278 : i32
      %ne3A_2280 = arith.constant 0 : i32
      %ne3A_2281 = arith.cmpi ne, %rem3A_2279, %ne3A_2280 : i32
      %lt3A_2282 = arith.constant 0 : i32
      %lt3A_2283 = arith.cmpi slt, %rem3A_2279, %lt3A_2282 : i32
      %lt3A_2284 = arith.constant 0 : i32
      %lt3A_2285 = arith.cmpi slt, %select_n3A_2278, %lt3A_2284 : i32
      %ne3A_2286 = arith.xori %lt3A_2283, %lt3A_2285 : i1
      %and3A_2287 = arith.andi %ne3A_2286, %ne3A_2281 : i1
      %add3A_2288 = arith.addi %rem3A_2279, %select_n3A_2278 : i32
      %select_n3A_2289 = arith.select %and3A_2287, %add3A_2288, %rem3A_2279 : i32
      %mul3A_2290 = arith.constant 16 : i32
      %mul3A_2291 = arith.muli %select_n3A_2289, %mul3A_2290 : i32
      %add3A_2292 = arith.constant 12 : i32
      %add3A_2293 = arith.addi %mul3A_2291, %add3A_2292 : i32
      %broadcast_in_dim3A_2294 = vector.broadcast %sub3A_2255 : i32 to vector<16xi32>
      %gather3A_2295 = arith.constant 0 : i32
      %gather3A_2296 = arith.constant 0 : i32
      %gather3A_2297 = tpu.memref_slice %arg6[%select_n3A_2273, %gather3A_2295, %gather3A_2296] : memref<14x64x128xf32, #tpu.memory_space<vmem>> -> memref<1x64x128xf32, #tpu.memory_space<vmem>>
      %gather3A_2298 = tpu.memref_squeeze %gather3A_2297 : memref<1x64x128xf32, #tpu.memory_space<vmem>> -> memref<64x128xf32, #tpu.memory_space<vmem>>
      %gather3A_2299 = tpu.vector_load_idx %gather3A_2298[%add3A_5, %broadcast_in_dim3A_2294] : memref<64x128xf32, #tpu.memory_space<vmem>>[vector<16xi32>, vector<16xi32>], vector<16xf32>,
      %mul3A_2300 = arith.constant 64 : i32
      %mul3A_2301 = arith.muli %add3A_2293, %mul3A_2300 : i32
      %add3A_2302 = arith.constant 0 : i32
      %add3A_2303 = arith.addi %mul3A_2301, %add3A_2302 : i32
      %swap3A_2304 = arith.index_cast %add3A_2303 : i32 to index
      %swap3A_2305 = tpu.vector_load %arg7[%swap3A_2304] {strides = array<i32>} : memref<4096xf32, #tpu.memory_space<vmem>>, vector<16xf32>,
      tpu.vector_store %arg7[%swap3A_2304], %gather3A_2299 {strides = array<i32>} : memref<4096xf32, #tpu.memory_space<vmem>>, vector<16xf32>,
      %gather3A_2306 = arith.constant 0 : i32
      %gather3A_2307 = arith.constant 0 : i32
      %gather3A_2308 = tpu.memref_slice %arg6[%select_n3A_2273, %gather3A_2306, %gather3A_2307] : memref<14x64x128xf32, #tpu.memory_space<vmem>> -> memref<1x64x128xf32, #tpu.memory_space<vmem>>
      %gather3A_2309 = tpu.memref_squeeze %gather3A_2308 : memref<1x64x128xf32, #tpu.memory_space<vmem>> -> memref<64x128xf32, #tpu.memory_space<vmem>>
      %gather3A_2310 = tpu.vector_load_idx %gather3A_2309[%add3A_9, %broadcast_in_dim3A_2294] : memref<64x128xf32, #tpu.memory_space<vmem>>[vector<16xi32>, vector<16xi32>], vector<16xf32>,
      %mul3A_2311 = arith.constant 64 : i32
      %mul3A_2312 = arith.muli %add3A_2293, %mul3A_2311 : i32
      %add3A_2313 = arith.constant 16 : i32
      %add3A_2314 = arith.addi %mul3A_2312, %add3A_2313 : i32
      %swap3A_2315 = arith.index_cast %add3A_2314 : i32 to index
      %swap3A_2316 = tpu.vector_load %arg7[%swap3A_2315] {strides = array<i32>} : memref<4096xf32, #tpu.memory_space<vmem>>, vector<16xf32>,
      tpu.vector_store %arg7[%swap3A_2315], %gather3A_2310 {strides = array<i32>} : memref<4096xf32, #tpu.memory_space<vmem>>, vector<16xf32>,
      %gather3A_2317 = arith.constant 0 : i32
      %gather3A_2318 = arith.constant 0 : i32
      %gather3A_2319 = tpu.memref_slice %arg6[%select_n3A_2273, %gather3A_2317, %gather3A_2318] : memref<14x64x128xf32, #tpu.memory_space<vmem>> -> memref<1x64x128xf32, #tpu.memory_space<vmem>>
      %gather3A_2320 = tpu.memref_squeeze %gather3A_2319 : memref<1x64x128xf32, #tpu.memory_space<vmem>> -> memref<64x128xf32, #tpu.memory_space<vmem>>
      %gather3A_2321 = tpu.vector_load_idx %gather3A_2320[%add3A_13, %broadcast_in_dim3A_2294] : memref<64x128xf32, #tpu.memory_space<vmem>>[vector<16xi32>, vector<16xi32>], vector<16xf32>,
      %mul3A_2322 = arith.constant 64 : i32
      %mul3A_2323 = arith.muli %add3A_2293, %mul3A_2322 : i32
      %add3A_2324 = arith.constant 32 : i32
      %add3A_2325 = arith.addi %mul3A_2323, %add3A_2324 : i32
      %swap3A_2326 = arith.index_cast %add3A_2325 : i32 to index
      %swap3A_2327 = tpu.vector_load %arg7[%swap3A_2326] {strides = array<i32>} : memref<4096xf32, #tpu.memory_space<vmem>>, vector<16xf32>,
      tpu.vector_store %arg7[%swap3A_2326], %gather3A_2321 {strides = array<i32>} : memref<4096xf32, #tpu.memory_space<vmem>>, vector<16xf32>,
      %gather3A_2328 = arith.constant 0 : i32
      %gather3A_2329 = arith.constant 0 : i32
      %gather3A_2330 = tpu.memref_slice %arg6[%select_n3A_2273, %gather3A_2328, %gather3A_2329] : memref<14x64x128xf32, #tpu.memory_space<vmem>> -> memref<1x64x128xf32, #tpu.memory_space<vmem>>
      %gather3A_2331 = tpu.memref_squeeze %gather3A_2330 : memref<1x64x128xf32, #tpu.memory_space<vmem>> -> memref<64x128xf32, #tpu.memory_space<vmem>>
      %gather3A_2332 = tpu.vector_load_idx %gather3A_2331[%add3A_17, %broadcast_in_dim3A_2294] : memref<64x128xf32, #tpu.memory_space<vmem>>[vector<16xi32>, vector<16xi32>], vector<16xf32>,
      %mul3A_2333 = arith.constant 64 : i32
      %mul3A_2334 = arith.muli %add3A_2293, %mul3A_2333 : i32
      %add3A_2335 = arith.constant 48 : i32
      %add3A_2336 = arith.addi %mul3A_2334, %add3A_2335 : i32
      %swap3A_2337 = arith.index_cast %add3A_2336 : i32 to index
      %swap3A_2338 = tpu.vector_load %arg7[%swap3A_2337] {strides = array<i32>} : memref<4096xf32, #tpu.memory_space<vmem>>, vector<16xf32>,
      tpu.vector_store %arg7[%swap3A_2337], %gather3A_2332 {strides = array<i32>} : memref<4096xf32, #tpu.memory_space<vmem>>, vector<16xf32>,
      %slice3A_2339 = vector.extract_strided_slice %get3A_425 {offsets = [8], sizes = [1], strides = [1]} : vector<16xi32> to vector<1xi32>
      %squeeze3A_2340 = vector.extract %slice3A_2339[0] : i32 from vector<1xi32>
      %jit3A_2341 = arith.constant 128 : i32
      %div3A_2342 = arith.divsi %squeeze3A_2340, %jit3A_2341 : i32
      %sign3A_2343 = arith.constant 0 : i32
      %sign3A_2344 = arith.cmpi sgt, %squeeze3A_2340, %sign3A_2343 : i32
      %sign3A_2345 = arith.extui %sign3A_2344 : i1 to i32
      %sign3A_2346 = arith.constant 0 : i32
      %sign3A_2347 = arith.cmpi slt, %squeeze3A_2340, %sign3A_2346 : i32
      %sign3A_2348 = arith.extui %sign3A_2347 : i1 to i32
      %sign3A_2349 = arith.subi %sign3A_2345, %sign3A_2348 : i32
      %sign3A_2350 = arith.constant 0 : i32
      %sign3A_2351 = arith.cmpi sgt, %jit3A_2341, %sign3A_2350 : i32
      %sign3A_2352 = arith.extui %sign3A_2351 : i1 to i32
      %sign3A_2353 = arith.constant 0 : i32
      %sign3A_2354 = arith.cmpi slt, %jit3A_2341, %sign3A_2353 : i32
      %sign3A_2355 = arith.extui %sign3A_2354 : i1 to i32
      %sign3A_2356 = arith.subi %sign3A_2352, %sign3A_2355 : i32
      %ne3A_2357 = arith.cmpi ne, %sign3A_2349, %sign3A_2356 : i32
      %rem3A_2358 = arith.remsi %squeeze3A_2340, %jit3A_2341 : i32
      %ne3A_2359 = arith.constant 0 : i32
      %ne3A_2360 = arith.cmpi ne, %rem3A_2358, %ne3A_2359 : i32
      %and3A_2361 = arith.andi %ne3A_2357, %ne3A_2360 : i1
      %sub3A_2362 = arith.constant 1 : i32
      %sub3A_2363 = arith.subi %div3A_2342, %sub3A_2362 : i32
      %select_n3A_2364 = arith.select %and3A_2361, %sub3A_2363, %div3A_2342 : i32
      %ne3A_2365 = arith.cmpi ne, %select_n3A_2364, %select_n3A_2214 : i32
      %convert_element_type3A_2366 = arith.extui %ne3A_2365 : i1 to i32
      %cond3A_2367 = arith.constant 0 : i32
      %cond3A_2368 = arith.cmpi ne, %convert_element_type3A_2366, %cond3A_2367 : i32
      scf.if %cond3A_2368 {
        %jit3A_2842 = arith.constant 14 : i32
        %eq3A_2843 = arith.constant 0 : i32
        %eq3A_2844 = arith.cmpi eq, %jit3A_2842, %eq3A_2843 : i32
        %jit3A_2845 = arith.constant 1 : i32
        %select_n3A_2846 = arith.select %eq3A_2844, %jit3A_2845, %jit3A_2842 : i32
        %rem3A_2847 = arith.remsi %add3A_2220, %select_n3A_2846 : i32
        %ne3A_2848 = arith.constant 0 : i32
        %ne3A_2849 = arith.cmpi ne, %rem3A_2847, %ne3A_2848 : i32
        %lt3A_2850 = arith.constant 0 : i32
        %lt3A_2851 = arith.cmpi slt, %rem3A_2847, %lt3A_2850 : i32
        %lt3A_2852 = arith.constant 0 : i32
        %lt3A_2853 = arith.cmpi slt, %select_n3A_2846, %lt3A_2852 : i32
        %ne3A_2854 = arith.xori %lt3A_2851, %lt3A_2853 : i1
        %and3A_2855 = arith.andi %ne3A_2854, %ne3A_2849 : i1
        %add3A_2856 = arith.addi %rem3A_2847, %select_n3A_2846 : i32
        %select_n3A_2857 = arith.select %and3A_2855, %add3A_2856, %rem3A_2847 : i32
        %mul3A_2858 = arith.constant 128 : i32
        %mul3A_2859 = arith.muli %select_n3A_2364, %mul3A_2858 : i32
        %multiple_of3A = tpu.assume_multiple %mul3A_2859, 128 : i32
        %dma_start3A = arith.constant 0 : i32
        %dma_start3A_2860 = arith.constant 0 : i32
        %dma_start3A_2861 = tpu.memref_slice %arg6[%select_n3A_2857, %dma_start3A, %dma_start3A_2860] : memref<14x64x128xf32, #tpu.memory_space<vmem>> -> memref<1x64x128xf32, #tpu.memory_space<vmem>>
        %dma_start3A_2862 = tpu.memref_squeeze %dma_start3A_2861 : memref<1x64x128xf32, #tpu.memory_space<vmem>> -> memref<64x128xf32, #tpu.memory_space<vmem>>
        %dma_start3A_2863 = arith.constant 0 : i32
        %dma_start3A_2864 = tpu.memref_slice %arg3[%dma_start3A_2863, %multiple_of3A] : memref<64x1000000xf32, #tpu.memory_space<hbm>> -> memref<64x128xf32, #tpu.memory_space<hbm>>
        %dma_start3A_2865 = arith.constant 0 : i32
        %dma_start3A_2866 = arith.constant 0 : i32
        %dma_start3A_2867 = tpu.memref_slice %arg6[%select_n3A_2857, %dma_start3A_2865, %dma_start3A_2866] : memref<14x64x128xf32, #tpu.memory_space<vmem>> -> memref<1x64x128xf32, #tpu.memory_space<vmem>>
        %dma_start3A_2868 = tpu.memref_squeeze %dma_start3A_2867 : memref<1x64x128xf32, #tpu.memory_space<vmem>> -> memref<64x128xf32, #tpu.memory_space<vmem>>
        %dma_start3A_2869 = arith.constant 0 : i32
        %dma_start3A_2870 = tpu.memref_slice %arg3[%dma_start3A_2869, %multiple_of3A] : memref<64x1000000xf32, #tpu.memory_space<hbm>> -> memref<64x128xf32, #tpu.memory_space<hbm>>
        tpu.enqueue_dma source(%dma_start3A_2870 : memref<64x128xf32, #tpu.memory_space<hbm>>) target(%dma_start3A_2868 : memref<64x128xf32, #tpu.memory_space<vmem>>) target_semaphore(%arg8 : memref<!tpu.dma_semaphore, #tpu.memory_space<semaphore_mem>>)
      } else {
      }
      %convert_element_type3A_2369 = arith.extui %ne3A_2365 : i1 to i32
      %add3A_2370 = arith.addi %add3A_2220, %convert_element_type3A_2369 : i32
      %slice3A_2371 = vector.extract_strided_slice %get3A_419 {offsets = [13], sizes = [1], strides = [1]} : vector<16xi32> to vector<1xi32>
      %squeeze3A_2372 = vector.extract %slice3A_2371[0] : i32 from vector<1xi32>
      %jit3A_2373 = arith.constant 128 : i32
      %div3A_2374 = arith.divsi %squeeze3A_2372, %jit3A_2373 : i32
      %sign3A_2375 = arith.constant 0 : i32
      %sign3A_2376 = arith.cmpi sgt, %squeeze3A_2372, %sign3A_2375 : i32
      %sign3A_2377 = arith.extui %sign3A_2376 : i1 to i32
      %sign3A_2378 = arith.constant 0 : i32
      %sign3A_2379 = arith.cmpi slt, %squeeze3A_2372, %sign3A_2378 : i32
      %sign3A_2380 = arith.extui %sign3A_2379 : i1 to i32
      %sign3A_2381 = arith.subi %sign3A_2377, %sign3A_2380 : i32
      %sign3A_2382 = arith.constant 0 : i32
      %sign3A_2383 = arith.cmpi sgt, %jit3A_2373, %sign3A_2382 : i32
      %sign3A_2384 = arith.extui %sign3A_2383 : i1 to i32
      %sign3A_2385 = arith.constant 0 : i32
      %sign3A_2386 = arith.cmpi slt, %jit3A_2373, %sign3A_2385 : i32
      %sign3A_2387 = arith.extui %sign3A_2386 : i1 to i32
      %sign3A_2388 = arith.subi %sign3A_2384, %sign3A_2387 : i32
      %ne3A_2389 = arith.cmpi ne, %sign3A_2381, %sign3A_2388 : i32
      %rem3A_2390 = arith.remsi %squeeze3A_2372, %jit3A_2373 : i32
      %ne3A_2391 = arith.constant 0 : i32
      %ne3A_2392 = arith.cmpi ne, %rem3A_2390, %ne3A_2391 : i32
      %and3A_2393 = arith.andi %ne3A_2389, %ne3A_2392 : i1
      %sub3A_2394 = arith.constant 1 : i32
      %sub3A_2395 = arith.subi %div3A_2374, %sub3A_2394 : i32
      %select_n3A_2396 = arith.select %and3A_2393, %sub3A_2395, %div3A_2374 : i32
      %ne3A_2397 = arith.cmpi ne, %select_n3A_2396, %select_n3A_2246 : i32
      %convert_element_type3A_2398 = arith.extui %ne3A_2397 : i1 to i32
      %cond3A_2399 = arith.constant 0 : i32
      %cond3A_2400 = arith.cmpi ne, %convert_element_type3A_2398, %cond3A_2399 : i32
      scf.if %cond3A_2400 {
        %dma_wait3A = arith.constant 0 : i32
        %dma_wait3A_2842 = arith.constant 0 : i32
        %dma_wait3A_2843 = arith.constant 0 : i32
        %dma_wait3A_2844 = tpu.memref_slice %arg6[%dma_wait3A, %dma_wait3A_2842, %dma_wait3A_2843] : memref<14x64x128xf32, #tpu.memory_space<vmem>> -> memref<1x64x128xf32, #tpu.memory_space<vmem>>
        %dma_wait3A_2845 = tpu.memref_squeeze %dma_wait3A_2844 : memref<1x64x128xf32, #tpu.memory_space<vmem>> -> memref<64x128xf32, #tpu.memory_space<vmem>>
        %dma_wait3A_2846 = arith.constant 0 : i32
        %dma_wait3A_2847 = arith.constant 0 : i32
        %dma_wait3A_2848 = tpu.memref_slice %arg3[%dma_wait3A_2846, %dma_wait3A_2847] : memref<64x1000000xf32, #tpu.memory_space<hbm>> -> memref<64x128xf32, #tpu.memory_space<hbm>>
        %dma_wait3A_2849 = arith.constant 0 : i32
        %dma_wait3A_2850 = arith.constant 0 : i32
        %dma_wait3A_2851 = tpu.memref_slice %arg6[%dma_wait3A, %dma_wait3A_2849, %dma_wait3A_2850] : memref<14x64x128xf32, #tpu.memory_space<vmem>> -> memref<1x64x128xf32, #tpu.memory_space<vmem>>
        %dma_wait3A_2852 = tpu.memref_squeeze %dma_wait3A_2851 : memref<1x64x128xf32, #tpu.memory_space<vmem>> -> memref<64x128xf32, #tpu.memory_space<vmem>>
        %dma_wait3A_2853 = arith.constant 0 : i32
        %dma_wait3A_2854 = arith.constant 0 : i32
        %dma_wait3A_2855 = tpu.memref_slice %arg3[%dma_wait3A_2853, %dma_wait3A_2854] : memref<64x1000000xf32, #tpu.memory_space<hbm>> -> memref<64x128xf32, #tpu.memory_space<hbm>>
        tpu.wait_dma2 semaphore(%arg8 : memref<!tpu.dma_semaphore, #tpu.memory_space<semaphore_mem>>) src(%dma_wait3A_2855 : memref<64x128xf32, #tpu.memory_space<hbm>>) dst(%dma_wait3A_2852 : memref<64x128xf32, #tpu.memory_space<vmem>>)
      } else {
      }
      %convert_element_type3A_2401 = arith.extui %ne3A_2397 : i1 to i32
      %add3A_2402 = arith.addi %add3A_2252, %convert_element_type3A_2401 : i32
      %mul3A_2403 = arith.constant 128 : i32
      %mul3A_2404 = arith.muli %select_n3A_2396, %mul3A_2403 : i32
      %sub3A_2405 = arith.subi %squeeze3A_2372, %mul3A_2404 : i32
      %sub3A_2406 = arith.constant 1 : i32
      %sub3A_2407 = arith.subi %add3A_2402, %sub3A_2406 : i32
      %jit3A_2408 = arith.constant 14 : i32
      %eq3A_2409 = arith.constant 0 : i32
      %eq3A_2410 = arith.cmpi eq, %jit3A_2408, %eq3A_2409 : i32
      %jit3A_2411 = arith.constant 1 : i32
      %select_n3A_2412 = arith.select %eq3A_2410, %jit3A_2411, %jit3A_2408 : i32
      %rem3A_2413 = arith.remsi %sub3A_2407, %select_n3A_2412 : i32
      %ne3A_2414 = arith.constant 0 : i32
      %ne3A_2415 = arith.cmpi ne, %rem3A_2413, %ne3A_2414 : i32
      %lt3A_2416 = arith.constant 0 : i32
      %lt3A_2417 = arith.cmpi slt, %rem3A_2413, %lt3A_2416 : i32
      %lt3A_2418 = arith.constant 0 : i32
      %lt3A_2419 = arith.cmpi slt, %select_n3A_2412, %lt3A_2418 : i32
      %ne3A_2420 = arith.xori %lt3A_2417, %lt3A_2419 : i1
      %and3A_2421 = arith.andi %ne3A_2420, %ne3A_2415 : i1
      %add3A_2422 = arith.addi %rem3A_2413, %select_n3A_2412 : i32
      %select_n3A_2423 = arith.select %and3A_2421, %add3A_2422, %rem3A_2413 : i32
      %jit3A_2424 = arith.constant 4 : i32
      %eq3A_2425 = arith.constant 0 : i32
      %eq3A_2426 = arith.cmpi eq, %jit3A_2424, %eq3A_2425 : i32
      %jit3A_2427 = arith.constant 1 : i32
      %select_n3A_2428 = arith.select %eq3A_2426, %jit3A_2427, %jit3A_2424 : i32
      %rem3A_2429 = arith.remsi %scan3A_411, %select_n3A_2428 : i32
      %ne3A_2430 = arith.constant 0 : i32
      %ne3A_2431 = arith.cmpi ne, %rem3A_2429, %ne3A_2430 : i32
      %lt3A_2432 = arith.constant 0 : i32
      %lt3A_2433 = arith.cmpi slt, %rem3A_2429, %lt3A_2432 : i32
      %lt3A_2434 = arith.constant 0 : i32
      %lt3A_2435 = arith.cmpi slt, %select_n3A_2428, %lt3A_2434 : i32
      %ne3A_2436 = arith.xori %lt3A_2433, %lt3A_2435 : i1
      %and3A_2437 = arith.andi %ne3A_2436, %ne3A_2431 : i1
      %add3A_2438 = arith.addi %rem3A_2429, %select_n3A_2428 : i32
      %select_n3A_2439 = arith.select %and3A_2437, %add3A_2438, %rem3A_2429 : i32
      %mul3A_2440 = arith.constant 16 : i32
      %mul3A_2441 = arith.muli %select_n3A_2439, %mul3A_2440 : i32
      %add3A_2442 = arith.constant 13 : i32
      %add3A_2443 = arith.addi %mul3A_2441, %add3A_2442 : i32
      %broadcast_in_dim3A_2444 = vector.broadcast %sub3A_2405 : i32 to vector<16xi32>
      %gather3A_2445 = arith.constant 0 : i32
      %gather3A_2446 = arith.constant 0 : i32
      %gather3A_2447 = tpu.memref_slice %arg6[%select_n3A_2423, %gather3A_2445, %gather3A_2446] : memref<14x64x128xf32, #tpu.memory_space<vmem>> -> memref<1x64x128xf32, #tpu.memory_space<vmem>>
      %gather3A_2448 = tpu.memref_squeeze %gather3A_2447 : memref<1x64x128xf32, #tpu.memory_space<vmem>> -> memref<64x128xf32, #tpu.memory_space<vmem>>
      %gather3A_2449 = tpu.vector_load_idx %gather3A_2448[%add3A_5, %broadcast_in_dim3A_2444] : memref<64x128xf32, #tpu.memory_space<vmem>>[vector<16xi32>, vector<16xi32>], vector<16xf32>,
      %mul3A_2450 = arith.constant 64 : i32
      %mul3A_2451 = arith.muli %add3A_2443, %mul3A_2450 : i32
      %add3A_2452 = arith.constant 0 : i32
      %add3A_2453 = arith.addi %mul3A_2451, %add3A_2452 : i32
      %swap3A_2454 = arith.index_cast %add3A_2453 : i32 to index
      %swap3A_2455 = tpu.vector_load %arg7[%swap3A_2454] {strides = array<i32>} : memref<4096xf32, #tpu.memory_space<vmem>>, vector<16xf32>,
      tpu.vector_store %arg7[%swap3A_2454], %gather3A_2449 {strides = array<i32>} : memref<4096xf32, #tpu.memory_space<vmem>>, vector<16xf32>,
      %gather3A_2456 = arith.constant 0 : i32
      %gather3A_2457 = arith.constant 0 : i32
      %gather3A_2458 = tpu.memref_slice %arg6[%select_n3A_2423, %gather3A_2456, %gather3A_2457] : memref<14x64x128xf32, #tpu.memory_space<vmem>> -> memref<1x64x128xf32, #tpu.memory_space<vmem>>
      %gather3A_2459 = tpu.memref_squeeze %gather3A_2458 : memref<1x64x128xf32, #tpu.memory_space<vmem>> -> memref<64x128xf32, #tpu.memory_space<vmem>>
      %gather3A_2460 = tpu.vector_load_idx %gather3A_2459[%add3A_9, %broadcast_in_dim3A_2444] : memref<64x128xf32, #tpu.memory_space<vmem>>[vector<16xi32>, vector<16xi32>], vector<16xf32>,
      %mul3A_2461 = arith.constant 64 : i32
      %mul3A_2462 = arith.muli %add3A_2443, %mul3A_2461 : i32
      %add3A_2463 = arith.constant 16 : i32
      %add3A_2464 = arith.addi %mul3A_2462, %add3A_2463 : i32
      %swap3A_2465 = arith.index_cast %add3A_2464 : i32 to index
      %swap3A_2466 = tpu.vector_load %arg7[%swap3A_2465] {strides = array<i32>} : memref<4096xf32, #tpu.memory_space<vmem>>, vector<16xf32>,
      tpu.vector_store %arg7[%swap3A_2465], %gather3A_2460 {strides = array<i32>} : memref<4096xf32, #tpu.memory_space<vmem>>, vector<16xf32>,
      %gather3A_2467 = arith.constant 0 : i32
      %gather3A_2468 = arith.constant 0 : i32
      %gather3A_2469 = tpu.memref_slice %arg6[%select_n3A_2423, %gather3A_2467, %gather3A_2468] : memref<14x64x128xf32, #tpu.memory_space<vmem>> -> memref<1x64x128xf32, #tpu.memory_space<vmem>>
      %gather3A_2470 = tpu.memref_squeeze %gather3A_2469 : memref<1x64x128xf32, #tpu.memory_space<vmem>> -> memref<64x128xf32, #tpu.memory_space<vmem>>
      %gather3A_2471 = tpu.vector_load_idx %gather3A_2470[%add3A_13, %broadcast_in_dim3A_2444] : memref<64x128xf32, #tpu.memory_space<vmem>>[vector<16xi32>, vector<16xi32>], vector<16xf32>,
      %mul3A_2472 = arith.constant 64 : i32
      %mul3A_2473 = arith.muli %add3A_2443, %mul3A_2472 : i32
      %add3A_2474 = arith.constant 32 : i32
      %add3A_2475 = arith.addi %mul3A_2473, %add3A_2474 : i32
      %swap3A_2476 = arith.index_cast %add3A_2475 : i32 to index
      %swap3A_2477 = tpu.vector_load %arg7[%swap3A_2476] {strides = array<i32>} : memref<4096xf32, #tpu.memory_space<vmem>>, vector<16xf32>,
      tpu.vector_store %arg7[%swap3A_2476], %gather3A_2471 {strides = array<i32>} : memref<4096xf32, #tpu.memory_space<vmem>>, vector<16xf32>,
      %gather3A_2478 = arith.constant 0 : i32
      %gather3A_2479 = arith.constant 0 : i32
      %gather3A_2480 = tpu.memref_slice %arg6[%select_n3A_2423, %gather3A_2478, %gather3A_2479] : memref<14x64x128xf32, #tpu.memory_space<vmem>> -> memref<1x64x128xf32, #tpu.memory_space<vmem>>
      %gather3A_2481 = tpu.memref_squeeze %gather3A_2480 : memref<1x64x128xf32, #tpu.memory_space<vmem>> -> memref<64x128xf32, #tpu.memory_space<vmem>>
      %gather3A_2482 = tpu.vector_load_idx %gather3A_2481[%add3A_17, %broadcast_in_dim3A_2444] : memref<64x128xf32, #tpu.memory_space<vmem>>[vector<16xi32>, vector<16xi32>], vector<16xf32>,
      %mul3A_2483 = arith.constant 64 : i32
      %mul3A_2484 = arith.muli %add3A_2443, %mul3A_2483 : i32
      %add3A_2485 = arith.constant 48 : i32
      %add3A_2486 = arith.addi %mul3A_2484, %add3A_2485 : i32
      %swap3A_2487 = arith.index_cast %add3A_2486 : i32 to index
      %swap3A_2488 = tpu.vector_load %arg7[%swap3A_2487] {strides = array<i32>} : memref<4096xf32, #tpu.memory_space<vmem>>, vector<16xf32>,
      tpu.vector_store %arg7[%swap3A_2487], %gather3A_2482 {strides = array<i32>} : memref<4096xf32, #tpu.memory_space<vmem>>, vector<16xf32>,
      %slice3A_2489 = vector.extract_strided_slice %get3A_425 {offsets = [9], sizes = [1], strides = [1]} : vector<16xi32> to vector<1xi32>
      %squeeze3A_2490 = vector.extract %slice3A_2489[0] : i32 from vector<1xi32>
      %jit3A_2491 = arith.constant 128 : i32
      %div3A_2492 = arith.divsi %squeeze3A_2490, %jit3A_2491 : i32
      %sign3A_2493 = arith.constant 0 : i32
      %sign3A_2494 = arith.cmpi sgt, %squeeze3A_2490, %sign3A_2493 : i32
      %sign3A_2495 = arith.extui %sign3A_2494 : i1 to i32
      %sign3A_2496 = arith.constant 0 : i32
      %sign3A_2497 = arith.cmpi slt, %squeeze3A_2490, %sign3A_2496 : i32
      %sign3A_2498 = arith.extui %sign3A_2497 : i1 to i32
      %sign3A_2499 = arith.subi %sign3A_2495, %sign3A_2498 : i32
      %sign3A_2500 = arith.constant 0 : i32
      %sign3A_2501 = arith.cmpi sgt, %jit3A_2491, %sign3A_2500 : i32
      %sign3A_2502 = arith.extui %sign3A_2501 : i1 to i32
      %sign3A_2503 = arith.constant 0 : i32
      %sign3A_2504 = arith.cmpi slt, %jit3A_2491, %sign3A_2503 : i32
      %sign3A_2505 = arith.extui %sign3A_2504 : i1 to i32
      %sign3A_2506 = arith.subi %sign3A_2502, %sign3A_2505 : i32
      %ne3A_2507 = arith.cmpi ne, %sign3A_2499, %sign3A_2506 : i32
      %rem3A_2508 = arith.remsi %squeeze3A_2490, %jit3A_2491 : i32
      %ne3A_2509 = arith.constant 0 : i32
      %ne3A_2510 = arith.cmpi ne, %rem3A_2508, %ne3A_2509 : i32
      %and3A_2511 = arith.andi %ne3A_2507, %ne3A_2510 : i1
      %sub3A_2512 = arith.constant 1 : i32
      %sub3A_2513 = arith.subi %div3A_2492, %sub3A_2512 : i32
      %select_n3A_2514 = arith.select %and3A_2511, %sub3A_2513, %div3A_2492 : i32
      %ne3A_2515 = arith.cmpi ne, %select_n3A_2514, %select_n3A_2364 : i32
      %convert_element_type3A_2516 = arith.extui %ne3A_2515 : i1 to i32
      %cond3A_2517 = arith.constant 0 : i32
      %cond3A_2518 = arith.cmpi ne, %convert_element_type3A_2516, %cond3A_2517 : i32
      scf.if %cond3A_2518 {
        %jit3A_2842 = arith.constant 14 : i32
        %eq3A_2843 = arith.constant 0 : i32
        %eq3A_2844 = arith.cmpi eq, %jit3A_2842, %eq3A_2843 : i32
        %jit3A_2845 = arith.constant 1 : i32
        %select_n3A_2846 = arith.select %eq3A_2844, %jit3A_2845, %jit3A_2842 : i32
        %rem3A_2847 = arith.remsi %add3A_2370, %select_n3A_2846 : i32
        %ne3A_2848 = arith.constant 0 : i32
        %ne3A_2849 = arith.cmpi ne, %rem3A_2847, %ne3A_2848 : i32
        %lt3A_2850 = arith.constant 0 : i32
        %lt3A_2851 = arith.cmpi slt, %rem3A_2847, %lt3A_2850 : i32
        %lt3A_2852 = arith.constant 0 : i32
        %lt3A_2853 = arith.cmpi slt, %select_n3A_2846, %lt3A_2852 : i32
        %ne3A_2854 = arith.xori %lt3A_2851, %lt3A_2853 : i1
        %and3A_2855 = arith.andi %ne3A_2854, %ne3A_2849 : i1
        %add3A_2856 = arith.addi %rem3A_2847, %select_n3A_2846 : i32
        %select_n3A_2857 = arith.select %and3A_2855, %add3A_2856, %rem3A_2847 : i32
        %mul3A_2858 = arith.constant 128 : i32
        %mul3A_2859 = arith.muli %select_n3A_2514, %mul3A_2858 : i32
        %multiple_of3A = tpu.assume_multiple %mul3A_2859, 128 : i32
        %dma_start3A = arith.constant 0 : i32
        %dma_start3A_2860 = arith.constant 0 : i32
        %dma_start3A_2861 = tpu.memref_slice %arg6[%select_n3A_2857, %dma_start3A, %dma_start3A_2860] : memref<14x64x128xf32, #tpu.memory_space<vmem>> -> memref<1x64x128xf32, #tpu.memory_space<vmem>>
        %dma_start3A_2862 = tpu.memref_squeeze %dma_start3A_2861 : memref<1x64x128xf32, #tpu.memory_space<vmem>> -> memref<64x128xf32, #tpu.memory_space<vmem>>
        %dma_start3A_2863 = arith.constant 0 : i32
        %dma_start3A_2864 = tpu.memref_slice %arg3[%dma_start3A_2863, %multiple_of3A] : memref<64x1000000xf32, #tpu.memory_space<hbm>> -> memref<64x128xf32, #tpu.memory_space<hbm>>
        %dma_start3A_2865 = arith.constant 0 : i32
        %dma_start3A_2866 = arith.constant 0 : i32
        %dma_start3A_2867 = tpu.memref_slice %arg6[%select_n3A_2857, %dma_start3A_2865, %dma_start3A_2866] : memref<14x64x128xf32, #tpu.memory_space<vmem>> -> memref<1x64x128xf32, #tpu.memory_space<vmem>>
        %dma_start3A_2868 = tpu.memref_squeeze %dma_start3A_2867 : memref<1x64x128xf32, #tpu.memory_space<vmem>> -> memref<64x128xf32, #tpu.memory_space<vmem>>
        %dma_start3A_2869 = arith.constant 0 : i32
        %dma_start3A_2870 = tpu.memref_slice %arg3[%dma_start3A_2869, %multiple_of3A] : memref<64x1000000xf32, #tpu.memory_space<hbm>> -> memref<64x128xf32, #tpu.memory_space<hbm>>
        tpu.enqueue_dma source(%dma_start3A_2870 : memref<64x128xf32, #tpu.memory_space<hbm>>) target(%dma_start3A_2868 : memref<64x128xf32, #tpu.memory_space<vmem>>) target_semaphore(%arg8 : memref<!tpu.dma_semaphore, #tpu.memory_space<semaphore_mem>>)
      } else {
      }
      %convert_element_type3A_2519 = arith.extui %ne3A_2515 : i1 to i32
      %add3A_2520 = arith.addi %add3A_2370, %convert_element_type3A_2519 : i32
      %slice3A_2521 = vector.extract_strided_slice %get3A_419 {offsets = [14], sizes = [1], strides = [1]} : vector<16xi32> to vector<1xi32>
      %squeeze3A_2522 = vector.extract %slice3A_2521[0] : i32 from vector<1xi32>
      %jit3A_2523 = arith.constant 128 : i32
      %div3A_2524 = arith.divsi %squeeze3A_2522, %jit3A_2523 : i32
      %sign3A_2525 = arith.constant 0 : i32
      %sign3A_2526 = arith.cmpi sgt, %squeeze3A_2522, %sign3A_2525 : i32
      %sign3A_2527 = arith.extui %sign3A_2526 : i1 to i32
      %sign3A_2528 = arith.constant 0 : i32
      %sign3A_2529 = arith.cmpi slt, %squeeze3A_2522, %sign3A_2528 : i32
      %sign3A_2530 = arith.extui %sign3A_2529 : i1 to i32
      %sign3A_2531 = arith.subi %sign3A_2527, %sign3A_2530 : i32
      %sign3A_2532 = arith.constant 0 : i32
      %sign3A_2533 = arith.cmpi sgt, %jit3A_2523, %sign3A_2532 : i32
      %sign3A_2534 = arith.extui %sign3A_2533 : i1 to i32
      %sign3A_2535 = arith.constant 0 : i32
      %sign3A_2536 = arith.cmpi slt, %jit3A_2523, %sign3A_2535 : i32
      %sign3A_2537 = arith.extui %sign3A_2536 : i1 to i32
      %sign3A_2538 = arith.subi %sign3A_2534, %sign3A_2537 : i32
      %ne3A_2539 = arith.cmpi ne, %sign3A_2531, %sign3A_2538 : i32
      %rem3A_2540 = arith.remsi %squeeze3A_2522, %jit3A_2523 : i32
      %ne3A_2541 = arith.constant 0 : i32
      %ne3A_2542 = arith.cmpi ne, %rem3A_2540, %ne3A_2541 : i32
      %and3A_2543 = arith.andi %ne3A_2539, %ne3A_2542 : i1
      %sub3A_2544 = arith.constant 1 : i32
      %sub3A_2545 = arith.subi %div3A_2524, %sub3A_2544 : i32
      %select_n3A_2546 = arith.select %and3A_2543, %sub3A_2545, %div3A_2524 : i32
      %ne3A_2547 = arith.cmpi ne, %select_n3A_2546, %select_n3A_2396 : i32
      %convert_element_type3A_2548 = arith.extui %ne3A_2547 : i1 to i32
      %cond3A_2549 = arith.constant 0 : i32
      %cond3A_2550 = arith.cmpi ne, %convert_element_type3A_2548, %cond3A_2549 : i32
      scf.if %cond3A_2550 {
        %dma_wait3A = arith.constant 0 : i32
        %dma_wait3A_2842 = arith.constant 0 : i32
        %dma_wait3A_2843 = arith.constant 0 : i32
        %dma_wait3A_2844 = tpu.memref_slice %arg6[%dma_wait3A, %dma_wait3A_2842, %dma_wait3A_2843] : memref<14x64x128xf32, #tpu.memory_space<vmem>> -> memref<1x64x128xf32, #tpu.memory_space<vmem>>
        %dma_wait3A_2845 = tpu.memref_squeeze %dma_wait3A_2844 : memref<1x64x128xf32, #tpu.memory_space<vmem>> -> memref<64x128xf32, #tpu.memory_space<vmem>>
        %dma_wait3A_2846 = arith.constant 0 : i32
        %dma_wait3A_2847 = arith.constant 0 : i32
        %dma_wait3A_2848 = tpu.memref_slice %arg3[%dma_wait3A_2846, %dma_wait3A_2847] : memref<64x1000000xf32, #tpu.memory_space<hbm>> -> memref<64x128xf32, #tpu.memory_space<hbm>>
        %dma_wait3A_2849 = arith.constant 0 : i32
        %dma_wait3A_2850 = arith.constant 0 : i32
        %dma_wait3A_2851 = tpu.memref_slice %arg6[%dma_wait3A, %dma_wait3A_2849, %dma_wait3A_2850] : memref<14x64x128xf32, #tpu.memory_space<vmem>> -> memref<1x64x128xf32, #tpu.memory_space<vmem>>
        %dma_wait3A_2852 = tpu.memref_squeeze %dma_wait3A_2851 : memref<1x64x128xf32, #tpu.memory_space<vmem>> -> memref<64x128xf32, #tpu.memory_space<vmem>>
        %dma_wait3A_2853 = arith.constant 0 : i32
        %dma_wait3A_2854 = arith.constant 0 : i32
        %dma_wait3A_2855 = tpu.memref_slice %arg3[%dma_wait3A_2853, %dma_wait3A_2854] : memref<64x1000000xf32, #tpu.memory_space<hbm>> -> memref<64x128xf32, #tpu.memory_space<hbm>>
        tpu.wait_dma2 semaphore(%arg8 : memref<!tpu.dma_semaphore, #tpu.memory_space<semaphore_mem>>) src(%dma_wait3A_2855 : memref<64x128xf32, #tpu.memory_space<hbm>>) dst(%dma_wait3A_2852 : memref<64x128xf32, #tpu.memory_space<vmem>>)
      } else {
      }
      %convert_element_type3A_2551 = arith.extui %ne3A_2547 : i1 to i32
      %add3A_2552 = arith.addi %add3A_2402, %convert_element_type3A_2551 : i32
      %mul3A_2553 = arith.constant 128 : i32
      %mul3A_2554 = arith.muli %select_n3A_2546, %mul3A_2553 : i32
      %sub3A_2555 = arith.subi %squeeze3A_2522, %mul3A_2554 : i32
      %sub3A_2556 = arith.constant 1 : i32
      %sub3A_2557 = arith.subi %add3A_2552, %sub3A_2556 : i32
      %jit3A_2558 = arith.constant 14 : i32
      %eq3A_2559 = arith.constant 0 : i32
      %eq3A_2560 = arith.cmpi eq, %jit3A_2558, %eq3A_2559 : i32
      %jit3A_2561 = arith.constant 1 : i32
      %select_n3A_2562 = arith.select %eq3A_2560, %jit3A_2561, %jit3A_2558 : i32
      %rem3A_2563 = arith.remsi %sub3A_2557, %select_n3A_2562 : i32
      %ne3A_2564 = arith.constant 0 : i32
      %ne3A_2565 = arith.cmpi ne, %rem3A_2563, %ne3A_2564 : i32
      %lt3A_2566 = arith.constant 0 : i32
      %lt3A_2567 = arith.cmpi slt, %rem3A_2563, %lt3A_2566 : i32
      %lt3A_2568 = arith.constant 0 : i32
      %lt3A_2569 = arith.cmpi slt, %select_n3A_2562, %lt3A_2568 : i32
      %ne3A_2570 = arith.xori %lt3A_2567, %lt3A_2569 : i1
      %and3A_2571 = arith.andi %ne3A_2570, %ne3A_2565 : i1
      %add3A_2572 = arith.addi %rem3A_2563, %select_n3A_2562 : i32
      %select_n3A_2573 = arith.select %and3A_2571, %add3A_2572, %rem3A_2563 : i32
      %jit3A_2574 = arith.constant 4 : i32
      %eq3A_2575 = arith.constant 0 : i32
      %eq3A_2576 = arith.cmpi eq, %jit3A_2574, %eq3A_2575 : i32
      %jit3A_2577 = arith.constant 1 : i32
      %select_n3A_2578 = arith.select %eq3A_2576, %jit3A_2577, %jit3A_2574 : i32
      %rem3A_2579 = arith.remsi %scan3A_411, %select_n3A_2578 : i32
      %ne3A_2580 = arith.constant 0 : i32
      %ne3A_2581 = arith.cmpi ne, %rem3A_2579, %ne3A_2580 : i32
      %lt3A_2582 = arith.constant 0 : i32
      %lt3A_2583 = arith.cmpi slt, %rem3A_2579, %lt3A_2582 : i32
      %lt3A_2584 = arith.constant 0 : i32
      %lt3A_2585 = arith.cmpi slt, %select_n3A_2578, %lt3A_2584 : i32
      %ne3A_2586 = arith.xori %lt3A_2583, %lt3A_2585 : i1
      %and3A_2587 = arith.andi %ne3A_2586, %ne3A_2581 : i1
      %add3A_2588 = arith.addi %rem3A_2579, %select_n3A_2578 : i32
      %select_n3A_2589 = arith.select %and3A_2587, %add3A_2588, %rem3A_2579 : i32
      %mul3A_2590 = arith.constant 16 : i32
      %mul3A_2591 = arith.muli %select_n3A_2589, %mul3A_2590 : i32
      %add3A_2592 = arith.constant 14 : i32
      %add3A_2593 = arith.addi %mul3A_2591, %add3A_2592 : i32
      %broadcast_in_dim3A_2594 = vector.broadcast %sub3A_2555 : i32 to vector<16xi32>
      %gather3A_2595 = arith.constant 0 : i32
      %gather3A_2596 = arith.constant 0 : i32
      %gather3A_2597 = tpu.memref_slice %arg6[%select_n3A_2573, %gather3A_2595, %gather3A_2596] : memref<14x64x128xf32, #tpu.memory_space<vmem>> -> memref<1x64x128xf32, #tpu.memory_space<vmem>>
      %gather3A_2598 = tpu.memref_squeeze %gather3A_2597 : memref<1x64x128xf32, #tpu.memory_space<vmem>> -> memref<64x128xf32, #tpu.memory_space<vmem>>
      %gather3A_2599 = tpu.vector_load_idx %gather3A_2598[%add3A_5, %broadcast_in_dim3A_2594] : memref<64x128xf32, #tpu.memory_space<vmem>>[vector<16xi32>, vector<16xi32>], vector<16xf32>,
      %mul3A_2600 = arith.constant 64 : i32
      %mul3A_2601 = arith.muli %add3A_2593, %mul3A_2600 : i32
      %add3A_2602 = arith.constant 0 : i32
      %add3A_2603 = arith.addi %mul3A_2601, %add3A_2602 : i32
      %swap3A_2604 = arith.index_cast %add3A_2603 : i32 to index
      %swap3A_2605 = tpu.vector_load %arg7[%swap3A_2604] {strides = array<i32>} : memref<4096xf32, #tpu.memory_space<vmem>>, vector<16xf32>,
      tpu.vector_store %arg7[%swap3A_2604], %gather3A_2599 {strides = array<i32>} : memref<4096xf32, #tpu.memory_space<vmem>>, vector<16xf32>,
      %gather3A_2606 = arith.constant 0 : i32
      %gather3A_2607 = arith.constant 0 : i32
      %gather3A_2608 = tpu.memref_slice %arg6[%select_n3A_2573, %gather3A_2606, %gather3A_2607] : memref<14x64x128xf32, #tpu.memory_space<vmem>> -> memref<1x64x128xf32, #tpu.memory_space<vmem>>
      %gather3A_2609 = tpu.memref_squeeze %gather3A_2608 : memref<1x64x128xf32, #tpu.memory_space<vmem>> -> memref<64x128xf32, #tpu.memory_space<vmem>>
      %gather3A_2610 = tpu.vector_load_idx %gather3A_2609[%add3A_9, %broadcast_in_dim3A_2594] : memref<64x128xf32, #tpu.memory_space<vmem>>[vector<16xi32>, vector<16xi32>], vector<16xf32>,
      %mul3A_2611 = arith.constant 64 : i32
      %mul3A_2612 = arith.muli %add3A_2593, %mul3A_2611 : i32
      %add3A_2613 = arith.constant 16 : i32
      %add3A_2614 = arith.addi %mul3A_2612, %add3A_2613 : i32
      %swap3A_2615 = arith.index_cast %add3A_2614 : i32 to index
      %swap3A_2616 = tpu.vector_load %arg7[%swap3A_2615] {strides = array<i32>} : memref<4096xf32, #tpu.memory_space<vmem>>, vector<16xf32>,
      tpu.vector_store %arg7[%swap3A_2615], %gather3A_2610 {strides = array<i32>} : memref<4096xf32, #tpu.memory_space<vmem>>, vector<16xf32>,
      %gather3A_2617 = arith.constant 0 : i32
      %gather3A_2618 = arith.constant 0 : i32
      %gather3A_2619 = tpu.memref_slice %arg6[%select_n3A_2573, %gather3A_2617, %gather3A_2618] : memref<14x64x128xf32, #tpu.memory_space<vmem>> -> memref<1x64x128xf32, #tpu.memory_space<vmem>>
      %gather3A_2620 = tpu.memref_squeeze %gather3A_2619 : memref<1x64x128xf32, #tpu.memory_space<vmem>> -> memref<64x128xf32, #tpu.memory_space<vmem>>
      %gather3A_2621 = tpu.vector_load_idx %gather3A_2620[%add3A_13, %broadcast_in_dim3A_2594] : memref<64x128xf32, #tpu.memory_space<vmem>>[vector<16xi32>, vector<16xi32>], vector<16xf32>,
      %mul3A_2622 = arith.constant 64 : i32
      %mul3A_2623 = arith.muli %add3A_2593, %mul3A_2622 : i32
      %add3A_2624 = arith.constant 32 : i32
      %add3A_2625 = arith.addi %mul3A_2623, %add3A_2624 : i32
      %swap3A_2626 = arith.index_cast %add3A_2625 : i32 to index
      %swap3A_2627 = tpu.vector_load %arg7[%swap3A_2626] {strides = array<i32>} : memref<4096xf32, #tpu.memory_space<vmem>>, vector<16xf32>,
      tpu.vector_store %arg7[%swap3A_2626], %gather3A_2621 {strides = array<i32>} : memref<4096xf32, #tpu.memory_space<vmem>>, vector<16xf32>,
      %gather3A_2628 = arith.constant 0 : i32
      %gather3A_2629 = arith.constant 0 : i32
      %gather3A_2630 = tpu.memref_slice %arg6[%select_n3A_2573, %gather3A_2628, %gather3A_2629] : memref<14x64x128xf32, #tpu.memory_space<vmem>> -> memref<1x64x128xf32, #tpu.memory_space<vmem>>
      %gather3A_2631 = tpu.memref_squeeze %gather3A_2630 : memref<1x64x128xf32, #tpu.memory_space<vmem>> -> memref<64x128xf32, #tpu.memory_space<vmem>>
      %gather3A_2632 = tpu.vector_load_idx %gather3A_2631[%add3A_17, %broadcast_in_dim3A_2594] : memref<64x128xf32, #tpu.memory_space<vmem>>[vector<16xi32>, vector<16xi32>], vector<16xf32>,
      %mul3A_2633 = arith.constant 64 : i32
      %mul3A_2634 = arith.muli %add3A_2593, %mul3A_2633 : i32
      %add3A_2635 = arith.constant 48 : i32
      %add3A_2636 = arith.addi %mul3A_2634, %add3A_2635 : i32
      %swap3A_2637 = arith.index_cast %add3A_2636 : i32 to index
      %swap3A_2638 = tpu.vector_load %arg7[%swap3A_2637] {strides = array<i32>} : memref<4096xf32, #tpu.memory_space<vmem>>, vector<16xf32>,
      tpu.vector_store %arg7[%swap3A_2637], %gather3A_2632 {strides = array<i32>} : memref<4096xf32, #tpu.memory_space<vmem>>, vector<16xf32>,
      %slice3A_2639 = vector.extract_strided_slice %get3A_425 {offsets = [10], sizes = [1], strides = [1]} : vector<16xi32> to vector<1xi32>
      %squeeze3A_2640 = vector.extract %slice3A_2639[0] : i32 from vector<1xi32>
      %jit3A_2641 = arith.constant 128 : i32
      %div3A_2642 = arith.divsi %squeeze3A_2640, %jit3A_2641 : i32
      %sign3A_2643 = arith.constant 0 : i32
      %sign3A_2644 = arith.cmpi sgt, %squeeze3A_2640, %sign3A_2643 : i32
      %sign3A_2645 = arith.extui %sign3A_2644 : i1 to i32
      %sign3A_2646 = arith.constant 0 : i32
      %sign3A_2647 = arith.cmpi slt, %squeeze3A_2640, %sign3A_2646 : i32
      %sign3A_2648 = arith.extui %sign3A_2647 : i1 to i32
      %sign3A_2649 = arith.subi %sign3A_2645, %sign3A_2648 : i32
      %sign3A_2650 = arith.constant 0 : i32
      %sign3A_2651 = arith.cmpi sgt, %jit3A_2641, %sign3A_2650 : i32
      %sign3A_2652 = arith.extui %sign3A_2651 : i1 to i32
      %sign3A_2653 = arith.constant 0 : i32
      %sign3A_2654 = arith.cmpi slt, %jit3A_2641, %sign3A_2653 : i32
      %sign3A_2655 = arith.extui %sign3A_2654 : i1 to i32
      %sign3A_2656 = arith.subi %sign3A_2652, %sign3A_2655 : i32
      %ne3A_2657 = arith.cmpi ne, %sign3A_2649, %sign3A_2656 : i32
      %rem3A_2658 = arith.remsi %squeeze3A_2640, %jit3A_2641 : i32
      %ne3A_2659 = arith.constant 0 : i32
      %ne3A_2660 = arith.cmpi ne, %rem3A_2658, %ne3A_2659 : i32
      %and3A_2661 = arith.andi %ne3A_2657, %ne3A_2660 : i1
      %sub3A_2662 = arith.constant 1 : i32
      %sub3A_2663 = arith.subi %div3A_2642, %sub3A_2662 : i32
      %select_n3A_2664 = arith.select %and3A_2661, %sub3A_2663, %div3A_2642 : i32
      %ne3A_2665 = arith.cmpi ne, %select_n3A_2664, %select_n3A_2514 : i32
      %convert_element_type3A_2666 = arith.extui %ne3A_2665 : i1 to i32
      %cond3A_2667 = arith.constant 0 : i32
      %cond3A_2668 = arith.cmpi ne, %convert_element_type3A_2666, %cond3A_2667 : i32
      scf.if %cond3A_2668 {
        %jit3A_2842 = arith.constant 14 : i32
        %eq3A_2843 = arith.constant 0 : i32
        %eq3A_2844 = arith.cmpi eq, %jit3A_2842, %eq3A_2843 : i32
        %jit3A_2845 = arith.constant 1 : i32
        %select_n3A_2846 = arith.select %eq3A_2844, %jit3A_2845, %jit3A_2842 : i32
        %rem3A_2847 = arith.remsi %add3A_2520, %select_n3A_2846 : i32
        %ne3A_2848 = arith.constant 0 : i32
        %ne3A_2849 = arith.cmpi ne, %rem3A_2847, %ne3A_2848 : i32
        %lt3A_2850 = arith.constant 0 : i32
        %lt3A_2851 = arith.cmpi slt, %rem3A_2847, %lt3A_2850 : i32
        %lt3A_2852 = arith.constant 0 : i32
        %lt3A_2853 = arith.cmpi slt, %select_n3A_2846, %lt3A_2852 : i32
        %ne3A_2854 = arith.xori %lt3A_2851, %lt3A_2853 : i1
        %and3A_2855 = arith.andi %ne3A_2854, %ne3A_2849 : i1
        %add3A_2856 = arith.addi %rem3A_2847, %select_n3A_2846 : i32
        %select_n3A_2857 = arith.select %and3A_2855, %add3A_2856, %rem3A_2847 : i32
        %mul3A_2858 = arith.constant 128 : i32
        %mul3A_2859 = arith.muli %select_n3A_2664, %mul3A_2858 : i32
        %multiple_of3A = tpu.assume_multiple %mul3A_2859, 128 : i32
        %dma_start3A = arith.constant 0 : i32
        %dma_start3A_2860 = arith.constant 0 : i32
        %dma_start3A_2861 = tpu.memref_slice %arg6[%select_n3A_2857, %dma_start3A, %dma_start3A_2860] : memref<14x64x128xf32, #tpu.memory_space<vmem>> -> memref<1x64x128xf32, #tpu.memory_space<vmem>>
        %dma_start3A_2862 = tpu.memref_squeeze %dma_start3A_2861 : memref<1x64x128xf32, #tpu.memory_space<vmem>> -> memref<64x128xf32, #tpu.memory_space<vmem>>
        %dma_start3A_2863 = arith.constant 0 : i32
        %dma_start3A_2864 = tpu.memref_slice %arg3[%dma_start3A_2863, %multiple_of3A] : memref<64x1000000xf32, #tpu.memory_space<hbm>> -> memref<64x128xf32, #tpu.memory_space<hbm>>
        %dma_start3A_2865 = arith.constant 0 : i32
        %dma_start3A_2866 = arith.constant 0 : i32
        %dma_start3A_2867 = tpu.memref_slice %arg6[%select_n3A_2857, %dma_start3A_2865, %dma_start3A_2866] : memref<14x64x128xf32, #tpu.memory_space<vmem>> -> memref<1x64x128xf32, #tpu.memory_space<vmem>>
        %dma_start3A_2868 = tpu.memref_squeeze %dma_start3A_2867 : memref<1x64x128xf32, #tpu.memory_space<vmem>> -> memref<64x128xf32, #tpu.memory_space<vmem>>
        %dma_start3A_2869 = arith.constant 0 : i32
        %dma_start3A_2870 = tpu.memref_slice %arg3[%dma_start3A_2869, %multiple_of3A] : memref<64x1000000xf32, #tpu.memory_space<hbm>> -> memref<64x128xf32, #tpu.memory_space<hbm>>
        tpu.enqueue_dma source(%dma_start3A_2870 : memref<64x128xf32, #tpu.memory_space<hbm>>) target(%dma_start3A_2868 : memref<64x128xf32, #tpu.memory_space<vmem>>) target_semaphore(%arg8 : memref<!tpu.dma_semaphore, #tpu.memory_space<semaphore_mem>>)
      } else {
      }
      %convert_element_type3A_2669 = arith.extui %ne3A_2665 : i1 to i32
      %add3A_2670 = arith.addi %add3A_2520, %convert_element_type3A_2669 : i32
      %slice3A_2671 = vector.extract_strided_slice %get3A_419 {offsets = [15], sizes = [1], strides = [1]} : vector<16xi32> to vector<1xi32>
      %squeeze3A_2672 = vector.extract %slice3A_2671[0] : i32 from vector<1xi32>
      %jit3A_2673 = arith.constant 128 : i32
      %div3A_2674 = arith.divsi %squeeze3A_2672, %jit3A_2673 : i32
      %sign3A_2675 = arith.constant 0 : i32
      %sign3A_2676 = arith.cmpi sgt, %squeeze3A_2672, %sign3A_2675 : i32
      %sign3A_2677 = arith.extui %sign3A_2676 : i1 to i32
      %sign3A_2678 = arith.constant 0 : i32
      %sign3A_2679 = arith.cmpi slt, %squeeze3A_2672, %sign3A_2678 : i32
      %sign3A_2680 = arith.extui %sign3A_2679 : i1 to i32
      %sign3A_2681 = arith.subi %sign3A_2677, %sign3A_2680 : i32
      %sign3A_2682 = arith.constant 0 : i32
      %sign3A_2683 = arith.cmpi sgt, %jit3A_2673, %sign3A_2682 : i32
      %sign3A_2684 = arith.extui %sign3A_2683 : i1 to i32
      %sign3A_2685 = arith.constant 0 : i32
      %sign3A_2686 = arith.cmpi slt, %jit3A_2673, %sign3A_2685 : i32
      %sign3A_2687 = arith.extui %sign3A_2686 : i1 to i32
      %sign3A_2688 = arith.subi %sign3A_2684, %sign3A_2687 : i32
      %ne3A_2689 = arith.cmpi ne, %sign3A_2681, %sign3A_2688 : i32
      %rem3A_2690 = arith.remsi %squeeze3A_2672, %jit3A_2673 : i32
      %ne3A_2691 = arith.constant 0 : i32
      %ne3A_2692 = arith.cmpi ne, %rem3A_2690, %ne3A_2691 : i32
      %and3A_2693 = arith.andi %ne3A_2689, %ne3A_2692 : i1
      %sub3A_2694 = arith.constant 1 : i32
      %sub3A_2695 = arith.subi %div3A_2674, %sub3A_2694 : i32
      %select_n3A_2696 = arith.select %and3A_2693, %sub3A_2695, %div3A_2674 : i32
      %ne3A_2697 = arith.cmpi ne, %select_n3A_2696, %select_n3A_2546 : i32
      %convert_element_type3A_2698 = arith.extui %ne3A_2697 : i1 to i32
      %cond3A_2699 = arith.constant 0 : i32
      %cond3A_2700 = arith.cmpi ne, %convert_element_type3A_2698, %cond3A_2699 : i32
      scf.if %cond3A_2700 {
        %dma_wait3A = arith.constant 0 : i32
        %dma_wait3A_2842 = arith.constant 0 : i32
        %dma_wait3A_2843 = arith.constant 0 : i32
        %dma_wait3A_2844 = tpu.memref_slice %arg6[%dma_wait3A, %dma_wait3A_2842, %dma_wait3A_2843] : memref<14x64x128xf32, #tpu.memory_space<vmem>> -> memref<1x64x128xf32, #tpu.memory_space<vmem>>
        %dma_wait3A_2845 = tpu.memref_squeeze %dma_wait3A_2844 : memref<1x64x128xf32, #tpu.memory_space<vmem>> -> memref<64x128xf32, #tpu.memory_space<vmem>>
        %dma_wait3A_2846 = arith.constant 0 : i32
        %dma_wait3A_2847 = arith.constant 0 : i32
        %dma_wait3A_2848 = tpu.memref_slice %arg3[%dma_wait3A_2846, %dma_wait3A_2847] : memref<64x1000000xf32, #tpu.memory_space<hbm>> -> memref<64x128xf32, #tpu.memory_space<hbm>>
        %dma_wait3A_2849 = arith.constant 0 : i32
        %dma_wait3A_2850 = arith.constant 0 : i32
        %dma_wait3A_2851 = tpu.memref_slice %arg6[%dma_wait3A, %dma_wait3A_2849, %dma_wait3A_2850] : memref<14x64x128xf32, #tpu.memory_space<vmem>> -> memref<1x64x128xf32, #tpu.memory_space<vmem>>
        %dma_wait3A_2852 = tpu.memref_squeeze %dma_wait3A_2851 : memref<1x64x128xf32, #tpu.memory_space<vmem>> -> memref<64x128xf32, #tpu.memory_space<vmem>>
        %dma_wait3A_2853 = arith.constant 0 : i32
        %dma_wait3A_2854 = arith.constant 0 : i32
        %dma_wait3A_2855 = tpu.memref_slice %arg3[%dma_wait3A_2853, %dma_wait3A_2854] : memref<64x1000000xf32, #tpu.memory_space<hbm>> -> memref<64x128xf32, #tpu.memory_space<hbm>>
        tpu.wait_dma2 semaphore(%arg8 : memref<!tpu.dma_semaphore, #tpu.memory_space<semaphore_mem>>) src(%dma_wait3A_2855 : memref<64x128xf32, #tpu.memory_space<hbm>>) dst(%dma_wait3A_2852 : memref<64x128xf32, #tpu.memory_space<vmem>>)
      } else {
      }
      %convert_element_type3A_2701 = arith.extui %ne3A_2697 : i1 to i32
      %add3A_2702 = arith.addi %add3A_2552, %convert_element_type3A_2701 : i32
      %mul3A_2703 = arith.constant 128 : i32
      %mul3A_2704 = arith.muli %select_n3A_2696, %mul3A_2703 : i32
      %sub3A_2705 = arith.subi %squeeze3A_2672, %mul3A_2704 : i32
      %sub3A_2706 = arith.constant 1 : i32
      %sub3A_2707 = arith.subi %add3A_2702, %sub3A_2706 : i32
      %jit3A_2708 = arith.constant 14 : i32
      %eq3A_2709 = arith.constant 0 : i32
      %eq3A_2710 = arith.cmpi eq, %jit3A_2708, %eq3A_2709 : i32
      %jit3A_2711 = arith.constant 1 : i32
      %select_n3A_2712 = arith.select %eq3A_2710, %jit3A_2711, %jit3A_2708 : i32
      %rem3A_2713 = arith.remsi %sub3A_2707, %select_n3A_2712 : i32
      %ne3A_2714 = arith.constant 0 : i32
      %ne3A_2715 = arith.cmpi ne, %rem3A_2713, %ne3A_2714 : i32
      %lt3A_2716 = arith.constant 0 : i32
      %lt3A_2717 = arith.cmpi slt, %rem3A_2713, %lt3A_2716 : i32
      %lt3A_2718 = arith.constant 0 : i32
      %lt3A_2719 = arith.cmpi slt, %select_n3A_2712, %lt3A_2718 : i32
      %ne3A_2720 = arith.xori %lt3A_2717, %lt3A_2719 : i1
      %and3A_2721 = arith.andi %ne3A_2720, %ne3A_2715 : i1
      %add3A_2722 = arith.addi %rem3A_2713, %select_n3A_2712 : i32
      %select_n3A_2723 = arith.select %and3A_2721, %add3A_2722, %rem3A_2713 : i32
      %jit3A_2724 = arith.constant 4 : i32
      %eq3A_2725 = arith.constant 0 : i32
      %eq3A_2726 = arith.cmpi eq, %jit3A_2724, %eq3A_2725 : i32
      %jit3A_2727 = arith.constant 1 : i32
      %select_n3A_2728 = arith.select %eq3A_2726, %jit3A_2727, %jit3A_2724 : i32
      %rem3A_2729 = arith.remsi %scan3A_411, %select_n3A_2728 : i32
      %ne3A_2730 = arith.constant 0 : i32
      %ne3A_2731 = arith.cmpi ne, %rem3A_2729, %ne3A_2730 : i32
      %lt3A_2732 = arith.constant 0 : i32
      %lt3A_2733 = arith.cmpi slt, %rem3A_2729, %lt3A_2732 : i32
      %lt3A_2734 = arith.constant 0 : i32
      %lt3A_2735 = arith.cmpi slt, %select_n3A_2728, %lt3A_2734 : i32
      %ne3A_2736 = arith.xori %lt3A_2733, %lt3A_2735 : i1
      %and3A_2737 = arith.andi %ne3A_2736, %ne3A_2731 : i1
      %add3A_2738 = arith.addi %rem3A_2729, %select_n3A_2728 : i32
      %select_n3A_2739 = arith.select %and3A_2737, %add3A_2738, %rem3A_2729 : i32
      %mul3A_2740 = arith.constant 16 : i32
      %mul3A_2741 = arith.muli %select_n3A_2739, %mul3A_2740 : i32
      %add3A_2742 = arith.constant 15 : i32
      %add3A_2743 = arith.addi %mul3A_2741, %add3A_2742 : i32
      %broadcast_in_dim3A_2744 = vector.broadcast %sub3A_2705 : i32 to vector<16xi32>
      %gather3A_2745 = arith.constant 0 : i32
      %gather3A_2746 = arith.constant 0 : i32
      %gather3A_2747 = tpu.memref_slice %arg6[%select_n3A_2723, %gather3A_2745, %gather3A_2746] : memref<14x64x128xf32, #tpu.memory_space<vmem>> -> memref<1x64x128xf32, #tpu.memory_space<vmem>>
      %gather3A_2748 = tpu.memref_squeeze %gather3A_2747 : memref<1x64x128xf32, #tpu.memory_space<vmem>> -> memref<64x128xf32, #tpu.memory_space<vmem>>
      %gather3A_2749 = tpu.vector_load_idx %gather3A_2748[%add3A_5, %broadcast_in_dim3A_2744] : memref<64x128xf32, #tpu.memory_space<vmem>>[vector<16xi32>, vector<16xi32>], vector<16xf32>,
      %mul3A_2750 = arith.constant 64 : i32
      %mul3A_2751 = arith.muli %add3A_2743, %mul3A_2750 : i32
      %add3A_2752 = arith.constant 0 : i32
      %add3A_2753 = arith.addi %mul3A_2751, %add3A_2752 : i32
      %swap3A_2754 = arith.index_cast %add3A_2753 : i32 to index
      %swap3A_2755 = tpu.vector_load %arg7[%swap3A_2754] {strides = array<i32>} : memref<4096xf32, #tpu.memory_space<vmem>>, vector<16xf32>,
      tpu.vector_store %arg7[%swap3A_2754], %gather3A_2749 {strides = array<i32>} : memref<4096xf32, #tpu.memory_space<vmem>>, vector<16xf32>,
      %gather3A_2756 = arith.constant 0 : i32
      %gather3A_2757 = arith.constant 0 : i32
      %gather3A_2758 = tpu.memref_slice %arg6[%select_n3A_2723, %gather3A_2756, %gather3A_2757] : memref<14x64x128xf32, #tpu.memory_space<vmem>> -> memref<1x64x128xf32, #tpu.memory_space<vmem>>
      %gather3A_2759 = tpu.memref_squeeze %gather3A_2758 : memref<1x64x128xf32, #tpu.memory_space<vmem>> -> memref<64x128xf32, #tpu.memory_space<vmem>>
      %gather3A_2760 = tpu.vector_load_idx %gather3A_2759[%add3A_9, %broadcast_in_dim3A_2744] : memref<64x128xf32, #tpu.memory_space<vmem>>[vector<16xi32>, vector<16xi32>], vector<16xf32>,
      %mul3A_2761 = arith.constant 64 : i32
      %mul3A_2762 = arith.muli %add3A_2743, %mul3A_2761 : i32
      %add3A_2763 = arith.constant 16 : i32
      %add3A_2764 = arith.addi %mul3A_2762, %add3A_2763 : i32
      %swap3A_2765 = arith.index_cast %add3A_2764 : i32 to index
      %swap3A_2766 = tpu.vector_load %arg7[%swap3A_2765] {strides = array<i32>} : memref<4096xf32, #tpu.memory_space<vmem>>, vector<16xf32>,
      tpu.vector_store %arg7[%swap3A_2765], %gather3A_2760 {strides = array<i32>} : memref<4096xf32, #tpu.memory_space<vmem>>, vector<16xf32>,
      %gather3A_2767 = arith.constant 0 : i32
      %gather3A_2768 = arith.constant 0 : i32
      %gather3A_2769 = tpu.memref_slice %arg6[%select_n3A_2723, %gather3A_2767, %gather3A_2768] : memref<14x64x128xf32, #tpu.memory_space<vmem>> -> memref<1x64x128xf32, #tpu.memory_space<vmem>>
      %gather3A_2770 = tpu.memref_squeeze %gather3A_2769 : memref<1x64x128xf32, #tpu.memory_space<vmem>> -> memref<64x128xf32, #tpu.memory_space<vmem>>
      %gather3A_2771 = tpu.vector_load_idx %gather3A_2770[%add3A_13, %broadcast_in_dim3A_2744] : memref<64x128xf32, #tpu.memory_space<vmem>>[vector<16xi32>, vector<16xi32>], vector<16xf32>,
      %mul3A_2772 = arith.constant 64 : i32
      %mul3A_2773 = arith.muli %add3A_2743, %mul3A_2772 : i32
      %add3A_2774 = arith.constant 32 : i32
      %add3A_2775 = arith.addi %mul3A_2773, %add3A_2774 : i32
      %swap3A_2776 = arith.index_cast %add3A_2775 : i32 to index
      %swap3A_2777 = tpu.vector_load %arg7[%swap3A_2776] {strides = array<i32>} : memref<4096xf32, #tpu.memory_space<vmem>>, vector<16xf32>,
      tpu.vector_store %arg7[%swap3A_2776], %gather3A_2771 {strides = array<i32>} : memref<4096xf32, #tpu.memory_space<vmem>>, vector<16xf32>,
      %gather3A_2778 = arith.constant 0 : i32
      %gather3A_2779 = arith.constant 0 : i32
      %gather3A_2780 = tpu.memref_slice %arg6[%select_n3A_2723, %gather3A_2778, %gather3A_2779] : memref<14x64x128xf32, #tpu.memory_space<vmem>> -> memref<1x64x128xf32, #tpu.memory_space<vmem>>
      %gather3A_2781 = tpu.memref_squeeze %gather3A_2780 : memref<1x64x128xf32, #tpu.memory_space<vmem>> -> memref<64x128xf32, #tpu.memory_space<vmem>>
      %gather3A_2782 = tpu.vector_load_idx %gather3A_2781[%add3A_17, %broadcast_in_dim3A_2744] : memref<64x128xf32, #tpu.memory_space<vmem>>[vector<16xi32>, vector<16xi32>], vector<16xf32>,
      %mul3A_2783 = arith.constant 64 : i32
      %mul3A_2784 = arith.muli %add3A_2743, %mul3A_2783 : i32
      %add3A_2785 = arith.constant 48 : i32
      %add3A_2786 = arith.addi %mul3A_2784, %add3A_2785 : i32
      %swap3A_2787 = arith.index_cast %add3A_2786 : i32 to index
      %swap3A_2788 = tpu.vector_load %arg7[%swap3A_2787] {strides = array<i32>} : memref<4096xf32, #tpu.memory_space<vmem>>, vector<16xf32>,
      tpu.vector_store %arg7[%swap3A_2787], %gather3A_2782 {strides = array<i32>} : memref<4096xf32, #tpu.memory_space<vmem>>, vector<16xf32>,
      %slice3A_2789 = vector.extract_strided_slice %get3A_425 {offsets = [11], sizes = [1], strides = [1]} : vector<16xi32> to vector<1xi32>
      %squeeze3A_2790 = vector.extract %slice3A_2789[0] : i32 from vector<1xi32>
      %jit3A_2791 = arith.constant 128 : i32
      %div3A_2792 = arith.divsi %squeeze3A_2790, %jit3A_2791 : i32
      %sign3A_2793 = arith.constant 0 : i32
      %sign3A_2794 = arith.cmpi sgt, %squeeze3A_2790, %sign3A_2793 : i32
      %sign3A_2795 = arith.extui %sign3A_2794 : i1 to i32
      %sign3A_2796 = arith.constant 0 : i32
      %sign3A_2797 = arith.cmpi slt, %squeeze3A_2790, %sign3A_2796 : i32
      %sign3A_2798 = arith.extui %sign3A_2797 : i1 to i32
      %sign3A_2799 = arith.subi %sign3A_2795, %sign3A_2798 : i32
      %sign3A_2800 = arith.constant 0 : i32
      %sign3A_2801 = arith.cmpi sgt, %jit3A_2791, %sign3A_2800 : i32
      %sign3A_2802 = arith.extui %sign3A_2801 : i1 to i32
      %sign3A_2803 = arith.constant 0 : i32
      %sign3A_2804 = arith.cmpi slt, %jit3A_2791, %sign3A_2803 : i32
      %sign3A_2805 = arith.extui %sign3A_2804 : i1 to i32
      %sign3A_2806 = arith.subi %sign3A_2802, %sign3A_2805 : i32
      %ne3A_2807 = arith.cmpi ne, %sign3A_2799, %sign3A_2806 : i32
      %rem3A_2808 = arith.remsi %squeeze3A_2790, %jit3A_2791 : i32
      %ne3A_2809 = arith.constant 0 : i32
      %ne3A_2810 = arith.cmpi ne, %rem3A_2808, %ne3A_2809 : i32
      %and3A_2811 = arith.andi %ne3A_2807, %ne3A_2810 : i1
      %sub3A_2812 = arith.constant 1 : i32
      %sub3A_2813 = arith.subi %div3A_2792, %sub3A_2812 : i32
      %select_n3A_2814 = arith.select %and3A_2811, %sub3A_2813, %div3A_2792 : i32
      %ne3A_2815 = arith.cmpi ne, %select_n3A_2814, %select_n3A_2664 : i32
      %convert_element_type3A_2816 = arith.extui %ne3A_2815 : i1 to i32
      %cond3A_2817 = arith.constant 0 : i32
      %cond3A_2818 = arith.cmpi ne, %convert_element_type3A_2816, %cond3A_2817 : i32
      scf.if %cond3A_2818 {
        %jit3A_2842 = arith.constant 14 : i32
        %eq3A_2843 = arith.constant 0 : i32
        %eq3A_2844 = arith.cmpi eq, %jit3A_2842, %eq3A_2843 : i32
        %jit3A_2845 = arith.constant 1 : i32
        %select_n3A_2846 = arith.select %eq3A_2844, %jit3A_2845, %jit3A_2842 : i32
        %rem3A_2847 = arith.remsi %add3A_2670, %select_n3A_2846 : i32
        %ne3A_2848 = arith.constant 0 : i32
        %ne3A_2849 = arith.cmpi ne, %rem3A_2847, %ne3A_2848 : i32
        %lt3A_2850 = arith.constant 0 : i32
        %lt3A_2851 = arith.cmpi slt, %rem3A_2847, %lt3A_2850 : i32
        %lt3A_2852 = arith.constant 0 : i32
        %lt3A_2853 = arith.cmpi slt, %select_n3A_2846, %lt3A_2852 : i32
        %ne3A_2854 = arith.xori %lt3A_2851, %lt3A_2853 : i1
        %and3A_2855 = arith.andi %ne3A_2854, %ne3A_2849 : i1
        %add3A_2856 = arith.addi %rem3A_2847, %select_n3A_2846 : i32
        %select_n3A_2857 = arith.select %and3A_2855, %add3A_2856, %rem3A_2847 : i32
        %mul3A_2858 = arith.constant 128 : i32
        %mul3A_2859 = arith.muli %select_n3A_2814, %mul3A_2858 : i32
        %multiple_of3A = tpu.assume_multiple %mul3A_2859, 128 : i32
        %dma_start3A = arith.constant 0 : i32
        %dma_start3A_2860 = arith.constant 0 : i32
        %dma_start3A_2861 = tpu.memref_slice %arg6[%select_n3A_2857, %dma_start3A, %dma_start3A_2860] : memref<14x64x128xf32, #tpu.memory_space<vmem>> -> memref<1x64x128xf32, #tpu.memory_space<vmem>>
        %dma_start3A_2862 = tpu.memref_squeeze %dma_start3A_2861 : memref<1x64x128xf32, #tpu.memory_space<vmem>> -> memref<64x128xf32, #tpu.memory_space<vmem>>
        %dma_start3A_2863 = arith.constant 0 : i32
        %dma_start3A_2864 = tpu.memref_slice %arg3[%dma_start3A_2863, %multiple_of3A] : memref<64x1000000xf32, #tpu.memory_space<hbm>> -> memref<64x128xf32, #tpu.memory_space<hbm>>
        %dma_start3A_2865 = arith.constant 0 : i32
        %dma_start3A_2866 = arith.constant 0 : i32
        %dma_start3A_2867 = tpu.memref_slice %arg6[%select_n3A_2857, %dma_start3A_2865, %dma_start3A_2866] : memref<14x64x128xf32, #tpu.memory_space<vmem>> -> memref<1x64x128xf32, #tpu.memory_space<vmem>>
        %dma_start3A_2868 = tpu.memref_squeeze %dma_start3A_2867 : memref<1x64x128xf32, #tpu.memory_space<vmem>> -> memref<64x128xf32, #tpu.memory_space<vmem>>
        %dma_start3A_2869 = arith.constant 0 : i32
        %dma_start3A_2870 = tpu.memref_slice %arg3[%dma_start3A_2869, %multiple_of3A] : memref<64x1000000xf32, #tpu.memory_space<hbm>> -> memref<64x128xf32, #tpu.memory_space<hbm>>
        tpu.enqueue_dma source(%dma_start3A_2870 : memref<64x128xf32, #tpu.memory_space<hbm>>) target(%dma_start3A_2868 : memref<64x128xf32, #tpu.memory_space<vmem>>) target_semaphore(%arg8 : memref<!tpu.dma_semaphore, #tpu.memory_space<semaphore_mem>>)
      } else {
      }
      %convert_element_type3A_2819 = arith.extui %ne3A_2815 : i1 to i32
      %add3A_2820 = arith.addi %add3A_2670, %convert_element_type3A_2819 : i32
      %jit3A_2821 = arith.constant 4 : i32
      %eq3A_2822 = arith.constant 0 : i32
      %eq3A_2823 = arith.cmpi eq, %jit3A_2821, %eq3A_2822 : i32
      %jit3A_2824 = arith.constant 1 : i32
      %select_n3A_2825 = arith.select %eq3A_2823, %jit3A_2824, %jit3A_2821 : i32
      %rem3A_2826 = arith.remsi %scan3A_411, %select_n3A_2825 : i32
      %ne3A_2827 = arith.constant 0 : i32
      %ne3A_2828 = arith.cmpi ne, %rem3A_2826, %ne3A_2827 : i32
      %lt3A_2829 = arith.constant 0 : i32
      %lt3A_2830 = arith.cmpi slt, %rem3A_2826, %lt3A_2829 : i32
      %lt3A_2831 = arith.constant 0 : i32
      %lt3A_2832 = arith.cmpi slt, %select_n3A_2825, %lt3A_2831 : i32
      %ne3A_2833 = arith.xori %lt3A_2830, %lt3A_2832 : i1
      %and3A_2834 = arith.andi %ne3A_2833, %ne3A_2828 : i1
      %add3A_2835 = arith.addi %rem3A_2826, %select_n3A_2825 : i32
      %select_n3A_2836 = arith.select %and3A_2834, %add3A_2835, %rem3A_2826 : i32
      %eq3A_2837 = arith.constant 3 : i32
      %eq3A_2838 = arith.cmpi eq, %select_n3A_2836, %eq3A_2837 : i32
      %convert_element_type3A_2839 = arith.extui %eq3A_2838 : i1 to i32
      %cond3A_2840 = arith.constant 0 : i32
      %cond3A_2841 = arith.cmpi ne, %convert_element_type3A_2839, %cond3A_2840 : i32
      scf.if %cond3A_2841 {
        %jit3A_2842 = arith.constant 4 : i32
        %div3A_2843 = arith.divsi %scan3A_411, %jit3A_2842 : i32
        %sign3A_2844 = arith.constant 0 : i32
        %sign3A_2845 = arith.cmpi sgt, %scan3A_411, %sign3A_2844 : i32
        %sign3A_2846 = arith.extui %sign3A_2845 : i1 to i32
        %sign3A_2847 = arith.constant 0 : i32
        %sign3A_2848 = arith.cmpi slt, %scan3A_411, %sign3A_2847 : i32
        %sign3A_2849 = arith.extui %sign3A_2848 : i1 to i32
        %sign3A_2850 = arith.subi %sign3A_2846, %sign3A_2849 : i32
        %sign3A_2851 = arith.constant 0 : i32
        %sign3A_2852 = arith.cmpi sgt, %jit3A_2842, %sign3A_2851 : i32
        %sign3A_2853 = arith.extui %sign3A_2852 : i1 to i32
        %sign3A_2854 = arith.constant 0 : i32
        %sign3A_2855 = arith.cmpi slt, %jit3A_2842, %sign3A_2854 : i32
        %sign3A_2856 = arith.extui %sign3A_2855 : i1 to i32
        %sign3A_2857 = arith.subi %sign3A_2853, %sign3A_2856 : i32
        %ne3A_2858 = arith.cmpi ne, %sign3A_2850, %sign3A_2857 : i32
        %rem3A_2859 = arith.remsi %scan3A_411, %jit3A_2842 : i32
        %ne3A_2860 = arith.constant 0 : i32
        %ne3A_2861 = arith.cmpi ne, %rem3A_2859, %ne3A_2860 : i32
        %and3A_2862 = arith.andi %ne3A_2858, %ne3A_2861 : i1
        %sub3A_2863 = arith.constant 1 : i32
        %sub3A_2864 = arith.subi %div3A_2843, %sub3A_2863 : i32
        %select_n3A_2865 = arith.select %and3A_2862, %sub3A_2864, %div3A_2843 : i32
        %mul3A_2866 = arith.constant 64 : i32
        %mul3A_2867 = arith.muli %select_n3A_2865, %mul3A_2866 : i32
        %add3A_2868 = arith.addi %mul3A_2, %mul3A_2867 : i32
        %mul3A_2869 = arith.constant 64 : i32
        %mul3A_2870 = arith.muli %add3A_2868, %mul3A_2869 : i32
        "tpu.region"() ({
          %run_scoped3A = tpu.sem_alloc : memref<!tpu.dma_semaphore, #tpu.memory_space<semaphore_mem>>
          %dma_start3A = tpu.memref_slice %arg4[%mul3A_2870] : memref<1048576xf32, #tpu.memory_space<hbm>> -> memref<4096xf32, #tpu.memory_space<hbm>>
          %dma_start3A_2871 = tpu.memref_slice %arg4[%mul3A_2870] : memref<1048576xf32, #tpu.memory_space<hbm>> -> memref<4096xf32, #tpu.memory_space<hbm>>
          tpu.enqueue_dma source(%arg7 : memref<4096xf32, #tpu.memory_space<vmem>>) target(%dma_start3A_2871 : memref<4096xf32, #tpu.memory_space<hbm>>) target_semaphore(%run_scoped3A : memref<!tpu.dma_semaphore, #tpu.memory_space<semaphore_mem>>)
          %dma_wait3A = tpu.memref_slice %arg4[%mul3A_2870] : memref<1048576xf32, #tpu.memory_space<hbm>> -> memref<4096xf32, #tpu.memory_space<hbm>>
          %dma_wait3A_2872 = tpu.memref_slice %arg4[%mul3A_2870] : memref<1048576xf32, #tpu.memory_space<hbm>> -> memref<4096xf32, #tpu.memory_space<hbm>>
          tpu.wait_dma2 semaphore(%run_scoped3A : memref<!tpu.dma_semaphore, #tpu.memory_space<semaphore_mem>>) src(%arg7 : memref<4096xf32, #tpu.memory_space<vmem>>) dst(%dma_wait3A_2872 : memref<4096xf32, #tpu.memory_space<hbm>>)
          tpu.yield
        }) : () -> ()
      } else {
      }
      scf.yield %add3A_2820, %select_n3A_2814, %add3A_2702, %select_n3A_2696 : i32, i32, i32, i32
    }
    %scan3A_400 = arith.constant 32 : i32
    %sub3A_401 = arith.subi %scan3A_399#0, %scan3A_399#2 : i32
    %while3A = arith.constant 0 : i32
    %while3A_402 = arith.constant 0 : i32
    %while3A_403 = arith.subi %sub3A_401, %while3A_402 : i32
    %while3A_404 = arith.addi %while3A_402, %while3A_403 : i32
    %while3A_405 = arith.constant 1 : i32
    %while3A_406 = arith.divsi %while3A_403, %while3A_405 : i32
    %while3A_407 = arith.muli %while3A_406, %while3A_405 : i32
    %while3A_408 = arith.addi %while3A_402, %while3A_407 : i32
    %while3A_409 = arith.constant 1 : i32
    scf.for %while3A_411 = %while3A_402 to %while3A_408 step %while3A_409  : i32 {
      %dma_wait3A = arith.constant 0 : i32
      %dma_wait3A_412 = arith.constant 0 : i32
      %dma_wait3A_413 = arith.constant 0 : i32
      %dma_wait3A_414 = tpu.memref_slice %arg6[%dma_wait3A, %dma_wait3A_412, %dma_wait3A_413] : memref<14x64x128xf32, #tpu.memory_space<vmem>> -> memref<1x64x128xf32, #tpu.memory_space<vmem>>
      %dma_wait3A_415 = tpu.memref_squeeze %dma_wait3A_414 : memref<1x64x128xf32, #tpu.memory_space<vmem>> -> memref<64x128xf32, #tpu.memory_space<vmem>>
      %dma_wait3A_416 = arith.constant 0 : i32
      %dma_wait3A_417 = arith.constant 0 : i32
      %dma_wait3A_418 = tpu.memref_slice %arg3[%dma_wait3A_416, %dma_wait3A_417] : memref<64x1000000xf32, #tpu.memory_space<hbm>> -> memref<64x128xf32, #tpu.memory_space<hbm>>
      %dma_wait3A_419 = arith.constant 0 : i32
      %dma_wait3A_420 = arith.constant 0 : i32
      %dma_wait3A_421 = tpu.memref_slice %arg6[%dma_wait3A, %dma_wait3A_419, %dma_wait3A_420] : memref<14x64x128xf32, #tpu.memory_space<vmem>> -> memref<1x64x128xf32, #tpu.memory_space<vmem>>
      %dma_wait3A_422 = tpu.memref_squeeze %dma_wait3A_421 : memref<1x64x128xf32, #tpu.memory_space<vmem>> -> memref<64x128xf32, #tpu.memory_space<vmem>>
      %dma_wait3A_423 = arith.constant 0 : i32
      %dma_wait3A_424 = arith.constant 0 : i32
      %dma_wait3A_425 = tpu.memref_slice %arg3[%dma_wait3A_423, %dma_wait3A_424] : memref<64x1000000xf32, #tpu.memory_space<hbm>> -> memref<64x128xf32, #tpu.memory_space<hbm>>
      tpu.wait_dma2 semaphore(%arg8 : memref<!tpu.dma_semaphore, #tpu.memory_space<semaphore_mem>>) src(%dma_wait3A_425 : memref<64x128xf32, #tpu.memory_space<hbm>>) dst(%dma_wait3A_422 : memref<64x128xf32, #tpu.memory_space<vmem>>)
    }
    %while3A_410 = arith.constant 1 : i32
    scf.for %while3A_411 = %while3A_408 to %while3A_404 step %while3A_410  : i32 {
      %dma_wait3A = arith.constant 0 : i32
      %dma_wait3A_412 = arith.constant 0 : i32
      %dma_wait3A_413 = arith.constant 0 : i32
      %dma_wait3A_414 = tpu.memref_slice %arg6[%dma_wait3A, %dma_wait3A_412, %dma_wait3A_413] : memref<14x64x128xf32, #tpu.memory_space<vmem>> -> memref<1x64x128xf32, #tpu.memory_space<vmem>>
      %dma_wait3A_415 = tpu.memref_squeeze %dma_wait3A_414 : memref<1x64x128xf32, #tpu.memory_space<vmem>> -> memref<64x128xf32, #tpu.memory_space<vmem>>
      %dma_wait3A_416 = arith.constant 0 : i32
      %dma_wait3A_417 = arith.constant 0 : i32
      %dma_wait3A_418 = tpu.memref_slice %arg3[%dma_wait3A_416, %dma_wait3A_417] : memref<64x1000000xf32, #tpu.memory_space<hbm>> -> memref<64x128xf32, #tpu.memory_space<hbm>>
      %dma_wait3A_419 = arith.constant 0 : i32
      %dma_wait3A_420 = arith.constant 0 : i32
      %dma_wait3A_421 = tpu.memref_slice %arg6[%dma_wait3A, %dma_wait3A_419, %dma_wait3A_420] : memref<14x64x128xf32, #tpu.memory_space<vmem>> -> memref<1x64x128xf32, #tpu.memory_space<vmem>>
      %dma_wait3A_422 = tpu.memref_squeeze %dma_wait3A_421 : memref<1x64x128xf32, #tpu.memory_space<vmem>> -> memref<64x128xf32, #tpu.memory_space<vmem>>
      %dma_wait3A_423 = arith.constant 0 : i32
      %dma_wait3A_424 = arith.constant 0 : i32
      %dma_wait3A_425 = tpu.memref_slice %arg3[%dma_wait3A_423, %dma_wait3A_424] : memref<64x1000000xf32, #tpu.memory_space<hbm>> -> memref<64x128xf32, #tpu.memory_space<hbm>>
      tpu.wait_dma2 semaphore(%arg8 : memref<!tpu.dma_semaphore, #tpu.memory_space<semaphore_mem>>) src(%dma_wait3A_425 : memref<64x128xf32, #tpu.memory_space<hbm>>) dst(%dma_wait3A_422 : memref<64x128xf32, #tpu.memory_space<vmem>>)
    }
    return
  }
}

#map = affine_map<(d0, d1) -> (0)>
#map1 = affine_map<(d0, d1) -> (0, 0)>
module attributes {stable_mosaic.version = 14 : i64} {
  func.func @_sc_scatter(%arg0: i32, %arg1: i32, %arg2: memref<16384xi32, #tpu.memory_space<hbm>>, %arg3: memref<16384x64xf32, #tpu.memory_space<hbm>>, %arg4: memref<16384x64xf32, #tpu.memory_space<hbm>>, %arg5: memref<4x128xi32, #tpu.memory_space<vmem>>, %arg6: memref<512x64xf32, #tpu.memory_space<vmem>>, %arg7: memref<!tpu.dma_semaphore, #tpu.memory_space<semaphore_mem>>) attributes {dimension_semantics = [#tpu.dimension_semantics<core_parallel>, #tpu.dimension_semantics<subcore_parallel>], iteration_bounds = array<i64: 2, 16>, scalar_prefetch = 0 : i64, scratch_operands = 3 : i64, tpu.core_type = #tpu.core_type<sc_vector_subcore>, window_params = [{transform_indices = #map}, {transform_indices = #map1}, {transform_indices = #map1}]} {
    %mul3A = arith.constant 2 : i32
    %mul3A_0 = arith.muli %arg1, %mul3A : i32
    %add3A = arith.addi %mul3A_0, %arg0 : i32
    %mul3A_1 = arith.constant 512 : i32
    %mul3A_2 = arith.muli %add3A, %mul3A_1 : i32
    %add3A_3 = arith.constant 0 : i32
    %add3A_4 = arith.addi %mul3A_2, %add3A_3 : i32
    %run_scoped3A = arith.constant 0 : i32
    "tpu.region"() ({
      %run_scoped3A_92 = tpu.sem_alloc : memref<!tpu.dma_semaphore, #tpu.memory_space<semaphore_mem>>
      %dma_start3A_93 = arith.constant 0 : i32
      %dma_start3A_94 = tpu.memref_slice %arg5[%run_scoped3A, %dma_start3A_93] : memref<4x128xi32, #tpu.memory_space<vmem>> -> memref<1x128xi32, #tpu.memory_space<vmem>>
      %dma_start3A_95 = tpu.memref_squeeze %dma_start3A_94 : memref<1x128xi32, #tpu.memory_space<vmem>> -> memref<128xi32, #tpu.memory_space<vmem>>
      %dma_start3A_96 = tpu.memref_slice %arg2[%add3A_4] : memref<16384xi32, #tpu.memory_space<hbm>> -> memref<128xi32, #tpu.memory_space<hbm>>
      %dma_start3A_97 = arith.constant 0 : i32
      %dma_start3A_98 = tpu.memref_slice %arg5[%run_scoped3A, %dma_start3A_97] : memref<4x128xi32, #tpu.memory_space<vmem>> -> memref<1x128xi32, #tpu.memory_space<vmem>>
      %dma_start3A_99 = tpu.memref_squeeze %dma_start3A_98 : memref<1x128xi32, #tpu.memory_space<vmem>> -> memref<128xi32, #tpu.memory_space<vmem>>
      %dma_start3A_100 = tpu.memref_slice %arg2[%add3A_4] : memref<16384xi32, #tpu.memory_space<hbm>> -> memref<128xi32, #tpu.memory_space<hbm>>
      tpu.enqueue_dma source(%dma_start3A_100 : memref<128xi32, #tpu.memory_space<hbm>>) target(%dma_start3A_99 : memref<128xi32, #tpu.memory_space<vmem>>) target_semaphore(%run_scoped3A_92 : memref<!tpu.dma_semaphore, #tpu.memory_space<semaphore_mem>>)
      %dma_wait3A_101 = arith.constant 0 : i32
      %dma_wait3A_102 = tpu.memref_slice %arg5[%run_scoped3A, %dma_wait3A_101] : memref<4x128xi32, #tpu.memory_space<vmem>> -> memref<1x128xi32, #tpu.memory_space<vmem>>
      %dma_wait3A_103 = tpu.memref_squeeze %dma_wait3A_102 : memref<1x128xi32, #tpu.memory_space<vmem>> -> memref<128xi32, #tpu.memory_space<vmem>>
      %dma_wait3A_104 = tpu.memref_slice %arg2[%add3A_4] : memref<16384xi32, #tpu.memory_space<hbm>> -> memref<128xi32, #tpu.memory_space<hbm>>
      %dma_wait3A_105 = arith.constant 0 : i32
      %dma_wait3A_106 = tpu.memref_slice %arg5[%run_scoped3A, %dma_wait3A_105] : memref<4x128xi32, #tpu.memory_space<vmem>> -> memref<1x128xi32, #tpu.memory_space<vmem>>
      %dma_wait3A_107 = tpu.memref_squeeze %dma_wait3A_106 : memref<1x128xi32, #tpu.memory_space<vmem>> -> memref<128xi32, #tpu.memory_space<vmem>>
      %dma_wait3A_108 = tpu.memref_slice %arg2[%add3A_4] : memref<16384xi32, #tpu.memory_space<hbm>> -> memref<128xi32, #tpu.memory_space<hbm>>
      tpu.wait_dma2 semaphore(%run_scoped3A_92 : memref<!tpu.dma_semaphore, #tpu.memory_space<semaphore_mem>>) src(%dma_wait3A_108 : memref<128xi32, #tpu.memory_space<hbm>>) dst(%dma_wait3A_107 : memref<128xi32, #tpu.memory_space<vmem>>)
      tpu.yield
    }) : () -> ()
    %add3A_5 = arith.constant 128 : i32
    %add3A_6 = arith.addi %mul3A_2, %add3A_5 : i32
    %run_scoped3A_7 = arith.constant 1 : i32
    "tpu.region"() ({
      %run_scoped3A_92 = tpu.sem_alloc : memref<!tpu.dma_semaphore, #tpu.memory_space<semaphore_mem>>
      %dma_start3A_93 = arith.constant 0 : i32
      %dma_start3A_94 = tpu.memref_slice %arg5[%run_scoped3A_7, %dma_start3A_93] : memref<4x128xi32, #tpu.memory_space<vmem>> -> memref<1x128xi32, #tpu.memory_space<vmem>>
      %dma_start3A_95 = tpu.memref_squeeze %dma_start3A_94 : memref<1x128xi32, #tpu.memory_space<vmem>> -> memref<128xi32, #tpu.memory_space<vmem>>
      %dma_start3A_96 = tpu.memref_slice %arg2[%add3A_6] : memref<16384xi32, #tpu.memory_space<hbm>> -> memref<128xi32, #tpu.memory_space<hbm>>
      %dma_start3A_97 = arith.constant 0 : i32
      %dma_start3A_98 = tpu.memref_slice %arg5[%run_scoped3A_7, %dma_start3A_97] : memref<4x128xi32, #tpu.memory_space<vmem>> -> memref<1x128xi32, #tpu.memory_space<vmem>>
      %dma_start3A_99 = tpu.memref_squeeze %dma_start3A_98 : memref<1x128xi32, #tpu.memory_space<vmem>> -> memref<128xi32, #tpu.memory_space<vmem>>
      %dma_start3A_100 = tpu.memref_slice %arg2[%add3A_6] : memref<16384xi32, #tpu.memory_space<hbm>> -> memref<128xi32, #tpu.memory_space<hbm>>
      tpu.enqueue_dma source(%dma_start3A_100 : memref<128xi32, #tpu.memory_space<hbm>>) target(%dma_start3A_99 : memref<128xi32, #tpu.memory_space<vmem>>) target_semaphore(%run_scoped3A_92 : memref<!tpu.dma_semaphore, #tpu.memory_space<semaphore_mem>>)
      %dma_wait3A_101 = arith.constant 0 : i32
      %dma_wait3A_102 = tpu.memref_slice %arg5[%run_scoped3A_7, %dma_wait3A_101] : memref<4x128xi32, #tpu.memory_space<vmem>> -> memref<1x128xi32, #tpu.memory_space<vmem>>
      %dma_wait3A_103 = tpu.memref_squeeze %dma_wait3A_102 : memref<1x128xi32, #tpu.memory_space<vmem>> -> memref<128xi32, #tpu.memory_space<vmem>>
      %dma_wait3A_104 = tpu.memref_slice %arg2[%add3A_6] : memref<16384xi32, #tpu.memory_space<hbm>> -> memref<128xi32, #tpu.memory_space<hbm>>
      %dma_wait3A_105 = arith.constant 0 : i32
      %dma_wait3A_106 = tpu.memref_slice %arg5[%run_scoped3A_7, %dma_wait3A_105] : memref<4x128xi32, #tpu.memory_space<vmem>> -> memref<1x128xi32, #tpu.memory_space<vmem>>
      %dma_wait3A_107 = tpu.memref_squeeze %dma_wait3A_106 : memref<1x128xi32, #tpu.memory_space<vmem>> -> memref<128xi32, #tpu.memory_space<vmem>>
      %dma_wait3A_108 = tpu.memref_slice %arg2[%add3A_6] : memref<16384xi32, #tpu.memory_space<hbm>> -> memref<128xi32, #tpu.memory_space<hbm>>
      tpu.wait_dma2 semaphore(%run_scoped3A_92 : memref<!tpu.dma_semaphore, #tpu.memory_space<semaphore_mem>>) src(%dma_wait3A_108 : memref<128xi32, #tpu.memory_space<hbm>>) dst(%dma_wait3A_107 : memref<128xi32, #tpu.memory_space<vmem>>)
      tpu.yield
    }) : () -> ()
    %add3A_8 = arith.constant 256 : i32
    %add3A_9 = arith.addi %mul3A_2, %add3A_8 : i32
    %run_scoped3A_10 = arith.constant 2 : i32
    "tpu.region"() ({
      %run_scoped3A_92 = tpu.sem_alloc : memref<!tpu.dma_semaphore, #tpu.memory_space<semaphore_mem>>
      %dma_start3A_93 = arith.constant 0 : i32
      %dma_start3A_94 = tpu.memref_slice %arg5[%run_scoped3A_10, %dma_start3A_93] : memref<4x128xi32, #tpu.memory_space<vmem>> -> memref<1x128xi32, #tpu.memory_space<vmem>>
      %dma_start3A_95 = tpu.memref_squeeze %dma_start3A_94 : memref<1x128xi32, #tpu.memory_space<vmem>> -> memref<128xi32, #tpu.memory_space<vmem>>
      %dma_start3A_96 = tpu.memref_slice %arg2[%add3A_9] : memref<16384xi32, #tpu.memory_space<hbm>> -> memref<128xi32, #tpu.memory_space<hbm>>
      %dma_start3A_97 = arith.constant 0 : i32
      %dma_start3A_98 = tpu.memref_slice %arg5[%run_scoped3A_10, %dma_start3A_97] : memref<4x128xi32, #tpu.memory_space<vmem>> -> memref<1x128xi32, #tpu.memory_space<vmem>>
      %dma_start3A_99 = tpu.memref_squeeze %dma_start3A_98 : memref<1x128xi32, #tpu.memory_space<vmem>> -> memref<128xi32, #tpu.memory_space<vmem>>
      %dma_start3A_100 = tpu.memref_slice %arg2[%add3A_9] : memref<16384xi32, #tpu.memory_space<hbm>> -> memref<128xi32, #tpu.memory_space<hbm>>
      tpu.enqueue_dma source(%dma_start3A_100 : memref<128xi32, #tpu.memory_space<hbm>>) target(%dma_start3A_99 : memref<128xi32, #tpu.memory_space<vmem>>) target_semaphore(%run_scoped3A_92 : memref<!tpu.dma_semaphore, #tpu.memory_space<semaphore_mem>>)
      %dma_wait3A_101 = arith.constant 0 : i32
      %dma_wait3A_102 = tpu.memref_slice %arg5[%run_scoped3A_10, %dma_wait3A_101] : memref<4x128xi32, #tpu.memory_space<vmem>> -> memref<1x128xi32, #tpu.memory_space<vmem>>
      %dma_wait3A_103 = tpu.memref_squeeze %dma_wait3A_102 : memref<1x128xi32, #tpu.memory_space<vmem>> -> memref<128xi32, #tpu.memory_space<vmem>>
      %dma_wait3A_104 = tpu.memref_slice %arg2[%add3A_9] : memref<16384xi32, #tpu.memory_space<hbm>> -> memref<128xi32, #tpu.memory_space<hbm>>
      %dma_wait3A_105 = arith.constant 0 : i32
      %dma_wait3A_106 = tpu.memref_slice %arg5[%run_scoped3A_10, %dma_wait3A_105] : memref<4x128xi32, #tpu.memory_space<vmem>> -> memref<1x128xi32, #tpu.memory_space<vmem>>
      %dma_wait3A_107 = tpu.memref_squeeze %dma_wait3A_106 : memref<1x128xi32, #tpu.memory_space<vmem>> -> memref<128xi32, #tpu.memory_space<vmem>>
      %dma_wait3A_108 = tpu.memref_slice %arg2[%add3A_9] : memref<16384xi32, #tpu.memory_space<hbm>> -> memref<128xi32, #tpu.memory_space<hbm>>
      tpu.wait_dma2 semaphore(%run_scoped3A_92 : memref<!tpu.dma_semaphore, #tpu.memory_space<semaphore_mem>>) src(%dma_wait3A_108 : memref<128xi32, #tpu.memory_space<hbm>>) dst(%dma_wait3A_107 : memref<128xi32, #tpu.memory_space<vmem>>)
      tpu.yield
    }) : () -> ()
    %add3A_11 = arith.constant 384 : i32
    %add3A_12 = arith.addi %mul3A_2, %add3A_11 : i32
    %run_scoped3A_13 = arith.constant 3 : i32
    "tpu.region"() ({
      %run_scoped3A_92 = tpu.sem_alloc : memref<!tpu.dma_semaphore, #tpu.memory_space<semaphore_mem>>
      %dma_start3A_93 = arith.constant 0 : i32
      %dma_start3A_94 = tpu.memref_slice %arg5[%run_scoped3A_13, %dma_start3A_93] : memref<4x128xi32, #tpu.memory_space<vmem>> -> memref<1x128xi32, #tpu.memory_space<vmem>>
      %dma_start3A_95 = tpu.memref_squeeze %dma_start3A_94 : memref<1x128xi32, #tpu.memory_space<vmem>> -> memref<128xi32, #tpu.memory_space<vmem>>
      %dma_start3A_96 = tpu.memref_slice %arg2[%add3A_12] : memref<16384xi32, #tpu.memory_space<hbm>> -> memref<128xi32, #tpu.memory_space<hbm>>
      %dma_start3A_97 = arith.constant 0 : i32
      %dma_start3A_98 = tpu.memref_slice %arg5[%run_scoped3A_13, %dma_start3A_97] : memref<4x128xi32, #tpu.memory_space<vmem>> -> memref<1x128xi32, #tpu.memory_space<vmem>>
      %dma_start3A_99 = tpu.memref_squeeze %dma_start3A_98 : memref<1x128xi32, #tpu.memory_space<vmem>> -> memref<128xi32, #tpu.memory_space<vmem>>
      %dma_start3A_100 = tpu.memref_slice %arg2[%add3A_12] : memref<16384xi32, #tpu.memory_space<hbm>> -> memref<128xi32, #tpu.memory_space<hbm>>
      tpu.enqueue_dma source(%dma_start3A_100 : memref<128xi32, #tpu.memory_space<hbm>>) target(%dma_start3A_99 : memref<128xi32, #tpu.memory_space<vmem>>) target_semaphore(%run_scoped3A_92 : memref<!tpu.dma_semaphore, #tpu.memory_space<semaphore_mem>>)
      %dma_wait3A_101 = arith.constant 0 : i32
      %dma_wait3A_102 = tpu.memref_slice %arg5[%run_scoped3A_13, %dma_wait3A_101] : memref<4x128xi32, #tpu.memory_space<vmem>> -> memref<1x128xi32, #tpu.memory_space<vmem>>
      %dma_wait3A_103 = tpu.memref_squeeze %dma_wait3A_102 : memref<1x128xi32, #tpu.memory_space<vmem>> -> memref<128xi32, #tpu.memory_space<vmem>>
      %dma_wait3A_104 = tpu.memref_slice %arg2[%add3A_12] : memref<16384xi32, #tpu.memory_space<hbm>> -> memref<128xi32, #tpu.memory_space<hbm>>
      %dma_wait3A_105 = arith.constant 0 : i32
      %dma_wait3A_106 = tpu.memref_slice %arg5[%run_scoped3A_13, %dma_wait3A_105] : memref<4x128xi32, #tpu.memory_space<vmem>> -> memref<1x128xi32, #tpu.memory_space<vmem>>
      %dma_wait3A_107 = tpu.memref_squeeze %dma_wait3A_106 : memref<1x128xi32, #tpu.memory_space<vmem>> -> memref<128xi32, #tpu.memory_space<vmem>>
      %dma_wait3A_108 = tpu.memref_slice %arg2[%add3A_12] : memref<16384xi32, #tpu.memory_space<hbm>> -> memref<128xi32, #tpu.memory_space<hbm>>
      tpu.wait_dma2 semaphore(%run_scoped3A_92 : memref<!tpu.dma_semaphore, #tpu.memory_space<semaphore_mem>>) src(%dma_wait3A_108 : memref<128xi32, #tpu.memory_space<hbm>>) dst(%dma_wait3A_107 : memref<128xi32, #tpu.memory_space<vmem>>)
      tpu.yield
    }) : () -> ()
    "tpu.region"() ({
      %run_scoped3A_92 = tpu.sem_alloc : memref<!tpu.dma_semaphore, #tpu.memory_space<semaphore_mem>>
      %dma_start3A_93 = arith.constant 0 : i32
      %dma_start3A_94 = tpu.memref_slice %arg3[%mul3A_2, %dma_start3A_93] : memref<16384x64xf32, #tpu.memory_space<hbm>> -> memref<512x64xf32, #tpu.memory_space<hbm>>
      %dma_start3A_95 = arith.constant 0 : i32
      %dma_start3A_96 = tpu.memref_slice %arg3[%mul3A_2, %dma_start3A_95] : memref<16384x64xf32, #tpu.memory_space<hbm>> -> memref<512x64xf32, #tpu.memory_space<hbm>>
      tpu.enqueue_dma source(%dma_start3A_96 : memref<512x64xf32, #tpu.memory_space<hbm>>) target(%arg6 : memref<512x64xf32, #tpu.memory_space<vmem>>) target_semaphore(%run_scoped3A_92 : memref<!tpu.dma_semaphore, #tpu.memory_space<semaphore_mem>>)
      %dma_wait3A_97 = arith.constant 0 : i32
      %dma_wait3A_98 = tpu.memref_slice %arg3[%mul3A_2, %dma_wait3A_97] : memref<16384x64xf32, #tpu.memory_space<hbm>> -> memref<512x64xf32, #tpu.memory_space<hbm>>
      %dma_wait3A_99 = arith.constant 0 : i32
      %dma_wait3A_100 = tpu.memref_slice %arg3[%mul3A_2, %dma_wait3A_99] : memref<16384x64xf32, #tpu.memory_space<hbm>> -> memref<512x64xf32, #tpu.memory_space<hbm>>
      tpu.wait_dma2 semaphore(%run_scoped3A_92 : memref<!tpu.dma_semaphore, #tpu.memory_space<semaphore_mem>>) src(%dma_wait3A_100 : memref<512x64xf32, #tpu.memory_space<hbm>>) dst(%arg6 : memref<512x64xf32, #tpu.memory_space<vmem>>)
      tpu.yield
    }) : () -> ()
    %dma_start3A = arith.constant 0 : i32
    %dma_start3A_14 = arith.constant 0 : i32
    %dma_start3A_15 = arith.constant 0 : i32
    %dma_start3A_16 = tpu.memref_slice %arg6[%dma_start3A_14, %dma_start3A_15] : memref<512x64xf32, #tpu.memory_space<vmem>> -> memref<128x64xf32, #tpu.memory_space<vmem>>
    %dma_start3A_17 = arith.constant 0 : i32
    %dma_start3A_18 = tpu.memref_slice %arg5[%dma_start3A, %dma_start3A_17] : memref<4x128xi32, #tpu.memory_space<vmem>> -> memref<1x128xi32, #tpu.memory_space<vmem>>
    %dma_start3A_19 = tpu.memref_squeeze %dma_start3A_18 : memref<1x128xi32, #tpu.memory_space<vmem>> -> memref<128xi32, #tpu.memory_space<vmem>>
    %dma_start3A_20 = arith.constant 0 : i32
    %dma_start3A_21 = arith.constant 0 : i32
    %dma_start3A_22 = tpu.memref_slice %arg4[%dma_start3A_20, %dma_start3A_21] : memref<16384x64xf32, #tpu.memory_space<hbm>> -> memref<16384x64xf32, #tpu.memory_space<hbm>>
    tpu.enqueue_indirect_dma source(%dma_start3A_16 : memref<128x64xf32, #tpu.memory_space<vmem>>) target(%dma_start3A_22 : memref<16384x64xf32, #tpu.memory_space<hbm>>) offsets(%dma_start3A_19 : memref<128xi32, #tpu.memory_space<vmem>>) semaphore(%arg7 : memref<!tpu.dma_semaphore, #tpu.memory_space<semaphore_mem>>)
    %dma_start3A_23 = arith.constant 1 : i32
    %dma_start3A_24 = arith.constant 128 : i32
    %dma_start3A_25 = arith.constant 0 : i32
    %dma_start3A_26 = tpu.memref_slice %arg6[%dma_start3A_24, %dma_start3A_25] : memref<512x64xf32, #tpu.memory_space<vmem>> -> memref<128x64xf32, #tpu.memory_space<vmem>>
    %dma_start3A_27 = arith.constant 0 : i32
    %dma_start3A_28 = tpu.memref_slice %arg5[%dma_start3A_23, %dma_start3A_27] : memref<4x128xi32, #tpu.memory_space<vmem>> -> memref<1x128xi32, #tpu.memory_space<vmem>>
    %dma_start3A_29 = tpu.memref_squeeze %dma_start3A_28 : memref<1x128xi32, #tpu.memory_space<vmem>> -> memref<128xi32, #tpu.memory_space<vmem>>
    %dma_start3A_30 = arith.constant 0 : i32
    %dma_start3A_31 = arith.constant 0 : i32
    %dma_start3A_32 = tpu.memref_slice %arg4[%dma_start3A_30, %dma_start3A_31] : memref<16384x64xf32, #tpu.memory_space<hbm>> -> memref<16384x64xf32, #tpu.memory_space<hbm>>
    tpu.enqueue_indirect_dma source(%dma_start3A_26 : memref<128x64xf32, #tpu.memory_space<vmem>>) target(%dma_start3A_32 : memref<16384x64xf32, #tpu.memory_space<hbm>>) offsets(%dma_start3A_29 : memref<128xi32, #tpu.memory_space<vmem>>) semaphore(%arg7 : memref<!tpu.dma_semaphore, #tpu.memory_space<semaphore_mem>>)
    %dma_start3A_33 = arith.constant 2 : i32
    %dma_start3A_34 = arith.constant 256 : i32
    %dma_start3A_35 = arith.constant 0 : i32
    %dma_start3A_36 = tpu.memref_slice %arg6[%dma_start3A_34, %dma_start3A_35] : memref<512x64xf32, #tpu.memory_space<vmem>> -> memref<128x64xf32, #tpu.memory_space<vmem>>
    %dma_start3A_37 = arith.constant 0 : i32
    %dma_start3A_38 = tpu.memref_slice %arg5[%dma_start3A_33, %dma_start3A_37] : memref<4x128xi32, #tpu.memory_space<vmem>> -> memref<1x128xi32, #tpu.memory_space<vmem>>
    %dma_start3A_39 = tpu.memref_squeeze %dma_start3A_38 : memref<1x128xi32, #tpu.memory_space<vmem>> -> memref<128xi32, #tpu.memory_space<vmem>>
    %dma_start3A_40 = arith.constant 0 : i32
    %dma_start3A_41 = arith.constant 0 : i32
    %dma_start3A_42 = tpu.memref_slice %arg4[%dma_start3A_40, %dma_start3A_41] : memref<16384x64xf32, #tpu.memory_space<hbm>> -> memref<16384x64xf32, #tpu.memory_space<hbm>>
    tpu.enqueue_indirect_dma source(%dma_start3A_36 : memref<128x64xf32, #tpu.memory_space<vmem>>) target(%dma_start3A_42 : memref<16384x64xf32, #tpu.memory_space<hbm>>) offsets(%dma_start3A_39 : memref<128xi32, #tpu.memory_space<vmem>>) semaphore(%arg7 : memref<!tpu.dma_semaphore, #tpu.memory_space<semaphore_mem>>)
    %dma_start3A_43 = arith.constant 3 : i32
    %dma_start3A_44 = arith.constant 384 : i32
    %dma_start3A_45 = arith.constant 0 : i32
    %dma_start3A_46 = tpu.memref_slice %arg6[%dma_start3A_44, %dma_start3A_45] : memref<512x64xf32, #tpu.memory_space<vmem>> -> memref<128x64xf32, #tpu.memory_space<vmem>>
    %dma_start3A_47 = arith.constant 0 : i32
    %dma_start3A_48 = tpu.memref_slice %arg5[%dma_start3A_43, %dma_start3A_47] : memref<4x128xi32, #tpu.memory_space<vmem>> -> memref<1x128xi32, #tpu.memory_space<vmem>>
    %dma_start3A_49 = tpu.memref_squeeze %dma_start3A_48 : memref<1x128xi32, #tpu.memory_space<vmem>> -> memref<128xi32, #tpu.memory_space<vmem>>
    %dma_start3A_50 = arith.constant 0 : i32
    %dma_start3A_51 = arith.constant 0 : i32
    %dma_start3A_52 = tpu.memref_slice %arg4[%dma_start3A_50, %dma_start3A_51] : memref<16384x64xf32, #tpu.memory_space<hbm>> -> memref<16384x64xf32, #tpu.memory_space<hbm>>
    tpu.enqueue_indirect_dma source(%dma_start3A_46 : memref<128x64xf32, #tpu.memory_space<vmem>>) target(%dma_start3A_52 : memref<16384x64xf32, #tpu.memory_space<hbm>>) offsets(%dma_start3A_49 : memref<128xi32, #tpu.memory_space<vmem>>) semaphore(%arg7 : memref<!tpu.dma_semaphore, #tpu.memory_space<semaphore_mem>>)
    %dma_wait3A = arith.constant 0 : i32
    %dma_wait3A_53 = arith.constant 0 : i32
    %dma_wait3A_54 = arith.constant 0 : i32
    %dma_wait3A_55 = tpu.memref_slice %arg6[%dma_wait3A_53, %dma_wait3A_54] : memref<512x64xf32, #tpu.memory_space<vmem>> -> memref<128x64xf32, #tpu.memory_space<vmem>>
    %dma_wait3A_56 = arith.constant 0 : i32
    %dma_wait3A_57 = tpu.memref_slice %arg5[%dma_wait3A, %dma_wait3A_56] : memref<4x128xi32, #tpu.memory_space<vmem>> -> memref<1x128xi32, #tpu.memory_space<vmem>>
    %dma_wait3A_58 = tpu.memref_squeeze %dma_wait3A_57 : memref<1x128xi32, #tpu.memory_space<vmem>> -> memref<128xi32, #tpu.memory_space<vmem>>
    %dma_wait3A_59 = arith.constant 0 : i32
    %dma_wait3A_60 = arith.constant 0 : i32
    %dma_wait3A_61 = tpu.memref_slice %arg4[%dma_wait3A_59, %dma_wait3A_60] : memref<16384x64xf32, #tpu.memory_space<hbm>> -> memref<16384x64xf32, #tpu.memory_space<hbm>>
    tpu.wait_indirect_dma semaphore(%arg7 : memref<!tpu.dma_semaphore, #tpu.memory_space<semaphore_mem>>) src(%dma_wait3A_55 : memref<128x64xf32, #tpu.memory_space<vmem>>) dst(%dma_wait3A_61 : memref<16384x64xf32, #tpu.memory_space<hbm>>)
    %dma_wait3A_62 = arith.constant 1 : i32
    %dma_wait3A_63 = arith.constant 128 : i32
    %dma_wait3A_64 = arith.constant 0 : i32
    %dma_wait3A_65 = tpu.memref_slice %arg6[%dma_wait3A_63, %dma_wait3A_64] : memref<512x64xf32, #tpu.memory_space<vmem>> -> memref<128x64xf32, #tpu.memory_space<vmem>>
    %dma_wait3A_66 = arith.constant 0 : i32
    %dma_wait3A_67 = tpu.memref_slice %arg5[%dma_wait3A_62, %dma_wait3A_66] : memref<4x128xi32, #tpu.memory_space<vmem>> -> memref<1x128xi32, #tpu.memory_space<vmem>>
    %dma_wait3A_68 = tpu.memref_squeeze %dma_wait3A_67 : memref<1x128xi32, #tpu.memory_space<vmem>> -> memref<128xi32, #tpu.memory_space<vmem>>
    %dma_wait3A_69 = arith.constant 0 : i32
    %dma_wait3A_70 = arith.constant 0 : i32
    %dma_wait3A_71 = tpu.memref_slice %arg4[%dma_wait3A_69, %dma_wait3A_70] : memref<16384x64xf32, #tpu.memory_space<hbm>> -> memref<16384x64xf32, #tpu.memory_space<hbm>>
    tpu.wait_indirect_dma semaphore(%arg7 : memref<!tpu.dma_semaphore, #tpu.memory_space<semaphore_mem>>) src(%dma_wait3A_65 : memref<128x64xf32, #tpu.memory_space<vmem>>) dst(%dma_wait3A_71 : memref<16384x64xf32, #tpu.memory_space<hbm>>)
    %dma_wait3A_72 = arith.constant 2 : i32
    %dma_wait3A_73 = arith.constant 256 : i32
    %dma_wait3A_74 = arith.constant 0 : i32
    %dma_wait3A_75 = tpu.memref_slice %arg6[%dma_wait3A_73, %dma_wait3A_74] : memref<512x64xf32, #tpu.memory_space<vmem>> -> memref<128x64xf32, #tpu.memory_space<vmem>>
    %dma_wait3A_76 = arith.constant 0 : i32
    %dma_wait3A_77 = tpu.memref_slice %arg5[%dma_wait3A_72, %dma_wait3A_76] : memref<4x128xi32, #tpu.memory_space<vmem>> -> memref<1x128xi32, #tpu.memory_space<vmem>>
    %dma_wait3A_78 = tpu.memref_squeeze %dma_wait3A_77 : memref<1x128xi32, #tpu.memory_space<vmem>> -> memref<128xi32, #tpu.memory_space<vmem>>
    %dma_wait3A_79 = arith.constant 0 : i32
    %dma_wait3A_80 = arith.constant 0 : i32
    %dma_wait3A_81 = tpu.memref_slice %arg4[%dma_wait3A_79, %dma_wait3A_80] : memref<16384x64xf32, #tpu.memory_space<hbm>> -> memref<16384x64xf32, #tpu.memory_space<hbm>>
    tpu.wait_indirect_dma semaphore(%arg7 : memref<!tpu.dma_semaphore, #tpu.memory_space<semaphore_mem>>) src(%dma_wait3A_75 : memref<128x64xf32, #tpu.memory_space<vmem>>) dst(%dma_wait3A_81 : memref<16384x64xf32, #tpu.memory_space<hbm>>)
    %dma_wait3A_82 = arith.constant 3 : i32
    %dma_wait3A_83 = arith.constant 384 : i32
    %dma_wait3A_84 = arith.constant 0 : i32
    %dma_wait3A_85 = tpu.memref_slice %arg6[%dma_wait3A_83, %dma_wait3A_84] : memref<512x64xf32, #tpu.memory_space<vmem>> -> memref<128x64xf32, #tpu.memory_space<vmem>>
    %dma_wait3A_86 = arith.constant 0 : i32
    %dma_wait3A_87 = tpu.memref_slice %arg5[%dma_wait3A_82, %dma_wait3A_86] : memref<4x128xi32, #tpu.memory_space<vmem>> -> memref<1x128xi32, #tpu.memory_space<vmem>>
    %dma_wait3A_88 = tpu.memref_squeeze %dma_wait3A_87 : memref<1x128xi32, #tpu.memory_space<vmem>> -> memref<128xi32, #tpu.memory_space<vmem>>
    %dma_wait3A_89 = arith.constant 0 : i32
    %dma_wait3A_90 = arith.constant 0 : i32
    %dma_wait3A_91 = tpu.memref_slice %arg4[%dma_wait3A_89, %dma_wait3A_90] : memref<16384x64xf32, #tpu.memory_space<hbm>> -> memref<16384x64xf32, #tpu.memory_space<hbm>>
    tpu.wait_indirect_dma semaphore(%arg7 : memref<!tpu.dma_semaphore, #tpu.memory_space<semaphore_mem>>) src(%dma_wait3A_85 : memref<128x64xf32, #tpu.memory_space<vmem>>) dst(%dma_wait3A_91 : memref<16384x64xf32, #tpu.memory_space<hbm>>)
    return
  }
}

</mosaic_0001>

<sc_bundles>
// kernel: gather_offload_async_start
scs
__scs_entry_jumppad:
0x0: {  	(pc) =	sbr.rel $0x88, $3  }
0x1: {  	(tag) =	ssettag $0x0;
	lr =	simm.s32 $0x1  }
0x2: {  	[smem:$0x3F9F] =	sst lr;
	_ =	strace $0xD0000000  }
0x3: {  	_ = 	snop  }
0x4: {  	_ = 	snop  }
0x5: {  	_ = 	snop  }
0x6: {  	_ = 	snop  }
0x7: {  	_ = 	snop  }
__scs_overlays_trampoline_lowered:
0x8: {  	[smem:$0x3FAE] =	sst s0  }
0x9: {  	[smem:$0x3FAF] =	sst s1  }
0xa: {  	[smem:$0x3FB0] =	sst s2  }
0xb: {  	[smem:$0x3FB1] =	sst s3  }
0xc: {  	[smem:$0x3FB2] =	sst s4  }
0xd: {  	[smem:$0x3FB3] =	sst s5  }
0xe: {  	[smem:$0x3FB4] =	sst s6  }
0xf: {  	[smem:$0x3FB5] =	sst s7  }
0x10: {  	[smem:$0x3FB6] =	sst s8  }
0x11: {  	[smem:$0x3FB7] =	sst s9;
	s0 =	simm.s32 @!p0 $0x0  }
0x12: {  	s1 =	sld [smem:$0x3F9D];
	s0 =	simm.s32 @p0 $0x1  }
0x13: {  	[smem:$0x3FB8] =	sst s0;
	s0 =	simm.s32 @!p1 $0x0  }
0x14: {  	s2 =	sld [smem:$0x3F9C];
	s0 =	simm.s32 @p1 $0x1  }
0x15: {  	[smem:$0x3FB9] =	sst s0;
	s0 =	simm.s32 @!p2 $0x0  }
0x16: {  	s3 =	sld [smem:$0x3FDB];
	s0 =	simm.s32 @p2 $0x1  }
0x17: {  	s4 =	simm.s32 $0x1BF5;
	[smem:$0x3FBB] =	sst s0  }
0x18: {  	s0 =	sld [smem:$0x3F9E];
	_ =	swait.ge [sflag:s4], $0x0  }
0x19: {  	s7 =	sld [smem:$0x3F9F]  }
0x1a: {  	s8 =	sadd.s32 $0xFFFFE003, lr  }
0x1b: {  	s9 =	sadd.s32 $0xFFFFFEF7, lr;
	s5 =	simm.s32 $0xFFFFFFFF;
	p2 =	slt.u32 s8, $0xFFFFF086  }
0x1c: {  	p1 =	slt.u32 s9, $0xF7A;
	s5 =	simm.s32 @!p2 $0x0  }
0x1d: {  	s5 =	simm.s32 @p1 $0x1;
	p0 =	seq.s32 s7, s2  }
0x1e: {  	s7 =	smul.u32 @!p0 $0xF7A, s2;
	p2 =	seq.s32 @!p0 s5, $0x0  }
0x1f: {  	s9 =	smul.u32 $0xF7A, s1;
	s8 =	simm.s32 @!p0 $0x1BF5;
	p2 =	por !p2, p0  }
0x20: {  	[sflag:s8] =	ssyncset.s32 @!p0 $0xFFFFF086;
	s6 =	sadd.s32 @!p0 s3, s7;
	s7 =	simm.s32 @!p0 $0x108  }
0x21: {  	s3 =	sadd.s32 s3, s9;
	s6 =	sadd.s32 @!p0 $0x88, s6;
	s7 =	simm.s32 @p2 $0x1082  }
0x22: {  	[simem:s7], [sflag:s8] =	dma.local @!p0 [hbm:s6], $0xF7A  }
0x23: {  	s9 =	sor.u32 $0xD0000000, s2;
	s6 =	simm.s32 $0x108;
	_ =	swait.ge @!p0 [sflag:s8], $0x0  }
0x24: {  	s3 =	sadd.s32 $0x88, s3;
	s6 =	simm.s32 @!p1 $0x1082;
	[sflag:s4] =	ssyncset.s32 $0xFFFFF086  }
0x25: {  	[simem:s6], [sflag:s4] =	dma.local [hbm:s3], $0xF7A  }
0x26: {  	[smem:$0x3F9F] =	sst s1;
	(tag) =	ssettag s2;
	_ =	strace s9  }
0x27: {  	s1 =	sld [smem:$0x3FAF]  }
0x28: {  	s2 =	sld [smem:$0x3FB0]  }
0x29: {  	s4 =	sld [smem:$0x3FB2]  }
0x2a: {  	p0 =	seq.s32 s5, $0x0;
	s5 =	sld [smem:$0x3FB3]  }
0x2b: {  	s6 =	sld [smem:$0x3FB4]  }
0x2c: {  	s7 =	sld [smem:$0x3FB5]  }
0x2d: {  	s3 =	simm.s32 $0x108;
	s8 =	sld [smem:$0x3FB6]  }
0x2e: {  	s3 =	simm.s32 @!p0 $0x1082;
	s9 =	sld [smem:$0x3FB7]  }
0x2f: {  	lr =	sadd.s32 s0, s3;
	s0 =	sld [smem:$0x3FAE]  }
0x30: {  	s3 =	sld [smem:$0x3FB1]  }
0x31: {  	[smem:$0x3FBA] =	sst s10  }
0x32: {  	s10 =	sld [smem:$0x3FB8];
	_ =	sdelay $0x3  }
0x33: {  	p0 =	seq.s32 s10, $0x1;
	s10 =	sld [smem:$0x3FBA];
	_ =	sdelay $0x3  }
0x34: {  	[smem:$0x3FBA] =	sst s10  }
0x35: {  	s10 =	sld [smem:$0x3FB9];
	_ =	sdelay $0x3  }
0x36: {  	p1 =	seq.s32 s10, $0x1;
	s10 =	sld [smem:$0x3FBA];
	_ =	sdelay $0x3  }
0x37: {  	[smem:$0x3FBA] =	sst s10  }
0x38: {  	s10 =	sld [smem:$0x3FBB]  }
0x39: {  	_ = 	snop;
	(pc) =	sbr.ind lr, $3  }
0x3a: {  	_ = 	snop  }
0x3b: {  	_ = 	snop  }
0x3c: {  	p2 =	seq.s32 s10, $0x1;
	s10 =	sld [smem:$0x3FBA]  }
0x3d: {  	_ =	shalt  }
0x3e: {  	_ =	shalt  }
0x3f: {  	_ =	shalt  }
0x40: {  	_ =	shalt  }
0x41: {  	_ =	shalt  }
0x42: {  	_ =	shalt  }
0x43: {  	_ =	shalt  }
0x44: {  	_ =	shalt  }
0x45: {  	_ =	shalt  }
0x46: {  	_ =	shalt  }
0x47: {  	_ =	shalt  }
0x48: {  	_ =	shalt  }
0x49: {  	_ =	shalt  }
0x4a: {  	_ =	shalt  }
0x4b: {  	_ =	shalt  }
0x4c: {  	_ =	shalt  }
0x4d: {  	_ =	shalt  }
0x4e: {  	_ =	shalt  }
0x4f: {  	_ =	shalt  }
0x50: {  	_ =	shalt  }
0x51: {  	_ =	shalt  }
0x52: {  	_ =	shalt  }
0x53: {  	_ =	shalt  }
0x54: {  	_ =	shalt  }
0x55: {  	_ =	shalt  }
0x56: {  	_ =	shalt  }
0x57: {  	_ =	shalt  }
0x58: {  	_ =	shalt  }
0x59: {  	_ =	shalt  }
0x5a: {  	_ =	shalt  }
0x5b: {  	_ =	shalt  }
0x5c: {  	_ =	shalt  }
0x5d: {  	_ =	shalt  }
0x5e: {  	_ =	shalt  }
0x5f: {  	_ =	shalt  }
0x60: {  	_ =	shalt  }
0x61: {  	_ =	shalt  }
0x62: {  	_ =	shalt  }
0x63: {  	_ =	shalt  }
0x64: {  	_ =	shalt  }
0x65: {  	_ =	shalt  }
0x66: {  	_ =	shalt  }
0x67: {  	_ =	shalt  }
0x68: {  	_ =	shalt  }
0x69: {  	_ =	shalt  }
0x6a: {  	_ =	shalt  }
0x6b: {  	_ =	shalt  }
0x6c: {  	_ =	shalt  }
0x6d: {  	_ =	shalt  }
0x6e: {  	_ =	shalt  }
0x6f: {  	_ =	shalt  }
0x70: {  	_ =	shalt  }
0x71: {  	_ =	shalt  }
0x72: {  	_ =	shalt  }
0x73: {  	_ =	shalt  }
0x74: {  	_ =	shalt  }
0x75: {  	_ =	shalt  }
0x76: {  	_ =	shalt  }
0x77: {  	_ =	shalt  }
0x78: {  	_ =	shalt  }
0x79: {  	_ =	shalt  }
0x7a: {  	_ =	shalt  }
0x7b: {  	_ =	shalt  }
0x7c: {  	_ =	shalt  }
0x7d: {  	_ =	shalt  }
0x7e: {  	_ =	shalt  }
0x7f: {  	_ =	shalt  }
0x80: {  	_ =	shalt  }
0x81: {  	_ =	shalt  }
0x82: {  	_ =	shalt  }
0x83: {  	_ =	shalt  }
0x84: {  	_ =	shalt  }
0x85: {  	_ =	shalt  }
0x86: {  	_ =	shalt  }
0x87: {  	_ =	shalt  }
.Lfunc_end0:
.L_simem_size_0:
called_computation_lowered:
.L_overlay_start_0:
0x88: {  	s2 =	sld [smem:$0x3FD9]  }
0x89: {  	s3 =	sld [smem:$0x3FFE];
	_ =	sdelay $0x1  }
0x8a: {  	s1 =	srdreg.scid  }
0x8b: {  	s0 =	sand.u32 $0x1, s1  }
0x8c: {  	s17 =	sshll.u32 s0, $0xA;
	s2 =	sadd.s32 s3, s2  }
0x8d: {  	s2 =	sadd.s32 s2, s17  }
0x8e: {  	[smem:$0x3FC6] =	sst s2  }
0x8f: {  	_ = 	snop  }
0x90: {  	s2 =	sld [smem:$0x3FC9]  }
0x91: {  	s18 =	sld [smem:$0x3FD0];
	(tm) =	ssettm $0x1  }
0x92: {  	s4 =	sld [smem:$0x3FFB];
	_ =	sdelay $0x3  }
0x93: {  	_ =	strace s4  }
0x94: {  	s4 =	sld [smem:$0x3FFC];
	_ =	sdelay $0x3  }
0x95: {  	_ =	strace s4  }
0x96: {  	s4 =	sld [smem:$0x3FFD];
	_ =	sdelay $0x3  }
0x97: {  	_ =	strace s4  }
0x98: {  	_ =	strace $0x8FFFFFFF  }
0x99: {  	s19 =	sld [smem:$0x3FDB];
	_ =	sdelay $0x1  }
0x9a: {  	s5 =	simm.s32 $_scs_section_size  }
0x9b: {  	s6 =	simm.s32 $_size__tile_overlayer_lowered;
	s7 =	simm.s32 $_tile_overlayer_lowered  }
0x9c: {  	s22 =	simm.s32 $0x1BFF;
	s21 =	sshll.u32 s7, $0x1;
	s4 =	sadd.s32 s5, s19  }
0x9d: {  	s8 =	simm.s32 $0x0;
	s20 =	sshll.u32 s6, $0x1;
	s6 =	sadd.s32 s21, s4  }
0x9e: {  	[timem:s8], [sflag:s22] =	dma.local [hbm:s6], s20  }
0x9f: {  	_ =	swait.ge [sflag:s22], s20  }
0xa0: {  	s5 =	ssub.s32 $0x0, s20;
	[sflag:s22] =	ssyncset.done $0x0  }
0xa1: {  	[sflag:s22] =	ssyncadd.s32 s5;
	_ =	sdelay $0x1  }
0xa2: {  	s23 =	simm.s32 $0x1B8B  }
0xa3: {  	_ =	swait.ge [sflag:s23], $0x1  }
0xa4: {  	[sflag:s23] =	ssyncset.done $0x0  }
0xa5: {  	s25 =	simm.s32 $0x1B8E;
	s24 =	sld [smem:$0x3FFE];
	[sflag:s23] =	ssyncadd.s32 $0xFFFFFFFF  }
0xa6: {  	s26 =	simm.s32 $execute0_lowered;
	[smem:$0x3FD2] =	sst s25  }
0xa7: {  	s6 =	sshll.u32 s26, $0x1;
	_ =	strace $0x80000046;
	[dreg:$0x1] =	wrdreg $0xFFFFFFFF  }
0xa8: {  	s28 =	simm.s32 $_size_execute0_lowered;
	s4 =	sadd.s32 s4, s6;
	[dreg:$0x0] =	wrdreg $0x0  }
0xa9: {  	s6 =	sshll.u32 s28, $0x1;
	[dreg:$0x2] =	wrdreg s4  }
0xaa: {  	[dreg:$0x3] =	wrdreg s6  }
0xab: {  	[dreg:$0x4] =	wrdreg $0xC0  }
0xac: {  	_ =	task [dreg:s8], $0x5FFFF  }
0xad: {  	[dreg:$0x1] =	wrdreg $0xFFFFFFFF  }
0xae: {  	[dreg:$0x0] =	wrdreg $0x60  }
0xaf: {  	[dreg:$0x2] =	wrdreg s2  }
0xb0: {  	[dreg:$0x3] =	wrdreg s18  }
0xb1: {  	[dreg:$0x4] =	wrdreg s24  }
0xb2: {  	[dreg:$0x5] =	wrdreg $0x9  }
0xb3: {  	_ =	task.clear_ibuf [dreg:s8], $0x6FFFF;
	_ =	strace $0x90000046  }
0xb4: {  	s29 =	simm.s32 $0x9;
	_ =	strace $0x80000048  }
0xb5: {  	_ =	swait.ge [sflag:s29], $0x1  }
0xb6: {  	[sflag:s29] =	ssyncadd.s32 $0xFFFFFFFF  }
0xb7: {  	_ =	strace $0x90000048  }
0xb8: {  	_ =	sfence  }
0xb9: {  	s30 =	sld [smem:$0x0];
	_ =	sdelay $0x2  }
0xba: {  	s31 =	sshll.u32 s1, $0xD;
	s1 =	sshrl.u32 s1, $0x2  }
0xbb: {  	s3 =	sand.u32 $0x4000, s31;
	s1 =	sadd.s32 s1, s30  }
0xbc: {  	s0 =	sor.u32 s3, s0;
	s1 =	sshll.u32 s1, $0x11  }
0xbd: {  	s0 =	sor.u32 s1, s0  }
0xbe: {  	s0 =	sadd.s32 $0x8F2B, s0  }
0xbf: {  	[sflag:s0] =	ssyncadd.remote.s32 $0x1  }
0xc0: {  	_ =	sfence.sel $0xFFFF  }
0xc1: {  	[dreg:$0x0] =	wrdreg $0xFFFFFFFF;
	(pc) =	sbr.abs _section_cstart, $3  }
0xc2: {  	[dreg:$0x1] =	wrdreg $0xFFFFFFFF  }
0xc3: {  	_ =	task.clear_ibuf [dreg:s8], $0x2FFFF;
	_ =	strace $0x9FFFFFFF  }
0xc4: {  	(tm) =	ssettm $0x7FFFFFFF  }
0xc5: {  	_ =	shalt  }
tec
execute0_lowered:
.L_overlay_start_1:
0x0: {  	(tag) =	ssettag $0x1  }
0x1: {  	s1 =	srdreg.scid;
	s2 =	rddreg [dreg:$0x0]  }
0x2: {  	s0 =	stileid.u32;
	s3 =	rddreg [dreg:$0x1]  }
0x3: {  	s4 =	rddreg [dreg:$0x2];
	s6 =	simm.s32 $0x1;
	s1 =	sshll.u32 s1, $0x8  }
0x4: {  	s9 =	simm.s32 $0x1;
	s5 =	sshll.u32 s0, $0x9;
	s1 =	sand.u32 $0x100, s1  }
0x5: {  	s10 =	simm.s32 $0x3;
	s13 =	simm.s32 $0x0;
	s5 =	sor.u32 s5, s1  }
0x6: {  	s12 =	simm.s32 $0x0;
	s1 =	rddreg [dreg:$0x3];
	s8 =	ssub.s32 $0x4000, s5  }
.Ltmp0:
0x7: {  	_ =	strace $0x80000047;
	s7 =	sand.u32 $0x1F00, s8;
	(pc) =	sbr.rel .LBB2_1-.Ltmp0, $4  }
0x8: {  	[sflag:s6] =	ssyncpa.u1 $0x0;
	s11 =	smov.u32 s5;
	p0 =	sne.s32 s7, $0x0  }
0x9: {  	s8 =	sshrl.u32 s8, $0xD;
	s7 =	simm.s32 $0x2;
	s9 =	simm.s32 @!p0 $0x0  }
0xa: {  	[sflag:s7] =	ssyncpa.u1 $0x0;
	p0 =	por $0x0, $0x0;
	s8 =	sadd.s32 s9, s8  }
0xb: {  	vm0 =	vmmov $0xffff;
	[sflag:s10] =	ssyncpa.u1 $0x0;
	s10 =	simm.s32 $0x0;
	s9 =	sadd.s32 $0x1, s8  }
.LBB2_4:
0xc: {  	v2 =	vnsel vm1, $0x0, v2  }
0xd: {  	vm1 =	vgt.s32 v0, $0x0;
	v2 =	vmin.u32 v2, $0x3FFF  }
0xe: {  	v0 =	vnsel vm1, $0x0, v0  }
0xf: {  	v0 =	vmin.u32 v0, $0x3FFF  }
0x10: {  	[tilespmem:s15], [sflag:$0x1] =	stream.indirect_vreg.gather [hbm4b:s2+s10], $0x1, v1, vm0, $0x4038;
	[tilespmem:$0x400] =	vst v63  }
0x11: {  	(ifvalue) =	ssetifvalue $0x7FFFFFFF  }
0x12: {  	[tilespmem:s16], [sflag:$0x1] =	stream.indirect_vreg.gather [hbm4b:s2+s10], $0x1, v2, vm0, $0x4038;
	[tilespmem:$0x400] =	vst v63  }
0x13: {  	s29 =	sadd.s32 $0x10, s16;
	(ifvalue) =	ssetifvalue $0x7FFFFFFF  }
0x14: {  	[tilespmem:s29], [sflag:$0x1] =	stream.indirect_vreg.gather [hbm4b:s2+s10], $0x1, v0, vm0, $0x4038;
	[tilespmem:$0x400] =	vst v63  }
0x15: {  	_ =	swait.ge [sflag:s6], $0x100  }
0x16: {  	s30 =	sshrl.u32 s13, $0x3;
	[sflag:s6] =	ssyncset.done $0x0  }
0x17: {  	s31 =	sand.u32 $0x7, s13;
	s15 =	sadd.s32 s4, s30;
	[sflag:s6] =	ssyncadd.s32 $0xFFFFFF00  }
0x18: {  	[hbm4b:s15+s31] =	stream.linear.scatter [tilespmem:s14], [sflag:$0x3], $0x100, $0x38;
	[tilespmem:$0x400] =	vst v63  }
.LBB2_5:
0x19: {  	s15 =	sadd.s32 $0x2000, s11  }
0x1a: {  	p2 =	sgt.s32 s15, $0x3FFF  }
0x1b: {  	s15 =	smov.u32 @p2 s5;
	p2 =	sne.s32 s12, s9  }
.Ltmp1:
0x1c: {  	p1 =	slt.u32 s12, $0x2;
	(pc) =	sbr.rel @!p2 .LBB2_6-.Ltmp1, $4  }
0x1d: {  	s14 =	simm.s32 @!p1 $0x3  }
0x1e: {  	s16 =	sadd.s32 $0x1, s12;
	_ =	swait.ge @!p1 [sflag:s14], $0x100  }
0x1f: {  	s13 =	smov.u32 s11;
	p0 =	por !p0, !p0;
	[sflag:s14] =	ssyncset.done @!p1 $0x0  }
0x20: {  	s12 =	smov.u32 s16;
	s11 =	smov.u32 s15;
	[sflag:s14] =	ssyncadd.s32 @!p1 $0xFFFFFF00  }
.LBB2_1:
0x21: {  	p1 =	sge.u32 s12, s8  }
0x22: {  	s14 =	sxor.u32 @!p1 $0xFFFFFFFF, s12  }
0x23: {  	s31 =	sadd.s32 $0xFFFFFFFF, s12;
	s15 =	sshrl.u32 @!p1 s11, $0x3;
	s14 =	sshll.u32 @!p1 s14, $0x8  }
0x24: {  	s16 =	sand.u32 @!p1 $0x7, s11;
	s15 =	sadd.s32 @!p1 s3, s15;
	s14 =	sand.u32 @!p1 $0x100, s14  }
0x25: {  	[tilespmem:s14], [sflag:$0x2] =	stream.linear.gather @!p1 [hbm4b:s15+s16], $0x100, $0x38;
	[tilespmem:$0x400] =	vst v63  }
0x26: {  	p1 =	sge.u32 s31, s8  }
.Ltmp2:
0x27: {  	_ = 	snop;
	(pc) =	sbr.rel @p1 .LBB2_5-.Ltmp2, $1  }
0x28: {  	_ =	sdelay $0x3  }
0x29: {  	s14 =	simm.s32 $0x1  }
0x2a: {  	_ =	swait.ge [sflag:s7], $0x100;
	s14 =	simm.s32 @!p0 $0x0  }
0x2b: {  	[sflag:s7] =	ssyncset.done $0x0;
	s14 =	sshll.u32 s14, $0x8  }
0x2c: {  	[sflag:s7] =	ssyncadd.s32 $0xFFFFFF00;
	(ifvalue) =	ssetifvalue $0x7FFFFFFF;
	v0 =	vld.msk [tilespmem:s14+$0x0 ss:$0x1], $0xffff;
	_ =	sdelay $0x4  }
0x2d: {  	s15 =	sadd.s32 $0x10, s14;
	vm1 =	vgt.s32 v0, $0x0  }
0x2e: {  	v2 =	vld.msk [tilespmem:s15+$0x0 ss:$0x1], $0xffff;
	v1 =	vnsel vm1, $0x0, v0  }
0x2f: {  	v1 =	vmin.u32 v1, $0x3FFF;
	_ =	sdelay $0x1  }
0x30: {  	s16 =	sshll.u32 s12, $0x8;
	s18 =	simm.s32 $0x20  }
0x31: {  	s16 =	sand.u32 $0x100, s16;
	s17 =	sadd.s32 $0x10, s15;
	s15 =	sor.u32 $0x200, s14  }
0x32: {  	s14 =	sor.u32 $0x200, s16;
	s16 =	sadd.s32 $0x10, s15;
	v0 =	vld.msk [tilespmem:s17+$0x0 ss:$0x1], $0xffff;
	vm1 =	vgt.s32 v2, $0x0;
	(ifvalue) =	ssetifvalue $0x7FFFFFFF  }
.LBB2_3:
0x33: {  	[tilespmem:s15], [sflag:$0x1] =	stream.indirect_vreg.gather [hbm4b:s2+s10], $0x1, v1, vm0, $0x4038;
	[tilespmem:$0x400] =	vst v63  }
0x34: {  	s18 =	sadd.s32 $0x10, s18  }
0x35: {  	v2 =	vnsel vm1, $0x0, v2;
	p1 =	slt.u32 s18, $0xF0  }
.Ltmp3:
0x36: {  	s15 =	smov.u32 s16;
	v1 =	vmin.u32 v2, $0x3FFF;
	(pc) =	sbr.rel @p1 .LBB2_3-.Ltmp3, $3  }
0x37: {  	_ =	sdelay $0x1  }
0x38: {  	s17 =	sadd.s32 $0x10, s17  }
0x39: {  	vm1 =	vgt.s32 v0, $0x0;
	s16 =	sadd.s32 $0x10, s16;
	v2 =	vmov v0;
	(ifvalue) =	ssetifvalue $0x7FFFFFFF;
	v0 =	vld.msk [tilespmem:s17+$0x0 ss:$0x1], $0xffff  }
.Ltmp4:
0x3a: {  	_ = 	snop;
	(pc) =	sbr.rel .LBB2_4-.Ltmp4, $1  }
0x3b: {  	_ =	sdelay $0x3  }
.LBB2_6:
0x3c: {  	_ =	sfence.sel $0x180000  }
0x3d: {  	s2 =	simm.s32 $0x2;
	[bflag:$0x0] =	sbarrier.arrive $0xFFFF  }
0x3e: {  	s30 =	simm.s32 $0x3;
	[sflag:s2] =	ssyncpa.u1 $0x1  }
0x3f: {  	s31 =	simm.s32 $0x1;
	[sflag:s30] =	ssyncpa.u1 $0x1  }
0x40: {  	[sflag:s31] =	ssyncpa.u1 $0x1  }
0x41: {  	p0 =	sne.s32 s0, $0x0;
	_ =	strace $0x90000047  }
0x42: {  	s0 =	sadd.s32 @!p0 $0x100000, s1;
	[bflag:$0x2] =	sbarrier.arrive $0xFFFF  }
0x43: {  	[sflag:s0] =	ssyncadd.tile.s32 @!p0 $0x1;
	_ =	shalt  }
.Lfunc_end2:
_tile_overlayer_lowered:
.L_overlay_start_2:
0x44: {  	(tag) =	ssettag $0x2  }
0x45: {  	s0 =	rddreg [dreg:$0x0];
	s2 =	stileid.u32  }
0x46: {  	s1 =	rddreg [dreg:$0x1];
	p0 =	sne.s32 s2, $0x0  }
0x47: {  	s3 =	rddreg [dreg:$0x2];
	[bflag:$0x3] =	sbarrier.arrive $0xFFFF;
	s2 =	simm.s32 @!p0 $0x1C01  }
0x48: {  	[timem:s3], [sflag:s2] =	dma.local @!p0 [hbm:s0], s1  }
0x49: {  	s0 =	simm.s32 @!p0 $0x1  }
0x4a: {  	_ =	swait.ge @!p0 [sflag:s0], s1  }
0x4b: {  	s1 =	ssub.s32 @!p0 $0x0, s1;
	[sflag:s0] =	ssyncset.done @!p0 $0x0  }
0x4c: {  	[sflag:s0] =	ssyncadd.s32 @!p0 s1  }
0x4d: {  	[bflag:$0x3] =	sbarrier.arrive $0xFFFF  }
0x4e: {  	_ =	shalt  }

// kernel: kernel.4.cloned.1.call-start
scs
__scs_entry_jumppad:
0x0: {  	(pc) =	sbr.rel $0x88, $3  }
0x1: {  	(tag) =	ssettag $0x0;
	lr =	simm.s32 $0x1  }
0x2: {  	[smem:$0x3F9F] =	sst lr;
	_ =	strace $0xD0000000  }
0x3: {  	_ = 	snop  }
0x4: {  	_ = 	snop  }
0x5: {  	_ = 	snop  }
0x6: {  	_ = 	snop  }
0x7: {  	_ = 	snop  }
__scs_overlays_trampoline_lowered:
0x8: {  	[smem:$0x3FAE] =	sst s0  }
0x9: {  	[smem:$0x3FAF] =	sst s1  }
0xa: {  	[smem:$0x3FB0] =	sst s2  }
0xb: {  	[smem:$0x3FB1] =	sst s3  }
0xc: {  	[smem:$0x3FB2] =	sst s4  }
0xd: {  	[smem:$0x3FB3] =	sst s5  }
0xe: {  	[smem:$0x3FB4] =	sst s6  }
0xf: {  	[smem:$0x3FB5] =	sst s7  }
0x10: {  	[smem:$0x3FB6] =	sst s8  }
0x11: {  	[smem:$0x3FB7] =	sst s9;
	s0 =	simm.s32 @!p0 $0x0  }
0x12: {  	s1 =	sld [smem:$0x3F9D];
	s0 =	simm.s32 @p0 $0x1  }
0x13: {  	[smem:$0x3FB8] =	sst s0;
	s0 =	simm.s32 @!p1 $0x0  }
0x14: {  	s2 =	sld [smem:$0x3F9C];
	s0 =	simm.s32 @p1 $0x1  }
0x15: {  	[smem:$0x3FB9] =	sst s0;
	s0 =	simm.s32 @!p2 $0x0  }
0x16: {  	s3 =	sld [smem:$0x3FDB];
	s0 =	simm.s32 @p2 $0x1  }
0x17: {  	s4 =	simm.s32 $0x1BF5;
	[smem:$0x3FBB] =	sst s0  }
0x18: {  	s0 =	sld [smem:$0x3F9E];
	_ =	swait.ge [sflag:s4], $0x0  }
0x19: {  	s7 =	sld [smem:$0x3F9F]  }
0x1a: {  	s8 =	sadd.s32 $0xFFFFE003, lr  }
0x1b: {  	s9 =	sadd.s32 $0xFFFFFEF7, lr;
	s5 =	simm.s32 $0xFFFFFFFF;
	p2 =	slt.u32 s8, $0xFFFFF086  }
0x1c: {  	p1 =	slt.u32 s9, $0xF7A;
	s5 =	simm.s32 @!p2 $0x0  }
0x1d: {  	s5 =	simm.s32 @p1 $0x1;
	p0 =	seq.s32 s7, s2  }
0x1e: {  	s7 =	smul.u32 @!p0 $0xF7A, s2;
	p2 =	seq.s32 @!p0 s5, $0x0  }
0x1f: {  	s9 =	smul.u32 $0xF7A, s1;
	s8 =	simm.s32 @!p0 $0x1BF5;
	p2 =	por !p2, p0  }
0x20: {  	[sflag:s8] =	ssyncset.s32 @!p0 $0xFFFFF086;
	s6 =	sadd.s32 @!p0 s3, s7;
	s7 =	simm.s32 @!p0 $0x108  }
0x21: {  	s3 =	sadd.s32 s3, s9;
	s6 =	sadd.s32 @!p0 $0x88, s6;
	s7 =	simm.s32 @p2 $0x1082  }
0x22: {  	[simem:s7], [sflag:s8] =	dma.local @!p0 [hbm:s6], $0xF7A  }
0x23: {  	s9 =	sor.u32 $0xD0000000, s2;
	s6 =	simm.s32 $0x108;
	_ =	swait.ge @!p0 [sflag:s8], $0x0  }
0x24: {  	s3 =	sadd.s32 $0x88, s3;
	s6 =	simm.s32 @!p1 $0x1082;
	[sflag:s4] =	ssyncset.s32 $0xFFFFF086  }
0x25: {  	[simem:s6], [sflag:s4] =	dma.local [hbm:s3], $0xF7A  }
0x26: {  	[smem:$0x3F9F] =	sst s1;
	(tag) =	ssettag s2;
	_ =	strace s9  }
0x27: {  	s1 =	sld [smem:$0x3FAF]  }
0x28: {  	s2 =	sld [smem:$0x3FB0]  }
0x29: {  	s4 =	sld [smem:$0x3FB2]  }
0x2a: {  	p0 =	seq.s32 s5, $0x0;
	s5 =	sld [smem:$0x3FB3]  }
0x2b: {  	s6 =	sld [smem:$0x3FB4]  }
0x2c: {  	s7 =	sld [smem:$0x3FB5]  }
0x2d: {  	s3 =	simm.s32 $0x108;
	s8 =	sld [smem:$0x3FB6]  }
0x2e: {  	s3 =	simm.s32 @!p0 $0x1082;
	s9 =	sld [smem:$0x3FB7]  }
0x2f: {  	lr =	sadd.s32 s0, s3;
	s0 =	sld [smem:$0x3FAE]  }
0x30: {  	s3 =	sld [smem:$0x3FB1]  }
0x31: {  	[smem:$0x3FBA] =	sst s10  }
0x32: {  	s10 =	sld [smem:$0x3FB8];
	_ =	sdelay $0x3  }
0x33: {  	p0 =	seq.s32 s10, $0x1;
	s10 =	sld [smem:$0x3FBA];
	_ =	sdelay $0x3  }
0x34: {  	[smem:$0x3FBA] =	sst s10  }
0x35: {  	s10 =	sld [smem:$0x3FB9];
	_ =	sdelay $0x3  }
0x36: {  	p1 =	seq.s32 s10, $0x1;
	s10 =	sld [smem:$0x3FBA];
	_ =	sdelay $0x3  }
0x37: {  	[smem:$0x3FBA] =	sst s10  }
0x38: {  	s10 =	sld [smem:$0x3FBB]  }
0x39: {  	_ = 	snop;
	(pc) =	sbr.ind lr, $3  }
0x3a: {  	_ = 	snop  }
0x3b: {  	_ = 	snop  }
0x3c: {  	p2 =	seq.s32 s10, $0x1;
	s10 =	sld [smem:$0x3FBA]  }
0x3d: {  	_ =	shalt  }
0x3e: {  	_ =	shalt  }
0x3f: {  	_ =	shalt  }
0x40: {  	_ =	shalt  }
0x41: {  	_ =	shalt  }
0x42: {  	_ =	shalt  }
0x43: {  	_ =	shalt  }
0x44: {  	_ =	shalt  }
0x45: {  	_ =	shalt  }
0x46: {  	_ =	shalt  }
0x47: {  	_ =	shalt  }
0x48: {  	_ =	shalt  }
0x49: {  	_ =	shalt  }
0x4a: {  	_ =	shalt  }
0x4b: {  	_ =	shalt  }
0x4c: {  	_ =	shalt  }
0x4d: {  	_ =	shalt  }
0x4e: {  	_ =	shalt  }
0x4f: {  	_ =	shalt  }
0x50: {  	_ =	shalt  }
0x51: {  	_ =	shalt  }
0x52: {  	_ =	shalt  }
0x53: {  	_ =	shalt  }
0x54: {  	_ =	shalt  }
0x55: {  	_ =	shalt  }
0x56: {  	_ =	shalt  }
0x57: {  	_ =	shalt  }
0x58: {  	_ =	shalt  }
0x59: {  	_ =	shalt  }
0x5a: {  	_ =	shalt  }
0x5b: {  	_ =	shalt  }
0x5c: {  	_ =	shalt  }
0x5d: {  	_ =	shalt  }
0x5e: {  	_ =	shalt  }
0x5f: {  	_ =	shalt  }
0x60: {  	_ =	shalt  }
0x61: {  	_ =	shalt  }
0x62: {  	_ =	shalt  }
0x63: {  	_ =	shalt  }
0x64: {  	_ =	shalt  }
0x65: {  	_ =	shalt  }
0x66: {  	_ =	shalt  }
0x67: {  	_ =	shalt  }
0x68: {  	_ =	shalt  }
0x69: {  	_ =	shalt  }
0x6a: {  	_ =	shalt  }
0x6b: {  	_ =	shalt  }
0x6c: {  	_ =	shalt  }
0x6d: {  	_ =	shalt  }
0x6e: {  	_ =	shalt  }
0x6f: {  	_ =	shalt  }
0x70: {  	_ =	shalt  }
0x71: {  	_ =	shalt  }
0x72: {  	_ =	shalt  }
0x73: {  	_ =	shalt  }
0x74: {  	_ =	shalt  }
0x75: {  	_ =	shalt  }
0x76: {  	_ =	shalt  }
0x77: {  	_ =	shalt  }
0x78: {  	_ =	shalt  }
0x79: {  	_ =	shalt  }
0x7a: {  	_ =	shalt  }
0x7b: {  	_ =	shalt  }
0x7c: {  	_ =	shalt  }
0x7d: {  	_ =	shalt  }
0x7e: {  	_ =	shalt  }
0x7f: {  	_ =	shalt  }
0x80: {  	_ =	shalt  }
0x81: {  	_ =	shalt  }
0x82: {  	_ =	shalt  }
0x83: {  	_ =	shalt  }
0x84: {  	_ =	shalt  }
0x85: {  	_ =	shalt  }
0x86: {  	_ =	shalt  }
0x87: {  	_ =	shalt  }
.Lfunc_end0:
.L_simem_size_0:
called_computation.1_lowered:
.L_overlay_start_0:
0x88: {  	s2 =	sld [smem:$0x3FD9]  }
0x89: {  	s3 =	sld [smem:$0x3FFE];
	_ =	sdelay $0x1  }
0x8a: {  	s1 =	srdreg.scid  }
0x8b: {  	s0 =	sand.u32 $0x1, s1  }
0x8c: {  	s17 =	sshll.u32 s0, $0xA;
	s2 =	sadd.s32 s3, s2  }
0x8d: {  	s2 =	sadd.s32 s2, s17  }
0x8e: {  	[smem:$0x3FC6] =	sst s2  }
0x8f: {  	_ = 	snop  }
0x90: {  	s2 =	sld [smem:$0x3FC8]  }
0x91: {  	s18 =	sld [smem:$0x3FD0];
	(tm) =	ssettm $0x1  }
0x92: {  	s4 =	sld [smem:$0x3FFB];
	_ =	sdelay $0x3  }
0x93: {  	_ =	strace s4  }
0x94: {  	s4 =	sld [smem:$0x3FFC];
	_ =	sdelay $0x3  }
0x95: {  	_ =	strace s4  }
0x96: {  	s4 =	sld [smem:$0x3FFD];
	_ =	sdelay $0x3  }
0x97: {  	_ =	strace s4  }
0x98: {  	_ =	strace $0x8FFFFFFF  }
0x99: {  	s19 =	sld [smem:$0x3FDB];
	_ =	sdelay $0x1  }
0x9a: {  	s5 =	simm.s32 $_scs_section_size  }
0x9b: {  	s6 =	simm.s32 $_size__tile_overlayer_lowered;
	s7 =	simm.s32 $_tile_overlayer_lowered  }
0x9c: {  	s22 =	simm.s32 $0x1BFF;
	s21 =	sshll.u32 s7, $0x1;
	s4 =	sadd.s32 s5, s19  }
0x9d: {  	s8 =	simm.s32 $0x0;
	s20 =	sshll.u32 s6, $0x1;
	s6 =	sadd.s32 s21, s4  }
0x9e: {  	[timem:s8], [sflag:s22] =	dma.local [hbm:s6], s20  }
0x9f: {  	_ =	swait.ge [sflag:s22], s20  }
0xa0: {  	s5 =	ssub.s32 $0x0, s20;
	[sflag:s22] =	ssyncset.done $0x0  }
0xa1: {  	[sflag:s22] =	ssyncadd.s32 s5;
	_ =	sdelay $0x1  }
0xa2: {  	s23 =	simm.s32 $0x1B8B  }
0xa3: {  	_ =	swait.ge [sflag:s23], $0x1  }
0xa4: {  	[sflag:s23] =	ssyncset.done $0x0  }
0xa5: {  	s25 =	simm.s32 $0x1B8E;
	s24 =	sld [smem:$0x3FFE];
	[sflag:s23] =	ssyncadd.s32 $0xFFFFFFFF  }
0xa6: {  	s26 =	simm.s32 $execute0_lowered;
	[smem:$0x3FD2] =	sst s25  }
0xa7: {  	s6 =	sshll.u32 s26, $0x1;
	_ =	strace $0x80000049;
	[dreg:$0x1] =	wrdreg $0xFFFFFFFF  }
0xa8: {  	s28 =	simm.s32 $_size_execute0_lowered;
	s4 =	sadd.s32 s4, s6;
	[dreg:$0x0] =	wrdreg $0x0  }
0xa9: {  	s6 =	sshll.u32 s28, $0x1;
	[dreg:$0x2] =	wrdreg s4  }
0xaa: {  	[dreg:$0x3] =	wrdreg s6  }
0xab: {  	[dreg:$0x4] =	wrdreg $0xC0  }
0xac: {  	_ =	task [dreg:s8], $0x5FFFF  }
0xad: {  	[dreg:$0x1] =	wrdreg $0xFFFFFFFF  }
0xae: {  	[dreg:$0x0] =	wrdreg $0x60  }
0xaf: {  	[dreg:$0x2] =	wrdreg s18  }
0xb0: {  	[dreg:$0x3] =	wrdreg s2  }
0xb1: {  	[dreg:$0x4] =	wrdreg s24  }
0xb2: {  	[dreg:$0x5] =	wrdreg $0x9  }
0xb3: {  	_ =	task.clear_ibuf [dreg:s8], $0x6FFFF;
	_ =	strace $0x90000049  }
0xb4: {  	s29 =	simm.s32 $0x9;
	_ =	strace $0x8000004B  }
0xb5: {  	_ =	swait.ge [sflag:s29], $0x1  }
0xb6: {  	[sflag:s29] =	ssyncadd.s32 $0xFFFFFFFF  }
0xb7: {  	_ =	strace $0x9000004B  }
0xb8: {  	_ =	sfence  }
0xb9: {  	s30 =	sld [smem:$0x0];
	_ =	sdelay $0x2  }
0xba: {  	s31 =	sshll.u32 s1, $0xD;
	s1 =	sshrl.u32 s1, $0x2  }
0xbb: {  	s3 =	sand.u32 $0x4000, s31;
	s1 =	sadd.s32 s1, s30  }
0xbc: {  	s0 =	sor.u32 s3, s0;
	s1 =	sshll.u32 s1, $0x11  }
0xbd: {  	s0 =	sor.u32 s1, s0  }
0xbe: {  	s0 =	sadd.s32 $0x8F2B, s0  }
0xbf: {  	[sflag:s0] =	ssyncadd.remote.s32 $0x1  }
0xc0: {  	_ =	sfence.sel $0xFFFF  }
0xc1: {  	[dreg:$0x0] =	wrdreg $0xFFFFFFFF;
	(pc) =	sbr.abs _section_cstart, $3  }
0xc2: {  	[dreg:$0x1] =	wrdreg $0xFFFFFFFF  }
0xc3: {  	_ =	task.clear_ibuf [dreg:s8], $0x2FFFF;
	_ =	strace $0x9FFFFFFF  }
0xc4: {  	(tm) =	ssettm $0x7FFFFFFF  }
0xc5: {  	_ =	shalt  }
tec
execute0_lowered:
.L_overlay_start_1:
0x0: {  	(tag) =	ssettag $0x1  }
0x1: {  	s0 =	rddreg [dreg:$0x0]  }
0x2: {  	s2 =	rddreg [dreg:$0x1];
	s3 =	srdreg.scid  }
0x3: {  	s1 =	rddreg [dreg:$0x2];
	s5 =	stileid.u32;
	s4 =	sand.u32 $0x1, s3  }
0x4: {  	s28 =	simm.s32 $0x0;
	s5 =	sshll.u32 s5, $0xA;
	s6 =	sshll.u32 s4, $0x9  }
0x5: {  	s8 =	simm.s32 $0x1;
	s9 =	simm.s32 $0x0;
	s5 =	sor.u32 s6, s5  }
.Ltmp0:
0x6: {  	s4 =	ssub.s32 $0x2, s4;
	s6 =	sshll.u32 s5, $0x3;
	(pc) =	sbr.rel .LBB2_1-.Ltmp0, $4  }
0x7: {  	v0 =	vlaneseq.u32;
	[smem:$0x7FF] =	sst s28;
	s29 =	sshrl.u32 s4, $0x1;
	s1 =	sadd.s32 s6, s1  }
0x8: {  	v0 =	vmul.u32 $0x80, v0;
	_ =	strace $0x8000004A;
	s6 =	ssub.s32 s4, s29;
	s30 =	sadd.s32 $0x1000, s1  }
0x9: {  	s5 =	sshrl.u32 s5, $0x3;
	s31 =	smax.u32 s6, $0x1;
	[dreg:$0x4] =	wrdreg s30  }
0xa: {  	v1 =	vor.u32 $0x800, v0;
	v2 =	vor.u32 $0x1000, v0;
	v3 =	vor.u32 $0x1800, v0;
	s4 =	sadd.s32 s0, s5;
	s6 =	simm.s32 $0x2;
	[dreg:$0x5] =	wrdreg s31  }
.LBB2_6:
0xb: {  	[sflag:s8] =	ssyncadd.s32 $0xFFFFE000  }
.LBB2_7:
0xc: {  	s9 =	sadd.s32 $0x1, s9;
	s0 =	rddreg [dreg:$0x5]  }
0xd: {  	p0 =	sne.s32 s9, s0  }
.Ltmp1:
0xe: {  	_ = 	snop;
	(pc) =	sbr.rel @!p0 .LBB2_8-.Ltmp1, $1  }
0xf: {  	_ =	sdelay $0x3  }
.LBB2_1:
0x10: {  	s0 =	simm.s32 $0x0  }
0x11: {  	[tilespmem:s0], [sflag:$0x2] =	stream.linear.gather [hbm4b:s4+s0], $0x200, $0x38;
	[tilespmem:$0x1D280] =	vst v63  }
0x12: {  	_ =	swait.ge [sflag:s6], $0x200  }
0x13: {  	[sflag:s6] =	ssyncset.done $0x0  }
0x14: {  	s1 =	simm.s32 $0x200;
	[sflag:s6] =	ssyncadd.s32 $0xFFFFFE00  }
0x15: {  	[tilespmem:s1], [sflag:$0x2] =	stream.linear.gather [hbm4b:s4+s0], $0x10, $0x38;
	[tilespmem:$0x1D280] =	vst v63  }
0x16: {  	_ =	swait.ge [sflag:s6], $0x10  }
0x17: {  	[sflag:s6] =	ssyncset.done $0x0  }
0x18: {  	[sflag:s6] =	ssyncadd.s32 $0xFFFFFFF0  }
0x19: {  	v4 =	vld [tilespmem:$0x0];
	_ =	sdelay $0x4  }
0x1a: {  	(v2sf) =	vpush v4, $0x0;
	_ =	sdelay $0x4  }
0x1b: {  	(v2sf) =	vpush v4, $0x1;
	_ =	sdelay $0x9  }
0x1c: {  	s26 =	spop (v2sf)  }
0x1d: {  	s28 =	sand.u32 $0x7F, s26  }
0x1e: {  	(v2sf) =	vpush v4, $0x2;
	s10 =	sshra.s32 s26, $0x1F;
	p0 =	slt.s32 s26, $0x1;
	p1 =	sne.s32 s28, $0x0  }
0x1f: {  	s29 =	sshrl.u32 s10, $0x19;
	p0 =	por !p0, !p1  }
0x20: {  	s1 =	simm.s32 $0x1;
	s0 =	sadd.s32 s29, s26;
	p0 =	por !p0, !p0  }
0x21: {  	s30 =	spop (v2sf);
	(v2sf) =	vpush v4, $0x3;
	s0 =	sshra.s32 s0, $0x7;
	s1 =	simm.s32 @!p0 $0x0  }
0x22: {  	s0 =	ssub.s32 s0, s1  }
0x23: {  	s31 =	sand.u32 $0x7F, s30;
	p0 =	seq.s32 s0, $0xFFFFFFFF  }
0x24: {  	s3 =	sshra.s32 s30, $0x1F;
	p3 =	slt.s32 s30, $0x1;
	s1 =	sshll.u32 @!p0 s0, $0x7  }
0x25: {  	p4 =	sne.s32 s31, $0x0;
	s10 =	simm.s32 @!p0 $0x400;
	s1 =	sand.u32 @!p0 $0x1FFFFF80, s1  }
0x26: {  	s11 =	simm.s32 @!p0 $0x7A1400;
	s12 =	simm.s32 @!p0 $0x280;
	s1 =	sadd.s32 @!p0 s2, s1  }
0x27: {  	[tilespmem:s12], [sflag:$0x1] =	stream.strided.gather @!p0 [hbm4b:s1+s10], $0x2000, s11, s10, $0x38;
	[tilespmem:$0x1D280] =	vst v63  }
0x28: {  	s5 =	sshrl.u32 s3, $0x19;
	p0 =	por !p3, !p4  }
0x29: {  	s1 =	sadd.s32 s5, s30;
	s10 =	simm.s32 $0x1;
	p0 =	por !p0, !p0  }
0x2a: {  	s1 =	sshra.s32 s1, $0x7;
	s10 =	simm.s32 @!p0 $0x0  }
0x2b: {  	s1 =	ssub.s32 s1, s10  }
0x2c: {  	p0 =	seq.s32 s1, s0  }
0x2d: {  	s7 =	spop (v2sf);
	p1 =	sne.s32 @!p0 s0, $0xFFFFFFFF;
	s10 =	simm.s32 @!p0 $0x2280  }
0x2e: {  	s11 =	sshll.u32 @!p0 s1, $0x7;
	s12 =	simm.s32 @!p0 $0x400;
	s13 =	simm.s32 @!p0 $0x7A1400  }
0x2f: {  	p5 =	slt.s32 s7, $0x1;
	p1 =	por !p1, p0;
	s11 =	sand.u32 @!p0 $0x1FFFFF80, s11  }
0x30: {  	s15 =	spop (v2sf);
	s10 =	simm.s32 @p1 $0x280;
	s11 =	sadd.s32 @!p0 s2, s11  }
0x31: {  	(v2sf) =	vpush v4, $0x4;
	[tilespmem:s10], [sflag:$0x1] =	stream.strided.gather @!p0 [hbm4b:s11+s12], $0x2000, s13, s12, $0x38;
	[tilespmem:$0x1D280] =	vst v63  }
0x32: {  	s14 =	sshra.s32 s7, $0x1F;
	s16 =	sand.u32 $0x7F, s15;
	s13 =	sand.u32 $0x7F, s7  }
0x33: {  	(v2sf) =	vpush v4, $0x5;
	s17 =	sshra.s32 s15, $0x1F;
	p1 =	sne.s32 s0, $0xFFFFFFFF;
	p6 =	sne.s32 s13, $0x0  }
0x34: {  	p2 =	sne.s32 s16, $0x0;
	s11 =	sshrl.u32 s14, $0x19;
	p0 =	por !p5, !p6  }
0x35: {  	s12 =	simm.s32 $0x1;
	s10 =	sadd.s32 s11, s7;
	p0 =	por !p0, !p0  }
0x36: {  	s13 =	simm.s32 $0x1;
	s10 =	sshra.s32 s10, $0x7;
	s12 =	simm.s32 @!p0 $0x0  }
0x37: {  	p0 =	sne.s32 s1, s0;
	s0 =	simm.s32 $0x1;
	s10 =	ssub.s32 s10, s12  }
0x38: {  	s13 =	simm.s32 @!p1 $0x0;
	s0 =	simm.s32 @!p0 $0x0;
	p0 =	seq.s32 s10, s1  }
0x39: {  	p1 =	slt.s32 s15, $0x1;
	s0 =	sadd.s32 s0, s13;
	s12 =	sshll.u32 @!p0 s10, $0x7  }
0x3a: {  	s11 =	sshll.u32 @!p0 s0, $0xD;
	s13 =	simm.s32 @!p0 $0x400;
	s12 =	sand.u32 @!p0 $0x1FFFFF80, s12  }
0x3b: {  	s14 =	simm.s32 @!p0 $0x7A1400;
	s11 =	sor.u32 @!p0 $0x280, s11;
	s12 =	sadd.s32 @!p0 s2, s12  }
0x3c: {  	[tilespmem:s11], [sflag:$0x1] =	stream.strided.gather @!p0 [hbm4b:s12+s13], $0x2000, s14, s13, $0x38;
	[tilespmem:$0x1D280] =	vst v63  }
0x3d: {  	s18 =	sshrl.u32 s17, $0x19;
	p0 =	por !p1, !p2  }
0x3e: {  	p1 =	sne.s32 s10, s1;
	s1 =	sadd.s32 s18, s15;
	s11 =	simm.s32 $0x1  }
0x3f: {  	s12 =	simm.s32 $0x1;
	p0 =	por !p0, !p0;
	s1 =	sshra.s32 s1, $0x7  }
0x40: {  	s12 =	simm.s32 @!p1 $0x0;
	s19 =	spop (v2sf);
	s11 =	simm.s32 @!p0 $0x0  }
0x41: {  	s0 =	sadd.s32 s12, s0;
	s20 =	sand.u32 $0x7F, s19;
	s21 =	sshra.s32 s19, $0x1F  }
0x42: {  	p3 =	slt.s32 s19, $0x1;
	s23 =	spop (v2sf);
	s1 =	ssub.s32 s1, s11  }
0x43: {  	(v2sf) =	vpush v4, $0x6;
	p4 =	sne.s32 s20, $0x0;
	s22 =	sshrl.u32 s21, $0x19;
	p0 =	seq.s32 s1, s10  }
0x44: {  	s24 =	sand.u32 $0x7F, s23;
	s25 =	sshra.s32 s23, $0x1F;
	s12 =	sshll.u32 @!p0 s1, $0x7  }
0x45: {  	s11 =	sshll.u32 @!p0 s0, $0xD;
	s13 =	simm.s32 @!p0 $0x400;
	s12 =	sand.u32 @!p0 $0x1FFFFF80, s12  }
0x46: {  	(v2sf) =	vpush v4, $0x7;
	s14 =	simm.s32 @!p0 $0x7A1400;
	s11 =	sor.u32 @!p0 $0x280, s11;
	s12 =	sadd.s32 @!p0 s2, s12  }
0x47: {  	[tilespmem:s11], [sflag:$0x1] =	stream.strided.gather @!p0 [hbm4b:s12+s13], $0x2000, s14, s13, $0x38;
	[tilespmem:$0x1D280] =	vst v63  }
0x48: {  	p5 =	slt.s32 s23, $0x1;
	p1 =	sne.s32 s1, s10;
	p0 =	por !p3, !p4  }
0x49: {  	s10 =	sadd.s32 s22, s19;
	s11 =	simm.s32 $0x1;
	p0 =	por !p0, !p0  }
0x4a: {  	s10 =	sshra.s32 s10, $0x7;
	s12 =	simm.s32 $0x1;
	s11 =	simm.s32 @!p0 $0x0  }
0x4b: {  	p6 =	sne.s32 s24, $0x0;
	s12 =	simm.s32 @!p1 $0x0;
	s10 =	ssub.s32 s10, s11  }
0x4c: {  	s26 =	sshrl.u32 s25, $0x19;
	s0 =	sadd.s32 s12, s0;
	p0 =	seq.s32 s10, s1  }
0x4d: {  	p1 =	sne.s32 s10, s1;
	s1 =	sadd.s32 s26, s23;
	s12 =	sshll.u32 @!p0 s10, $0x7  }
0x4e: {  	s11 =	sshll.u32 @!p0 s0, $0xD;
	s13 =	simm.s32 @!p0 $0x400;
	s12 =	sand.u32 @!p0 $0x1FFFFF80, s12  }
0x4f: {  	s14 =	simm.s32 @!p0 $0x7A1400;
	s11 =	sor.u32 @!p0 $0x280, s11;
	s12 =	sadd.s32 @!p0 s2, s12  }
0x50: {  	[tilespmem:s11], [sflag:$0x1] =	stream.strided.gather @!p0 [hbm4b:s12+s13], $0x2000, s14, s13, $0x38;
	[tilespmem:$0x1D280] =	vst v63  }
0x51: {  	s1 =	sshra.s32 s1, $0x7;
	p0 =	por !p5, !p6;
	s11 =	simm.s32 $0x1  }
0x52: {  	s12 =	simm.s32 $0x1;
	s28 =	spop (v2sf);
	p0 =	por !p0, !p0  }
0x53: {  	s12 =	simm.s32 @!p1 $0x0;
	s29 =	sand.u32 $0x7F, s28;
	s11 =	simm.s32 @!p0 $0x0  }
0x54: {  	(v2sf) =	vpush v4, $0x8;
	s30 =	sshra.s32 s28, $0x1F;
	p1 =	slt.s32 s28, $0x1;
	s1 =	ssub.s32 s1, s11  }
0x55: {  	s3 =	spop (v2sf);
	s0 =	sadd.s32 s12, s0;
	p0 =	seq.s32 s1, s10  }
0x56: {  	p2 =	sne.s32 s29, $0x0;
	s31 =	sshrl.u32 s30, $0x19;
	s12 =	sshll.u32 @!p0 s1, $0x7  }
0x57: {  	s11 =	sshll.u32 @!p0 s0, $0xD;
	s13 =	simm.s32 @!p0 $0x400;
	s12 =	sand.u32 @!p0 $0x1FFFFF80, s12  }
0x58: {  	(v2sf) =	vpush v4, $0x9;
	s14 =	simm.s32 @!p0 $0x7A1400;
	s11 =	sor.u32 @!p0 $0x280, s11;
	s12 =	sadd.s32 @!p0 s2, s12  }
0x59: {  	[tilespmem:s11], [sflag:$0x1] =	stream.strided.gather @!p0 [hbm4b:s12+s13], $0x2000, s14, s13, $0x38;
	[tilespmem:$0x1D280] =	vst v63  }
0x5a: {  	s5 =	sand.u32 $0x7F, s3;
	p0 =	por !p1, !p2;
	p1 =	sne.s32 s1, s10  }
0x5b: {  	s10 =	sadd.s32 s31, s28;
	s11 =	simm.s32 $0x1;
	p0 =	por !p0, !p0  }
0x5c: {  	s7 =	sshra.s32 s3, $0x1F;
	s10 =	sshra.s32 s10, $0x7;
	s11 =	simm.s32 @!p0 $0x0  }
0x5d: {  	p3 =	slt.s32 s3, $0x1;
	s12 =	simm.s32 $0x1;
	s10 =	ssub.s32 s10, s11  }
0x5e: {  	p4 =	sne.s32 s5, $0x0;
	s12 =	simm.s32 @!p1 $0x0;
	p0 =	seq.s32 s10, s1  }
0x5f: {  	s0 =	sadd.s32 s12, s0;
	p1 =	sne.s32 s10, s1;
	s12 =	sshll.u32 @!p0 s10, $0x7  }
0x60: {  	s11 =	sshll.u32 @!p0 s0, $0xD;
	s13 =	simm.s32 @!p0 $0x400;
	s12 =	sand.u32 @!p0 $0x1FFFFF80, s12  }
0x61: {  	s14 =	simm.s32 @!p0 $0x7A1400;
	s11 =	sor.u32 @!p0 $0x280, s11;
	s12 =	sadd.s32 @!p0 s2, s12  }
0x62: {  	[tilespmem:s11], [sflag:$0x1] =	stream.strided.gather @!p0 [hbm4b:s12+s13], $0x2000, s14, s13, $0x38;
	[tilespmem:$0x1D280] =	vst v63  }
0x63: {  	s15 =	spop (v2sf);
	p0 =	por !p3, !p4;
	s14 =	sshrl.u32 s7, $0x19  }
0x64: {  	s11 =	simm.s32 $0x1;
	s12 =	simm.s32 $0x1;
	s16 =	sand.u32 $0x7F, s15  }
0x65: {  	(v2sf) =	vpush v4, $0xA;
	s17 =	sshra.s32 s15, $0x1F;
	s1 =	sadd.s32 s14, s3;
	p0 =	por !p0, !p0  }
0x66: {  	p5 =	slt.s32 s15, $0x1;
	s1 =	sshra.s32 s1, $0x7;
	s11 =	simm.s32 @!p0 $0x0  }
0x67: {  	s19 =	spop (v2sf);
	s12 =	simm.s32 @!p1 $0x0;
	s1 =	ssub.s32 s1, s11  }
0x68: {  	p6 =	sne.s32 s16, $0x0;
	s18 =	sshrl.u32 s17, $0x19;
	p0 =	seq.s32 s1, s10  }
0x69: {  	s20 =	sand.u32 $0x7F, s19;
	s0 =	sadd.s32 s12, s0;
	s12 =	sshll.u32 @!p0 s1, $0x7  }
0x6a: {  	s11 =	sshll.u32 @!p0 s0, $0xD;
	s13 =	simm.s32 @!p0 $0x400;
	s12 =	sand.u32 @!p0 $0x1FFFFF80, s12  }
0x6b: {  	(v2sf) =	vpush v4, $0xB;
	s14 =	simm.s32 @!p0 $0x7A1400;
	s11 =	sor.u32 @!p0 $0x280, s11;
	s12 =	sadd.s32 @!p0 s2, s12  }
0x6c: {  	[tilespmem:s11], [sflag:$0x1] =	stream.strided.gather @!p0 [hbm4b:s12+s13], $0x2000, s14, s13, $0x38;
	[tilespmem:$0x1D280] =	vst v63  }
0x6d: {  	s21 =	sshra.s32 s19, $0x1F;
	p1 =	sne.s32 s1, s10;
	p0 =	por !p5, !p6  }
0x6e: {  	s10 =	sadd.s32 s18, s15;
	s11 =	simm.s32 $0x1;
	p0 =	por !p0, !p0  }
0x6f: {  	s10 =	sshra.s32 s10, $0x7;
	s12 =	simm.s32 $0x1;
	s11 =	simm.s32 @!p0 $0x0  }
0x70: {  	p2 =	sne.s32 s20, $0x0;
	s12 =	simm.s32 @!p1 $0x0;
	s10 =	ssub.s32 s10, s11  }
0x71: {  	s22 =	sshrl.u32 s21, $0x19;
	s0 =	sadd.s32 s12, s0;
	p0 =	seq.s32 s10, s1  }
0x72: {  	s11 =	sshll.u32 @!p0 s0, $0xD;
	s12 =	sshll.u32 @!p0 s10, $0x7;
	s13 =	simm.s32 @!p0 $0x400  }
0x73: {  	p1 =	slt.s32 s19, $0x1;
	s14 =	simm.s32 @!p0 $0x7A1400;
	s12 =	sand.u32 @!p0 $0x1FFFFF80, s12  }
0x74: {  	s11 =	sor.u32 @!p0 $0x280, s11;
	s23 =	spop (v2sf);
	s12 =	sadd.s32 @!p0 s2, s12  }
0x75: {  	[tilespmem:s11], [sflag:$0x1] =	stream.strided.gather @!p0 [hbm4b:s12+s13], $0x2000, s14, s13, $0x38;
	[tilespmem:$0x1D280] =	vst v63  }
0x76: {  	s24 =	sand.u32 $0x7F, s23;
	p0 =	por !p1, !p2;
	p1 =	sne.s32 s10, s1  }
0x77: {  	s1 =	sadd.s32 s22, s19;
	s11 =	simm.s32 $0x1;
	p0 =	por !p0, !p0  }
0x78: {  	s25 =	sshra.s32 s23, $0x1F;
	s1 =	sshra.s32 s1, $0x7;
	s11 =	simm.s32 @!p0 $0x0  }
0x79: {  	p3 =	slt.s32 s23, $0x1;
	s12 =	simm.s32 $0x1;
	s1 =	ssub.s32 s1, s11  }
0x7a: {  	s28 =	spop (v2sf);
	s12 =	simm.s32 @!p1 $0x0;
	p0 =	seq.s32 s1, s10  }
0x7b: {  	p4 =	sne.s32 s24, $0x0;
	s0 =	sadd.s32 s12, s0;
	s12 =	sshll.u32 @!p0 s1, $0x7  }
0x7c: {  	s11 =	sshll.u32 @!p0 s0, $0xD;
	s13 =	simm.s32 @!p0 $0x400;
	s12 =	sand.u32 @!p0 $0x1FFFFF80, s12  }
0x7d: {  	s14 =	simm.s32 @!p0 $0x7A1400;
	s11 =	sor.u32 @!p0 $0x280, s11;
	s12 =	sadd.s32 @!p0 s2, s12  }
0x7e: {  	[tilespmem:s11], [sflag:$0x1] =	stream.strided.gather @!p0 [hbm4b:s12+s13], $0x2000, s14, s13, $0x38;
	[tilespmem:$0x1D280] =	vst v63  }
0x7f: {  	s26 =	sshrl.u32 s25, $0x19;
	p1 =	sne.s32 s1, s10;
	p0 =	por !p3, !p4  }
0x80: {  	s10 =	sadd.s32 s26, s23;
	s11 =	simm.s32 $0x1;
	p0 =	por !p0, !p0  }
0x81: {  	s29 =	sand.u32 $0x7F, s28;
	s10 =	sshra.s32 s10, $0x7;
	s11 =	simm.s32 @!p0 $0x0  }
0x82: {  	s30 =	sshra.s32 s28, $0x1F;
	s12 =	simm.s32 $0x1;
	s10 =	ssub.s32 s10, s11  }
0x83: {  	p5 =	slt.s32 s28, $0x1;
	s12 =	simm.s32 @!p1 $0x0;
	p0 =	seq.s32 s10, s1  }
0x84: {  	p6 =	sne.s32 s29, $0x0;
	s0 =	sadd.s32 s12, s0;
	s12 =	sshll.u32 @!p0 s10, $0x7  }
0x85: {  	s11 =	sshll.u32 @!p0 s0, $0xD;
	s13 =	simm.s32 @!p0 $0x400;
	s12 =	sand.u32 @!p0 $0x1FFFFF80, s12  }
0x86: {  	s14 =	simm.s32 @!p0 $0x7A1400;
	s11 =	sor.u32 @!p0 $0x280, s11;
	s12 =	sadd.s32 @!p0 s2, s12  }
0x87: {  	[tilespmem:s11], [sflag:$0x1] =	stream.strided.gather @!p0 [hbm4b:s12+s13], $0x2000, s14, s13, $0x38;
	[tilespmem:$0x1D280] =	vst v63  }
0x88: {  	s31 =	sshrl.u32 s30, $0x19;
	p1 =	sne.s32 s10, s1;
	p0 =	por !p5, !p6  }
0x89: {  	s1 =	sadd.s32 s31, s28;
	s11 =	simm.s32 $0x1;
	p0 =	por !p0, !p0  }
0x8a: {  	s1 =	sshra.s32 s1, $0x7;
	s11 =	simm.s32 @!p0 $0x0  }
0x8b: {  	s12 =	simm.s32 $0x1;
	s19 =	ssub.s32 s1, s11  }
0x8c: {  	s12 =	simm.s32 @!p1 $0x0;
	p0 =	seq.s32 s19, s10  }
0x8d: {  	s0 =	sadd.s32 s12, s0;
	s11 =	sshll.u32 @!p0 s19, $0x7  }
0x8e: {  	s1 =	sshll.u32 @!p0 s0, $0xD;
	s12 =	simm.s32 @!p0 $0x400;
	s11 =	sand.u32 @!p0 $0x1FFFFF80, s11  }
0x8f: {  	s13 =	simm.s32 @!p0 $0x7A1400;
	s1 =	sor.u32 @!p0 $0x280, s1;
	s11 =	sadd.s32 @!p0 s2, s11  }
0x90: {  	[tilespmem:s1], [sflag:$0x1] =	stream.strided.gather @!p0 [hbm4b:s11+s12], $0x2000, s13, s12, $0x38;
	[tilespmem:$0x1D280] =	vst v63  }
0x91: {  	s16 =	simm.s32 $0x0;
	p0 =	sne.s32 s19, s10;
	s1 =	simm.s32 $0x1  }
0x92: {  	s15 =	simm.s32 $0xFFFFFFFF;
	s10 =	simm.s32 $0x10;
	s1 =	simm.s32 @!p0 $0x0  }
0x93: {  	s11 =	simm.s32 $0x0;
	s12 =	simm.s32 $0x0;
	s21 =	sadd.s32 s1, s0  }
.LBB2_2:
0x94: {  	v5 =	vld [tilespmem:s10+$0xFFFFFFF0];
	_ =	sdelay $0x4  }
0x95: {  	(v2sf) =	vpush v5, $0x0;
	_ =	sdelay $0xe  }
0x96: {  	s1 =	spop (v2sf)  }
0x97: {  	s0 =	sand.u32 $0x7F, s1  }
0x98: {  	s13 =	sshra.s32 s1, $0x1F;
	p0 =	slt.s32 s1, $0x1;
	p1 =	sne.s32 s0, $0x0  }
0x99: {  	s28 =	sshrl.u32 s13, $0x19;
	p0 =	por !p0, !p1  }
0x9a: {  	s13 =	simm.s32 $0x1;
	s0 =	sadd.s32 s28, s1;
	p0 =	por !p0, !p0  }
0x9b: {  	s0 =	sshra.s32 s0, $0x7;
	s13 =	simm.s32 @!p0 $0x0  }
0x9c: {  	s17 =	ssub.s32 s0, s13  }
0x9d: {  	s0 =	simm.s32 $0x1;
	p0 =	sne.s32 s17, s15  }
0x9e: {  	s0 =	simm.s32 @!p0 $0x0  }
0x9f: {  	p0 =	seq.s32 s17, s15;
	s0 =	sadd.s32 s0, s16  }
0xa0: {  	s13 =	simm.s32 @!p0 $0x1;
	s14 =	sadd.s32 $0xFFFFFFFF, s0  }
0xa1: {  	v4 =	vld [tilespmem:s10+$0x0];
	_ =	swait.ge @!p0 [sflag:s13], $0x2000;
	s29 =	smulhi.u32 $0x92492493, s14;
	s30 =	sshra.s32 s14, $0x1F  }
0xa2: {  	(v2sf) =	vpush v5, $0xC;
	s16 =	smul.u32 $0x92492493, s30  }
0xa3: {  	s15 =	ssub.s32 s29, s0  }
0xa4: {  	s15 =	sadd.s32 s16, s15  }
0xa5: {  	s15 =	sadd.s32 s14, s15  }
0xa6: {  	s15 =	sadd.s32 $0x1, s15  }
0xa7: {  	s31 =	sshrl.u32 s15, $0x1F;
	s15 =	sshra.s32 s15, $0x3  }
0xa8: {  	s15 =	sadd.s32 s31, s15  }
0xa9: {  	s3 =	sshll.u32 s17, $0x7;
	s15 =	smul.u32 $0xE, s15  }
0xaa: {  	s1 =	ssub.s32 s1, s3  }
0xab: {  	v6 =	vadd.s32 s1, v0;
	s14 =	ssub.s32 s14, s15  }
0xac: {  	s15 =	sshll.u32 s14, $0xD  }
0xad: {  	p1 =	slt.s32 s14, $0x0;
	s14 =	sadd.s32 $0x1C000, s15  }
0xae: {  	[sflag:s13] =	ssyncset.done @!p0 $0x0;
	s15 =	smov.u32 @p1 s14  }
0xaf: {  	[sflag:s13] =	ssyncadd.s32 @!p0 $0xFFFFE000;
	s15 =	sor.u32 $0x280, s15  }
0xb0: {  	v6 =	vld.idx.msk [tilespmem:v6+s15+$0x0], $0xffff  }
0xb1: {  	v7 =	vadd.s32 s1, v1;
	s16 =	spop (v2sf)  }
0xb2: {  	s13 =	sand.u32 $0x3, s12;
	s5 =	sand.u32 $0x7F, s16  }
0xb3: {  	s18 =	sshra.s32 s16, $0x1F;
	p1 =	slt.s32 s16, $0x1;
	p2 =	sne.s32 s5, $0x0  }
0xb4: {  	s14 =	sshll.u32 s13, $0xA;
	s18 =	sshrl.u32 s18, $0x19;
	p0 =	por !p1, !p2  }
0xb5: {  	s20 =	simm.s32 $0x1;
	s18 =	sadd.s32 s18, s16;
	p0 =	por !p0, !p0;
	[tilespmem:s14+$0x1C280] =	vst v6  }
0xb6: {  	s18 =	sshra.s32 s18, $0x7;
	s20 =	simm.s32 @!p0 $0x0;
	v6 =	vld.idx.msk [tilespmem:v7+s15+$0x0], $0xffff  }
0xb7: {  	v10 =	vadd.s32 s1, v2;
	s18 =	ssub.s32 s18, s20  }
0xb8: {  	(v2sf) =	vpush v5, $0x1;
	p0 =	seq.s32 s18, s19  }
0xb9: {  	s20 =	smulhi.u32 @!p0 $0x92492493, s21;
	s22 =	sshra.s32 @!p0 s21, $0x1F  }
0xba: {  	s22 =	smul.u32 @!p0 $0x92492493, s22  }
0xbb: {  	s20 =	ssub.s32 @!p0 s20, s21;
	[tilespmem:s14+$0x1C290] =	vst v6  }
0xbc: {  	s20 =	sadd.s32 @!p0 s22, s20;
	v6 =	vld.idx.msk [tilespmem:v10+s15+$0x0], $0xffff  }
0xbd: {  	v11 =	vadd.s32 s1, v3;
	s1 =	sadd.s32 @!p0 s21, s20  }
0xbe: {  	s20 =	sshrl.u32 @!p0 s1, $0x1F;
	s1 =	sshra.s32 @!p0 s1, $0x3  }
0xbf: {  	s1 =	sadd.s32 @!p0 s20, s1  }
0xc0: {  	s1 =	smul.u32 @!p0 $0xE, s1  }
0xc1: {  	[tilespmem:s14+$0x1C2A0] =	vst v6  }
0xc2: {  	s1 =	ssub.s32 @!p0 s21, s1;
	v6 =	vld.idx.msk [tilespmem:v11+s15+$0x0], $0xffff  }
0xc3: {  	p1 =	slt.s32 @!p0 s1, $0x0;
	s1 =	sshll.u32 @!p0 s1, $0xD  }
0xc4: {  	s15 =	sadd.s32 @!p0 $0x1C000, s1;
	p1 =	por !p1, p0  }
0xc5: {  	s22 =	simm.s32 @!p0 $0x7A1400;
	s15 =	smov.u32 @p1 s1;
	s1 =	sshll.u32 @!p0 s18, $0x7  }
0xc6: {  	s20 =	simm.s32 @!p0 $0x400;
	s1 =	sand.u32 @!p0 $0x1FFFFF80, s1  }
0xc7: {  	s7 =	spop (v2sf);
	s15 =	sor.u32 @!p0 $0x280, s15;
	s1 =	sadd.s32 @!p0 s2, s1;
	[tilespmem:s14+$0x1C2B0] =	vst v6  }
0xc8: {  	[tilespmem:s15], [sflag:$0x1] =	stream.strided.gather @!p0 [hbm4b:s1+s20], $0x2000, s22, s20, $0x38;
	[tilespmem:$0x1D280] =	vst v63  }
0xc9: {  	s22 =	sand.u32 $0x7F, s7  }
0xca: {  	s23 =	sshra.s32 s7, $0x1F;
	p3 =	slt.s32 s7, $0x1;
	p4 =	sne.s32 s22, $0x0  }
0xcb: {  	s24 =	sshrl.u32 s23, $0x19;
	p0 =	por !p3, !p4  }
0xcc: {  	s15 =	sadd.s32 s24, s7;
	s20 =	simm.s32 $0x1;
	p0 =	por !p0, !p0  }
0xcd: {  	s15 =	sshra.s32 s15, $0x7;
	s20 =	simm.s32 @!p0 $0x0  }
0xce: {  	s15 =	ssub.s32 s15, s20  }
0xcf: {  	s20 =	simm.s32 $0x1;
	p0 =	sne.s32 s15, s17  }
0xd0: {  	s20 =	simm.s32 @!p0 $0x0  }
0xd1: {  	p0 =	seq.s32 s15, s17;
	s22 =	sadd.s32 s20, s0  }
0xd2: {  	s0 =	simm.s32 @!p0 $0x1;
	s25 =	sadd.s32 $0xFFFFFFFF, s22  }
0xd3: {  	_ =	swait.ge @!p0 [sflag:s0], $0x2000;
	s26 =	smulhi.u32 $0x92492493, s25;
	s23 =	sshra.s32 s25, $0x1F  }
0xd4: {  	(v2sf) =	vpush v5, $0xD;
	s23 =	smul.u32 $0x92492493, s23  }
0xd5: {  	s20 =	ssub.s32 s26, s22  }
0xd6: {  	s20 =	sadd.s32 s23, s20  }
0xd7: {  	s20 =	sadd.s32 s25, s20  }
0xd8: {  	s20 =	sadd.s32 $0x1, s20  }
0xd9: {  	s28 =	sshrl.u32 s20, $0x1F;
	s20 =	sshra.s32 s20, $0x3  }
0xda: {  	s20 =	sadd.s32 s28, s20  }
0xdb: {  	s29 =	sshll.u32 s15, $0x7;
	s20 =	smul.u32 $0xE, s20  }
0xdc: {  	s1 =	ssub.s32 s7, s29  }
0xdd: {  	v12 =	vadd.s32 s1, v0;
	s17 =	ssub.s32 s25, s20  }
0xde: {  	s20 =	sshll.u32 s17, $0xD  }
0xdf: {  	p1 =	slt.s32 s17, $0x0;
	s17 =	sadd.s32 $0x1C000, s20  }
0xe0: {  	[sflag:s0] =	ssyncset.done @!p0 $0x0;
	s20 =	smov.u32 @p1 s17  }
0xe1: {  	[sflag:s0] =	ssyncadd.s32 @!p0 $0xFFFFE000;
	s30 =	sor.u32 $0x280, s20  }
0xe2: {  	v6 =	vld.idx.msk [tilespmem:v12+s30+$0x0], $0xffff  }
0xe3: {  	v13 =	vadd.s32 s1, v1;
	s17 =	spop (v2sf)  }
0xe4: {  	s31 =	sand.u32 $0x7F, s17  }
0xe5: {  	(v2sf) =	vpush v5, $0x2;
	s3 =	sshra.s32 s17, $0x1F;
	p5 =	slt.s32 s17, $0x1;
	p6 =	sne.s32 s31, $0x0  }
0xe6: {  	p2 =	sne.s32 s18, s19;
	s5 =	sshrl.u32 s3, $0x19;
	p0 =	por !p5, !p6  }
0xe7: {  	s20 =	simm.s32 $0x1;
	s19 =	sadd.s32 s5, s17;
	p0 =	por !p0, !p0;
	[tilespmem:s14+$0x1C2C0] =	vst v6  }
0xe8: {  	s23 =	simm.s32 $0x1;
	s19 =	sshra.s32 s19, $0x7;
	s20 =	simm.s32 @!p0 $0x0;
	v6 =	vld.idx.msk [tilespmem:v13+s30+$0x0], $0xffff  }
0xe9: {  	v14 =	vadd.s32 s1, v2;
	s23 =	simm.s32 @!p2 $0x0;
	s20 =	ssub.s32 s19, s20  }
0xea: {  	s24 =	sadd.s32 s23, s21;
	p0 =	seq.s32 s20, s18  }
0xeb: {  	s19 =	smulhi.u32 @!p0 $0x92492493, s24;
	s21 =	sshra.s32 @!p0 s24, $0x1F  }
0xec: {  	s21 =	smul.u32 @!p0 $0x92492493, s21  }
0xed: {  	s19 =	ssub.s32 @!p0 s19, s24;
	[tilespmem:s14+$0x1C2D0] =	vst v6  }
0xee: {  	s19 =	sadd.s32 @!p0 s21, s19;
	v6 =	vld.idx.msk [tilespmem:v14+s30+$0x0], $0xffff  }
0xef: {  	v15 =	vadd.s32 s1, v3;
	s1 =	sadd.s32 @!p0 s24, s19  }
0xf0: {  	s19 =	sshrl.u32 @!p0 s1, $0x1F;
	s1 =	sshra.s32 @!p0 s1, $0x3  }
0xf1: {  	s1 =	sadd.s32 @!p0 s19, s1  }
0xf2: {  	s1 =	smul.u32 @!p0 $0xE, s1  }
0xf3: {  	s21 =	simm.s32 @!p0 $0x7A1400;
	[tilespmem:s14+$0x1C2E0] =	vst v6  }
0xf4: {  	s19 =	simm.s32 @!p0 $0x400;
	s7 =	spop (v2sf);
	s0 =	ssub.s32 @!p0 s24, s1;
	v6 =	vld.idx.msk [tilespmem:v15+s30+$0x0], $0xffff  }
0xf5: {  	s25 =	sand.u32 $0x7F, s7;
	p1 =	slt.s32 @!p0 s0, $0x0;
	s0 =	sshll.u32 @!p0 s0, $0xD  }
0xf6: {  	s26 =	sshra.s32 s7, $0x1F;
	s1 =	sadd.s32 @!p0 $0x1C000, s0;
	p1 =	por !p1, p0  }
0xf7: {  	p3 =	slt.s32 s7, $0x1;
	s1 =	smov.u32 @p1 s0;
	s0 =	sshll.u32 @!p0 s20, $0x7  }
0xf8: {  	p4 =	sne.s32 s25, $0x0;
	s28 =	sshrl.u32 s26, $0x19;
	s0 =	sand.u32 @!p0 $0x1FFFFF80, s0  }
0xf9: {  	p1 =	por !p3, !p4;
	s1 =	sor.u32 @!p0 $0x280, s1;
	s0 =	sadd.s32 @!p0 s2, s0;
	[tilespmem:s14+$0x1C2F0] =	vst v6  }
0xfa: {  	[tilespmem:s1], [sflag:$0x1] =	stream.strided.gather @!p0 [hbm4b:s0+s19], $0x2000, s21, s19, $0x38;
	[tilespmem:$0x1D280] =	vst v63  }
0xfb: {  	p1 =	por !p1, !p1;
	s1 =	sadd.s32 s28, s7;
	s19 =	simm.s32 $0x1  }
0xfc: {  	s1 =	sshra.s32 s1, $0x7;
	s19 =	simm.s32 @!p1 $0x0  }
0xfd: {  	s21 =	ssub.s32 s1, s19  }
0xfe: {  	s1 =	simm.s32 $0x1;
	p1 =	sne.s32 s21, s15  }
0xff: {  	s1 =	simm.s32 @!p1 $0x0  }
0x100: {  	p1 =	seq.s32 s21, s15;
	s15 =	sadd.s32 s1, s22  }
0x101: {  	s1 =	simm.s32 @!p1 $0x1;
	s29 =	sadd.s32 $0xFFFFFFFF, s15  }
0x102: {  	_ =	swait.ge @!p1 [sflag:s1], $0x2000;
	s30 =	smulhi.u32 $0x92492493, s29;
	s31 =	sshra.s32 s29, $0x1F  }
0x103: {  	(v2sf) =	vpush v5, $0xE;
	s23 =	smul.u32 $0x92492493, s31  }
0x104: {  	s22 =	ssub.s32 s30, s15  }
0x105: {  	s22 =	sadd.s32 s23, s22  }
0x106: {  	s22 =	sadd.s32 s29, s22  }
0x107: {  	s22 =	sadd.s32 $0x1, s22  }
0x108: {  	s3 =	sshrl.u32 s22, $0x1F;
	s22 =	sshra.s32 s22, $0x3  }
0x109: {  	s22 =	sadd.s32 s3, s22  }
0x10a: {  	s5 =	sshll.u32 s21, $0x7;
	s22 =	smul.u32 $0xE, s22  }
0x10b: {  	s0 =	ssub.s32 s7, s5  }
0x10c: {  	v16 =	vadd.s32 s0, v0;
	s19 =	ssub.s32 s29, s22  }
0x10d: {  	s22 =	sshll.u32 s19, $0xD  }
0x10e: {  	p2 =	slt.s32 s19, $0x0;
	s19 =	sadd.s32 $0x1C000, s22  }
0x10f: {  	[sflag:s1] =	ssyncset.done @!p1 $0x0;
	s22 =	smov.u32 @p2 s19  }
0x110: {  	[sflag:s1] =	ssyncadd.s32 @!p1 $0xFFFFE000;
	s7 =	sor.u32 $0x280, s22  }
0x111: {  	v6 =	vld.idx.msk [tilespmem:v16+s7+$0x0], $0xffff  }
0x112: {  	v17 =	vadd.s32 s0, v1;
	s19 =	spop (v2sf)  }
0x113: {  	s28 =	sand.u32 $0x7F, s19  }
0x114: {  	s29 =	sshra.s32 s19, $0x1F;
	p5 =	slt.s32 s19, $0x1;
	p6 =	sne.s32 s28, $0x0  }
0x115: {  	s25 =	simm.s32 $0x1;
	s30 =	sshrl.u32 s29, $0x19;
	p1 =	por !p5, !p6  }
0x116: {  	p3 =	sne.s32 s20, s18;
	s22 =	sadd.s32 s30, s19;
	p1 =	por !p1, !p1;
	[tilespmem:s14+$0x1C300] =	vst v6  }
0x117: {  	s23 =	simm.s32 $0x1;
	s22 =	sshra.s32 s22, $0x7;
	s25 =	simm.s32 @!p1 $0x0;
	v6 =	vld.idx.msk [tilespmem:v17+s7+$0x0], $0xffff  }
0x118: {  	v18 =	vadd.s32 s0, v2;
	s23 =	simm.s32 @!p3 $0x0;
	s22 =	ssub.s32 s22, s25  }
0x119: {  	s26 =	sadd.s32 s23, s24;
	p1 =	seq.s32 s22, s20  }
0x11a: {  	s24 =	smulhi.u32 @!p1 $0x92492493, s26;
	s25 =	sshra.s32 @!p1 s26, $0x1F  }
0x11b: {  	(v2sf) =	vpush v5, $0x3;
	s25 =	smul.u32 @!p1 $0x92492493, s25  }
0x11c: {  	s24 =	ssub.s32 @!p1 s24, s26;
	[tilespmem:s14+$0x1C310] =	vst v6  }
0x11d: {  	s24 =	sadd.s32 @!p1 s25, s24;
	v6 =	vld.idx.msk [tilespmem:v18+s7+$0x0], $0xffff  }
0x11e: {  	v19 =	vadd.s32 s0, v3;
	s0 =	sadd.s32 @!p1 s26, s24  }
0x11f: {  	s24 =	sshrl.u32 @!p1 s0, $0x1F;
	s0 =	sshra.s32 @!p1 s0, $0x3  }
0x120: {  	s0 =	sadd.s32 @!p1 s24, s0  }
0x121: {  	s0 =	smul.u32 @!p1 $0xE, s0  }
0x122: {  	[tilespmem:s14+$0x1C320] =	vst v6  }
0x123: {  	s0 =	ssub.s32 @!p1 s26, s0;
	v6 =	vld.idx.msk [tilespmem:v19+s7+$0x0], $0xffff  }
0x124: {  	p2 =	slt.s32 @!p1 s0, $0x0;
	s0 =	sshll.u32 @!p1 s0, $0xD  }
0x125: {  	s1 =	sadd.s32 @!p1 $0x1C000, s0;
	p2 =	por !p2, p1  }
0x126: {  	s1 =	smov.u32 @p2 s0;
	s0 =	sshll.u32 @!p1 s22, $0x7  }
0x127: {  	s25 =	simm.s32 @!p1 $0x7A1400;
	s0 =	sand.u32 @!p1 $0x1FFFFF80, s0  }
0x128: {  	s24 =	simm.s32 @!p1 $0x400;
	s1 =	sor.u32 @!p1 $0x280, s1;
	s0 =	sadd.s32 @!p1 s2, s0;
	[tilespmem:s14+$0x1C330] =	vst v6  }
0x129: {  	[tilespmem:s1], [sflag:$0x1] =	stream.strided.gather @!p1 [hbm4b:s0+s24], $0x2000, s25, s24, $0x38;
	[tilespmem:$0x1D280] =	vst v63  }
0x12a: {  	s0 =	spop (v2sf)  }
0x12b: {  	s31 =	sand.u32 $0x7F, s0  }
0x12c: {  	s3 =	sshra.s32 s0, $0x1F;
	p3 =	slt.s32 s0, $0x1;
	p4 =	sne.s32 s31, $0x0  }
0x12d: {  	s5 =	sshrl.u32 s3, $0x19;
	p2 =	por !p3, !p4  }
0x12e: {  	s24 =	simm.s32 $0x1;
	s1 =	sadd.s32 s5, s0;
	p2 =	por !p2, !p2  }
0x12f: {  	s1 =	sshra.s32 s1, $0x7;
	s24 =	simm.s32 @!p2 $0x0  }
0x130: {  	s25 =	ssub.s32 s1, s24  }
0x131: {  	s1 =	simm.s32 $0x1;
	p2 =	sne.s32 s25, s21  }
0x132: {  	s1 =	simm.s32 @!p2 $0x0  }
0x133: {  	p2 =	seq.s32 s25, s21;
	s30 =	sadd.s32 s1, s15  }
0x134: {  	s1 =	simm.s32 @!p2 $0x1;
	s15 =	sadd.s32 $0xFFFFFFFF, s30  }
0x135: {  	_ =	swait.ge @!p2 [sflag:s1], $0x2000;
	s7 =	smulhi.u32 $0x92492493, s15;
	s28 =	sshra.s32 s15, $0x1F  }
0x136: {  	(v2sf) =	vpush v5, $0xF;
	s24 =	smul.u32 $0x92492493, s28  }
0x137: {  	s21 =	ssub.s32 s7, s30  }
0x138: {  	s21 =	sadd.s32 s24, s21  }
0x139: {  	s21 =	sadd.s32 s15, s21  }
0x13a: {  	s21 =	sadd.s32 $0x1, s21  }
0x13b: {  	s29 =	sshrl.u32 s21, $0x1F;
	s21 =	sshra.s32 s21, $0x3  }
0x13c: {  	s21 =	sadd.s32 s29, s21  }
0x13d: {  	s31 =	sshll.u32 s25, $0x7;
	s21 =	smul.u32 $0xE, s21  }
0x13e: {  	s0 =	ssub.s32 s0, s31  }
0x13f: {  	v20 =	vadd.s32 s0, v0;
	s15 =	ssub.s32 s15, s21  }
0x140: {  	s21 =	sshll.u32 s15, $0xD  }
0x141: {  	p3 =	slt.s32 s15, $0x0;
	s15 =	sadd.s32 $0x1C000, s21  }
0x142: {  	[sflag:s1] =	ssyncset.done @!p2 $0x0;
	s21 =	smov.u32 @p3 s15  }
0x143: {  	[sflag:s1] =	ssyncadd.s32 @!p2 $0xFFFFE000;
	s3 =	sor.u32 $0x280, s21  }
0x144: {  	v6 =	vld.idx.msk [tilespmem:v20+s3+$0x0], $0xffff  }
0x145: {  	v21 =	vadd.s32 s0, v1;
	s21 =	spop (v2sf)  }
0x146: {  	s5 =	sand.u32 $0x7F, s21  }
0x147: {  	s7 =	sshra.s32 s21, $0x1F;
	p5 =	slt.s32 s21, $0x1;
	p6 =	sne.s32 s5, $0x0  }
0x148: {  	p4 =	sne.s32 s22, s20;
	s24 =	sshrl.u32 s7, $0x19;
	p2 =	por !p5, !p6  }
0x149: {  	s28 =	simm.s32 $0x1;
	s15 =	sadd.s32 s24, s21;
	p2 =	por !p2, !p2;
	[tilespmem:s14+$0x1C340] =	vst v6  }
0x14a: {  	s24 =	simm.s32 $0x1;
	s15 =	sshra.s32 s15, $0x7;
	s28 =	simm.s32 @!p2 $0x0;
	v6 =	vld.idx.msk [tilespmem:v21+s3+$0x0], $0xffff  }
0x14b: {  	v22 =	vadd.s32 s0, v2;
	s24 =	simm.s32 @!p4 $0x0;
	s15 =	ssub.s32 s15, s28  }
0x14c: {  	s29 =	sadd.s32 s24, s26;
	p2 =	seq.s32 s15, s22  }
0x14d: {  	s26 =	smulhi.u32 @!p2 $0x92492493, s29;
	s28 =	sshra.s32 @!p2 s29, $0x1F  }
0x14e: {  	(v2sf) =	vpush v5, $0x4;
	s28 =	smul.u32 @!p2 $0x92492493, s28  }
0x14f: {  	s26 =	ssub.s32 @!p2 s26, s29;
	[tilespmem:s14+$0x1C350] =	vst v6  }
0x150: {  	s26 =	sadd.s32 @!p2 s28, s26;
	v6 =	vld.idx.msk [tilespmem:v22+s3+$0x0], $0xffff  }
0x151: {  	v23 =	vadd.s32 s0, v3;
	s0 =	sadd.s32 @!p2 s29, s26  }
0x152: {  	s26 =	sshrl.u32 @!p2 s0, $0x1F;
	s0 =	sshra.s32 @!p2 s0, $0x3  }
0x153: {  	s0 =	sadd.s32 @!p2 s26, s0  }
0x154: {  	s0 =	smul.u32 @!p2 $0xE, s0  }
0x155: {  	[tilespmem:s14+$0x1C360] =	vst v6  }
0x156: {  	s0 =	ssub.s32 @!p2 s29, s0;
	v6 =	vld.idx.msk [tilespmem:v23+s3+$0x0], $0xffff  }
0x157: {  	p3 =	slt.s32 @!p2 s0, $0x0;
	s0 =	sshll.u32 @!p2 s0, $0xD  }
0x158: {  	s1 =	sadd.s32 @!p2 $0x1C000, s0;
	p3 =	por !p3, p2  }
0x159: {  	s1 =	smov.u32 @p3 s0;
	s0 =	sshll.u32 @!p2 s15, $0x7  }
0x15a: {  	s28 =	simm.s32 @!p2 $0x7A1400;
	s0 =	sand.u32 @!p2 $0x1FFFFF80, s0  }
0x15b: {  	s26 =	simm.s32 @!p2 $0x400;
	s1 =	sor.u32 @!p2 $0x280, s1;
	s0 =	sadd.s32 @!p2 s2, s0;
	[tilespmem:s14+$0x1C370] =	vst v6  }
0x15c: {  	[tilespmem:s1], [sflag:$0x1] =	stream.strided.gather @!p2 [hbm4b:s0+s26], $0x2000, s28, s26, $0x38;
	[tilespmem:$0x1D280] =	vst v63  }
0x15d: {  	s0 =	spop (v2sf)  }
0x15e: {  	s28 =	sand.u32 $0x7F, s0  }
0x15f: {  	s31 =	sshra.s32 s0, $0x1F;
	p5 =	slt.s32 s0, $0x1;
	p6 =	sne.s32 s28, $0x0  }
0x160: {  	s3 =	sshrl.u32 s31, $0x19;
	p3 =	por !p5, !p6  }
0x161: {  	s26 =	simm.s32 $0x1;
	s1 =	sadd.s32 s3, s0;
	p3 =	por !p3, !p3  }
0x162: {  	s1 =	sshra.s32 s1, $0x7;
	s26 =	simm.s32 @!p3 $0x0  }
0x163: {  	s28 =	ssub.s32 s1, s26  }
0x164: {  	s1 =	simm.s32 $0x1;
	p3 =	sne.s32 s28, s25  }
0x165: {  	s1 =	simm.s32 @!p3 $0x0  }
0x166: {  	p3 =	seq.s32 s28, s25;
	s31 =	sadd.s32 s1, s30  }
0x167: {  	s1 =	simm.s32 @!p3 $0x1;
	s25 =	sadd.s32 $0xFFFFFFFF, s31  }
0x168: {  	_ =	swait.ge @!p3 [sflag:s1], $0x2000;
	s5 =	smulhi.u32 $0x92492493, s25;
	s7 =	sshra.s32 s25, $0x1F  }
0x169: {  	(v2sf) =	vpush v4, $0x0;
	s30 =	smul.u32 $0x92492493, s7  }
0x16a: {  	s26 =	ssub.s32 s5, s31  }
0x16b: {  	s26 =	sadd.s32 s30, s26  }
0x16c: {  	s26 =	sadd.s32 s25, s26  }
0x16d: {  	s26 =	sadd.s32 $0x1, s26  }
0x16e: {  	s3 =	sshrl.u32 s26, $0x1F;
	s26 =	sshra.s32 s26, $0x3  }
0x16f: {  	s26 =	sadd.s32 s3, s26  }
0x170: {  	s5 =	sshll.u32 s28, $0x7;
	s26 =	smul.u32 $0xE, s26  }
0x171: {  	s0 =	ssub.s32 s0, s5  }
0x172: {  	v24 =	vadd.s32 s0, v0;
	s25 =	ssub.s32 s25, s26  }
0x173: {  	s26 =	sshll.u32 s25, $0xD  }
0x174: {  	p4 =	slt.s32 s25, $0x0;
	s25 =	sadd.s32 $0x1C000, s26  }
0x175: {  	[sflag:s1] =	ssyncset.done @!p3 $0x0;
	s26 =	smov.u32 @p4 s25  }
0x176: {  	[sflag:s1] =	ssyncadd.s32 @!p3 $0xFFFFE000;
	s1 =	sor.u32 $0x280, s26  }
0x177: {  	v6 =	vld.idx.msk [tilespmem:v24+s1+$0x0], $0xffff  }
0x178: {  	v25 =	vadd.s32 s0, v1;
	s25 =	spop (v2sf)  }
0x179: {  	s7 =	sand.u32 $0x7F, s25  }
0x17a: {  	s3 =	sshra.s32 s25, $0x1F;
	p5 =	slt.s32 s25, $0x1;
	p6 =	sne.s32 s7, $0x0  }
0x17b: {  	s30 =	simm.s32 $0x1;
	s5 =	sshrl.u32 s3, $0x19;
	p3 =	por !p5, !p6  }
0x17c: {  	p4 =	sne.s32 s15, s22;
	s26 =	sadd.s32 s5, s25;
	p3 =	por !p3, !p3;
	[tilespmem:s14+$0x1C380] =	vst v6  }
0x17d: {  	s25 =	simm.s32 $0x1;
	s26 =	sshra.s32 s26, $0x7;
	s30 =	simm.s32 @!p3 $0x0;
	v6 =	vld.idx.msk [tilespmem:v25+s1+$0x0], $0xffff  }
0x17e: {  	v26 =	vadd.s32 s0, v2;
	s25 =	simm.s32 @!p4 $0x0;
	s26 =	ssub.s32 s26, s30  }
0x17f: {  	s30 =	sadd.s32 s25, s29;
	p3 =	seq.s32 s26, s15  }
0x180: {  	s29 =	smulhi.u32 @!p3 $0x92492493, s30;
	s7 =	sshra.s32 @!p3 s30, $0x1F  }
0x181: {  	(v2sf) =	vpush v5, $0x5;
	s7 =	smul.u32 @!p3 $0x92492493, s7  }
0x182: {  	s29 =	ssub.s32 @!p3 s29, s30;
	[tilespmem:s14+$0x1C390] =	vst v6  }
0x183: {  	s7 =	sadd.s32 @!p3 s7, s29;
	v6 =	vld.idx.msk [tilespmem:v26+s1+$0x0], $0xffff  }
0x184: {  	v27 =	vadd.s32 s0, v3;
	s0 =	sadd.s32 @!p3 s30, s7  }
0x185: {  	s7 =	sshrl.u32 @!p3 s0, $0x1F;
	s0 =	sshra.s32 @!p3 s0, $0x3  }
0x186: {  	s0 =	sadd.s32 @!p3 s7, s0  }
0x187: {  	s0 =	smul.u32 @!p3 $0xE, s0  }
0x188: {  	[tilespmem:s14+$0x1C3A0] =	vst v6  }
0x189: {  	s0 =	ssub.s32 @!p3 s30, s0;
	v6 =	vld.idx.msk [tilespmem:v27+s1+$0x0], $0xffff  }
0x18a: {  	p4 =	slt.s32 @!p3 s0, $0x0;
	s0 =	sshll.u32 @!p3 s0, $0xD  }
0x18b: {  	s1 =	sadd.s32 @!p3 $0x1C000, s0;
	p4 =	por !p4, p3  }
0x18c: {  	s1 =	smov.u32 @p4 s0;
	s0 =	sshll.u32 @!p3 s26, $0x7  }
0x18d: {  	s29 =	simm.s32 @!p3 $0x7A1400;
	s0 =	sand.u32 @!p3 $0x1FFFFF80, s0  }
0x18e: {  	s7 =	simm.s32 @!p3 $0x400;
	s1 =	sor.u32 @!p3 $0x280, s1;
	s0 =	sadd.s32 @!p3 s2, s0;
	[tilespmem:s14+$0x1C3B0] =	vst v6  }
0x18f: {  	[tilespmem:s1], [sflag:$0x1] =	stream.strided.gather @!p3 [hbm4b:s0+s7], $0x2000, s29, s7, $0x38;
	[tilespmem:$0x1D280] =	vst v63  }
0x190: {  	s1 =	spop (v2sf)  }
0x191: {  	s7 =	sand.u32 $0x7F, s1  }
0x192: {  	s29 =	sshra.s32 s1, $0x1F;
	p5 =	slt.s32 s1, $0x1;
	p6 =	sne.s32 s7, $0x0  }
0x193: {  	s3 =	sshrl.u32 s29, $0x19;
	p3 =	por !p5, !p6  }
0x194: {  	s7 =	simm.s32 $0x1;
	s0 =	sadd.s32 s3, s1;
	p3 =	por !p3, !p3  }
0x195: {  	s0 =	sshra.s32 s0, $0x7;
	s7 =	simm.s32 @!p3 $0x0  }
0x196: {  	s29 =	ssub.s32 s0, s7  }
0x197: {  	s0 =	simm.s32 $0x1;
	p3 =	sne.s32 s29, s28  }
0x198: {  	s0 =	simm.s32 @!p3 $0x0  }
0x199: {  	p3 =	seq.s32 s29, s28;
	s0 =	sadd.s32 s0, s31  }
0x19a: {  	s7 =	simm.s32 @!p3 $0x1;
	s28 =	sadd.s32 $0xFFFFFFFF, s0  }
0x19b: {  	_ =	swait.ge @!p3 [sflag:s7], $0x2000;
	s5 =	smulhi.u32 $0x92492493, s28;
	s3 =	sshra.s32 s28, $0x1F  }
0x19c: {  	(v2sf) =	vpush v4, $0x1;
	s3 =	smul.u32 $0x92492493, s3  }
0x19d: {  	s31 =	ssub.s32 s5, s0  }
0x19e: {  	s3 =	sadd.s32 s3, s31  }
0x19f: {  	s3 =	sadd.s32 s28, s3  }
0x1a0: {  	s3 =	sadd.s32 $0x1, s3  }
0x1a1: {  	s5 =	sshrl.u32 s3, $0x1F;
	s3 =	sshra.s32 s3, $0x3  }
0x1a2: {  	s3 =	sadd.s32 s5, s3  }
0x1a3: {  	s5 =	sshll.u32 s29, $0x7;
	s3 =	smul.u32 $0xE, s3  }
0x1a4: {  	s1 =	ssub.s32 s1, s5  }
0x1a5: {  	v28 =	vadd.s32 s1, v0;
	s3 =	ssub.s32 s28, s3  }
0x1a6: {  	s28 =	sshll.u32 s3, $0xD  }
0x1a7: {  	p4 =	slt.s32 s3, $0x0;
	s3 =	sadd.s32 $0x1C000, s28  }
0x1a8: {  	[sflag:s7] =	ssyncset.done @!p3 $0x0;
	s28 =	smov.u32 @p4 s3  }
0x1a9: {  	[sflag:s7] =	ssyncadd.s32 @!p3 $0xFFFFE000;
	s3 =	sor.u32 $0x280, s28  }
0x1aa: {  	v6 =	vld.idx.msk [tilespmem:v28+s3+$0x0], $0xffff  }
0x1ab: {  	v29 =	vadd.s32 s1, v1;
	s7 =	spop (v2sf)  }
0x1ac: {  	s28 =	sand.u32 $0x7F, s7  }
0x1ad: {  	s5 =	sshra.s32 s7, $0x1F;
	p5 =	slt.s32 s7, $0x1;
	p6 =	sne.s32 s28, $0x0  }
0x1ae: {  	s31 =	simm.s32 $0x1;
	s5 =	sshrl.u32 s5, $0x19;
	p3 =	por !p5, !p6  }
0x1af: {  	s28 =	simm.s32 $0x1;
	s7 =	sadd.s32 s5, s7;
	p3 =	por !p3, !p3;
	[tilespmem:s14+$0x1C3C0] =	vst v6  }
0x1b0: {  	p4 =	sne.s32 s26, s15;
	s7 =	sshra.s32 s7, $0x7;
	s28 =	simm.s32 @!p3 $0x0;
	v6 =	vld.idx.msk [tilespmem:v29+s3+$0x0], $0xffff  }
0x1b1: {  	v30 =	vadd.s32 s1, v2;
	s31 =	simm.s32 @!p4 $0x0;
	s28 =	ssub.s32 s7, s28  }
0x1b2: {  	s31 =	sadd.s32 s31, s30;
	p3 =	seq.s32 s28, s26  }
0x1b3: {  	s7 =	smulhi.u32 @!p3 $0x92492493, s31;
	s30 =	sshra.s32 @!p3 s31, $0x1F  }
0x1b4: {  	(v2sf) =	vpush v5, $0x6;
	s30 =	smul.u32 @!p3 $0x92492493, s30  }
0x1b5: {  	s7 =	ssub.s32 @!p3 s7, s31;
	[tilespmem:s14+$0x1C3D0] =	vst v6  }
0x1b6: {  	s7 =	sadd.s32 @!p3 s30, s7;
	v6 =	vld.idx.msk [tilespmem:v30+s3+$0x0], $0xffff  }
0x1b7: {  	v31 =	vadd.s32 s1, v3;
	s1 =	sadd.s32 @!p3 s31, s7  }
0x1b8: {  	s7 =	sshrl.u32 @!p3 s1, $0x1F;
	s1 =	sshra.s32 @!p3 s1, $0x3  }
0x1b9: {  	s1 =	sadd.s32 @!p3 s7, s1  }
0x1ba: {  	s1 =	smul.u32 @!p3 $0xE, s1  }
0x1bb: {  	[tilespmem:s14+$0x1C3E0] =	vst v6  }
0x1bc: {  	s1 =	ssub.s32 @!p3 s31, s1;
	v6 =	vld.idx.msk [tilespmem:v31+s3+$0x0], $0xffff  }
0x1bd: {  	p4 =	slt.s32 @!p3 s1, $0x0;
	s1 =	sshll.u32 @!p3 s1, $0xD  }
0x1be: {  	s3 =	sadd.s32 @!p3 $0x1C000, s1;
	p4 =	por !p4, p3  }
0x1bf: {  	s3 =	smov.u32 @p4 s1;
	s1 =	sshll.u32 @!p3 s28, $0x7  }
0x1c0: {  	s30 =	simm.s32 @!p3 $0x7A1400;
	s1 =	sand.u32 @!p3 $0x1FFFFF80, s1  }
0x1c1: {  	s7 =	simm.s32 @!p3 $0x400;
	s3 =	sor.u32 @!p3 $0x280, s3;
	s1 =	sadd.s32 @!p3 s2, s1;
	[tilespmem:s14+$0x1C3F0] =	vst v6  }
0x1c2: {  	[tilespmem:s3], [sflag:$0x1] =	stream.strided.gather @!p3 [hbm4b:s1+s7], $0x2000, s30, s7, $0x38;
	[tilespmem:$0x1D280] =	vst v63  }
0x1c3: {  	s3 =	spop (v2sf)  }
0x1c4: {  	s30 =	sand.u32 $0x7F, s3  }
0x1c5: {  	s5 =	sshra.s32 s3, $0x1F;
	p5 =	slt.s32 s3, $0x1;
	p6 =	sne.s32 s30, $0x0  }
0x1c6: {  	s7 =	sshrl.u32 s5, $0x19;
	p3 =	por !p5, !p6  }
0x1c7: {  	s1 =	sadd.s32 s7, s3;
	s7 =	simm.s32 $0x1;
	p3 =	por !p3, !p3  }
0x1c8: {  	s1 =	sshra.s32 s1, $0x7;
	s7 =	simm.s32 @!p3 $0x0  }
0x1c9: {  	s30 =	ssub.s32 s1, s7  }
0x1ca: {  	s1 =	simm.s32 $0x1;
	p3 =	sne.s32 s30, s29  }
0x1cb: {  	s1 =	simm.s32 @!p3 $0x0  }
0x1cc: {  	p3 =	seq.s32 s30, s29;
	s1 =	sadd.s32 s1, s0  }
0x1cd: {  	s0 =	simm.s32 @!p3 $0x1;
	s7 =	sadd.s32 $0xFFFFFFFF, s1  }
0x1ce: {  	_ =	swait.ge @!p3 [sflag:s0], $0x2000;
	s29 =	smulhi.u32 $0x92492493, s7;
	s5 =	sshra.s32 s7, $0x1F  }
0x1cf: {  	(v2sf) =	vpush v4, $0x2;
	s5 =	smul.u32 $0x92492493, s5  }
0x1d0: {  	s29 =	ssub.s32 s29, s1  }
0x1d1: {  	s5 =	sadd.s32 s5, s29  }
0x1d2: {  	s5 =	sadd.s32 s7, s5  }
0x1d3: {  	s5 =	sadd.s32 $0x1, s5  }
0x1d4: {  	s29 =	sshrl.u32 s5, $0x1F;
	s5 =	sshra.s32 s5, $0x3  }
0x1d5: {  	s5 =	sadd.s32 s29, s5  }
0x1d6: {  	s29 =	sshll.u32 s30, $0x7;
	s5 =	smul.u32 $0xE, s5  }
0x1d7: {  	s3 =	ssub.s32 s3, s29  }
0x1d8: {  	v32 =	vadd.s32 s3, v0;
	s5 =	ssub.s32 s7, s5  }
0x1d9: {  	s7 =	sshll.u32 s5, $0xD  }
0x1da: {  	p4 =	slt.s32 s5, $0x0;
	s5 =	sadd.s32 $0x1C000, s7  }
0x1db: {  	[sflag:s0] =	ssyncset.done @!p3 $0x0;
	s7 =	smov.u32 @p4 s5  }
0x1dc: {  	[sflag:s0] =	ssyncadd.s32 @!p3 $0xFFFFE000;
	s5 =	sor.u32 $0x280, s7  }
0x1dd: {  	v6 =	vld.idx.msk [tilespmem:v32+s5+$0x0], $0xffff  }
0x1de: {  	v33 =	vadd.s32 s3, v1;
	s0 =	spop (v2sf)  }
0x1df: {  	s7 =	sand.u32 $0x7F, s0  }
0x1e0: {  	s29 =	sshra.s32 s0, $0x1F;
	p5 =	slt.s32 s0, $0x1;
	p6 =	sne.s32 s7, $0x0  }
0x1e1: {  	p4 =	sne.s32 s28, s26;
	s26 =	sshrl.u32 s29, $0x19;
	p3 =	por !p5, !p6  }
0x1e2: {  	s7 =	simm.s32 $0x1;
	s0 =	sadd.s32 s26, s0;
	p3 =	por !p3, !p3;
	[tilespmem:s14+$0x1C400] =	vst v6  }
0x1e3: {  	s29 =	simm.s32 $0x1;
	s0 =	sshra.s32 s0, $0x7;
	s7 =	simm.s32 @!p3 $0x0;
	v6 =	vld.idx.msk [tilespmem:v33+s5+$0x0], $0xffff  }
0x1e4: {  	v34 =	vadd.s32 s3, v2;
	s29 =	simm.s32 @!p4 $0x0;
	s26 =	ssub.s32 s0, s7  }
0x1e5: {  	s0 =	sadd.s32 s29, s31;
	p3 =	seq.s32 s26, s28  }
0x1e6: {  	s7 =	smulhi.u32 @!p3 $0x92492493, s0;
	s29 =	sshra.s32 @!p3 s0, $0x1F  }
0x1e7: {  	(v2sf) =	vpush v5, $0x7;
	s29 =	smul.u32 @!p3 $0x92492493, s29  }
0x1e8: {  	s7 =	ssub.s32 @!p3 s7, s0;
	[tilespmem:s14+$0x1C410] =	vst v6  }
0x1e9: {  	s7 =	sadd.s32 @!p3 s29, s7;
	v6 =	vld.idx.msk [tilespmem:v34+s5+$0x0], $0xffff  }
0x1ea: {  	v35 =	vadd.s32 s3, v3;
	s3 =	sadd.s32 @!p3 s0, s7  }
0x1eb: {  	s7 =	sshrl.u32 @!p3 s3, $0x1F;
	s3 =	sshra.s32 @!p3 s3, $0x3  }
0x1ec: {  	s3 =	sadd.s32 @!p3 s7, s3  }
0x1ed: {  	s3 =	smul.u32 @!p3 $0xE, s3  }
0x1ee: {  	[tilespmem:s14+$0x1C420] =	vst v6  }
0x1ef: {  	s3 =	ssub.s32 @!p3 s0, s3;
	v6 =	vld.idx.msk [tilespmem:v35+s5+$0x0], $0xffff  }
0x1f0: {  	p4 =	slt.s32 @!p3 s3, $0x0;
	s3 =	sshll.u32 @!p3 s3, $0xD  }
0x1f1: {  	s5 =	sadd.s32 @!p3 $0x1C000, s3;
	p4 =	por !p4, p3  }
0x1f2: {  	s5 =	smov.u32 @p4 s3;
	s3 =	sshll.u32 @!p3 s26, $0x7  }
0x1f3: {  	s29 =	simm.s32 @!p3 $0x7A1400;
	s3 =	sand.u32 @!p3 $0x1FFFFF80, s3  }
0x1f4: {  	s7 =	simm.s32 @!p3 $0x400;
	s5 =	sor.u32 @!p3 $0x280, s5;
	s3 =	sadd.s32 @!p3 s2, s3;
	[tilespmem:s14+$0x1C430] =	vst v6  }
0x1f5: {  	[tilespmem:s5], [sflag:$0x1] =	stream.strided.gather @!p3 [hbm4b:s3+s7], $0x2000, s29, s7, $0x38;
	[tilespmem:$0x1D280] =	vst v63  }
0x1f6: {  	s3 =	spop (v2sf)  }
0x1f7: {  	s29 =	sand.u32 $0x7F, s3  }
0x1f8: {  	s31 =	sshra.s32 s3, $0x1F;
	p5 =	slt.s32 s3, $0x1;
	p6 =	sne.s32 s29, $0x0  }
0x1f9: {  	s29 =	sshrl.u32 s31, $0x19;
	p3 =	por !p5, !p6  }
0x1fa: {  	s7 =	simm.s32 $0x1;
	s5 =	sadd.s32 s29, s3;
	p3 =	por !p3, !p3  }
0x1fb: {  	s5 =	sshra.s32 s5, $0x7;
	s7 =	simm.s32 @!p3 $0x0  }
0x1fc: {  	s29 =	ssub.s32 s5, s7  }
0x1fd: {  	s5 =	simm.s32 $0x1;
	p3 =	sne.s32 s29, s30  }
0x1fe: {  	s5 =	simm.s32 @!p3 $0x0  }
0x1ff: {  	p3 =	seq.s32 s29, s30;
	s1 =	sadd.s32 s5, s1  }
0x200: {  	s5 =	simm.s32 @!p3 $0x1;
	s7 =	sadd.s32 $0xFFFFFFFF, s1  }
0x201: {  	_ =	swait.ge @!p3 [sflag:s5], $0x2000;
	s30 =	smulhi.u32 $0x92492493, s7;
	s31 =	sshra.s32 s7, $0x1F  }
0x202: {  	(v2sf) =	vpush v4, $0x3;
	s31 =	smul.u32 $0x92492493, s31  }
0x203: {  	s30 =	ssub.s32 s30, s1  }
0x204: {  	s30 =	sadd.s32 s31, s30  }
0x205: {  	s30 =	sadd.s32 s7, s30  }
0x206: {  	s30 =	sadd.s32 $0x1, s30  }
0x207: {  	s31 =	sshrl.u32 s30, $0x1F;
	s30 =	sshra.s32 s30, $0x3  }
0x208: {  	s30 =	sadd.s32 s31, s30  }
0x209: {  	s31 =	sshll.u32 s29, $0x7;
	s30 =	smul.u32 $0xE, s30  }
0x20a: {  	s3 =	ssub.s32 s3, s31  }
0x20b: {  	v36 =	vadd.s32 s3, v0;
	s7 =	ssub.s32 s7, s30  }
0x20c: {  	s30 =	sshll.u32 s7, $0xD  }
0x20d: {  	p4 =	slt.s32 s7, $0x0;
	s7 =	sadd.s32 $0x1C000, s30  }
0x20e: {  	[sflag:s5] =	ssyncset.done @!p3 $0x0;
	s30 =	smov.u32 @p4 s7  }
0x20f: {  	[sflag:s5] =	ssyncadd.s32 @!p3 $0xFFFFE000;
	s5 =	sor.u32 $0x280, s30  }
0x210: {  	v6 =	vld.idx.msk [tilespmem:v36+s5+$0x0], $0xffff  }
0x211: {  	v37 =	vadd.s32 s3, v1;
	s7 =	spop (v2sf)  }
0x212: {  	s30 =	sand.u32 $0x7F, s7  }
0x213: {  	s31 =	sshra.s32 s7, $0x1F;
	p5 =	slt.s32 s7, $0x1;
	p6 =	sne.s32 s30, $0x0  }
0x214: {  	p4 =	sne.s32 s26, s28;
	s31 =	sshrl.u32 s31, $0x19;
	p3 =	por !p5, !p6  }
0x215: {  	s28 =	simm.s32 $0x1;
	s7 =	sadd.s32 s31, s7;
	p3 =	por !p3, !p3;
	[tilespmem:s14+$0x1C440] =	vst v6  }
0x216: {  	s30 =	simm.s32 $0x1;
	s7 =	sshra.s32 s7, $0x7;
	s28 =	simm.s32 @!p3 $0x0;
	v6 =	vld.idx.msk [tilespmem:v37+s5+$0x0], $0xffff  }
0x217: {  	v38 =	vadd.s32 s3, v2;
	s30 =	simm.s32 @!p4 $0x0;
	s28 =	ssub.s32 s7, s28  }
0x218: {  	s0 =	sadd.s32 s30, s0;
	p3 =	seq.s32 s28, s26  }
0x219: {  	s7 =	smulhi.u32 @!p3 $0x92492493, s0;
	s30 =	sshra.s32 @!p3 s0, $0x1F  }
0x21a: {  	(v2sf) =	vpush v5, $0x8;
	s30 =	smul.u32 @!p3 $0x92492493, s30  }
0x21b: {  	s7 =	ssub.s32 @!p3 s7, s0;
	[tilespmem:s14+$0x1C450] =	vst v6  }
0x21c: {  	s7 =	sadd.s32 @!p3 s30, s7;
	v6 =	vld.idx.msk [tilespmem:v38+s5+$0x0], $0xffff  }
0x21d: {  	v39 =	vadd.s32 s3, v3;
	s3 =	sadd.s32 @!p3 s0, s7  }
0x21e: {  	s7 =	sshrl.u32 @!p3 s3, $0x1F;
	s3 =	sshra.s32 @!p3 s3, $0x3  }
0x21f: {  	s3 =	sadd.s32 @!p3 s7, s3  }
0x220: {  	s3 =	smul.u32 @!p3 $0xE, s3  }
0x221: {  	[tilespmem:s14+$0x1C460] =	vst v6  }
0x222: {  	s3 =	ssub.s32 @!p3 s0, s3;
	v6 =	vld.idx.msk [tilespmem:v39+s5+$0x0], $0xffff  }
0x223: {  	p4 =	slt.s32 @!p3 s3, $0x0;
	s3 =	sshll.u32 @!p3 s3, $0xD  }
0x224: {  	s5 =	sadd.s32 @!p3 $0x1C000, s3;
	p4 =	por !p4, p3  }
0x225: {  	s5 =	smov.u32 @p4 s3;
	s3 =	sshll.u32 @!p3 s28, $0x7  }
0x226: {  	s30 =	simm.s32 @!p3 $0x7A1400;
	s3 =	sand.u32 @!p3 $0x1FFFFF80, s3  }
0x227: {  	s7 =	simm.s32 @!p3 $0x400;
	s5 =	sor.u32 @!p3 $0x280, s5;
	s3 =	sadd.s32 @!p3 s2, s3;
	[tilespmem:s14+$0x1C470] =	vst v6  }
0x228: {  	[tilespmem:s5], [sflag:$0x1] =	stream.strided.gather @!p3 [hbm4b:s3+s7], $0x2000, s30, s7, $0x38;
	[tilespmem:$0x1D280] =	vst v63  }
0x229: {  	s3 =	spop (v2sf)  }
0x22a: {  	s30 =	sand.u32 $0x7F, s3  }
0x22b: {  	s31 =	sshra.s32 s3, $0x1F;
	p5 =	slt.s32 s3, $0x1;
	p6 =	sne.s32 s30, $0x0  }
0x22c: {  	s30 =	sshrl.u32 s31, $0x19;
	p3 =	por !p5, !p6  }
0x22d: {  	s7 =	simm.s32 $0x1;
	s5 =	sadd.s32 s30, s3;
	p3 =	por !p3, !p3  }
0x22e: {  	s5 =	sshra.s32 s5, $0x7;
	s7 =	simm.s32 @!p3 $0x0  }
0x22f: {  	s30 =	ssub.s32 s5, s7  }
0x230: {  	s5 =	simm.s32 $0x1;
	p3 =	sne.s32 s30, s29  }
0x231: {  	s5 =	simm.s32 @!p3 $0x0  }
0x232: {  	p3 =	seq.s32 s30, s29;
	s1 =	sadd.s32 s5, s1  }
0x233: {  	s5 =	simm.s32 @!p3 $0x1;
	s7 =	sadd.s32 $0xFFFFFFFF, s1  }
0x234: {  	_ =	swait.ge @!p3 [sflag:s5], $0x2000;
	s29 =	smulhi.u32 $0x92492493, s7;
	s31 =	sshra.s32 s7, $0x1F  }
0x235: {  	(v2sf) =	vpush v4, $0x4;
	s31 =	smul.u32 $0x92492493, s31  }
0x236: {  	s29 =	ssub.s32 s29, s1  }
0x237: {  	s29 =	sadd.s32 s31, s29  }
0x238: {  	s29 =	sadd.s32 s7, s29  }
0x239: {  	s29 =	sadd.s32 $0x1, s29  }
0x23a: {  	s31 =	sshrl.u32 s29, $0x1F;
	s29 =	sshra.s32 s29, $0x3  }
0x23b: {  	s29 =	sadd.s32 s31, s29  }
0x23c: {  	s31 =	sshll.u32 s30, $0x7;
	s29 =	smul.u32 $0xE, s29  }
0x23d: {  	s3 =	ssub.s32 s3, s31  }
0x23e: {  	v40 =	vadd.s32 s3, v0;
	s7 =	ssub.s32 s7, s29  }
0x23f: {  	s29 =	sshll.u32 s7, $0xD  }
0x240: {  	p4 =	slt.s32 s7, $0x0;
	s7 =	sadd.s32 $0x1C000, s29  }
0x241: {  	[sflag:s5] =	ssyncset.done @!p3 $0x0;
	s29 =	smov.u32 @p4 s7  }
0x242: {  	[sflag:s5] =	ssyncadd.s32 @!p3 $0xFFFFE000;
	s5 =	sor.u32 $0x280, s29  }
0x243: {  	v6 =	vld.idx.msk [tilespmem:v40+s5+$0x0], $0xffff  }
0x244: {  	v41 =	vadd.s32 s3, v1;
	s7 =	spop (v2sf)  }
0x245: {  	s29 =	sand.u32 $0x7F, s7  }
0x246: {  	s31 =	sshra.s32 s7, $0x1F;
	p5 =	slt.s32 s7, $0x1;
	p6 =	sne.s32 s29, $0x0  }
0x247: {  	p4 =	sne.s32 s28, s26;
	s31 =	sshrl.u32 s31, $0x19;
	p3 =	por !p5, !p6  }
0x248: {  	s26 =	simm.s32 $0x1;
	s7 =	sadd.s32 s31, s7;
	p3 =	por !p3, !p3;
	[tilespmem:s14+$0x1C480] =	vst v6  }
0x249: {  	s29 =	simm.s32 $0x1;
	s7 =	sshra.s32 s7, $0x7;
	s26 =	simm.s32 @!p3 $0x0;
	v6 =	vld.idx.msk [tilespmem:v41+s5+$0x0], $0xffff  }
0x24a: {  	v42 =	vadd.s32 s3, v2;
	s29 =	simm.s32 @!p4 $0x0;
	s26 =	ssub.s32 s7, s26  }
0x24b: {  	s0 =	sadd.s32 s29, s0;
	p3 =	seq.s32 s26, s28  }
0x24c: {  	s7 =	smulhi.u32 @!p3 $0x92492493, s0;
	s29 =	sshra.s32 @!p3 s0, $0x1F  }
0x24d: {  	(v2sf) =	vpush v5, $0x9;
	s29 =	smul.u32 @!p3 $0x92492493, s29  }
0x24e: {  	s7 =	ssub.s32 @!p3 s7, s0;
	[tilespmem:s14+$0x1C490] =	vst v6  }
0x24f: {  	s7 =	sadd.s32 @!p3 s29, s7;
	v6 =	vld.idx.msk [tilespmem:v42+s5+$0x0], $0xffff  }
0x250: {  	v43 =	vadd.s32 s3, v3;
	s3 =	sadd.s32 @!p3 s0, s7  }
0x251: {  	s7 =	sshrl.u32 @!p3 s3, $0x1F;
	s3 =	sshra.s32 @!p3 s3, $0x3  }
0x252: {  	s3 =	sadd.s32 @!p3 s7, s3  }
0x253: {  	s3 =	smul.u32 @!p3 $0xE, s3  }
0x254: {  	[tilespmem:s14+$0x1C4A0] =	vst v6  }
0x255: {  	s3 =	ssub.s32 @!p3 s0, s3;
	v6 =	vld.idx.msk [tilespmem:v43+s5+$0x0], $0xffff  }
0x256: {  	p4 =	slt.s32 @!p3 s3, $0x0;
	s3 =	sshll.u32 @!p3 s3, $0xD  }
0x257: {  	s5 =	sadd.s32 @!p3 $0x1C000, s3;
	p4 =	por !p4, p3  }
0x258: {  	s5 =	smov.u32 @p4 s3;
	s3 =	sshll.u32 @!p3 s26, $0x7  }
0x259: {  	s29 =	simm.s32 @!p3 $0x7A1400;
	s3 =	sand.u32 @!p3 $0x1FFFFF80, s3  }
0x25a: {  	s7 =	simm.s32 @!p3 $0x400;
	s5 =	sor.u32 @!p3 $0x280, s5;
	s3 =	sadd.s32 @!p3 s2, s3;
	[tilespmem:s14+$0x1C4B0] =	vst v6  }
0x25b: {  	[tilespmem:s5], [sflag:$0x1] =	stream.strided.gather @!p3 [hbm4b:s3+s7], $0x2000, s29, s7, $0x38;
	[tilespmem:$0x1D280] =	vst v63  }
0x25c: {  	s3 =	spop (v2sf)  }
0x25d: {  	s29 =	sand.u32 $0x7F, s3  }
0x25e: {  	s31 =	sshra.s32 s3, $0x1F;
	p5 =	slt.s32 s3, $0x1;
	p6 =	sne.s32 s29, $0x0  }
0x25f: {  	s29 =	sshrl.u32 s31, $0x19;
	p3 =	por !p5, !p6  }
0x260: {  	s7 =	simm.s32 $0x1;
	s5 =	sadd.s32 s29, s3;
	p3 =	por !p3, !p3  }
0x261: {  	s5 =	sshra.s32 s5, $0x7;
	s7 =	simm.s32 @!p3 $0x0  }
0x262: {  	s29 =	ssub.s32 s5, s7  }
0x263: {  	s5 =	simm.s32 $0x1;
	p3 =	sne.s32 s29, s30  }
0x264: {  	s5 =	simm.s32 @!p3 $0x0  }
0x265: {  	p3 =	seq.s32 s29, s30;
	s1 =	sadd.s32 s5, s1  }
0x266: {  	s5 =	simm.s32 @!p3 $0x1;
	s7 =	sadd.s32 $0xFFFFFFFF, s1  }
0x267: {  	_ =	swait.ge @!p3 [sflag:s5], $0x2000;
	s30 =	smulhi.u32 $0x92492493, s7;
	s31 =	sshra.s32 s7, $0x1F  }
0x268: {  	(v2sf) =	vpush v4, $0x5;
	s31 =	smul.u32 $0x92492493, s31  }
0x269: {  	s30 =	ssub.s32 s30, s1  }
0x26a: {  	s30 =	sadd.s32 s31, s30  }
0x26b: {  	s30 =	sadd.s32 s7, s30  }
0x26c: {  	s30 =	sadd.s32 $0x1, s30  }
0x26d: {  	s31 =	sshrl.u32 s30, $0x1F;
	s30 =	sshra.s32 s30, $0x3  }
0x26e: {  	s30 =	sadd.s32 s31, s30  }
0x26f: {  	s31 =	sshll.u32 s29, $0x7;
	s30 =	smul.u32 $0xE, s30  }
0x270: {  	s3 =	ssub.s32 s3, s31  }
0x271: {  	v44 =	vadd.s32 s3, v0;
	s7 =	ssub.s32 s7, s30  }
0x272: {  	s30 =	sshll.u32 s7, $0xD  }
0x273: {  	p4 =	slt.s32 s7, $0x0;
	s7 =	sadd.s32 $0x1C000, s30  }
0x274: {  	[sflag:s5] =	ssyncset.done @!p3 $0x0;
	s30 =	smov.u32 @p4 s7  }
0x275: {  	[sflag:s5] =	ssyncadd.s32 @!p3 $0xFFFFE000;
	s5 =	sor.u32 $0x280, s30  }
0x276: {  	v6 =	vld.idx.msk [tilespmem:v44+s5+$0x0], $0xffff  }
0x277: {  	v45 =	vadd.s32 s3, v1;
	s7 =	spop (v2sf)  }
0x278: {  	s30 =	sand.u32 $0x7F, s7  }
0x279: {  	s31 =	sshra.s32 s7, $0x1F;
	p5 =	slt.s32 s7, $0x1;
	p6 =	sne.s32 s30, $0x0  }
0x27a: {  	p4 =	sne.s32 s26, s28;
	s31 =	sshrl.u32 s31, $0x19;
	p3 =	por !p5, !p6  }
0x27b: {  	s28 =	simm.s32 $0x1;
	s7 =	sadd.s32 s31, s7;
	p3 =	por !p3, !p3;
	[tilespmem:s14+$0x1C4C0] =	vst v6  }
0x27c: {  	s30 =	simm.s32 $0x1;
	s7 =	sshra.s32 s7, $0x7;
	s28 =	simm.s32 @!p3 $0x0;
	v6 =	vld.idx.msk [tilespmem:v45+s5+$0x0], $0xffff  }
0x27d: {  	v46 =	vadd.s32 s3, v2;
	s30 =	simm.s32 @!p4 $0x0;
	s28 =	ssub.s32 s7, s28  }
0x27e: {  	s0 =	sadd.s32 s30, s0;
	p3 =	seq.s32 s28, s26  }
0x27f: {  	s7 =	smulhi.u32 @!p3 $0x92492493, s0;
	s30 =	sshra.s32 @!p3 s0, $0x1F  }
0x280: {  	(v2sf) =	vpush v5, $0xA;
	s30 =	smul.u32 @!p3 $0x92492493, s30  }
0x281: {  	s7 =	ssub.s32 @!p3 s7, s0;
	[tilespmem:s14+$0x1C4D0] =	vst v6  }
0x282: {  	s7 =	sadd.s32 @!p3 s30, s7;
	v6 =	vld.idx.msk [tilespmem:v46+s5+$0x0], $0xffff  }
0x283: {  	v47 =	vadd.s32 s3, v3;
	s3 =	sadd.s32 @!p3 s0, s7  }
0x284: {  	s7 =	sshrl.u32 @!p3 s3, $0x1F;
	s3 =	sshra.s32 @!p3 s3, $0x3  }
0x285: {  	s3 =	sadd.s32 @!p3 s7, s3  }
0x286: {  	s3 =	smul.u32 @!p3 $0xE, s3  }
0x287: {  	[tilespmem:s14+$0x1C4E0] =	vst v6  }
0x288: {  	s3 =	ssub.s32 @!p3 s0, s3;
	v6 =	vld.idx.msk [tilespmem:v47+s5+$0x0], $0xffff  }
0x289: {  	p4 =	slt.s32 @!p3 s3, $0x0;
	s3 =	sshll.u32 @!p3 s3, $0xD  }
0x28a: {  	s5 =	sadd.s32 @!p3 $0x1C000, s3;
	p4 =	por !p4, p3  }
0x28b: {  	s5 =	smov.u32 @p4 s3;
	s3 =	sshll.u32 @!p3 s28, $0x7  }
0x28c: {  	s30 =	simm.s32 @!p3 $0x7A1400;
	s3 =	sand.u32 @!p3 $0x1FFFFF80, s3  }
0x28d: {  	s7 =	simm.s32 @!p3 $0x400;
	s5 =	sor.u32 @!p3 $0x280, s5;
	s3 =	sadd.s32 @!p3 s2, s3;
	[tilespmem:s14+$0x1C4F0] =	vst v6  }
0x28e: {  	[tilespmem:s5], [sflag:$0x1] =	stream.strided.gather @!p3 [hbm4b:s3+s7], $0x2000, s30, s7, $0x38;
	[tilespmem:$0x1D280] =	vst v63  }
0x28f: {  	s3 =	spop (v2sf)  }
0x290: {  	s30 =	sand.u32 $0x7F, s3  }
0x291: {  	s31 =	sshra.s32 s3, $0x1F;
	p5 =	slt.s32 s3, $0x1;
	p6 =	sne.s32 s30, $0x0  }
0x292: {  	s30 =	sshrl.u32 s31, $0x19;
	p3 =	por !p5, !p6  }
0x293: {  	s7 =	simm.s32 $0x1;
	s5 =	sadd.s32 s30, s3;
	p3 =	por !p3, !p3  }
0x294: {  	s5 =	sshra.s32 s5, $0x7;
	s7 =	simm.s32 @!p3 $0x0  }
0x295: {  	s30 =	ssub.s32 s5, s7  }
0x296: {  	s5 =	simm.s32 $0x1;
	p3 =	sne.s32 s30, s29  }
0x297: {  	s5 =	simm.s32 @!p3 $0x0  }
0x298: {  	p3 =	seq.s32 s30, s29;
	s1 =	sadd.s32 s5, s1  }
0x299: {  	s5 =	simm.s32 @!p3 $0x1;
	s7 =	sadd.s32 $0xFFFFFFFF, s1  }
0x29a: {  	_ =	swait.ge @!p3 [sflag:s5], $0x2000;
	s29 =	smulhi.u32 $0x92492493, s7;
	s31 =	sshra.s32 s7, $0x1F  }
0x29b: {  	(v2sf) =	vpush v4, $0x6;
	s31 =	smul.u32 $0x92492493, s31  }
0x29c: {  	s29 =	ssub.s32 s29, s1  }
0x29d: {  	s29 =	sadd.s32 s31, s29  }
0x29e: {  	s29 =	sadd.s32 s7, s29  }
0x29f: {  	s29 =	sadd.s32 $0x1, s29  }
0x2a0: {  	s31 =	sshrl.u32 s29, $0x1F;
	s29 =	sshra.s32 s29, $0x3  }
0x2a1: {  	s29 =	sadd.s32 s31, s29  }
0x2a2: {  	s31 =	sshll.u32 s30, $0x7;
	s29 =	smul.u32 $0xE, s29  }
0x2a3: {  	s3 =	ssub.s32 s3, s31  }
0x2a4: {  	v48 =	vadd.s32 s3, v0;
	s7 =	ssub.s32 s7, s29  }
0x2a5: {  	s29 =	sshll.u32 s7, $0xD  }
0x2a6: {  	p4 =	slt.s32 s7, $0x0;
	s7 =	sadd.s32 $0x1C000, s29  }
0x2a7: {  	[sflag:s5] =	ssyncset.done @!p3 $0x0;
	s29 =	smov.u32 @p4 s7  }
0x2a8: {  	[sflag:s5] =	ssyncadd.s32 @!p3 $0xFFFFE000;
	s5 =	sor.u32 $0x280, s29  }
0x2a9: {  	v6 =	vld.idx.msk [tilespmem:v48+s5+$0x0], $0xffff  }
0x2aa: {  	v49 =	vadd.s32 s3, v1;
	s7 =	spop (v2sf)  }
0x2ab: {  	s29 =	sand.u32 $0x7F, s7  }
0x2ac: {  	s31 =	sshra.s32 s7, $0x1F;
	p5 =	slt.s32 s7, $0x1;
	p6 =	sne.s32 s29, $0x0  }
0x2ad: {  	p4 =	sne.s32 s28, s26;
	s31 =	sshrl.u32 s31, $0x19;
	p3 =	por !p5, !p6  }
0x2ae: {  	s26 =	simm.s32 $0x1;
	s7 =	sadd.s32 s31, s7;
	p3 =	por !p3, !p3;
	[tilespmem:s14+$0x1C500] =	vst v6  }
0x2af: {  	s29 =	simm.s32 $0x1;
	s7 =	sshra.s32 s7, $0x7;
	s26 =	simm.s32 @!p3 $0x0;
	v6 =	vld.idx.msk [tilespmem:v49+s5+$0x0], $0xffff  }
0x2b0: {  	v50 =	vadd.s32 s3, v2;
	s29 =	simm.s32 @!p4 $0x0;
	s26 =	ssub.s32 s7, s26  }
0x2b1: {  	s0 =	sadd.s32 s29, s0;
	p3 =	seq.s32 s26, s28  }
0x2b2: {  	s7 =	smulhi.u32 @!p3 $0x92492493, s0;
	s29 =	sshra.s32 @!p3 s0, $0x1F  }
0x2b3: {  	(v2sf) =	vpush v5, $0xB;
	s29 =	smul.u32 @!p3 $0x92492493, s29  }
0x2b4: {  	s7 =	ssub.s32 @!p3 s7, s0;
	[tilespmem:s14+$0x1C510] =	vst v6  }
0x2b5: {  	s7 =	sadd.s32 @!p3 s29, s7;
	v5 =	vld.idx.msk [tilespmem:v50+s5+$0x0], $0xffff  }
0x2b6: {  	v51 =	vadd.s32 s3, v3;
	s3 =	sadd.s32 @!p3 s0, s7  }
0x2b7: {  	s7 =	sshrl.u32 @!p3 s3, $0x1F;
	s3 =	sshra.s32 @!p3 s3, $0x3  }
0x2b8: {  	s3 =	sadd.s32 @!p3 s7, s3  }
0x2b9: {  	s3 =	smul.u32 @!p3 $0xE, s3  }
0x2ba: {  	[tilespmem:s14+$0x1C520] =	vst v5  }
0x2bb: {  	s3 =	ssub.s32 @!p3 s0, s3;
	v5 =	vld.idx.msk [tilespmem:v51+s5+$0x0], $0xffff  }
0x2bc: {  	p4 =	slt.s32 @!p3 s3, $0x0;
	s3 =	sshll.u32 @!p3 s3, $0xD  }
0x2bd: {  	s5 =	sadd.s32 @!p3 $0x1C000, s3;
	p4 =	por !p4, p3  }
0x2be: {  	s5 =	smov.u32 @p4 s3;
	s3 =	sshll.u32 @!p3 s26, $0x7  }
0x2bf: {  	s29 =	simm.s32 @!p3 $0x7A1400;
	s3 =	sand.u32 @!p3 $0x1FFFFF80, s3  }
0x2c0: {  	s7 =	simm.s32 @!p3 $0x400;
	s5 =	sor.u32 @!p3 $0x280, s5;
	s3 =	sadd.s32 @!p3 s2, s3;
	[tilespmem:s14+$0x1C530] =	vst v5  }
0x2c1: {  	[tilespmem:s5], [sflag:$0x1] =	stream.strided.gather @!p3 [hbm4b:s3+s7], $0x2000, s29, s7, $0x38;
	[tilespmem:$0x1D280] =	vst v63  }
0x2c2: {  	s3 =	spop (v2sf)  }
0x2c3: {  	s29 =	sand.u32 $0x7F, s3  }
0x2c4: {  	s31 =	sshra.s32 s3, $0x1F;
	p5 =	slt.s32 s3, $0x1;
	p6 =	sne.s32 s29, $0x0  }
0x2c5: {  	s29 =	sshrl.u32 s31, $0x19;
	p3 =	por !p5, !p6  }
0x2c6: {  	s7 =	simm.s32 $0x1;
	s5 =	sadd.s32 s29, s3;
	p3 =	por !p3, !p3  }
0x2c7: {  	s5 =	sshra.s32 s5, $0x7;
	s7 =	simm.s32 @!p3 $0x0  }
0x2c8: {  	s29 =	ssub.s32 s5, s7  }
0x2c9: {  	s5 =	simm.s32 $0x1;
	p3 =	sne.s32 s29, s30  }
0x2ca: {  	s5 =	simm.s32 @!p3 $0x0  }
0x2cb: {  	p3 =	seq.s32 s29, s30;
	s1 =	sadd.s32 s5, s1  }
0x2cc: {  	s5 =	simm.s32 @!p3 $0x1;
	s7 =	sadd.s32 $0xFFFFFFFF, s1  }
0x2cd: {  	_ =	swait.ge @!p3 [sflag:s5], $0x2000;
	s30 =	smulhi.u32 $0x92492493, s7;
	s31 =	sshra.s32 s7, $0x1F  }
0x2ce: {  	(v2sf) =	vpush v4, $0x7;
	s31 =	smul.u32 $0x92492493, s31  }
0x2cf: {  	s30 =	ssub.s32 s30, s1  }
0x2d0: {  	s30 =	sadd.s32 s31, s30  }
0x2d1: {  	s30 =	sadd.s32 s7, s30  }
0x2d2: {  	s30 =	sadd.s32 $0x1, s30  }
0x2d3: {  	s31 =	sshrl.u32 s30, $0x1F;
	s30 =	sshra.s32 s30, $0x3  }
0x2d4: {  	s30 =	sadd.s32 s31, s30  }
0x2d5: {  	s31 =	sshll.u32 s29, $0x7;
	s30 =	smul.u32 $0xE, s30  }
0x2d6: {  	s3 =	ssub.s32 s3, s31  }
0x2d7: {  	v5 =	vadd.s32 s3, v0;
	s7 =	ssub.s32 s7, s30  }
0x2d8: {  	s30 =	sshll.u32 s7, $0xD  }
0x2d9: {  	p4 =	slt.s32 s7, $0x0;
	s7 =	sadd.s32 $0x1C000, s30  }
0x2da: {  	[sflag:s5] =	ssyncset.done @!p3 $0x0;
	s30 =	smov.u32 @p4 s7  }
0x2db: {  	[sflag:s5] =	ssyncadd.s32 @!p3 $0xFFFFE000;
	s5 =	sor.u32 $0x280, s30  }
0x2dc: {  	v5 =	vld.idx.msk [tilespmem:v5+s5+$0x0], $0xffff  }
0x2dd: {  	v52 =	vadd.s32 s3, v1;
	s7 =	spop (v2sf)  }
0x2de: {  	s31 =	sand.u32 $0x7F, s7  }
0x2df: {  	p6 =	slt.s32 s7, $0x1;
	p5 =	sne.s32 s31, $0x0;
	s31 =	sshra.s32 s7, $0x1F  }
0x2e0: {  	p4 =	sne.s32 s26, s28;
	p3 =	por !p6, !p5;
	s31 =	sshrl.u32 s31, $0x19  }
0x2e1: {  	s28 =	simm.s32 $0x1;
	s7 =	sadd.s32 s31, s7;
	p3 =	por !p3, !p3;
	[tilespmem:s14+$0x1C540] =	vst v5  }
0x2e2: {  	s30 =	simm.s32 $0x1;
	s7 =	sshra.s32 s7, $0x7;
	s28 =	simm.s32 @!p3 $0x0;
	v5 =	vld.idx.msk [tilespmem:v52+s5+$0x0], $0xffff  }
0x2e3: {  	v53 =	vadd.s32 s3, v2;
	s30 =	simm.s32 @!p4 $0x0;
	s28 =	ssub.s32 s7, s28  }
0x2e4: {  	s0 =	sadd.s32 s30, s0;
	p3 =	seq.s32 s28, s26  }
0x2e5: {  	s7 =	smulhi.u32 @!p3 $0x92492493, s0;
	s30 =	sshra.s32 @!p3 s0, $0x1F  }
0x2e6: {  	s30 =	smul.u32 @!p3 $0x92492493, s30  }
0x2e7: {  	s7 =	ssub.s32 @!p3 s7, s0;
	[tilespmem:s14+$0x1C550] =	vst v5  }
0x2e8: {  	s7 =	sadd.s32 @!p3 s30, s7;
	v5 =	vld.idx.msk [tilespmem:v53+s5+$0x0], $0xffff  }
0x2e9: {  	v54 =	vadd.s32 s3, v3;
	s3 =	sadd.s32 @!p3 s0, s7  }
0x2ea: {  	s7 =	sshrl.u32 @!p3 s3, $0x1F;
	s3 =	sshra.s32 @!p3 s3, $0x3  }
0x2eb: {  	s3 =	sadd.s32 @!p3 s7, s3  }
0x2ec: {  	s3 =	smul.u32 @!p3 $0xE, s3  }
0x2ed: {  	[tilespmem:s14+$0x1C560] =	vst v5  }
0x2ee: {  	s3 =	ssub.s32 @!p3 s0, s3;
	v5 =	vld.idx.msk [tilespmem:v54+s5+$0x0], $0xffff  }
0x2ef: {  	p4 =	slt.s32 @!p3 s3, $0x0;
	s3 =	sshll.u32 @!p3 s3, $0xD  }
0x2f0: {  	s5 =	sadd.s32 @!p3 $0x1C000, s3;
	p4 =	por !p4, p3  }
0x2f1: {  	s5 =	smov.u32 @p4 s3;
	s3 =	sshll.u32 @!p3 s28, $0x7  }
0x2f2: {  	s30 =	simm.s32 @!p3 $0x7A1400;
	s3 =	sand.u32 @!p3 $0x1FFFFF80, s3  }
0x2f3: {  	s7 =	simm.s32 @!p3 $0x400;
	s5 =	sor.u32 @!p3 $0x280, s5;
	s3 =	sadd.s32 @!p3 s2, s3;
	[tilespmem:s14+$0x1C570] =	vst v5  }
0x2f4: {  	[tilespmem:s5], [sflag:$0x1] =	stream.strided.gather @!p3 [hbm4b:s3+s7], $0x2000, s30, s7, $0x38;
	[tilespmem:$0x1D280] =	vst v63  }
0x2f5: {  	p3 =	sne.s32 s18, s29;
	s3 =	simm.s32 $0x1  }
0x2f6: {  	s3 =	simm.s32 @!p3 $0x0  }
0x2f7: {  	p3 =	seq.s32 s18, s29;
	s1 =	sadd.s32 s3, s1  }
0x2f8: {  	s3 =	simm.s32 @!p3 $0x1;
	s5 =	sadd.s32 $0xFFFFFFFF, s1  }
0x2f9: {  	_ =	swait.ge @!p3 [sflag:s3], $0x2000;
	s30 =	smulhi.u32 $0x92492493, s5;
	s31 =	sshra.s32 s5, $0x1F  }
0x2fa: {  	(v2sf) =	vpush v4, $0x8;
	s29 =	smul.u32 $0x92492493, s31  }
0x2fb: {  	s7 =	ssub.s32 s30, s1  }
0x2fc: {  	s7 =	sadd.s32 s29, s7  }
0x2fd: {  	s7 =	sadd.s32 s5, s7  }
0x2fe: {  	s7 =	sadd.s32 $0x1, s7  }
0x2ff: {  	s30 =	sshrl.u32 s7, $0x1F;
	s7 =	sshra.s32 s7, $0x3  }
0x300: {  	s7 =	sadd.s32 s30, s7  }
0x301: {  	s18 =	sshll.u32 s18, $0x7;
	s7 =	smul.u32 $0xE, s7  }
0x302: {  	s18 =	ssub.s32 s16, s18  }
0x303: {  	v5 =	vadd.s32 s18, v0;
	s5 =	ssub.s32 s5, s7  }
0x304: {  	s7 =	sshll.u32 s5, $0xD  }
0x305: {  	p4 =	slt.s32 s5, $0x0;
	s5 =	sadd.s32 $0x1C000, s7  }
0x306: {  	[sflag:s3] =	ssyncset.done @!p3 $0x0;
	s7 =	smov.u32 @p4 s5  }
0x307: {  	[sflag:s3] =	ssyncadd.s32 @!p3 $0xFFFFE000;
	s3 =	sor.u32 $0x280, s7  }
0x308: {  	v5 =	vld.idx.msk [tilespmem:v5+s3+$0x0], $0xffff  }
0x309: {  	v55 =	vadd.s32 s18, v1;
	s31 =	spop (v2sf)  }
0x30a: {  	s16 =	sand.u32 $0x7F, s31  }
0x30b: {  	s29 =	sshra.s32 s31, $0x1F;
	p5 =	slt.s32 s31, $0x1;
	p6 =	sne.s32 s16, $0x0  }
0x30c: {  	p4 =	sne.s32 s28, s26;
	s30 =	sshrl.u32 s29, $0x19;
	p3 =	por !p5, !p6  }
0x30d: {  	s7 =	simm.s32 $0x1;
	s5 =	sadd.s32 s30, s31;
	p3 =	por !p3, !p3;
	[tilespmem:s14+$0x1C580] =	vst v5  }
0x30e: {  	s26 =	simm.s32 $0x1;
	s5 =	sshra.s32 s5, $0x7;
	s7 =	simm.s32 @!p3 $0x0;
	v5 =	vld.idx.msk [tilespmem:v55+s3+$0x0], $0xffff  }
0x30f: {  	v56 =	vadd.s32 s18, v2;
	s26 =	simm.s32 @!p4 $0x0;
	s16 =	ssub.s32 s5, s7  }
0x310: {  	s0 =	sadd.s32 s26, s0;
	p3 =	seq.s32 s16, s28  }
0x311: {  	s5 =	smulhi.u32 @!p3 $0x92492493, s0;
	s7 =	sshra.s32 @!p3 s0, $0x1F  }
0x312: {  	s7 =	smul.u32 @!p3 $0x92492493, s7  }
0x313: {  	s5 =	ssub.s32 @!p3 s5, s0;
	[tilespmem:s14+$0x1C590] =	vst v5  }
0x314: {  	s5 =	sadd.s32 @!p3 s7, s5;
	v5 =	vld.idx.msk [tilespmem:v56+s3+$0x0], $0xffff  }
0x315: {  	v57 =	vadd.s32 s18, v3;
	s5 =	sadd.s32 @!p3 s0, s5  }
0x316: {  	s7 =	sshrl.u32 @!p3 s5, $0x1F;
	s5 =	sshra.s32 @!p3 s5, $0x3  }
0x317: {  	s5 =	sadd.s32 @!p3 s7, s5  }
0x318: {  	s5 =	smul.u32 @!p3 $0xE, s5  }
0x319: {  	[tilespmem:s14+$0x1C5A0] =	vst v5  }
0x31a: {  	v5 =	vld.idx.msk [tilespmem:v57+s3+$0x0], $0xffff;
	s3 =	ssub.s32 @!p3 s0, s5  }
0x31b: {  	p4 =	slt.s32 @!p3 s3, $0x0;
	s3 =	sshll.u32 @!p3 s3, $0xD  }
0x31c: {  	s5 =	sadd.s32 @!p3 $0x1C000, s3;
	p4 =	por !p4, p3  }
0x31d: {  	s5 =	smov.u32 @p4 s3;
	s3 =	sshll.u32 @!p3 s16, $0x7  }
0x31e: {  	s1 =	sadd.s32 s23, s1;
	s18 =	simm.s32 @!p3 $0x7A1400;
	s3 =	sand.u32 @!p3 $0x1FFFFF80, s3  }
0x31f: {  	s7 =	simm.s32 @!p3 $0x400;
	s5 =	sor.u32 @!p3 $0x280, s5;
	[tilespmem:s14+$0x1C5B0] =	vst v5;
	s3 =	sadd.s32 @!p3 s2, s3  }
0x320: {  	[tilespmem:s5], [sflag:$0x1] =	stream.strided.gather @!p3 [hbm4b:s3+s7], $0x2000, s18, s7, $0x38;
	[tilespmem:$0x1D280] =	vst v63  }
0x321: {  	s31 =	sadd.s32 $0xFFFFFFFF, s1;
	s3 =	simm.s32 @!p0 $0x1  }
0x322: {  	s23 =	smulhi.u32 $0x92492493, s31;
	s26 =	sshra.s32 s31, $0x1F;
	_ =	swait.ge @!p0 [sflag:s3], $0x2000  }
0x323: {  	s18 =	smul.u32 $0x92492493, s26;
	(v2sf) =	vpush v4, $0x9  }
0x324: {  	s7 =	ssub.s32 s23, s1  }
0x325: {  	s7 =	sadd.s32 s18, s7  }
0x326: {  	s7 =	sadd.s32 s31, s7  }
0x327: {  	s7 =	sadd.s32 $0x1, s7  }
0x328: {  	s29 =	sshrl.u32 s7, $0x1F;
	s7 =	sshra.s32 s7, $0x3  }
0x329: {  	s7 =	sadd.s32 s29, s7  }
0x32a: {  	s30 =	sshll.u32 s20, $0x7;
	s7 =	smul.u32 $0xE, s7  }
0x32b: {  	s18 =	ssub.s32 s17, s30  }
0x32c: {  	v5 =	vadd.s32 s18, v0;
	s5 =	ssub.s32 s31, s7  }
0x32d: {  	s7 =	sshll.u32 s5, $0xD  }
0x32e: {  	p3 =	slt.s32 s5, $0x0;
	s5 =	sadd.s32 $0x1C000, s7  }
0x32f: {  	[sflag:s3] =	ssyncset.done @!p0 $0x0;
	s7 =	smov.u32 @p3 s5  }
0x330: {  	[sflag:s3] =	ssyncadd.s32 @!p0 $0xFFFFE000;
	s31 =	sor.u32 $0x280, s7  }
0x331: {  	v5 =	vld.idx.msk [tilespmem:v5+s31+$0x0], $0xffff  }
0x332: {  	v58 =	vadd.s32 s18, v1;
	s23 =	spop (v2sf)  }
0x333: {  	s26 =	sand.u32 $0x7F, s23  }
0x334: {  	s29 =	sshra.s32 s23, $0x1F;
	p5 =	slt.s32 s23, $0x1;
	p6 =	sne.s32 s26, $0x0  }
0x335: {  	s20 =	simm.s32 $0x1;
	s30 =	sshrl.u32 s29, $0x19;
	p0 =	por !p5, !p6  }
0x336: {  	s7 =	simm.s32 $0x1;
	[tilespmem:s14+$0x1C5C0] =	vst v5;
	s5 =	sadd.s32 s30, s23;
	p0 =	por !p0, !p0  }
0x337: {  	p4 =	sne.s32 s16, s28;
	v5 =	vld.idx.msk [tilespmem:v58+s31+$0x0], $0xffff;
	s5 =	sshra.s32 s5, $0x7;
	s7 =	simm.s32 @!p0 $0x0  }
0x338: {  	s20 =	simm.s32 @!p4 $0x0;
	v59 =	vadd.s32 s18, v2;
	s17 =	ssub.s32 s5, s7  }
0x339: {  	s0 =	sadd.s32 s20, s0;
	p0 =	seq.s32 s17, s16  }
0x33a: {  	s5 =	smulhi.u32 @!p0 $0x92492493, s0;
	s7 =	sshra.s32 @!p0 s0, $0x1F  }
0x33b: {  	s7 =	smul.u32 @!p0 $0x92492493, s7  }
0x33c: {  	[tilespmem:s14+$0x1C5D0] =	vst v5;
	s5 =	ssub.s32 @!p0 s5, s0  }
0x33d: {  	v5 =	vld.idx.msk [tilespmem:v59+s31+$0x0], $0xffff;
	s5 =	sadd.s32 @!p0 s7, s5  }
0x33e: {  	v60 =	vadd.s32 s18, v3;
	s5 =	sadd.s32 @!p0 s0, s5  }
0x33f: {  	s7 =	sshrl.u32 @!p0 s5, $0x1F;
	s5 =	sshra.s32 @!p0 s5, $0x3  }
0x340: {  	s5 =	sadd.s32 @!p0 s7, s5  }
0x341: {  	s5 =	smul.u32 @!p0 $0xE, s5  }
0x342: {  	[tilespmem:s14+$0x1C5E0] =	vst v5  }
0x343: {  	v5 =	vld.idx.msk [tilespmem:v60+s31+$0x0], $0xffff;
	s3 =	ssub.s32 @!p0 s0, s5  }
0x344: {  	p3 =	slt.s32 @!p0 s3, $0x0;
	s3 =	sshll.u32 @!p0 s3, $0xD  }
0x345: {  	s5 =	sadd.s32 @!p0 $0x1C000, s3;
	p3 =	por !p3, p0  }
0x346: {  	s5 =	smov.u32 @p3 s3;
	s3 =	sshll.u32 @!p0 s17, $0x7  }
0x347: {  	s1 =	sadd.s32 s24, s1;
	s18 =	simm.s32 @!p0 $0x7A1400;
	s3 =	sand.u32 @!p0 $0x1FFFFF80, s3  }
0x348: {  	s7 =	simm.s32 @!p0 $0x400;
	[tilespmem:s14+$0x1C5F0] =	vst v5;
	s5 =	sor.u32 @!p0 $0x280, s5;
	s3 =	sadd.s32 @!p0 s2, s3  }
0x349: {  	[tilespmem:s5], [sflag:$0x1] =	stream.strided.gather @!p0 [hbm4b:s3+s7], $0x2000, s18, s7, $0x38;
	[tilespmem:$0x1D280] =	vst v63  }
0x34a: {  	s31 =	sadd.s32 $0xFFFFFFFF, s1;
	s3 =	simm.s32 @!p1 $0x1  }
0x34b: {  	s20 =	smulhi.u32 $0x92492493, s31;
	s23 =	sshra.s32 s31, $0x1F;
	_ =	swait.ge @!p1 [sflag:s3], $0x2000  }
0x34c: {  	s18 =	smul.u32 $0x92492493, s23;
	(v2sf) =	vpush v4, $0xA  }
0x34d: {  	s7 =	ssub.s32 s20, s1  }
0x34e: {  	s7 =	sadd.s32 s18, s7  }
0x34f: {  	s7 =	sadd.s32 s31, s7  }
0x350: {  	s7 =	sadd.s32 $0x1, s7  }
0x351: {  	s24 =	sshrl.u32 s7, $0x1F;
	s7 =	sshra.s32 s7, $0x3  }
0x352: {  	s7 =	sadd.s32 s24, s7  }
0x353: {  	s26 =	sshll.u32 s22, $0x7;
	s7 =	smul.u32 $0xE, s7  }
0x354: {  	s19 =	ssub.s32 s19, s26  }
0x355: {  	v5 =	vadd.s32 s19, v0;
	s5 =	ssub.s32 s31, s7  }
0x356: {  	s7 =	sshll.u32 s5, $0xD  }
0x357: {  	p0 =	slt.s32 s5, $0x0;
	s5 =	sadd.s32 $0x1C000, s7  }
0x358: {  	[sflag:s3] =	ssyncset.done @!p1 $0x0;
	s7 =	smov.u32 @p0 s5  }
0x359: {  	[sflag:s3] =	ssyncadd.s32 @!p1 $0xFFFFE000;
	s28 =	sor.u32 $0x280, s7  }
0x35a: {  	v5 =	vld.idx.msk [tilespmem:v5+s28+$0x0], $0xffff  }
0x35b: {  	v61 =	vadd.s32 s19, v1;
	s29 =	spop (v2sf)  }
0x35c: {  	s30 =	sand.u32 $0x7F, s29  }
0x35d: {  	s31 =	sshra.s32 s29, $0x1F;
	p1 =	slt.s32 s29, $0x1;
	p4 =	sne.s32 s30, $0x0  }
0x35e: {  	p3 =	sne.s32 s17, s16;
	s18 =	sshrl.u32 s31, $0x19;
	p0 =	por !p1, !p4  }
0x35f: {  	s7 =	simm.s32 $0x1;
	[tilespmem:s14+$0x1C600] =	vst v5;
	s5 =	sadd.s32 s18, s29;
	p0 =	por !p0, !p0  }
0x360: {  	s16 =	simm.s32 $0x1;
	v5 =	vld.idx.msk [tilespmem:v61+s28+$0x0], $0xffff;
	s5 =	sshra.s32 s5, $0x7;
	s7 =	simm.s32 @!p0 $0x0  }
0x361: {  	v62 =	vadd.s32 s19, v2;
	s16 =	simm.s32 @!p3 $0x0;
	s18 =	ssub.s32 s5, s7  }
0x362: {  	s0 =	sadd.s32 s16, s0;
	p0 =	seq.s32 s18, s17  }
0x363: {  	s5 =	smulhi.u32 @!p0 $0x92492493, s0;
	s7 =	sshra.s32 @!p0 s0, $0x1F  }
0x364: {  	s7 =	smul.u32 @!p0 $0x92492493, s7  }
0x365: {  	[tilespmem:s14+$0x1C610] =	vst v5;
	s5 =	ssub.s32 @!p0 s5, s0  }
0x366: {  	v5 =	vld.idx.msk [tilespmem:v62+s28+$0x0], $0xffff;
	s5 =	sadd.s32 @!p0 s7, s5  }
0x367: {  	v63 =	vadd.s32 s19, v3;
	s5 =	sadd.s32 @!p0 s0, s5  }
0x368: {  	s7 =	sshrl.u32 @!p0 s5, $0x1F;
	s5 =	sshra.s32 @!p0 s5, $0x3  }
0x369: {  	s5 =	sadd.s32 @!p0 s7, s5  }
0x36a: {  	s5 =	smul.u32 @!p0 $0xE, s5  }
0x36b: {  	[tilespmem:s14+$0x1C620] =	vst v5  }
0x36c: {  	v5 =	vld.idx.msk [tilespmem:v63+s28+$0x0], $0xffff;
	s3 =	ssub.s32 @!p0 s0, s5  }
0x36d: {  	p1 =	slt.s32 @!p0 s3, $0x0;
	s3 =	sshll.u32 @!p0 s3, $0xD  }
0x36e: {  	s5 =	sadd.s32 @!p0 $0x1C000, s3;
	p1 =	por !p1, p0  }
0x36f: {  	s5 =	smov.u32 @p1 s3;
	s3 =	sshll.u32 @!p0 s18, $0x7  }
0x370: {  	s16 =	simm.s32 @!p0 $0x7A1400;
	s3 =	sand.u32 @!p0 $0x1FFFFF80, s3  }
0x371: {  	s7 =	simm.s32 @!p0 $0x400;
	[tilespmem:s14+$0x1C630] =	vst v5;
	s5 =	sor.u32 @!p0 $0x280, s5;
	s3 =	sadd.s32 @!p0 s2, s3  }
0x372: {  	[tilespmem:s5], [sflag:$0x1] =	stream.strided.gather @!p0 [hbm4b:s3+s7], $0x2000, s16, s7, $0x38;
	[tilespmem:$0x1D280] =	vst v63  }
0x373: {  	s16 =	sadd.s32 s25, s1  }
0x374: {  	s1 =	simm.s32 @!p2 $0x1;
	s20 =	sadd.s32 $0xFFFFFFFF, s16  }
0x375: {  	_ =	swait.ge @!p2 [sflag:s1], $0x2000;
	s22 =	smulhi.u32 $0x92492493, s20;
	s23 =	sshra.s32 s20, $0x1F  }
0x376: {  	(v2sf) =	vpush v4, $0xB;
	s7 =	smul.u32 $0x92492493, s23  }
0x377: {  	s5 =	ssub.s32 s22, s16  }
0x378: {  	s5 =	sadd.s32 s7, s5  }
0x379: {  	s5 =	sadd.s32 s20, s5  }
0x37a: {  	s5 =	sadd.s32 $0x1, s5  }
0x37b: {  	s24 =	sshrl.u32 s5, $0x1F;
	s5 =	sshra.s32 s5, $0x3  }
0x37c: {  	s5 =	sadd.s32 s24, s5  }
0x37d: {  	s25 =	sshll.u32 s15, $0x7;
	s5 =	smul.u32 $0xE, s5  }
0x37e: {  	s7 =	ssub.s32 s21, s25  }
0x37f: {  	v4 =	vadd.s32 s7, v0;
	s3 =	ssub.s32 s20, s5  }
0x380: {  	s5 =	sshll.u32 s3, $0xD  }
0x381: {  	p0 =	slt.s32 s3, $0x0;
	s3 =	sadd.s32 $0x1C000, s5  }
0x382: {  	[sflag:s1] =	ssyncset.done @!p2 $0x0;
	s5 =	smov.u32 @p0 s3  }
0x383: {  	[sflag:s1] =	ssyncadd.s32 @!p2 $0xFFFFE000;
	s26 =	sor.u32 $0x280, s5  }
0x384: {  	v4 =	vld.idx.msk [tilespmem:v4+s26+$0x0], $0xffff  }
0x385: {  	v5 =	vadd.s32 s7, v1;
	s28 =	spop (v2sf)  }
0x386: {  	s29 =	sand.u32 $0x7F, s28  }
0x387: {  	s30 =	sshra.s32 s28, $0x1F;
	p5 =	slt.s32 s28, $0x1;
	p6 =	sne.s32 s29, $0x0  }
0x388: {  	p2 =	sne.s32 s18, s17;
	s31 =	sshrl.u32 s30, $0x19;
	p0 =	por !p5, !p6  }
0x389: {  	s5 =	simm.s32 $0x1;
	s3 =	sadd.s32 s31, s28;
	p0 =	por !p0, !p0;
	[tilespmem:s14+$0x1C640] =	vst v4  }
0x38a: {  	s17 =	simm.s32 $0x1;
	s3 =	sshra.s32 s3, $0x7;
	s5 =	simm.s32 @!p0 $0x0;
	v4 =	vld.idx.msk [tilespmem:v5+s26+$0x0], $0xffff  }
0x38b: {  	s17 =	simm.s32 @!p2 $0x0;
	v5 =	vadd.s32 s7, v2;
	s19 =	ssub.s32 s3, s5  }
0x38c: {  	s0 =	sadd.s32 s17, s0;
	p0 =	seq.s32 s19, s18  }
0x38d: {  	s3 =	smulhi.u32 @!p0 $0x92492493, s0;
	s5 =	sshra.s32 @!p0 s0, $0x1F  }
0x38e: {  	s5 =	smul.u32 @!p0 $0x92492493, s5  }
0x38f: {  	s3 =	ssub.s32 @!p0 s3, s0;
	[tilespmem:s14+$0x1C650] =	vst v4  }
0x390: {  	s3 =	sadd.s32 @!p0 s5, s3;
	v4 =	vld.idx.msk [tilespmem:v5+s26+$0x0], $0xffff  }
0x391: {  	v5 =	vadd.s32 s7, v3;
	s3 =	sadd.s32 @!p0 s0, s3  }
0x392: {  	s5 =	sshrl.u32 @!p0 s3, $0x1F;
	s3 =	sshra.s32 @!p0 s3, $0x3  }
0x393: {  	s3 =	sadd.s32 @!p0 s5, s3  }
0x394: {  	s3 =	smul.u32 @!p0 $0xE, s3  }
0x395: {  	[tilespmem:s14+$0x1C660] =	vst v4  }
0x396: {  	s1 =	ssub.s32 @!p0 s0, s3;
	v4 =	vld.idx.msk [tilespmem:v5+s26+$0x0], $0xffff  }
0x397: {  	p1 =	slt.s32 @!p0 s1, $0x0;
	s1 =	sshll.u32 @!p0 s1, $0xD  }
0x398: {  	s3 =	sadd.s32 @!p0 $0x1C000, s1;
	p1 =	por !p1, p0  }
0x399: {  	s3 =	smov.u32 @p1 s1;
	s1 =	sshll.u32 @!p0 s19, $0x7  }
0x39a: {  	s7 =	simm.s32 @!p0 $0x7A1400;
	s1 =	sand.u32 @!p0 $0x1FFFFF80, s1  }
0x39b: {  	s5 =	simm.s32 @!p0 $0x400;
	s3 =	sor.u32 @!p0 $0x280, s3;
	s1 =	sadd.s32 @!p0 s2, s1;
	[tilespmem:s14+$0x1C670] =	vst v4  }
0x39c: {  	[tilespmem:s3], [sflag:$0x1] =	stream.strided.gather @!p0 [hbm4b:s1+s5], $0x2000, s7, s5, $0x38;
	[tilespmem:$0x1D280] =	vst v63  }
0x39d: {  	p0 =	sne.s32 s13, $0x3  }
0x39e: {  	s1 =	rddreg [dreg:$0x4];
	s3 =	sand.u32 @!p0 $0xE00, s11  }
0x39f: {  	s5 =	simm.s32 @!p0 $0x1C280;
	s1 =	sadd.s32 @!p0 s3, s1;
	s3 =	simm.s32 @!p0 $0x0  }
0x3a0: {  	[hbm4b:s1+s3] =	stream.linear.scatter @!p0 [tilespmem:s5], [sflag:$0x2], $0x1000, $0x38;
	[tilespmem:$0x1D280] =	vst v63  }
0x3a1: {  	s12 =	sadd.s32 $0x1, s12;
	p1 =	sne.s32 s19, s18;
	s1 =	simm.s32 $0x1  }
0x3a2: {  	s1 =	simm.s32 @!p1 $0x0;
	p1 =	sne.s32 s12, $0x20  }
.Ltmp2:
0x3a3: {  	_ = 	snop;
	(pc) =	sbr.rel @p1 .LBB2_2-.Ltmp2, $4  }
0x3a4: {  	s3 =	simm.s32 @!p0 $0x2  }
0x3a5: {  	_ =	swait.ge @!p0 [sflag:s3], $0x1000  }
0x3a6: {  	s10 =	sadd.s32 $0x10, s10;
	[sflag:s3] =	ssyncset.done @!p0 $0x0  }
0x3a7: {  	s11 =	sadd.s32 $0x80, s11;
	s21 =	sadd.s32 s1, s0;
	[sflag:s3] =	ssyncadd.s32 @!p0 $0xFFFFF000  }
0x3a8: {  	s0 =	ssub.s32 s21, s16  }
0x3a9: {  	p0 =	slt.s32 s0, $0x1  }
.Ltmp3:
0x3aa: {  	_ = 	snop;
	(pc) =	sbr.rel @p0 .LBB2_7-.Ltmp3, $2  }
0x3ab: {  	_ =	sdelay $0x2  }
0x3ac: {  	s1 =	simm.s32 $0x0  }
0x3ad: {  	s1 =	sadd.s32 $0x1, s1  }
0x3ae: {  	p0 =	slt.s32 s1, s0  }
.Ltmp4:
0x3af: {  	_ = 	snop;
	(pc) =	sbr.rel @!p0 .LBB2_6-.Ltmp4, $3  }
0x3b0: {  	_ =	sdelay $0x1  }
0x3b1: {  	_ =	swait.ge [sflag:s8], $0x2000  }
0x3b2: {  	[sflag:s8] =	ssyncset.done $0x0  }
.LBB2_5:
0x3b3: {  	s1 =	sadd.s32 $0x1, s1  }
0x3b4: {  	[sflag:s8] =	ssyncadd.s32 $0xFFFFE000;
	p0 =	slt.s32 s1, s0  }
.Ltmp5:
0x3b5: {  	(pc) =	sbr.rel @p0 .LBB2_5-.Ltmp5, $3  }
0x3b6: {  	_ =	sdelay $0x1  }
0x3b7: {  	_ =	swait.ge [sflag:s8], $0x2000  }
0x3b8: {  	[sflag:s8] =	ssyncset.done $0x0  }
.Ltmp6:
0x3b9: {  	_ = 	snop;
	(pc) =	sbr.rel .LBB2_6-.Ltmp6, $1  }
0x3ba: {  	_ =	sdelay $0x3  }
.LBB2_8:
0x3bb: {  	_ =	sfence.sel $0x180000  }
0x3bc: {  	[bflag:$0x0] =	sbarrier.arrive $0xFFFF  }
0x3bd: {  	_ =	strace $0x9000004A  }
0x3be: {  	s0 =	stileid.u32;
	[bflag:$0x2] =	sbarrier.arrive $0xFFFF  }
0x3bf: {  	p0 =	sne.s32 s0, $0x0;
	s0 =	rddreg [dreg:$0x3]  }
0x3c0: {  	s0 =	sadd.s32 @!p0 $0x100000, s0  }
0x3c1: {  	[sflag:s0] =	ssyncadd.tile.s32 @!p0 $0x1;
	_ =	shalt  }
.Lfunc_end2:
_tile_overlayer_lowered:
.L_overlay_start_2:
0x3c2: {  	(tag) =	ssettag $0x2  }
0x3c3: {  	s0 =	rddreg [dreg:$0x0];
	s2 =	stileid.u32  }
0x3c4: {  	s1 =	rddreg [dreg:$0x1];
	p0 =	sne.s32 s2, $0x0  }
0x3c5: {  	s3 =	rddreg [dreg:$0x2];
	[bflag:$0x3] =	sbarrier.arrive $0xFFFF;
	s2 =	simm.s32 @!p0 $0x1C02  }
0x3c6: {  	[timem:s3], [sflag:s2] =	dma.local @!p0 [hbm:s0], s1  }
0x3c7: {  	s0 =	simm.s32 @!p0 $0x2  }
0x3c8: {  	_ =	swait.ge @!p0 [sflag:s0], s1  }
0x3c9: {  	s1 =	ssub.s32 @!p0 $0x0, s1;
	[sflag:s0] =	ssyncset.done @!p0 $0x0  }
0x3ca: {  	[sflag:s0] =	ssyncadd.s32 @!p0 s1  }
0x3cb: {  	[bflag:$0x3] =	sbarrier.arrive $0xFFFF  }
0x3cc: {  	_ =	shalt  }

// kernel: kernel.7.cloned.1.call-start
scs
__scs_entry_jumppad:
0x0: {  	(pc) =	sbr.rel $0x88, $3  }
0x1: {  	(tag) =	ssettag $0x0;
	lr =	simm.s32 $0x1  }
0x2: {  	[smem:$0x3F9F] =	sst lr;
	_ =	strace $0xD0000000  }
0x3: {  	_ = 	snop  }
0x4: {  	_ = 	snop  }
0x5: {  	_ = 	snop  }
0x6: {  	_ = 	snop  }
0x7: {  	_ = 	snop  }
__scs_overlays_trampoline_lowered:
0x8: {  	[smem:$0x3FAE] =	sst s0  }
0x9: {  	[smem:$0x3FAF] =	sst s1  }
0xa: {  	[smem:$0x3FB0] =	sst s2  }
0xb: {  	[smem:$0x3FB1] =	sst s3  }
0xc: {  	[smem:$0x3FB2] =	sst s4  }
0xd: {  	[smem:$0x3FB3] =	sst s5  }
0xe: {  	[smem:$0x3FB4] =	sst s6  }
0xf: {  	[smem:$0x3FB5] =	sst s7  }
0x10: {  	[smem:$0x3FB6] =	sst s8  }
0x11: {  	[smem:$0x3FB7] =	sst s9;
	s0 =	simm.s32 @!p0 $0x0  }
0x12: {  	s1 =	sld [smem:$0x3F9D];
	s0 =	simm.s32 @p0 $0x1  }
0x13: {  	[smem:$0x3FB8] =	sst s0;
	s0 =	simm.s32 @!p1 $0x0  }
0x14: {  	s2 =	sld [smem:$0x3F9C];
	s0 =	simm.s32 @p1 $0x1  }
0x15: {  	[smem:$0x3FB9] =	sst s0;
	s0 =	simm.s32 @!p2 $0x0  }
0x16: {  	s3 =	sld [smem:$0x3FDB];
	s0 =	simm.s32 @p2 $0x1  }
0x17: {  	s4 =	simm.s32 $0x1BF5;
	[smem:$0x3FBB] =	sst s0  }
0x18: {  	s0 =	sld [smem:$0x3F9E];
	_ =	swait.ge [sflag:s4], $0x0  }
0x19: {  	s7 =	sld [smem:$0x3F9F]  }
0x1a: {  	s8 =	sadd.s32 $0xFFFFE003, lr  }
0x1b: {  	s9 =	sadd.s32 $0xFFFFFEF7, lr;
	s5 =	simm.s32 $0xFFFFFFFF;
	p2 =	slt.u32 s8, $0xFFFFF086  }
0x1c: {  	p1 =	slt.u32 s9, $0xF7A;
	s5 =	simm.s32 @!p2 $0x0  }
0x1d: {  	s5 =	simm.s32 @p1 $0x1;
	p0 =	seq.s32 s7, s2  }
0x1e: {  	s7 =	smul.u32 @!p0 $0xF7A, s2;
	p2 =	seq.s32 @!p0 s5, $0x0  }
0x1f: {  	s9 =	smul.u32 $0xF7A, s1;
	s8 =	simm.s32 @!p0 $0x1BF5;
	p2 =	por !p2, p0  }
0x20: {  	[sflag:s8] =	ssyncset.s32 @!p0 $0xFFFFF086;
	s6 =	sadd.s32 @!p0 s3, s7;
	s7 =	simm.s32 @!p0 $0x108  }
0x21: {  	s3 =	sadd.s32 s3, s9;
	s6 =	sadd.s32 @!p0 $0x88, s6;
	s7 =	simm.s32 @p2 $0x1082  }
0x22: {  	[simem:s7], [sflag:s8] =	dma.local @!p0 [hbm:s6], $0xF7A  }
0x23: {  	s9 =	sor.u32 $0xD0000000, s2;
	s6 =	simm.s32 $0x108;
	_ =	swait.ge @!p0 [sflag:s8], $0x0  }
0x24: {  	s3 =	sadd.s32 $0x88, s3;
	s6 =	simm.s32 @!p1 $0x1082;
	[sflag:s4] =	ssyncset.s32 $0xFFFFF086  }
0x25: {  	[simem:s6], [sflag:s4] =	dma.local [hbm:s3], $0xF7A  }
0x26: {  	[smem:$0x3F9F] =	sst s1;
	(tag) =	ssettag s2;
	_ =	strace s9  }
0x27: {  	s1 =	sld [smem:$0x3FAF]  }
0x28: {  	s2 =	sld [smem:$0x3FB0]  }
0x29: {  	s4 =	sld [smem:$0x3FB2]  }
0x2a: {  	p0 =	seq.s32 s5, $0x0;
	s5 =	sld [smem:$0x3FB3]  }
0x2b: {  	s6 =	sld [smem:$0x3FB4]  }
0x2c: {  	s7 =	sld [smem:$0x3FB5]  }
0x2d: {  	s3 =	simm.s32 $0x108;
	s8 =	sld [smem:$0x3FB6]  }
0x2e: {  	s3 =	simm.s32 @!p0 $0x1082;
	s9 =	sld [smem:$0x3FB7]  }
0x2f: {  	lr =	sadd.s32 s0, s3;
	s0 =	sld [smem:$0x3FAE]  }
0x30: {  	s3 =	sld [smem:$0x3FB1]  }
0x31: {  	[smem:$0x3FBA] =	sst s10  }
0x32: {  	s10 =	sld [smem:$0x3FB8];
	_ =	sdelay $0x3  }
0x33: {  	p0 =	seq.s32 s10, $0x1;
	s10 =	sld [smem:$0x3FBA];
	_ =	sdelay $0x3  }
0x34: {  	[smem:$0x3FBA] =	sst s10  }
0x35: {  	s10 =	sld [smem:$0x3FB9];
	_ =	sdelay $0x3  }
0x36: {  	p1 =	seq.s32 s10, $0x1;
	s10 =	sld [smem:$0x3FBA];
	_ =	sdelay $0x3  }
0x37: {  	[smem:$0x3FBA] =	sst s10  }
0x38: {  	s10 =	sld [smem:$0x3FBB]  }
0x39: {  	_ = 	snop;
	(pc) =	sbr.ind lr, $3  }
0x3a: {  	_ = 	snop  }
0x3b: {  	_ = 	snop  }
0x3c: {  	p2 =	seq.s32 s10, $0x1;
	s10 =	sld [smem:$0x3FBA]  }
0x3d: {  	_ =	shalt  }
0x3e: {  	_ =	shalt  }
0x3f: {  	_ =	shalt  }
0x40: {  	_ =	shalt  }
0x41: {  	_ =	shalt  }
0x42: {  	_ =	shalt  }
0x43: {  	_ =	shalt  }
0x44: {  	_ =	shalt  }
0x45: {  	_ =	shalt  }
0x46: {  	_ =	shalt  }
0x47: {  	_ =	shalt  }
0x48: {  	_ =	shalt  }
0x49: {  	_ =	shalt  }
0x4a: {  	_ =	shalt  }
0x4b: {  	_ =	shalt  }
0x4c: {  	_ =	shalt  }
0x4d: {  	_ =	shalt  }
0x4e: {  	_ =	shalt  }
0x4f: {  	_ =	shalt  }
0x50: {  	_ =	shalt  }
0x51: {  	_ =	shalt  }
0x52: {  	_ =	shalt  }
0x53: {  	_ =	shalt  }
0x54: {  	_ =	shalt  }
0x55: {  	_ =	shalt  }
0x56: {  	_ =	shalt  }
0x57: {  	_ =	shalt  }
0x58: {  	_ =	shalt  }
0x59: {  	_ =	shalt  }
0x5a: {  	_ =	shalt  }
0x5b: {  	_ =	shalt  }
0x5c: {  	_ =	shalt  }
0x5d: {  	_ =	shalt  }
0x5e: {  	_ =	shalt  }
0x5f: {  	_ =	shalt  }
0x60: {  	_ =	shalt  }
0x61: {  	_ =	shalt  }
0x62: {  	_ =	shalt  }
0x63: {  	_ =	shalt  }
0x64: {  	_ =	shalt  }
0x65: {  	_ =	shalt  }
0x66: {  	_ =	shalt  }
0x67: {  	_ =	shalt  }
0x68: {  	_ =	shalt  }
0x69: {  	_ =	shalt  }
0x6a: {  	_ =	shalt  }
0x6b: {  	_ =	shalt  }
0x6c: {  	_ =	shalt  }
0x6d: {  	_ =	shalt  }
0x6e: {  	_ =	shalt  }
0x6f: {  	_ =	shalt  }
0x70: {  	_ =	shalt  }
0x71: {  	_ =	shalt  }
0x72: {  	_ =	shalt  }
0x73: {  	_ =	shalt  }
0x74: {  	_ =	shalt  }
0x75: {  	_ =	shalt  }
0x76: {  	_ =	shalt  }
0x77: {  	_ =	shalt  }
0x78: {  	_ =	shalt  }
0x79: {  	_ =	shalt  }
0x7a: {  	_ =	shalt  }
0x7b: {  	_ =	shalt  }
0x7c: {  	_ =	shalt  }
0x7d: {  	_ =	shalt  }
0x7e: {  	_ =	shalt  }
0x7f: {  	_ =	shalt  }
0x80: {  	_ =	shalt  }
0x81: {  	_ =	shalt  }
0x82: {  	_ =	shalt  }
0x83: {  	_ =	shalt  }
0x84: {  	_ =	shalt  }
0x85: {  	_ =	shalt  }
0x86: {  	_ =	shalt  }
0x87: {  	_ =	shalt  }
.Lfunc_end0:
.L_simem_size_0:
called_computation.2_lowered:
.L_overlay_start_0:
0x88: {  	s2 =	sld [smem:$0x3FD9]  }
0x89: {  	s3 =	sld [smem:$0x3FFE];
	_ =	sdelay $0x1  }
0x8a: {  	s1 =	srdreg.scid  }
0x8b: {  	s0 =	sand.u32 $0x1, s1  }
0x8c: {  	s17 =	sshll.u32 s0, $0xA;
	s2 =	sadd.s32 s3, s2  }
0x8d: {  	s2 =	sadd.s32 s2, s17  }
0x8e: {  	[smem:$0x3FC6] =	sst s2  }
0x8f: {  	_ = 	snop  }
0x90: {  	s2 =	sld [smem:$0x3FD0];
	(tm) =	ssettm $0x1  }
0x91: {  	s18 =	sld [smem:$0x3FFB];
	_ =	sdelay $0x3  }
0x92: {  	_ =	strace s18  }
0x93: {  	s3 =	sld [smem:$0x3FFC];
	_ =	sdelay $0x3  }
0x94: {  	_ =	strace s3  }
0x95: {  	s3 =	sld [smem:$0x3FFD];
	_ =	sdelay $0x3  }
0x96: {  	_ =	strace s3  }
0x97: {  	_ =	strace $0x8FFFFFFF  }
0x98: {  	s19 =	sld [smem:$0x3FDB];
	_ =	sdelay $0x1  }
0x99: {  	s4 =	simm.s32 $_scs_section_size  }
0x9a: {  	s5 =	simm.s32 $_size__tile_overlayer_lowered;
	s6 =	simm.s32 $_tile_overlayer_lowered  }
0x9b: {  	s22 =	simm.s32 $0x1BFF;
	s21 =	sshll.u32 s6, $0x1;
	s3 =	sadd.s32 s4, s19  }
0x9c: {  	s7 =	simm.s32 $0x0;
	s20 =	sshll.u32 s5, $0x1;
	s5 =	sadd.s32 s21, s3  }
0x9d: {  	[timem:s7], [sflag:s22] =	dma.local [hbm:s5], s20  }
0x9e: {  	_ =	swait.ge [sflag:s22], s20  }
0x9f: {  	s4 =	ssub.s32 $0x0, s20;
	[sflag:s22] =	ssyncset.done $0x0  }
0xa0: {  	[sflag:s22] =	ssyncadd.s32 s4;
	_ =	sdelay $0x1  }
0xa1: {  	s23 =	simm.s32 $0x1B8B  }
0xa2: {  	_ =	swait.ge [sflag:s23], $0x1  }
0xa3: {  	[sflag:s23] =	ssyncset.done $0x0  }
0xa4: {  	s25 =	simm.s32 $0x1B8E;
	s24 =	sld [smem:$0x3FFE];
	[sflag:s23] =	ssyncadd.s32 $0xFFFFFFFF  }
0xa5: {  	s26 =	simm.s32 $execute0_lowered;
	[smem:$0x3FD2] =	sst s25  }
0xa6: {  	s5 =	sshll.u32 s26, $0x1;
	_ =	strace $0x8000004C;
	[dreg:$0x1] =	wrdreg $0xFFFFFFFF  }
0xa7: {  	s28 =	simm.s32 $_size_execute0_lowered;
	s3 =	sadd.s32 s3, s5;
	[dreg:$0x0] =	wrdreg $0x0  }
0xa8: {  	s5 =	sshll.u32 s28, $0x1;
	[dreg:$0x2] =	wrdreg s3  }
0xa9: {  	[dreg:$0x3] =	wrdreg s5  }
0xaa: {  	[dreg:$0x4] =	wrdreg $0xC0  }
0xab: {  	_ =	task [dreg:s7], $0x5FFFF  }
0xac: {  	[dreg:$0x1] =	wrdreg $0xFFFFFFFF  }
0xad: {  	[dreg:$0x0] =	wrdreg $0x60  }
0xae: {  	[dreg:$0x2] =	wrdreg s24  }
0xaf: {  	[dreg:$0x3] =	wrdreg s2  }
0xb0: {  	[dreg:$0x4] =	wrdreg $0x9  }
0xb1: {  	_ =	task.clear_ibuf [dreg:s7], $0x5FFFF;
	_ =	strace $0x9000004C  }
0xb2: {  	s29 =	simm.s32 $0x9;
	_ =	strace $0x8000004E  }
0xb3: {  	_ =	swait.ge [sflag:s29], $0x1  }
0xb4: {  	[sflag:s29] =	ssyncadd.s32 $0xFFFFFFFF  }
0xb5: {  	_ =	strace $0x9000004E  }
0xb6: {  	_ =	sfence  }
0xb7: {  	s30 =	sld [smem:$0x0];
	_ =	sdelay $0x2  }
0xb8: {  	s31 =	sshll.u32 s1, $0xD;
	s1 =	sshrl.u32 s1, $0x2  }
0xb9: {  	s3 =	sand.u32 $0x4000, s31;
	s1 =	sadd.s32 s1, s30  }
0xba: {  	s0 =	sor.u32 s3, s0;
	s1 =	sshll.u32 s1, $0x11  }
0xbb: {  	s0 =	sor.u32 s1, s0  }
0xbc: {  	s0 =	sadd.s32 $0x8F2B, s0  }
0xbd: {  	[sflag:s0] =	ssyncadd.remote.s32 $0x1  }
0xbe: {  	_ =	sfence.sel $0xFFFF  }
0xbf: {  	[dreg:$0x0] =	wrdreg $0xFFFFFFFF;
	(pc) =	sbr.abs _section_cstart, $3  }
0xc0: {  	[dreg:$0x1] =	wrdreg $0xFFFFFFFF  }
0xc1: {  	_ =	task.clear_ibuf [dreg:s7], $0x2FFFF;
	_ =	strace $0x9FFFFFFF  }
0xc2: {  	(tm) =	ssettm $0x7FFFFFFF  }
0xc3: {  	_ =	shalt  }
tec
execute0_lowered:
.L_overlay_start_1:
0x0: {  	(tag) =	ssettag $0x1  }
0x1: {  	s1 =	srdreg.scid  }
0x2: {  	s0 =	stileid.u32;
	s18 =	sand.u32 $0x1, s1  }
0x3: {  	s31 =	sshll.u32 s0, $0xA;
	s3 =	sshll.u32 s18, $0x9  }
0x4: {  	s12 =	rddreg [dreg:$0x0];
	s13 =	sor.u32 s3, s31  }
0x5: {  	s2 =	rddreg [dreg:$0x1];
	s3 =	simm.s32 $0x0;
	s4 =	sshrl.u32 s13, $0x3  }
0x6: {  	s5 =	simm.s32 $0x2;
	[smem:$0x7FF] =	sst s3;
	s10 =	sadd.s32 s4, s12  }
0x7: {  	s1 =	rddreg [dreg:$0x2];
	_ =	strace $0x8000004D;
	s4 =	sadd.s32 $0x800, s10  }
0x8: {  	[tilespmem:s3], [sflag:$0x2] =	stream.linear.gather [hbm4b:s4+s3], $0x80, $0x38;
	[tilespmem:$0x8200] =	vst v63  }
0x9: {  	_ =	swait.ge [sflag:s5], $0x80  }
0xa: {  	[sflag:s5] =	ssyncset.done $0x0  }
0xb: {  	s7 =	simm.s32 $0x80;
	s6 =	sadd.s32 $0x810, s10;
	[sflag:s5] =	ssyncadd.s32 $0xFFFFFF80  }
0xc: {  	[tilespmem:s7], [sflag:$0x2] =	stream.linear.gather [hbm4b:s6+s3], $0x80, $0x38;
	[tilespmem:$0x8200] =	vst v63  }
0xd: {  	_ =	swait.ge [sflag:s5], $0x80  }
0xe: {  	[sflag:s5] =	ssyncset.done $0x0  }
0xf: {  	s9 =	simm.s32 $0x100;
	s8 =	sadd.s32 $0x820, s10;
	[sflag:s5] =	ssyncadd.s32 $0xFFFFFF80  }
0x10: {  	[tilespmem:s9], [sflag:$0x2] =	stream.linear.gather [hbm4b:s8+s3], $0x80, $0x38;
	[tilespmem:$0x8200] =	vst v63  }
0x11: {  	_ =	swait.ge [sflag:s5], $0x80  }
0x12: {  	[sflag:s5] =	ssyncset.done $0x0  }
0x13: {  	s11 =	simm.s32 $0x180;
	s10 =	sadd.s32 $0x830, s10;
	[sflag:s5] =	ssyncadd.s32 $0xFFFFFF80  }
0x14: {  	[tilespmem:s11], [sflag:$0x2] =	stream.linear.gather [hbm4b:s10+s3], $0x80, $0x38;
	[tilespmem:$0x8200] =	vst v63  }
0x15: {  	s13 =	sshll.u32 s13, $0x3;
	_ =	swait.ge [sflag:s5], $0x80  }
0x16: {  	s12 =	sadd.s32 s13, s12;
	[sflag:s5] =	ssyncset.done $0x0  }
0x17: {  	s13 =	simm.s32 $0x200;
	s12 =	sadd.s32 $0x1000, s12;
	[sflag:s5] =	ssyncadd.s32 $0xFFFFFF80  }
0x18: {  	[tilespmem:s13], [sflag:$0x2] =	stream.linear.gather [hbm4b:s12+s3], $0x8000, $0x38;
	[tilespmem:$0x8200] =	vst v63  }
0x19: {  	_ =	swait.ge [sflag:s5], $0x8000  }
0x1a: {  	[sflag:s5] =	ssyncset.done $0x0  }
0x1b: {  	[sflag:s5] =	ssyncadd.s32 $0xFFFF8000  }
0x1c: {  	[hbm4b:s2+s7] =	stream.indirect.scatter [tilespmem:s13], [sflag:$0x1], $0x40, s3, s7, $0xb8;
	[tilespmem:$0x8200] =	vst v63  }
0x1d: {  	s14 =	simm.s32 $0x2200  }
0x1e: {  	[hbm4b:s2+s7] =	stream.indirect.scatter [tilespmem:s14], [sflag:$0x1], $0x40, s7, s7, $0xb8;
	[tilespmem:$0x8200] =	vst v63  }
0x1f: {  	s15 =	simm.s32 $0x4200  }
0x20: {  	[hbm4b:s2+s7] =	stream.indirect.scatter [tilespmem:s15], [sflag:$0x1], $0x40, s9, s7, $0xb8;
	[tilespmem:$0x8200] =	vst v63  }
0x21: {  	s17 =	simm.s32 $0x6200;
	s16 =	simm.s32 $0x1  }
0x22: {  	[hbm4b:s2+s7] =	stream.indirect.scatter [tilespmem:s17], [sflag:$0x1], $0x40, s11, s7, $0xb8;
	[tilespmem:$0x8200] =	vst v63  }
0x23: {  	_ =	swait.ge [sflag:s16], $0x2000  }
0x24: {  	s18 =	ssub.s32 $0x2, s18;
	[sflag:s16] =	ssyncset.done $0x0  }
0x25: {  	s19 =	sshrl.u32 s18, $0x1;
	[sflag:s16] =	ssyncadd.s32 $0xFFFFE000  }
0x26: {  	s18 =	ssub.s32 s18, s19;
	_ =	swait.ge [sflag:s16], $0x2000  }
0x27: {  	s18 =	smax.u32 s18, $0x1;
	[sflag:s16] =	ssyncset.done $0x0  }
0x28: {  	p0 =	sne.s32 s18, $0x1;
	[sflag:s16] =	ssyncadd.s32 $0xFFFFE000  }
.Ltmp0:
0x29: {  	_ =	swait.ge [sflag:s16], $0x2000;
	(pc) =	sbr.rel @!p0 .LBB2_2-.Ltmp0, $4  }
0x2a: {  	[sflag:s16] =	ssyncset.done $0x0  }
0x2b: {  	[sflag:s16] =	ssyncadd.s32 $0xFFFFE000  }
0x2c: {  	_ =	swait.ge [sflag:s16], $0x2000  }
0x2d: {  	s18 =	sadd.s32 $0xFFFFFFFF, s18;
	[sflag:s16] =	ssyncset.done $0x0  }
.LBB2_1:
0x2e: {  	p0 =	sne.s32 s18, $0x1;
	s18 =	sadd.s32 $0xFFFFFFFF, s18;
	[sflag:s16] =	ssyncadd.s32 $0xFFFFE000  }
0x2f: {  	[tilespmem:s3], [sflag:$0x2] =	stream.linear.gather [hbm4b:s4+s3], $0x80, $0x38;
	[tilespmem:$0x8200] =	vst v63  }
0x30: {  	_ =	swait.ge [sflag:s5], $0x80  }
0x31: {  	[sflag:s5] =	ssyncset.done $0x0  }
0x32: {  	[sflag:s5] =	ssyncadd.s32 $0xFFFFFF80  }
0x33: {  	[tilespmem:s7], [sflag:$0x2] =	stream.linear.gather [hbm4b:s6+s3], $0x80, $0x38;
	[tilespmem:$0x8200] =	vst v63  }
0x34: {  	_ =	swait.ge [sflag:s5], $0x80  }
0x35: {  	[sflag:s5] =	ssyncset.done $0x0  }
0x36: {  	[sflag:s5] =	ssyncadd.s32 $0xFFFFFF80  }
0x37: {  	[tilespmem:s9], [sflag:$0x2] =	stream.linear.gather [hbm4b:s8+s3], $0x80, $0x38;
	[tilespmem:$0x8200] =	vst v63  }
0x38: {  	_ =	swait.ge [sflag:s5], $0x80  }
0x39: {  	[sflag:s5] =	ssyncset.done $0x0  }
0x3a: {  	[sflag:s5] =	ssyncadd.s32 $0xFFFFFF80  }
0x3b: {  	[tilespmem:s11], [sflag:$0x2] =	stream.linear.gather [hbm4b:s10+s3], $0x80, $0x38;
	[tilespmem:$0x8200] =	vst v63  }
0x3c: {  	_ =	swait.ge [sflag:s5], $0x80  }
0x3d: {  	[sflag:s5] =	ssyncset.done $0x0  }
0x3e: {  	[sflag:s5] =	ssyncadd.s32 $0xFFFFFF80  }
0x3f: {  	[tilespmem:s13], [sflag:$0x2] =	stream.linear.gather [hbm4b:s12+s3], $0x8000, $0x38;
	[tilespmem:$0x8200] =	vst v63  }
0x40: {  	_ =	swait.ge [sflag:s5], $0x8000  }
0x41: {  	[sflag:s5] =	ssyncset.done $0x0  }
0x42: {  	[sflag:s5] =	ssyncadd.s32 $0xFFFF8000  }
0x43: {  	[hbm4b:s2+s7] =	stream.indirect.scatter [tilespmem:s13], [sflag:$0x1], $0x40, s3, s7, $0xb8;
	[tilespmem:$0x8200] =	vst v63  }
0x44: {  	_ = 	snop  }
0x45: {  	[hbm4b:s2+s7] =	stream.indirect.scatter [tilespmem:s14], [sflag:$0x1], $0x40, s7, s7, $0xb8;
	[tilespmem:$0x8200] =	vst v63  }
0x46: {  	_ = 	snop  }
0x47: {  	[hbm4b:s2+s7] =	stream.indirect.scatter [tilespmem:s15], [sflag:$0x1], $0x40, s9, s7, $0xb8;
	[tilespmem:$0x8200] =	vst v63  }
0x48: {  	_ = 	snop  }
0x49: {  	[hbm4b:s2+s7] =	stream.indirect.scatter [tilespmem:s17], [sflag:$0x1], $0x40, s11, s7, $0xb8;
	[tilespmem:$0x8200] =	vst v63  }
0x4a: {  	_ =	swait.ge [sflag:s16], $0x2000  }
0x4b: {  	[sflag:s16] =	ssyncset.done $0x0  }
0x4c: {  	[sflag:s16] =	ssyncadd.s32 $0xFFFFE000  }
0x4d: {  	_ =	swait.ge [sflag:s16], $0x2000  }
0x4e: {  	[sflag:s16] =	ssyncset.done $0x0  }
0x4f: {  	[sflag:s16] =	ssyncadd.s32 $0xFFFFE000  }
.Ltmp1:
0x50: {  	_ =	swait.ge [sflag:s16], $0x2000;
	(pc) =	sbr.rel @p0 .LBB2_1-.Ltmp1, $4  }
0x51: {  	[sflag:s16] =	ssyncset.done $0x0  }
0x52: {  	[sflag:s16] =	ssyncadd.s32 $0xFFFFE000  }
0x53: {  	_ =	swait.ge [sflag:s16], $0x2000  }
0x54: {  	[sflag:s16] =	ssyncset.done $0x0  }
.LBB2_2:
0x55: {  	[sflag:s16] =	ssyncadd.s32 $0xFFFFE000  }
0x56: {  	_ =	sfence.sel $0x180000  }
0x57: {  	[bflag:$0x0] =	sbarrier.arrive $0xFFFF  }
0x58: {  	p0 =	sne.s32 s0, $0x0;
	_ =	strace $0x9000004D  }
0x59: {  	s0 =	sadd.s32 @!p0 $0x100000, s1;
	[bflag:$0x2] =	sbarrier.arrive $0xFFFF  }
0x5a: {  	[sflag:s0] =	ssyncadd.tile.s32 @!p0 $0x1;
	_ =	shalt  }
.Lfunc_end2:
_tile_overlayer_lowered:
.L_overlay_start_2:
0x5b: {  	(tag) =	ssettag $0x2  }
0x5c: {  	s0 =	rddreg [dreg:$0x0];
	s2 =	stileid.u32  }
0x5d: {  	s1 =	rddreg [dreg:$0x1];
	p0 =	sne.s32 s2, $0x0  }
0x5e: {  	s3 =	rddreg [dreg:$0x2];
	[bflag:$0x3] =	sbarrier.arrive $0xFFFF;
	s2 =	simm.s32 @!p0 $0x1C02  }
0x5f: {  	[timem:s3], [sflag:s2] =	dma.local @!p0 [hbm:s0], s1  }
0x60: {  	s0 =	simm.s32 @!p0 $0x2  }
0x61: {  	_ =	swait.ge @!p0 [sflag:s0], s1  }
0x62: {  	s1 =	ssub.s32 @!p0 $0x0, s1;
	[sflag:s0] =	ssyncset.done @!p0 $0x0  }
0x63: {  	[sflag:s0] =	ssyncadd.s32 @!p0 s1  }
0x64: {  	[bflag:$0x3] =	sbarrier.arrive $0xFFFF  }
0x65: {  	_ =	shalt  }

</sc_bundles>
